<compile_context>
chip_gen: v7x
topology: tpu7x:2x2x1
jax: 0.10.2.dev20260603
libtpu: 0.0.44.dev20260713+nightly
codegen_flags: <defaults>
</compile_context>

<pallas_src>
import functools

import jax
import jax.numpy as jnp
from jax import lax
from jax.experimental import pallas as pl
from jax.experimental.pallas import tpu as pltpu
from jax.experimental.pallas import tpu_sc as plsc

N = 10000
E = 320000
D_IN = 128
H = 32

NP = 10240

NW = 32
CH = 80
NCH = 125
EPW = NCH * CH
NBUF = 5
ROWS_PER_TILE = NP // 16



@functools.cache
def _sc_kernels():
    mesh = plsc.VectorSubcoreMesh(core_axis_name="c", subcore_axis_name="s")
    params = pltpu.CompilerParams(use_tc_tiling_on_sc=False)

    @functools.partial(
        pl.kernel,
        out_type=jax.ShapeDtypeStruct((2, NP), jnp.float32),
        mesh=mesh,
        compiler_params=params,
        scratch_types=[
            pltpu.VMEM((EPW,), jnp.int32),
            pltpu.VMEM((CH,), jnp.float32),
            pltpu.VMEM_SHARED((NP,), jnp.float32),
            [pltpu.SemaphoreType.DMA] * NBUF,
        ],
    )
    def deg_kernel(didx_hbm, ones_hbm, zeros1_hbm, deg_out, didx_v, ones_v,
                   dacc, ssem):
        cid = lax.axis_index("c")
        sid = lax.axis_index("s")
        wid = sid * 2 + cid
        lo = sid * ROWS_PER_TILE
        pltpu.sync_copy(didx_hbm.at[pl.ds(wid * EPW, EPW)], didx_v)
        pltpu.sync_copy(ones_hbm, ones_v)
        pltpu.sync_copy(zeros1_hbm.at[pl.ds(lo, ROWS_PER_TILE)],
                        dacc.at[pl.ds(lo, ROWS_PER_TILE)])
        plsc.subcore_barrier()

        def dix(j):
            return didx_v.at[pl.ds(j * CH, CH)]

        for b in range(NBUF):
            pltpu.async_copy(ones_v, dacc.at[dix(b)], ssem[b], add=True)

        def body(it, carry):
            j = it * NBUF
            for b in range(NBUF):
                pltpu.make_async_copy(ones_v, dacc.at[dix(j + b)],
                                      ssem[b]).wait()
                pltpu.async_copy(ones_v, dacc.at[dix(j + NBUF + b)],
                                 ssem[b], add=True)
            return carry

        lax.fori_loop(0, NCH // NBUF - 1, body, 0)
        for b in range(NBUF):
            pltpu.make_async_copy(ones_v, dacc.at[dix(NCH - NBUF + b)],
                                  ssem[b]).wait()
        plsc.subcore_barrier()
        pltpu.sync_copy(dacc.at[pl.ds(lo, ROWS_PER_TILE)],
                        deg_out.at[cid, pl.ds(lo, ROWS_PER_TILE)])

    @functools.partial(
        pl.kernel,
        out_type=jax.ShapeDtypeStruct((2, NP, H), jnp.float32),
        mesh=mesh,
        compiler_params=params,
        scratch_types=[
            pltpu.VMEM((EPW,), jnp.int32),
            pltpu.VMEM((EPW,), jnp.int32),
            [pltpu.VMEM((CH, H), jnp.float32)] * NBUF,
            pltpu.VMEM_SHARED((NP, H), jnp.float32),
            pltpu.VMEM_SHARED((NP, H), jnp.float32),
            [pltpu.SemaphoreType.DMA] * NBUF,
            [pltpu.SemaphoreType.DMA] * NBUF,
        ],
    )
    def round_kernel(tab_hbm, sidx_hbm, didx_hbm, zeros2_hbm, out_hbm,
                     sidx_v, didx_v, bufs, tab_sh, acc, gsem, ssem):
        cid = lax.axis_index("c")
        sid = lax.axis_index("s")
        wid = sid * 2 + cid
        lo = sid * ROWS_PER_TILE
        pltpu.sync_copy(sidx_hbm.at[pl.ds(wid * EPW, EPW)], sidx_v)
        pltpu.sync_copy(didx_hbm.at[pl.ds(wid * EPW, EPW)], didx_v)
        pltpu.sync_copy(tab_hbm.at[pl.ds(lo, ROWS_PER_TILE)],
                        tab_sh.at[pl.ds(lo, ROWS_PER_TILE)])
        pltpu.sync_copy(zeros2_hbm.at[pl.ds(lo, ROWS_PER_TILE)],
                        acc.at[pl.ds(lo, ROWS_PER_TILE)])
        plsc.subcore_barrier()

        def six(j):
            return sidx_v.at[pl.ds(j * CH, CH)]

        def dix(j):
            return didx_v.at[pl.ds(j * CH, CH)]

        for b in range(NBUF):
            pltpu.async_copy(tab_sh.at[six(b)], bufs[b], gsem[b])

        def body(it, carry):
            j = it * NBUF
            for b in range(NBUF):
                pltpu.make_async_copy(tab_sh.at[six(j + b)],
                                      bufs[b], gsem[b]).wait()
                pltpu.async_copy(bufs[b], acc.at[dix(j + b)],
                                 ssem[b], add=True)
            for b in range(NBUF):
                pltpu.make_async_copy(bufs[b], acc.at[dix(j + b)],
                                      ssem[b]).wait()
                pltpu.async_copy(tab_sh.at[six(j + NBUF + b)],
                                 bufs[b], gsem[b])
            return carry

        lax.fori_loop(0, NCH // NBUF - 1, body, 0)
        j = NCH - NBUF
        for b in range(NBUF):
            pltpu.make_async_copy(tab_sh.at[six(j + b)],
                                  bufs[b], gsem[b]).wait()
            pltpu.async_copy(bufs[b], acc.at[dix(j + b)],
                             ssem[b], add=True)
        for b in range(NBUF):
            pltpu.make_async_copy(bufs[b], acc.at[dix(j + b)],
                                  ssem[b]).wait()
        plsc.subcore_barrier()
        pltpu.sync_copy(acc.at[pl.ds(lo, ROWS_PER_TILE)],
                        out_hbm.at[cid, pl.ds(lo, ROWS_PER_TILE)])

    return deg_kernel, round_kernel



NP4 = NP // 4
NROW4 = N // 4


def _mm4(h4, w):
    k = w.shape[0]
    outs = [jnp.dot(h4[:, q * k:(q + 1) * k], w,
                    preferred_element_type=jnp.float32) for q in range(4)]
    return jnp.concatenate(outs, axis=1)


def _pre_body(x4_ref, wi_ref, deg4_ref, sel_ref, t_ref, dinv_ref):
    deg = deg4_ref[0] + deg4_ref[1] + 1.0
    degp = jnp.dot(deg, sel_ref[...], preferred_element_type=jnp.float32)
    dinv = lax.rsqrt(degp)
    m0 = _mm4(x4_ref[...], wi_ref[...])
    t_ref[...] = m0 * dinv
    dinv_ref[...] = dinv


def _node_body(a2_ref, tin_ref, dinv_ref, b_ref, w_ref, t_ref):
    dinv = dinv_ref[...]
    s = a2_ref[0] + a2_ref[1] + tin_ref[...]
    h = jnp.maximum(s * dinv + b_ref[...], 0.0)
    t_ref[...] = _mm4(h, w_ref[...]) * dinv


def _final_body(a2_ref, tin_ref, dinv_ref, b_ref, wd1_ref, bd1_ref,
                wd2_ref, bd2_ref, out_ref):
    s = a2_ref[0] + a2_ref[1] + tin_ref[...]
    h = jnp.maximum(s * dinv_ref[...] + b_ref[...], 0.0)
    rows = lax.broadcasted_iota(jnp.int32, (NP4, 128), 0)
    hm = jnp.where(rows < NROW4, h, -jnp.inf)
    z4 = jnp.max(hm, axis=0, keepdims=True)
    z = jnp.maximum(jnp.maximum(z4[:, 0:H], z4[:, H:2 * H]),
                    jnp.maximum(z4[:, 2 * H:3 * H], z4[:, 3 * H:4 * H]))
    z2 = jnp.maximum(
        jnp.dot(z, wd1_ref[...], preferred_element_type=jnp.float32) + bd1_ref[...],
        0.0)
    out_ref[...] = (jnp.dot(z2, wd2_ref[...], preferred_element_type=jnp.float32)
                    + bd2_ref[...])


_pre_call = pl.pallas_call(
    _pre_body,
    out_shape=(jax.ShapeDtypeStruct((NP4, 128), jnp.float32),
               jax.ShapeDtypeStruct((NP4, 128), jnp.float32)),
)

_node_call = pl.pallas_call(
    _node_body,
    out_shape=jax.ShapeDtypeStruct((NP4, 128), jnp.float32),
)

_final_call = pl.pallas_call(
    _final_body,
    out_shape=jax.ShapeDtypeStruct((1, 4), jnp.float32),
)



def kernel(x, edge_index, edge_attr, batch, params):
    p = params
    src = edge_index[0].astype(jnp.int32)
    dst = edge_index[1].astype(jnp.int32)
    x_pad = jnp.pad(x, ((0, NP - N), (0, 0)))
    zeros1 = jnp.zeros((NP,), jnp.float32)
    zeros2 = jnp.zeros((NP, H), jnp.float32)
    ones_c = jnp.ones((CH,), jnp.float32)

    sel = jnp.kron(jnp.eye(4, dtype=jnp.float32), jnp.ones((1, H), jnp.float32))

    deg_kernel, round_kernel = _sc_kernels()
    deg2 = deg_kernel(dst, ones_c, zeros1)
    t, dinv = _pre_call(x_pad.reshape(NP4, 4 * D_IN), p["Wi"],
                        deg2.reshape(2, NP4, 4), sel)

    biases = [p["bi"], p["b0"], p["b1"], p["b2"], p["b3"]]
    weights = [p["W0"], p["W1"], p["W2"], p["W3"]]
    probs = None
    for i in range(5):
        a = round_kernel(t.reshape(NP, H), src, dst, zeros2)
        a4 = a.reshape(2, NP4, 128)
        if i < 4:
            t = _node_call(a4, t, dinv, jnp.tile(biases[i], 4).reshape(1, 128),
                           weights[i])
        else:
            probs = _final_call(
                a4, t, dinv, jnp.tile(biases[4], 4).reshape(1, 128),
                p["Wd1"], p["bd1"].reshape(1, H // 2),
                p["Wd2"], p["bd2"].reshape(1, 4))
    return (probs, edge_attr)

# --- scband reference (transcript-rebuilt; emitter-appended) ---
"""Pipeline reference for scband-simple-graph-centered-net-73375221284883 (READ-ONLY COPY).

The authoritative reference and input builder live on the scoring server;
editing this copy changes nothing except your own understanding.
"""

import jax, jax.numpy as jnp
import numpy as np

N = 10000
E = 320000
D_IN = 128
H = 32
DEPTH = 4


def _gcn_conv(x, src, dst, norm, W, b):
    # PyG GCNConv: out = D^{-1/2} (A+I) D^{-1/2} X W + b (sum aggregation)
    xw = x @ W
    msg = xw[src] * norm[:, None]
    out = jnp.zeros((x.shape[0], W.shape[1]), dtype=xw.dtype).at[dst].add(msg)
    return out + b


def setup_inputs(seed: int = 0) -> dict:
    key = jax.random.key(seed)
    ks = jax.random.split(key, 16)
    x = jax.random.normal(ks[0], (N, D_IN), dtype=jnp.float32)
    edge_index = jax.random.randint(ks[1], (2, E), 0, N, dtype=jnp.int32)
    edge_attr = jax.random.normal(ks[2], (E, 4), dtype=jnp.float32)
    batch = jnp.zeros((N,), dtype=jnp.int32)
    params = {
        "Wi": jax.random.normal(ks[3], (D_IN, H), dtype=jnp.float32) * (1.0 / np.sqrt(D_IN)),
        "bi": jnp.zeros((H,), dtype=jnp.float32),
    }
    for i in range(DEPTH):
        params[f"W{i}"] = jax.random.normal(ks[4 + i], (H, H), dtype=jnp.float32) * (1.0 / np.sqrt(H))
        params[f"b{i}"] = jnp.zeros((H,), dtype=jnp.float32)
    params["Wd1"] = jax.random.normal(ks[9], (H, H // 2), dtype=jnp.float32) * (1.0 / np.sqrt(H))
    params["bd1"] = jnp.zeros((H // 2,), dtype=jnp.float32)
    params["Wd2"] = jax.random.normal(ks[10], (H // 2, 4), dtype=jnp.float32) * (1.0 / np.sqrt(H // 2))
    params["bd2"] = jnp.zeros((4,), dtype=jnp.float32)
    return {"x": x, "edge_index": edge_index, "edge_attr": edge_attr, "batch": batch, "params": params}


def reference(x, edge_index, edge_attr, batch, params):
    n = x.shape[0]
    loop = jnp.arange(n, dtype=edge_index.dtype)
    src = jnp.concatenate([edge_index[0], loop])
    dst = jnp.concatenate([edge_index[1], loop])
    deg = jnp.zeros((n,), dtype=jnp.float32).at[dst].add(1.0)
    dinv = jnp.where(deg > 0, jax.lax.rsqrt(jnp.maximum(deg, 1e-12)), 0.0)
    norm = dinv[src] * dinv[dst]
    h = jax.nn.relu(_gcn_conv(x, src, dst, norm, params["Wi"], params["bi"]))
    for i in range(DEPTH):
        h = jax.nn.relu(_gcn_conv(h, src, dst, norm, params[f"W{i}"], params[f"b{i}"]))
    z = jax.ops.segment_max(h, batch, num_segments=1)
    z = jax.nn.relu(z @ params["Wd1"] + params["bd1"])
    probs = (z @ params["Wd2"] + params["bd2"]).reshape(-1, 4)
    return (probs, edge_attr)

if __name__ == "__main__":
    import jax
    _d = setup_inputs()
    print(jax.jit(kernel)(*tuple(_d.values())))

</pallas_src>

<mosaic_0001>
#map = affine_map<(d0, d1) -> (0, 0)>
#map1 = affine_map<(d0, d1) -> (0)>
#map2 = affine_map<(d0, d1) -> (0, 0, 0)>
module attributes {stable_mosaic.version = 14 : i64} {
  func.func @round_kernel(%arg0: i32, %arg1: i32, %arg2: memref<10240x32xf32, #tpu.memory_space<hbm>>, %arg3: memref<320000xi32, #tpu.memory_space<hbm>>, %arg4: memref<320000xi32, #tpu.memory_space<hbm>>, %arg5: memref<10240x32xf32, #tpu.memory_space<hbm>>, %arg6: memref<2x10240x32xf32, #tpu.memory_space<hbm>>, %arg7: memref<10000xi32, #tpu.memory_space<vmem>>, %arg8: memref<10000xi32, #tpu.memory_space<vmem>>, %arg9: memref<80x32xf32, #tpu.memory_space<vmem>>, %arg10: memref<80x32xf32, #tpu.memory_space<vmem>>, %arg11: memref<80x32xf32, #tpu.memory_space<vmem>>, %arg12: memref<80x32xf32, #tpu.memory_space<vmem>>, %arg13: memref<80x32xf32, #tpu.memory_space<vmem>>, %arg14: memref<10240x32xf32, #tpu.memory_space<vmem_shared>>, %arg15: memref<10240x32xf32, #tpu.memory_space<vmem_shared>>, %arg16: memref<!tpu.dma_semaphore, #tpu.memory_space<semaphore_mem>>, %arg17: memref<!tpu.dma_semaphore, #tpu.memory_space<semaphore_mem>>, %arg18: memref<!tpu.dma_semaphore, #tpu.memory_space<semaphore_mem>>, %arg19: memref<!tpu.dma_semaphore, #tpu.memory_space<semaphore_mem>>, %arg20: memref<!tpu.dma_semaphore, #tpu.memory_space<semaphore_mem>>, %arg21: memref<!tpu.dma_semaphore, #tpu.memory_space<semaphore_mem>>, %arg22: memref<!tpu.dma_semaphore, #tpu.memory_space<semaphore_mem>>, %arg23: memref<!tpu.dma_semaphore, #tpu.memory_space<semaphore_mem>>, %arg24: memref<!tpu.dma_semaphore, #tpu.memory_space<semaphore_mem>>, %arg25: memref<!tpu.dma_semaphore, #tpu.memory_space<semaphore_mem>>) attributes {dimension_semantics = [#tpu.dimension_semantics<core_parallel>, #tpu.dimension_semantics<subcore_parallel>], iteration_bounds = array<i64: 2, 16>, scalar_prefetch = 0 : i64, scratch_operands = 19 : i64, tpu.core_type = #tpu.core_type<sc_vector_subcore>, window_params = [{transform_indices = #map}, {transform_indices = #map1}, {transform_indices = #map1}, {transform_indices = #map}, {transform_indices = #map2}]} {
    %mul3A = arith.constant 2 : i32
    %mul3A_0 = arith.muli %arg1, %mul3A : i32
    %add3A = arith.addi %mul3A_0, %arg0 : i32
    %mul3A_1 = arith.constant 640 : i32
    %mul3A_2 = arith.muli %arg1, %mul3A_1 : i32
    %mul3A_3 = arith.constant 10000 : i32
    %mul3A_4 = arith.muli %add3A, %mul3A_3 : i32
    "tpu.region"() ({
      %run_scoped3A = tpu.sem_alloc : memref<!tpu.dma_semaphore, #tpu.memory_space<semaphore_mem>>
      %dma_start3A_111 = tpu.memref_slice %arg3[%mul3A_4] : memref<320000xi32, #tpu.memory_space<hbm>> -> memref<10000xi32, #tpu.memory_space<hbm>>
      %dma_start3A_112 = tpu.memref_slice %arg3[%mul3A_4] : memref<320000xi32, #tpu.memory_space<hbm>> -> memref<10000xi32, #tpu.memory_space<hbm>>
      tpu.enqueue_dma source(%dma_start3A_112 : memref<10000xi32, #tpu.memory_space<hbm>>) target(%arg7 : memref<10000xi32, #tpu.memory_space<vmem>>) target_semaphore(%run_scoped3A : memref<!tpu.dma_semaphore, #tpu.memory_space<semaphore_mem>>)
      %dma_wait3A_113 = tpu.memref_slice %arg3[%mul3A_4] : memref<320000xi32, #tpu.memory_space<hbm>> -> memref<10000xi32, #tpu.memory_space<hbm>>
      %dma_wait3A_114 = tpu.memref_slice %arg3[%mul3A_4] : memref<320000xi32, #tpu.memory_space<hbm>> -> memref<10000xi32, #tpu.memory_space<hbm>>
      tpu.wait_dma2 semaphore(%run_scoped3A : memref<!tpu.dma_semaphore, #tpu.memory_space<semaphore_mem>>) src(%dma_wait3A_114 : memref<10000xi32, #tpu.memory_space<hbm>>) dst(%arg7 : memref<10000xi32, #tpu.memory_space<vmem>>)
      tpu.yield
    }) : () -> ()
    %mul3A_5 = arith.constant 10000 : i32
    %mul3A_6 = arith.muli %add3A, %mul3A_5 : i32
    "tpu.region"() ({
      %run_scoped3A = tpu.sem_alloc : memref<!tpu.dma_semaphore, #tpu.memory_space<semaphore_mem>>
      %dma_start3A_111 = tpu.memref_slice %arg4[%mul3A_6] : memref<320000xi32, #tpu.memory_space<hbm>> -> memref<10000xi32, #tpu.memory_space<hbm>>
      %dma_start3A_112 = tpu.memref_slice %arg4[%mul3A_6] : memref<320000xi32, #tpu.memory_space<hbm>> -> memref<10000xi32, #tpu.memory_space<hbm>>
      tpu.enqueue_dma source(%dma_start3A_112 : memref<10000xi32, #tpu.memory_space<hbm>>) target(%arg8 : memref<10000xi32, #tpu.memory_space<vmem>>) target_semaphore(%run_scoped3A : memref<!tpu.dma_semaphore, #tpu.memory_space<semaphore_mem>>)
      %dma_wait3A_113 = tpu.memref_slice %arg4[%mul3A_6] : memref<320000xi32, #tpu.memory_space<hbm>> -> memref<10000xi32, #tpu.memory_space<hbm>>
      %dma_wait3A_114 = tpu.memref_slice %arg4[%mul3A_6] : memref<320000xi32, #tpu.memory_space<hbm>> -> memref<10000xi32, #tpu.memory_space<hbm>>
      tpu.wait_dma2 semaphore(%run_scoped3A : memref<!tpu.dma_semaphore, #tpu.memory_space<semaphore_mem>>) src(%dma_wait3A_114 : memref<10000xi32, #tpu.memory_space<hbm>>) dst(%arg8 : memref<10000xi32, #tpu.memory_space<vmem>>)
      tpu.yield
    }) : () -> ()
    "tpu.region"() ({
      %run_scoped3A = tpu.sem_alloc : memref<!tpu.dma_semaphore, #tpu.memory_space<semaphore_mem>>
      %dma_start3A_111 = arith.constant 0 : i32
      %dma_start3A_112 = tpu.memref_slice %arg14[%mul3A_2, %dma_start3A_111] : memref<10240x32xf32, #tpu.memory_space<vmem_shared>> -> memref<640x32xf32, #tpu.memory_space<vmem_shared>>
      %dma_start3A_113 = arith.constant 0 : i32
      %dma_start3A_114 = tpu.memref_slice %arg2[%mul3A_2, %dma_start3A_113] : memref<10240x32xf32, #tpu.memory_space<hbm>> -> memref<640x32xf32, #tpu.memory_space<hbm>>
      tpu.enqueue_dma source(%dma_start3A_114 : memref<640x32xf32, #tpu.memory_space<hbm>>) target(%dma_start3A_112 : memref<640x32xf32, #tpu.memory_space<vmem_shared>>) target_semaphore(%run_scoped3A : memref<!tpu.dma_semaphore, #tpu.memory_space<semaphore_mem>>)
      %dma_wait3A_115 = arith.constant 0 : i32
      %dma_wait3A_116 = tpu.memref_slice %arg14[%mul3A_2, %dma_wait3A_115] : memref<10240x32xf32, #tpu.memory_space<vmem_shared>> -> memref<640x32xf32, #tpu.memory_space<vmem_shared>>
      %dma_wait3A_117 = arith.constant 0 : i32
      %dma_wait3A_118 = tpu.memref_slice %arg2[%mul3A_2, %dma_wait3A_117] : memref<10240x32xf32, #tpu.memory_space<hbm>> -> memref<640x32xf32, #tpu.memory_space<hbm>>
      tpu.wait_dma2 semaphore(%run_scoped3A : memref<!tpu.dma_semaphore, #tpu.memory_space<semaphore_mem>>) src(%dma_wait3A_118 : memref<640x32xf32, #tpu.memory_space<hbm>>) dst(%dma_wait3A_116 : memref<640x32xf32, #tpu.memory_space<vmem_shared>>)
      tpu.yield
    }) : () -> ()
    "tpu.region"() ({
      %run_scoped3A = tpu.sem_alloc : memref<!tpu.dma_semaphore, #tpu.memory_space<semaphore_mem>>
      %dma_start3A_111 = arith.constant 0 : i32
      %dma_start3A_112 = tpu.memref_slice %arg15[%mul3A_2, %dma_start3A_111] : memref<10240x32xf32, #tpu.memory_space<vmem_shared>> -> memref<640x32xf32, #tpu.memory_space<vmem_shared>>
      %dma_start3A_113 = arith.constant 0 : i32
      %dma_start3A_114 = tpu.memref_slice %arg5[%mul3A_2, %dma_start3A_113] : memref<10240x32xf32, #tpu.memory_space<hbm>> -> memref<640x32xf32, #tpu.memory_space<hbm>>
      tpu.enqueue_dma source(%dma_start3A_114 : memref<640x32xf32, #tpu.memory_space<hbm>>) target(%dma_start3A_112 : memref<640x32xf32, #tpu.memory_space<vmem_shared>>) target_semaphore(%run_scoped3A : memref<!tpu.dma_semaphore, #tpu.memory_space<semaphore_mem>>)
      %dma_wait3A_115 = arith.constant 0 : i32
      %dma_wait3A_116 = tpu.memref_slice %arg15[%mul3A_2, %dma_wait3A_115] : memref<10240x32xf32, #tpu.memory_space<vmem_shared>> -> memref<640x32xf32, #tpu.memory_space<vmem_shared>>
      %dma_wait3A_117 = arith.constant 0 : i32
      %dma_wait3A_118 = tpu.memref_slice %arg5[%mul3A_2, %dma_wait3A_117] : memref<10240x32xf32, #tpu.memory_space<hbm>> -> memref<640x32xf32, #tpu.memory_space<hbm>>
      tpu.wait_dma2 semaphore(%run_scoped3A : memref<!tpu.dma_semaphore, #tpu.memory_space<semaphore_mem>>) src(%dma_wait3A_118 : memref<640x32xf32, #tpu.memory_space<hbm>>) dst(%dma_wait3A_116 : memref<640x32xf32, #tpu.memory_space<vmem_shared>>)
      tpu.yield
    }) : () -> ()
    %barrier3A = arith.constant 0 : index
    tpu.barrier barrier_id(%barrier3A)
    %dma_start3A = arith.constant 0 : i32
    %dma_start3A_7 = tpu.memref_slice %arg7[%dma_start3A] : memref<10000xi32, #tpu.memory_space<vmem>> -> memref<80xi32, #tpu.memory_space<vmem>>
    %dma_start3A_8 = arith.constant 0 : i32
    %dma_start3A_9 = arith.constant 0 : i32
    %dma_start3A_10 = tpu.memref_slice %arg14[%dma_start3A_8, %dma_start3A_9] : memref<10240x32xf32, #tpu.memory_space<vmem_shared>> -> memref<10240x32xf32, #tpu.memory_space<vmem_shared>>
    tpu.enqueue_indirect_dma source(%dma_start3A_10 : memref<10240x32xf32, #tpu.memory_space<vmem_shared>>) target(%arg9 : memref<80x32xf32, #tpu.memory_space<vmem>>) offsets(%dma_start3A_7 : memref<80xi32, #tpu.memory_space<vmem>>) semaphore(%arg16 : memref<!tpu.dma_semaphore, #tpu.memory_space<semaphore_mem>>)
    %dma_start3A_11 = arith.constant 80 : i32
    %dma_start3A_12 = tpu.memref_slice %arg7[%dma_start3A_11] : memref<10000xi32, #tpu.memory_space<vmem>> -> memref<80xi32, #tpu.memory_space<vmem>>
    %dma_start3A_13 = arith.constant 0 : i32
    %dma_start3A_14 = arith.constant 0 : i32
    %dma_start3A_15 = tpu.memref_slice %arg14[%dma_start3A_13, %dma_start3A_14] : memref<10240x32xf32, #tpu.memory_space<vmem_shared>> -> memref<10240x32xf32, #tpu.memory_space<vmem_shared>>
    tpu.enqueue_indirect_dma source(%dma_start3A_15 : memref<10240x32xf32, #tpu.memory_space<vmem_shared>>) target(%arg10 : memref<80x32xf32, #tpu.memory_space<vmem>>) offsets(%dma_start3A_12 : memref<80xi32, #tpu.memory_space<vmem>>) semaphore(%arg17 : memref<!tpu.dma_semaphore, #tpu.memory_space<semaphore_mem>>)
    %dma_start3A_16 = arith.constant 160 : i32
    %dma_start3A_17 = tpu.memref_slice %arg7[%dma_start3A_16] : memref<10000xi32, #tpu.memory_space<vmem>> -> memref<80xi32, #tpu.memory_space<vmem>>
    %dma_start3A_18 = arith.constant 0 : i32
    %dma_start3A_19 = arith.constant 0 : i32
    %dma_start3A_20 = tpu.memref_slice %arg14[%dma_start3A_18, %dma_start3A_19] : memref<10240x32xf32, #tpu.memory_space<vmem_shared>> -> memref<10240x32xf32, #tpu.memory_space<vmem_shared>>
    tpu.enqueue_indirect_dma source(%dma_start3A_20 : memref<10240x32xf32, #tpu.memory_space<vmem_shared>>) target(%arg11 : memref<80x32xf32, #tpu.memory_space<vmem>>) offsets(%dma_start3A_17 : memref<80xi32, #tpu.memory_space<vmem>>) semaphore(%arg18 : memref<!tpu.dma_semaphore, #tpu.memory_space<semaphore_mem>>)
    %dma_start3A_21 = arith.constant 240 : i32
    %dma_start3A_22 = tpu.memref_slice %arg7[%dma_start3A_21] : memref<10000xi32, #tpu.memory_space<vmem>> -> memref<80xi32, #tpu.memory_space<vmem>>
    %dma_start3A_23 = arith.constant 0 : i32
    %dma_start3A_24 = arith.constant 0 : i32
    %dma_start3A_25 = tpu.memref_slice %arg14[%dma_start3A_23, %dma_start3A_24] : memref<10240x32xf32, #tpu.memory_space<vmem_shared>> -> memref<10240x32xf32, #tpu.memory_space<vmem_shared>>
    tpu.enqueue_indirect_dma source(%dma_start3A_25 : memref<10240x32xf32, #tpu.memory_space<vmem_shared>>) target(%arg12 : memref<80x32xf32, #tpu.memory_space<vmem>>) offsets(%dma_start3A_22 : memref<80xi32, #tpu.memory_space<vmem>>) semaphore(%arg19 : memref<!tpu.dma_semaphore, #tpu.memory_space<semaphore_mem>>)
    %dma_start3A_26 = arith.constant 320 : i32
    %dma_start3A_27 = tpu.memref_slice %arg7[%dma_start3A_26] : memref<10000xi32, #tpu.memory_space<vmem>> -> memref<80xi32, #tpu.memory_space<vmem>>
    %dma_start3A_28 = arith.constant 0 : i32
    %dma_start3A_29 = arith.constant 0 : i32
    %dma_start3A_30 = tpu.memref_slice %arg14[%dma_start3A_28, %dma_start3A_29] : memref<10240x32xf32, #tpu.memory_space<vmem_shared>> -> memref<10240x32xf32, #tpu.memory_space<vmem_shared>>
    tpu.enqueue_indirect_dma source(%dma_start3A_30 : memref<10240x32xf32, #tpu.memory_space<vmem_shared>>) target(%arg13 : memref<80x32xf32, #tpu.memory_space<vmem>>) offsets(%dma_start3A_27 : memref<80xi32, #tpu.memory_space<vmem>>) semaphore(%arg20 : memref<!tpu.dma_semaphore, #tpu.memory_space<semaphore_mem>>)
    %scan3A = arith.constant 0 : i32
    %scan3A_31 = arith.constant 0 : i32
    %scan3A_32 = arith.constant 24 : i32
    %scan3A_33 = arith.addi %scan3A_31, %scan3A_32 : i32
    %scan3A_34 = arith.constant 1 : i32
    scf.for %scan3A_111 = %scan3A_31 to %scan3A_33 step %scan3A_34  : i32 {
      %mul3A_112 = arith.constant 5 : i32
      %mul3A_113 = arith.muli %scan3A_111, %mul3A_112 : i32
      %add3A_114 = arith.constant 0 : i32
      %add3A_115 = arith.addi %mul3A_113, %add3A_114 : i32
      %mul3A_116 = arith.constant 80 : i32
      %mul3A_117 = arith.muli %add3A_115, %mul3A_116 : i32
      %dma_wait3A_118 = tpu.memref_slice %arg7[%mul3A_117] : memref<10000xi32, #tpu.memory_space<vmem>> -> memref<80xi32, #tpu.memory_space<vmem>>
      %dma_wait3A_119 = arith.constant 0 : i32
      %dma_wait3A_120 = arith.constant 0 : i32
      %dma_wait3A_121 = tpu.memref_slice %arg14[%dma_wait3A_119, %dma_wait3A_120] : memref<10240x32xf32, #tpu.memory_space<vmem_shared>> -> memref<10240x32xf32, #tpu.memory_space<vmem_shared>>
      tpu.wait_indirect_dma semaphore(%arg16 : memref<!tpu.dma_semaphore, #tpu.memory_space<semaphore_mem>>) src(%dma_wait3A_121 : memref<10240x32xf32, #tpu.memory_space<vmem_shared>>) dst(%arg9 : memref<80x32xf32, #tpu.memory_space<vmem>>)
      %add3A_122 = arith.constant 0 : i32
      %add3A_123 = arith.addi %mul3A_113, %add3A_122 : i32
      %mul3A_124 = arith.constant 80 : i32
      %mul3A_125 = arith.muli %add3A_123, %mul3A_124 : i32
      %dma_start3A_126 = tpu.memref_slice %arg8[%mul3A_125] : memref<10000xi32, #tpu.memory_space<vmem>> -> memref<80xi32, #tpu.memory_space<vmem>>
      %dma_start3A_127 = arith.constant 0 : i32
      %dma_start3A_128 = arith.constant 0 : i32
      %dma_start3A_129 = tpu.memref_slice %arg15[%dma_start3A_127, %dma_start3A_128] : memref<10240x32xf32, #tpu.memory_space<vmem_shared>> -> memref<10240x32xf32, #tpu.memory_space<vmem_shared>>
      tpu.enqueue_indirect_dma source(%arg9 : memref<80x32xf32, #tpu.memory_space<vmem>>) target(%dma_start3A_129 : memref<10240x32xf32, #tpu.memory_space<vmem_shared>>) offsets(%dma_start3A_126 : memref<80xi32, #tpu.memory_space<vmem>>) semaphore(%arg21 : memref<!tpu.dma_semaphore, #tpu.memory_space<semaphore_mem>>) {add = true}
      %add3A_130 = arith.constant 1 : i32
      %add3A_131 = arith.addi %mul3A_113, %add3A_130 : i32
      %mul3A_132 = arith.constant 80 : i32
      %mul3A_133 = arith.muli %add3A_131, %mul3A_132 : i32
      %dma_wait3A_134 = tpu.memref_slice %arg7[%mul3A_133] : memref<10000xi32, #tpu.memory_space<vmem>> -> memref<80xi32, #tpu.memory_space<vmem>>
      %dma_wait3A_135 = arith.constant 0 : i32
      %dma_wait3A_136 = arith.constant 0 : i32
      %dma_wait3A_137 = tpu.memref_slice %arg14[%dma_wait3A_135, %dma_wait3A_136] : memref<10240x32xf32, #tpu.memory_space<vmem_shared>> -> memref<10240x32xf32, #tpu.memory_space<vmem_shared>>
      tpu.wait_indirect_dma semaphore(%arg17 : memref<!tpu.dma_semaphore, #tpu.memory_space<semaphore_mem>>) src(%dma_wait3A_137 : memref<10240x32xf32, #tpu.memory_space<vmem_shared>>) dst(%arg10 : memref<80x32xf32, #tpu.memory_space<vmem>>)
      %add3A_138 = arith.constant 1 : i32
      %add3A_139 = arith.addi %mul3A_113, %add3A_138 : i32
      %mul3A_140 = arith.constant 80 : i32
      %mul3A_141 = arith.muli %add3A_139, %mul3A_140 : i32
      %dma_start3A_142 = tpu.memref_slice %arg8[%mul3A_141] : memref<10000xi32, #tpu.memory_space<vmem>> -> memref<80xi32, #tpu.memory_space<vmem>>
      %dma_start3A_143 = arith.constant 0 : i32
      %dma_start3A_144 = arith.constant 0 : i32
      %dma_start3A_145 = tpu.memref_slice %arg15[%dma_start3A_143, %dma_start3A_144] : memref<10240x32xf32, #tpu.memory_space<vmem_shared>> -> memref<10240x32xf32, #tpu.memory_space<vmem_shared>>
      tpu.enqueue_indirect_dma source(%arg10 : memref<80x32xf32, #tpu.memory_space<vmem>>) target(%dma_start3A_145 : memref<10240x32xf32, #tpu.memory_space<vmem_shared>>) offsets(%dma_start3A_142 : memref<80xi32, #tpu.memory_space<vmem>>) semaphore(%arg22 : memref<!tpu.dma_semaphore, #tpu.memory_space<semaphore_mem>>) {add = true}
      %add3A_146 = arith.constant 2 : i32
      %add3A_147 = arith.addi %mul3A_113, %add3A_146 : i32
      %mul3A_148 = arith.constant 80 : i32
      %mul3A_149 = arith.muli %add3A_147, %mul3A_148 : i32
      %dma_wait3A_150 = tpu.memref_slice %arg7[%mul3A_149] : memref<10000xi32, #tpu.memory_space<vmem>> -> memref<80xi32, #tpu.memory_space<vmem>>
      %dma_wait3A_151 = arith.constant 0 : i32
      %dma_wait3A_152 = arith.constant 0 : i32
      %dma_wait3A_153 = tpu.memref_slice %arg14[%dma_wait3A_151, %dma_wait3A_152] : memref<10240x32xf32, #tpu.memory_space<vmem_shared>> -> memref<10240x32xf32, #tpu.memory_space<vmem_shared>>
      tpu.wait_indirect_dma semaphore(%arg18 : memref<!tpu.dma_semaphore, #tpu.memory_space<semaphore_mem>>) src(%dma_wait3A_153 : memref<10240x32xf32, #tpu.memory_space<vmem_shared>>) dst(%arg11 : memref<80x32xf32, #tpu.memory_space<vmem>>)
      %add3A_154 = arith.constant 2 : i32
      %add3A_155 = arith.addi %mul3A_113, %add3A_154 : i32
      %mul3A_156 = arith.constant 80 : i32
      %mul3A_157 = arith.muli %add3A_155, %mul3A_156 : i32
      %dma_start3A_158 = tpu.memref_slice %arg8[%mul3A_157] : memref<10000xi32, #tpu.memory_space<vmem>> -> memref<80xi32, #tpu.memory_space<vmem>>
      %dma_start3A_159 = arith.constant 0 : i32
      %dma_start3A_160 = arith.constant 0 : i32
      %dma_start3A_161 = tpu.memref_slice %arg15[%dma_start3A_159, %dma_start3A_160] : memref<10240x32xf32, #tpu.memory_space<vmem_shared>> -> memref<10240x32xf32, #tpu.memory_space<vmem_shared>>
      tpu.enqueue_indirect_dma source(%arg11 : memref<80x32xf32, #tpu.memory_space<vmem>>) target(%dma_start3A_161 : memref<10240x32xf32, #tpu.memory_space<vmem_shared>>) offsets(%dma_start3A_158 : memref<80xi32, #tpu.memory_space<vmem>>) semaphore(%arg23 : memref<!tpu.dma_semaphore, #tpu.memory_space<semaphore_mem>>) {add = true}
      %add3A_162 = arith.constant 3 : i32
      %add3A_163 = arith.addi %mul3A_113, %add3A_162 : i32
      %mul3A_164 = arith.constant 80 : i32
      %mul3A_165 = arith.muli %add3A_163, %mul3A_164 : i32
      %dma_wait3A_166 = tpu.memref_slice %arg7[%mul3A_165] : memref<10000xi32, #tpu.memory_space<vmem>> -> memref<80xi32, #tpu.memory_space<vmem>>
      %dma_wait3A_167 = arith.constant 0 : i32
      %dma_wait3A_168 = arith.constant 0 : i32
      %dma_wait3A_169 = tpu.memref_slice %arg14[%dma_wait3A_167, %dma_wait3A_168] : memref<10240x32xf32, #tpu.memory_space<vmem_shared>> -> memref<10240x32xf32, #tpu.memory_space<vmem_shared>>
      tpu.wait_indirect_dma semaphore(%arg19 : memref<!tpu.dma_semaphore, #tpu.memory_space<semaphore_mem>>) src(%dma_wait3A_169 : memref<10240x32xf32, #tpu.memory_space<vmem_shared>>) dst(%arg12 : memref<80x32xf32, #tpu.memory_space<vmem>>)
      %add3A_170 = arith.constant 3 : i32
      %add3A_171 = arith.addi %mul3A_113, %add3A_170 : i32
      %mul3A_172 = arith.constant 80 : i32
      %mul3A_173 = arith.muli %add3A_171, %mul3A_172 : i32
      %dma_start3A_174 = tpu.memref_slice %arg8[%mul3A_173] : memref<10000xi32, #tpu.memory_space<vmem>> -> memref<80xi32, #tpu.memory_space<vmem>>
      %dma_start3A_175 = arith.constant 0 : i32
      %dma_start3A_176 = arith.constant 0 : i32
      %dma_start3A_177 = tpu.memref_slice %arg15[%dma_start3A_175, %dma_start3A_176] : memref<10240x32xf32, #tpu.memory_space<vmem_shared>> -> memref<10240x32xf32, #tpu.memory_space<vmem_shared>>
      tpu.enqueue_indirect_dma source(%arg12 : memref<80x32xf32, #tpu.memory_space<vmem>>) target(%dma_start3A_177 : memref<10240x32xf32, #tpu.memory_space<vmem_shared>>) offsets(%dma_start3A_174 : memref<80xi32, #tpu.memory_space<vmem>>) semaphore(%arg24 : memref<!tpu.dma_semaphore, #tpu.memory_space<semaphore_mem>>) {add = true}
      %add3A_178 = arith.constant 4 : i32
      %add3A_179 = arith.addi %mul3A_113, %add3A_178 : i32
      %mul3A_180 = arith.constant 80 : i32
      %mul3A_181 = arith.muli %add3A_179, %mul3A_180 : i32
      %dma_wait3A_182 = tpu.memref_slice %arg7[%mul3A_181] : memref<10000xi32, #tpu.memory_space<vmem>> -> memref<80xi32, #tpu.memory_space<vmem>>
      %dma_wait3A_183 = arith.constant 0 : i32
      %dma_wait3A_184 = arith.constant 0 : i32
      %dma_wait3A_185 = tpu.memref_slice %arg14[%dma_wait3A_183, %dma_wait3A_184] : memref<10240x32xf32, #tpu.memory_space<vmem_shared>> -> memref<10240x32xf32, #tpu.memory_space<vmem_shared>>
      tpu.wait_indirect_dma semaphore(%arg20 : memref<!tpu.dma_semaphore, #tpu.memory_space<semaphore_mem>>) src(%dma_wait3A_185 : memref<10240x32xf32, #tpu.memory_space<vmem_shared>>) dst(%arg13 : memref<80x32xf32, #tpu.memory_space<vmem>>)
      %add3A_186 = arith.constant 4 : i32
      %add3A_187 = arith.addi %mul3A_113, %add3A_186 : i32
      %mul3A_188 = arith.constant 80 : i32
      %mul3A_189 = arith.muli %add3A_187, %mul3A_188 : i32
      %dma_start3A_190 = tpu.memref_slice %arg8[%mul3A_189] : memref<10000xi32, #tpu.memory_space<vmem>> -> memref<80xi32, #tpu.memory_space<vmem>>
      %dma_start3A_191 = arith.constant 0 : i32
      %dma_start3A_192 = arith.constant 0 : i32
      %dma_start3A_193 = tpu.memref_slice %arg15[%dma_start3A_191, %dma_start3A_192] : memref<10240x32xf32, #tpu.memory_space<vmem_shared>> -> memref<10240x32xf32, #tpu.memory_space<vmem_shared>>
      tpu.enqueue_indirect_dma source(%arg13 : memref<80x32xf32, #tpu.memory_space<vmem>>) target(%dma_start3A_193 : memref<10240x32xf32, #tpu.memory_space<vmem_shared>>) offsets(%dma_start3A_190 : memref<80xi32, #tpu.memory_space<vmem>>) semaphore(%arg25 : memref<!tpu.dma_semaphore, #tpu.memory_space<semaphore_mem>>) {add = true}
      %add3A_194 = arith.constant 0 : i32
      %add3A_195 = arith.addi %mul3A_113, %add3A_194 : i32
      %mul3A_196 = arith.constant 80 : i32
      %mul3A_197 = arith.muli %add3A_195, %mul3A_196 : i32
      %dma_wait3A_198 = tpu.memref_slice %arg8[%mul3A_197] : memref<10000xi32, #tpu.memory_space<vmem>> -> memref<80xi32, #tpu.memory_space<vmem>>
      %dma_wait3A_199 = arith.constant 0 : i32
      %dma_wait3A_200 = arith.constant 0 : i32
      %dma_wait3A_201 = tpu.memref_slice %arg15[%dma_wait3A_199, %dma_wait3A_200] : memref<10240x32xf32, #tpu.memory_space<vmem_shared>> -> memref<10240x32xf32, #tpu.memory_space<vmem_shared>>
      tpu.wait_indirect_dma semaphore(%arg21 : memref<!tpu.dma_semaphore, #tpu.memory_space<semaphore_mem>>) src(%arg9 : memref<80x32xf32, #tpu.memory_space<vmem>>) dst(%dma_wait3A_201 : memref<10240x32xf32, #tpu.memory_space<vmem_shared>>)
      %add3A_202 = arith.constant 5 : i32
      %add3A_203 = arith.addi %mul3A_113, %add3A_202 : i32
      %add3A_204 = arith.constant 0 : i32
      %add3A_205 = arith.addi %add3A_203, %add3A_204 : i32
      %mul3A_206 = arith.constant 80 : i32
      %mul3A_207 = arith.muli %add3A_205, %mul3A_206 : i32
      %dma_start3A_208 = tpu.memref_slice %arg7[%mul3A_207] : memref<10000xi32, #tpu.memory_space<vmem>> -> memref<80xi32, #tpu.memory_space<vmem>>
      %dma_start3A_209 = arith.constant 0 : i32
      %dma_start3A_210 = arith.constant 0 : i32
      %dma_start3A_211 = tpu.memref_slice %arg14[%dma_start3A_209, %dma_start3A_210] : memref<10240x32xf32, #tpu.memory_space<vmem_shared>> -> memref<10240x32xf32, #tpu.memory_space<vmem_shared>>
      tpu.enqueue_indirect_dma source(%dma_start3A_211 : memref<10240x32xf32, #tpu.memory_space<vmem_shared>>) target(%arg9 : memref<80x32xf32, #tpu.memory_space<vmem>>) offsets(%dma_start3A_208 : memref<80xi32, #tpu.memory_space<vmem>>) semaphore(%arg16 : memref<!tpu.dma_semaphore, #tpu.memory_space<semaphore_mem>>)
      %add3A_212 = arith.constant 1 : i32
      %add3A_213 = arith.addi %mul3A_113, %add3A_212 : i32
      %mul3A_214 = arith.constant 80 : i32
      %mul3A_215 = arith.muli %add3A_213, %mul3A_214 : i32
      %dma_wait3A_216 = tpu.memref_slice %arg8[%mul3A_215] : memref<10000xi32, #tpu.memory_space<vmem>> -> memref<80xi32, #tpu.memory_space<vmem>>
      %dma_wait3A_217 = arith.constant 0 : i32
      %dma_wait3A_218 = arith.constant 0 : i32
      %dma_wait3A_219 = tpu.memref_slice %arg15[%dma_wait3A_217, %dma_wait3A_218] : memref<10240x32xf32, #tpu.memory_space<vmem_shared>> -> memref<10240x32xf32, #tpu.memory_space<vmem_shared>>
      tpu.wait_indirect_dma semaphore(%arg22 : memref<!tpu.dma_semaphore, #tpu.memory_space<semaphore_mem>>) src(%arg10 : memref<80x32xf32, #tpu.memory_space<vmem>>) dst(%dma_wait3A_219 : memref<10240x32xf32, #tpu.memory_space<vmem_shared>>)
      %add3A_220 = arith.constant 5 : i32
      %add3A_221 = arith.addi %mul3A_113, %add3A_220 : i32
      %add3A_222 = arith.constant 1 : i32
      %add3A_223 = arith.addi %add3A_221, %add3A_222 : i32
      %mul3A_224 = arith.constant 80 : i32
      %mul3A_225 = arith.muli %add3A_223, %mul3A_224 : i32
      %dma_start3A_226 = tpu.memref_slice %arg7[%mul3A_225] : memref<10000xi32, #tpu.memory_space<vmem>> -> memref<80xi32, #tpu.memory_space<vmem>>
      %dma_start3A_227 = arith.constant 0 : i32
      %dma_start3A_228 = arith.constant 0 : i32
      %dma_start3A_229 = tpu.memref_slice %arg14[%dma_start3A_227, %dma_start3A_228] : memref<10240x32xf32, #tpu.memory_space<vmem_shared>> -> memref<10240x32xf32, #tpu.memory_space<vmem_shared>>
      tpu.enqueue_indirect_dma source(%dma_start3A_229 : memref<10240x32xf32, #tpu.memory_space<vmem_shared>>) target(%arg10 : memref<80x32xf32, #tpu.memory_space<vmem>>) offsets(%dma_start3A_226 : memref<80xi32, #tpu.memory_space<vmem>>) semaphore(%arg17 : memref<!tpu.dma_semaphore, #tpu.memory_space<semaphore_mem>>)
      %add3A_230 = arith.constant 2 : i32
      %add3A_231 = arith.addi %mul3A_113, %add3A_230 : i32
      %mul3A_232 = arith.constant 80 : i32
      %mul3A_233 = arith.muli %add3A_231, %mul3A_232 : i32
      %dma_wait3A_234 = tpu.memref_slice %arg8[%mul3A_233] : memref<10000xi32, #tpu.memory_space<vmem>> -> memref<80xi32, #tpu.memory_space<vmem>>
      %dma_wait3A_235 = arith.constant 0 : i32
      %dma_wait3A_236 = arith.constant 0 : i32
      %dma_wait3A_237 = tpu.memref_slice %arg15[%dma_wait3A_235, %dma_wait3A_236] : memref<10240x32xf32, #tpu.memory_space<vmem_shared>> -> memref<10240x32xf32, #tpu.memory_space<vmem_shared>>
      tpu.wait_indirect_dma semaphore(%arg23 : memref<!tpu.dma_semaphore, #tpu.memory_space<semaphore_mem>>) src(%arg11 : memref<80x32xf32, #tpu.memory_space<vmem>>) dst(%dma_wait3A_237 : memref<10240x32xf32, #tpu.memory_space<vmem_shared>>)
      %add3A_238 = arith.constant 5 : i32
      %add3A_239 = arith.addi %mul3A_113, %add3A_238 : i32
      %add3A_240 = arith.constant 2 : i32
      %add3A_241 = arith.addi %add3A_239, %add3A_240 : i32
      %mul3A_242 = arith.constant 80 : i32
      %mul3A_243 = arith.muli %add3A_241, %mul3A_242 : i32
      %dma_start3A_244 = tpu.memref_slice %arg7[%mul3A_243] : memref<10000xi32, #tpu.memory_space<vmem>> -> memref<80xi32, #tpu.memory_space<vmem>>
      %dma_start3A_245 = arith.constant 0 : i32
      %dma_start3A_246 = arith.constant 0 : i32
      %dma_start3A_247 = tpu.memref_slice %arg14[%dma_start3A_245, %dma_start3A_246] : memref<10240x32xf32, #tpu.memory_space<vmem_shared>> -> memref<10240x32xf32, #tpu.memory_space<vmem_shared>>
      tpu.enqueue_indirect_dma source(%dma_start3A_247 : memref<10240x32xf32, #tpu.memory_space<vmem_shared>>) target(%arg11 : memref<80x32xf32, #tpu.memory_space<vmem>>) offsets(%dma_start3A_244 : memref<80xi32, #tpu.memory_space<vmem>>) semaphore(%arg18 : memref<!tpu.dma_semaphore, #tpu.memory_space<semaphore_mem>>)
      %add3A_248 = arith.constant 3 : i32
      %add3A_249 = arith.addi %mul3A_113, %add3A_248 : i32
      %mul3A_250 = arith.constant 80 : i32
      %mul3A_251 = arith.muli %add3A_249, %mul3A_250 : i32
      %dma_wait3A_252 = tpu.memref_slice %arg8[%mul3A_251] : memref<10000xi32, #tpu.memory_space<vmem>> -> memref<80xi32, #tpu.memory_space<vmem>>
      %dma_wait3A_253 = arith.constant 0 : i32
      %dma_wait3A_254 = arith.constant 0 : i32
      %dma_wait3A_255 = tpu.memref_slice %arg15[%dma_wait3A_253, %dma_wait3A_254] : memref<10240x32xf32, #tpu.memory_space<vmem_shared>> -> memref<10240x32xf32, #tpu.memory_space<vmem_shared>>
      tpu.wait_indirect_dma semaphore(%arg24 : memref<!tpu.dma_semaphore, #tpu.memory_space<semaphore_mem>>) src(%arg12 : memref<80x32xf32, #tpu.memory_space<vmem>>) dst(%dma_wait3A_255 : memref<10240x32xf32, #tpu.memory_space<vmem_shared>>)
      %add3A_256 = arith.constant 5 : i32
      %add3A_257 = arith.addi %mul3A_113, %add3A_256 : i32
      %add3A_258 = arith.constant 3 : i32
      %add3A_259 = arith.addi %add3A_257, %add3A_258 : i32
      %mul3A_260 = arith.constant 80 : i32
      %mul3A_261 = arith.muli %add3A_259, %mul3A_260 : i32
      %dma_start3A_262 = tpu.memref_slice %arg7[%mul3A_261] : memref<10000xi32, #tpu.memory_space<vmem>> -> memref<80xi32, #tpu.memory_space<vmem>>
      %dma_start3A_263 = arith.constant 0 : i32
      %dma_start3A_264 = arith.constant 0 : i32
      %dma_start3A_265 = tpu.memref_slice %arg14[%dma_start3A_263, %dma_start3A_264] : memref<10240x32xf32, #tpu.memory_space<vmem_shared>> -> memref<10240x32xf32, #tpu.memory_space<vmem_shared>>
      tpu.enqueue_indirect_dma source(%dma_start3A_265 : memref<10240x32xf32, #tpu.memory_space<vmem_shared>>) target(%arg12 : memref<80x32xf32, #tpu.memory_space<vmem>>) offsets(%dma_start3A_262 : memref<80xi32, #tpu.memory_space<vmem>>) semaphore(%arg19 : memref<!tpu.dma_semaphore, #tpu.memory_space<semaphore_mem>>)
      %add3A_266 = arith.constant 4 : i32
      %add3A_267 = arith.addi %mul3A_113, %add3A_266 : i32
      %mul3A_268 = arith.constant 80 : i32
      %mul3A_269 = arith.muli %add3A_267, %mul3A_268 : i32
      %dma_wait3A_270 = tpu.memref_slice %arg8[%mul3A_269] : memref<10000xi32, #tpu.memory_space<vmem>> -> memref<80xi32, #tpu.memory_space<vmem>>
      %dma_wait3A_271 = arith.constant 0 : i32
      %dma_wait3A_272 = arith.constant 0 : i32
      %dma_wait3A_273 = tpu.memref_slice %arg15[%dma_wait3A_271, %dma_wait3A_272] : memref<10240x32xf32, #tpu.memory_space<vmem_shared>> -> memref<10240x32xf32, #tpu.memory_space<vmem_shared>>
      tpu.wait_indirect_dma semaphore(%arg25 : memref<!tpu.dma_semaphore, #tpu.memory_space<semaphore_mem>>) src(%arg13 : memref<80x32xf32, #tpu.memory_space<vmem>>) dst(%dma_wait3A_273 : memref<10240x32xf32, #tpu.memory_space<vmem_shared>>)
      %add3A_274 = arith.constant 5 : i32
      %add3A_275 = arith.addi %mul3A_113, %add3A_274 : i32
      %add3A_276 = arith.constant 4 : i32
      %add3A_277 = arith.addi %add3A_275, %add3A_276 : i32
      %mul3A_278 = arith.constant 80 : i32
      %mul3A_279 = arith.muli %add3A_277, %mul3A_278 : i32
      %dma_start3A_280 = tpu.memref_slice %arg7[%mul3A_279] : memref<10000xi32, #tpu.memory_space<vmem>> -> memref<80xi32, #tpu.memory_space<vmem>>
      %dma_start3A_281 = arith.constant 0 : i32
      %dma_start3A_282 = arith.constant 0 : i32
      %dma_start3A_283 = tpu.memref_slice %arg14[%dma_start3A_281, %dma_start3A_282] : memref<10240x32xf32, #tpu.memory_space<vmem_shared>> -> memref<10240x32xf32, #tpu.memory_space<vmem_shared>>
      tpu.enqueue_indirect_dma source(%dma_start3A_283 : memref<10240x32xf32, #tpu.memory_space<vmem_shared>>) target(%arg13 : memref<80x32xf32, #tpu.memory_space<vmem>>) offsets(%dma_start3A_280 : memref<80xi32, #tpu.memory_space<vmem>>) semaphore(%arg20 : memref<!tpu.dma_semaphore, #tpu.memory_space<semaphore_mem>>)
    }
    %scan3A_35 = arith.constant 24 : i32
    %dma_wait3A = arith.constant 9600 : i32
    %dma_wait3A_36 = tpu.memref_slice %arg7[%dma_wait3A] : memref<10000xi32, #tpu.memory_space<vmem>> -> memref<80xi32, #tpu.memory_space<vmem>>
    %dma_wait3A_37 = arith.constant 0 : i32
    %dma_wait3A_38 = arith.constant 0 : i32
    %dma_wait3A_39 = tpu.memref_slice %arg14[%dma_wait3A_37, %dma_wait3A_38] : memref<10240x32xf32, #tpu.memory_space<vmem_shared>> -> memref<10240x32xf32, #tpu.memory_space<vmem_shared>>
    tpu.wait_indirect_dma semaphore(%arg16 : memref<!tpu.dma_semaphore, #tpu.memory_space<semaphore_mem>>) src(%dma_wait3A_39 : memref<10240x32xf32, #tpu.memory_space<vmem_shared>>) dst(%arg9 : memref<80x32xf32, #tpu.memory_space<vmem>>)
    %dma_start3A_40 = arith.constant 9600 : i32
    %dma_start3A_41 = tpu.memref_slice %arg8[%dma_start3A_40] : memref<10000xi32, #tpu.memory_space<vmem>> -> memref<80xi32, #tpu.memory_space<vmem>>
    %dma_start3A_42 = arith.constant 0 : i32
    %dma_start3A_43 = arith.constant 0 : i32
    %dma_start3A_44 = tpu.memref_slice %arg15[%dma_start3A_42, %dma_start3A_43] : memref<10240x32xf32, #tpu.memory_space<vmem_shared>> -> memref<10240x32xf32, #tpu.memory_space<vmem_shared>>
    tpu.enqueue_indirect_dma source(%arg9 : memref<80x32xf32, #tpu.memory_space<vmem>>) target(%dma_start3A_44 : memref<10240x32xf32, #tpu.memory_space<vmem_shared>>) offsets(%dma_start3A_41 : memref<80xi32, #tpu.memory_space<vmem>>) semaphore(%arg21 : memref<!tpu.dma_semaphore, #tpu.memory_space<semaphore_mem>>) {add = true}
    %dma_wait3A_45 = arith.constant 9680 : i32
    %dma_wait3A_46 = tpu.memref_slice %arg7[%dma_wait3A_45] : memref<10000xi32, #tpu.memory_space<vmem>> -> memref<80xi32, #tpu.memory_space<vmem>>
    %dma_wait3A_47 = arith.constant 0 : i32
    %dma_wait3A_48 = arith.constant 0 : i32
    %dma_wait3A_49 = tpu.memref_slice %arg14[%dma_wait3A_47, %dma_wait3A_48] : memref<10240x32xf32, #tpu.memory_space<vmem_shared>> -> memref<10240x32xf32, #tpu.memory_space<vmem_shared>>
    tpu.wait_indirect_dma semaphore(%arg17 : memref<!tpu.dma_semaphore, #tpu.memory_space<semaphore_mem>>) src(%dma_wait3A_49 : memref<10240x32xf32, #tpu.memory_space<vmem_shared>>) dst(%arg10 : memref<80x32xf32, #tpu.memory_space<vmem>>)
    %dma_start3A_50 = arith.constant 9680 : i32
    %dma_start3A_51 = tpu.memref_slice %arg8[%dma_start3A_50] : memref<10000xi32, #tpu.memory_space<vmem>> -> memref<80xi32, #tpu.memory_space<vmem>>
    %dma_start3A_52 = arith.constant 0 : i32
    %dma_start3A_53 = arith.constant 0 : i32
    %dma_start3A_54 = tpu.memref_slice %arg15[%dma_start3A_52, %dma_start3A_53] : memref<10240x32xf32, #tpu.memory_space<vmem_shared>> -> memref<10240x32xf32, #tpu.memory_space<vmem_shared>>
    tpu.enqueue_indirect_dma source(%arg10 : memref<80x32xf32, #tpu.memory_space<vmem>>) target(%dma_start3A_54 : memref<10240x32xf32, #tpu.memory_space<vmem_shared>>) offsets(%dma_start3A_51 : memref<80xi32, #tpu.memory_space<vmem>>) semaphore(%arg22 : memref<!tpu.dma_semaphore, #tpu.memory_space<semaphore_mem>>) {add = true}
    %dma_wait3A_55 = arith.constant 9760 : i32
    %dma_wait3A_56 = tpu.memref_slice %arg7[%dma_wait3A_55] : memref<10000xi32, #tpu.memory_space<vmem>> -> memref<80xi32, #tpu.memory_space<vmem>>
    %dma_wait3A_57 = arith.constant 0 : i32
    %dma_wait3A_58 = arith.constant 0 : i32
    %dma_wait3A_59 = tpu.memref_slice %arg14[%dma_wait3A_57, %dma_wait3A_58] : memref<10240x32xf32, #tpu.memory_space<vmem_shared>> -> memref<10240x32xf32, #tpu.memory_space<vmem_shared>>
    tpu.wait_indirect_dma semaphore(%arg18 : memref<!tpu.dma_semaphore, #tpu.memory_space<semaphore_mem>>) src(%dma_wait3A_59 : memref<10240x32xf32, #tpu.memory_space<vmem_shared>>) dst(%arg11 : memref<80x32xf32, #tpu.memory_space<vmem>>)
    %dma_start3A_60 = arith.constant 9760 : i32
    %dma_start3A_61 = tpu.memref_slice %arg8[%dma_start3A_60] : memref<10000xi32, #tpu.memory_space<vmem>> -> memref<80xi32, #tpu.memory_space<vmem>>
    %dma_start3A_62 = arith.constant 0 : i32
    %dma_start3A_63 = arith.constant 0 : i32
    %dma_start3A_64 = tpu.memref_slice %arg15[%dma_start3A_62, %dma_start3A_63] : memref<10240x32xf32, #tpu.memory_space<vmem_shared>> -> memref<10240x32xf32, #tpu.memory_space<vmem_shared>>
    tpu.enqueue_indirect_dma source(%arg11 : memref<80x32xf32, #tpu.memory_space<vmem>>) target(%dma_start3A_64 : memref<10240x32xf32, #tpu.memory_space<vmem_shared>>) offsets(%dma_start3A_61 : memref<80xi32, #tpu.memory_space<vmem>>) semaphore(%arg23 : memref<!tpu.dma_semaphore, #tpu.memory_space<semaphore_mem>>) {add = true}
    %dma_wait3A_65 = arith.constant 9840 : i32
    %dma_wait3A_66 = tpu.memref_slice %arg7[%dma_wait3A_65] : memref<10000xi32, #tpu.memory_space<vmem>> -> memref<80xi32, #tpu.memory_space<vmem>>
    %dma_wait3A_67 = arith.constant 0 : i32
    %dma_wait3A_68 = arith.constant 0 : i32
    %dma_wait3A_69 = tpu.memref_slice %arg14[%dma_wait3A_67, %dma_wait3A_68] : memref<10240x32xf32, #tpu.memory_space<vmem_shared>> -> memref<10240x32xf32, #tpu.memory_space<vmem_shared>>
    tpu.wait_indirect_dma semaphore(%arg19 : memref<!tpu.dma_semaphore, #tpu.memory_space<semaphore_mem>>) src(%dma_wait3A_69 : memref<10240x32xf32, #tpu.memory_space<vmem_shared>>) dst(%arg12 : memref<80x32xf32, #tpu.memory_space<vmem>>)
    %dma_start3A_70 = arith.constant 9840 : i32
    %dma_start3A_71 = tpu.memref_slice %arg8[%dma_start3A_70] : memref<10000xi32, #tpu.memory_space<vmem>> -> memref<80xi32, #tpu.memory_space<vmem>>
    %dma_start3A_72 = arith.constant 0 : i32
    %dma_start3A_73 = arith.constant 0 : i32
    %dma_start3A_74 = tpu.memref_slice %arg15[%dma_start3A_72, %dma_start3A_73] : memref<10240x32xf32, #tpu.memory_space<vmem_shared>> -> memref<10240x32xf32, #tpu.memory_space<vmem_shared>>
    tpu.enqueue_indirect_dma source(%arg12 : memref<80x32xf32, #tpu.memory_space<vmem>>) target(%dma_start3A_74 : memref<10240x32xf32, #tpu.memory_space<vmem_shared>>) offsets(%dma_start3A_71 : memref<80xi32, #tpu.memory_space<vmem>>) semaphore(%arg24 : memref<!tpu.dma_semaphore, #tpu.memory_space<semaphore_mem>>) {add = true}
    %dma_wait3A_75 = arith.constant 9920 : i32
    %dma_wait3A_76 = tpu.memref_slice %arg7[%dma_wait3A_75] : memref<10000xi32, #tpu.memory_space<vmem>> -> memref<80xi32, #tpu.memory_space<vmem>>
    %dma_wait3A_77 = arith.constant 0 : i32
    %dma_wait3A_78 = arith.constant 0 : i32
    %dma_wait3A_79 = tpu.memref_slice %arg14[%dma_wait3A_77, %dma_wait3A_78] : memref<10240x32xf32, #tpu.memory_space<vmem_shared>> -> memref<10240x32xf32, #tpu.memory_space<vmem_shared>>
    tpu.wait_indirect_dma semaphore(%arg20 : memref<!tpu.dma_semaphore, #tpu.memory_space<semaphore_mem>>) src(%dma_wait3A_79 : memref<10240x32xf32, #tpu.memory_space<vmem_shared>>) dst(%arg13 : memref<80x32xf32, #tpu.memory_space<vmem>>)
    %dma_start3A_80 = arith.constant 9920 : i32
    %dma_start3A_81 = tpu.memref_slice %arg8[%dma_start3A_80] : memref<10000xi32, #tpu.memory_space<vmem>> -> memref<80xi32, #tpu.memory_space<vmem>>
    %dma_start3A_82 = arith.constant 0 : i32
    %dma_start3A_83 = arith.constant 0 : i32
    %dma_start3A_84 = tpu.memref_slice %arg15[%dma_start3A_82, %dma_start3A_83] : memref<10240x32xf32, #tpu.memory_space<vmem_shared>> -> memref<10240x32xf32, #tpu.memory_space<vmem_shared>>
    tpu.enqueue_indirect_dma source(%arg13 : memref<80x32xf32, #tpu.memory_space<vmem>>) target(%dma_start3A_84 : memref<10240x32xf32, #tpu.memory_space<vmem_shared>>) offsets(%dma_start3A_81 : memref<80xi32, #tpu.memory_space<vmem>>) semaphore(%arg25 : memref<!tpu.dma_semaphore, #tpu.memory_space<semaphore_mem>>) {add = true}
    %dma_wait3A_85 = arith.constant 9600 : i32
    %dma_wait3A_86 = tpu.memref_slice %arg8[%dma_wait3A_85] : memref<10000xi32, #tpu.memory_space<vmem>> -> memref<80xi32, #tpu.memory_space<vmem>>
    %dma_wait3A_87 = arith.constant 0 : i32
    %dma_wait3A_88 = arith.constant 0 : i32
    %dma_wait3A_89 = tpu.memref_slice %arg15[%dma_wait3A_87, %dma_wait3A_88] : memref<10240x32xf32, #tpu.memory_space<vmem_shared>> -> memref<10240x32xf32, #tpu.memory_space<vmem_shared>>
    tpu.wait_indirect_dma semaphore(%arg21 : memref<!tpu.dma_semaphore, #tpu.memory_space<semaphore_mem>>) src(%arg9 : memref<80x32xf32, #tpu.memory_space<vmem>>) dst(%dma_wait3A_89 : memref<10240x32xf32, #tpu.memory_space<vmem_shared>>)
    %dma_wait3A_90 = arith.constant 9680 : i32
    %dma_wait3A_91 = tpu.memref_slice %arg8[%dma_wait3A_90] : memref<10000xi32, #tpu.memory_space<vmem>> -> memref<80xi32, #tpu.memory_space<vmem>>
    %dma_wait3A_92 = arith.constant 0 : i32
    %dma_wait3A_93 = arith.constant 0 : i32
    %dma_wait3A_94 = tpu.memref_slice %arg15[%dma_wait3A_92, %dma_wait3A_93] : memref<10240x32xf32, #tpu.memory_space<vmem_shared>> -> memref<10240x32xf32, #tpu.memory_space<vmem_shared>>
    tpu.wait_indirect_dma semaphore(%arg22 : memref<!tpu.dma_semaphore, #tpu.memory_space<semaphore_mem>>) src(%arg10 : memref<80x32xf32, #tpu.memory_space<vmem>>) dst(%dma_wait3A_94 : memref<10240x32xf32, #tpu.memory_space<vmem_shared>>)
    %dma_wait3A_95 = arith.constant 9760 : i32
    %dma_wait3A_96 = tpu.memref_slice %arg8[%dma_wait3A_95] : memref<10000xi32, #tpu.memory_space<vmem>> -> memref<80xi32, #tpu.memory_space<vmem>>
    %dma_wait3A_97 = arith.constant 0 : i32
    %dma_wait3A_98 = arith.constant 0 : i32
    %dma_wait3A_99 = tpu.memref_slice %arg15[%dma_wait3A_97, %dma_wait3A_98] : memref<10240x32xf32, #tpu.memory_space<vmem_shared>> -> memref<10240x32xf32, #tpu.memory_space<vmem_shared>>
    tpu.wait_indirect_dma semaphore(%arg23 : memref<!tpu.dma_semaphore, #tpu.memory_space<semaphore_mem>>) src(%arg11 : memref<80x32xf32, #tpu.memory_space<vmem>>) dst(%dma_wait3A_99 : memref<10240x32xf32, #tpu.memory_space<vmem_shared>>)
    %dma_wait3A_100 = arith.constant 9840 : i32
    %dma_wait3A_101 = tpu.memref_slice %arg8[%dma_wait3A_100] : memref<10000xi32, #tpu.memory_space<vmem>> -> memref<80xi32, #tpu.memory_space<vmem>>
    %dma_wait3A_102 = arith.constant 0 : i32
    %dma_wait3A_103 = arith.constant 0 : i32
    %dma_wait3A_104 = tpu.memref_slice %arg15[%dma_wait3A_102, %dma_wait3A_103] : memref<10240x32xf32, #tpu.memory_space<vmem_shared>> -> memref<10240x32xf32, #tpu.memory_space<vmem_shared>>
    tpu.wait_indirect_dma semaphore(%arg24 : memref<!tpu.dma_semaphore, #tpu.memory_space<semaphore_mem>>) src(%arg12 : memref<80x32xf32, #tpu.memory_space<vmem>>) dst(%dma_wait3A_104 : memref<10240x32xf32, #tpu.memory_space<vmem_shared>>)
    %dma_wait3A_105 = arith.constant 9920 : i32
    %dma_wait3A_106 = tpu.memref_slice %arg8[%dma_wait3A_105] : memref<10000xi32, #tpu.memory_space<vmem>> -> memref<80xi32, #tpu.memory_space<vmem>>
    %dma_wait3A_107 = arith.constant 0 : i32
    %dma_wait3A_108 = arith.constant 0 : i32
    %dma_wait3A_109 = tpu.memref_slice %arg15[%dma_wait3A_107, %dma_wait3A_108] : memref<10240x32xf32, #tpu.memory_space<vmem_shared>> -> memref<10240x32xf32, #tpu.memory_space<vmem_shared>>
    tpu.wait_indirect_dma semaphore(%arg25 : memref<!tpu.dma_semaphore, #tpu.memory_space<semaphore_mem>>) src(%arg13 : memref<80x32xf32, #tpu.memory_space<vmem>>) dst(%dma_wait3A_109 : memref<10240x32xf32, #tpu.memory_space<vmem_shared>>)
    %barrier3A_110 = arith.constant 0 : index
    tpu.barrier barrier_id(%barrier3A_110)
    "tpu.region"() ({
      %run_scoped3A = tpu.sem_alloc : memref<!tpu.dma_semaphore, #tpu.memory_space<semaphore_mem>>
      %dma_start3A_111 = arith.constant 0 : i32
      %dma_start3A_112 = tpu.memref_slice %arg6[%arg0, %mul3A_2, %dma_start3A_111] : memref<2x10240x32xf32, #tpu.memory_space<hbm>> -> memref<1x640x32xf32, #tpu.memory_space<hbm>>
      %dma_start3A_113 = tpu.memref_squeeze %dma_start3A_112 : memref<1x640x32xf32, #tpu.memory_space<hbm>> -> memref<640x32xf32, #tpu.memory_space<hbm>>
      %dma_start3A_114 = arith.constant 0 : i32
      %dma_start3A_115 = tpu.memref_slice %arg15[%mul3A_2, %dma_start3A_114] : memref<10240x32xf32, #tpu.memory_space<vmem_shared>> -> memref<640x32xf32, #tpu.memory_space<vmem_shared>>
      tpu.enqueue_dma source(%dma_start3A_115 : memref<640x32xf32, #tpu.memory_space<vmem_shared>>) target(%dma_start3A_113 : memref<640x32xf32, #tpu.memory_space<hbm>>) target_semaphore(%run_scoped3A : memref<!tpu.dma_semaphore, #tpu.memory_space<semaphore_mem>>)
      %dma_wait3A_116 = arith.constant 0 : i32
      %dma_wait3A_117 = tpu.memref_slice %arg6[%arg0, %mul3A_2, %dma_wait3A_116] : memref<2x10240x32xf32, #tpu.memory_space<hbm>> -> memref<1x640x32xf32, #tpu.memory_space<hbm>>
      %dma_wait3A_118 = tpu.memref_squeeze %dma_wait3A_117 : memref<1x640x32xf32, #tpu.memory_space<hbm>> -> memref<640x32xf32, #tpu.memory_space<hbm>>
      %dma_wait3A_119 = arith.constant 0 : i32
      %dma_wait3A_120 = tpu.memref_slice %arg15[%mul3A_2, %dma_wait3A_119] : memref<10240x32xf32, #tpu.memory_space<vmem_shared>> -> memref<640x32xf32, #tpu.memory_space<vmem_shared>>
      tpu.wait_dma2 semaphore(%run_scoped3A : memref<!tpu.dma_semaphore, #tpu.memory_space<semaphore_mem>>) src(%dma_wait3A_120 : memref<640x32xf32, #tpu.memory_space<vmem_shared>>) dst(%dma_wait3A_118 : memref<640x32xf32, #tpu.memory_space<hbm>>)
      tpu.yield
    }) : () -> ()
    return
  }
}

#map = affine_map<(d0, d1) -> (0)>
#map1 = affine_map<(d0, d1) -> (0, 0)>
module attributes {stable_mosaic.version = 14 : i64} {
  func.func @deg_kernel(%arg0: i32, %arg1: i32, %arg2: memref<320000xi32, #tpu.memory_space<hbm>>, %arg3: memref<80xf32, #tpu.memory_space<hbm>>, %arg4: memref<10240xf32, #tpu.memory_space<hbm>>, %arg5: memref<2x10240xf32, #tpu.memory_space<hbm>>, %arg6: memref<10000xi32, #tpu.memory_space<vmem>>, %arg7: memref<80xf32, #tpu.memory_space<vmem>>, %arg8: memref<10240xf32, #tpu.memory_space<vmem_shared>>, %arg9: memref<!tpu.dma_semaphore, #tpu.memory_space<semaphore_mem>>, %arg10: memref<!tpu.dma_semaphore, #tpu.memory_space<semaphore_mem>>, %arg11: memref<!tpu.dma_semaphore, #tpu.memory_space<semaphore_mem>>, %arg12: memref<!tpu.dma_semaphore, #tpu.memory_space<semaphore_mem>>, %arg13: memref<!tpu.dma_semaphore, #tpu.memory_space<semaphore_mem>>) attributes {dimension_semantics = [#tpu.dimension_semantics<core_parallel>, #tpu.dimension_semantics<subcore_parallel>], iteration_bounds = array<i64: 2, 16>, scalar_prefetch = 0 : i64, scratch_operands = 8 : i64, tpu.core_type = #tpu.core_type<sc_vector_subcore>, window_params = [{transform_indices = #map}, {transform_indices = #map}, {transform_indices = #map}, {transform_indices = #map1}]} {
    %mul3A = arith.constant 2 : i32
    %mul3A_0 = arith.muli %arg1, %mul3A : i32
    %add3A = arith.addi %mul3A_0, %arg0 : i32
    %mul3A_1 = arith.constant 640 : i32
    %mul3A_2 = arith.muli %arg1, %mul3A_1 : i32
    %mul3A_3 = arith.constant 10000 : i32
    %mul3A_4 = arith.muli %add3A, %mul3A_3 : i32
    "tpu.region"() ({
      %run_scoped3A = tpu.sem_alloc : memref<!tpu.dma_semaphore, #tpu.memory_space<semaphore_mem>>
      %dma_start3A_49 = tpu.memref_slice %arg2[%mul3A_4] : memref<320000xi32, #tpu.memory_space<hbm>> -> memref<10000xi32, #tpu.memory_space<hbm>>
      %dma_start3A_50 = tpu.memref_slice %arg2[%mul3A_4] : memref<320000xi32, #tpu.memory_space<hbm>> -> memref<10000xi32, #tpu.memory_space<hbm>>
      tpu.enqueue_dma source(%dma_start3A_50 : memref<10000xi32, #tpu.memory_space<hbm>>) target(%arg6 : memref<10000xi32, #tpu.memory_space<vmem>>) target_semaphore(%run_scoped3A : memref<!tpu.dma_semaphore, #tpu.memory_space<semaphore_mem>>)
      %dma_wait3A_51 = tpu.memref_slice %arg2[%mul3A_4] : memref<320000xi32, #tpu.memory_space<hbm>> -> memref<10000xi32, #tpu.memory_space<hbm>>
      %dma_wait3A_52 = tpu.memref_slice %arg2[%mul3A_4] : memref<320000xi32, #tpu.memory_space<hbm>> -> memref<10000xi32, #tpu.memory_space<hbm>>
      tpu.wait_dma2 semaphore(%run_scoped3A : memref<!tpu.dma_semaphore, #tpu.memory_space<semaphore_mem>>) src(%dma_wait3A_52 : memref<10000xi32, #tpu.memory_space<hbm>>) dst(%arg6 : memref<10000xi32, #tpu.memory_space<vmem>>)
      tpu.yield
    }) : () -> ()
    "tpu.region"() ({
      %run_scoped3A = tpu.sem_alloc : memref<!tpu.dma_semaphore, #tpu.memory_space<semaphore_mem>>
      tpu.enqueue_dma source(%arg3 : memref<80xf32, #tpu.memory_space<hbm>>) target(%arg7 : memref<80xf32, #tpu.memory_space<vmem>>) target_semaphore(%run_scoped3A : memref<!tpu.dma_semaphore, #tpu.memory_space<semaphore_mem>>)
      tpu.wait_dma2 semaphore(%run_scoped3A : memref<!tpu.dma_semaphore, #tpu.memory_space<semaphore_mem>>) src(%arg3 : memref<80xf32, #tpu.memory_space<hbm>>) dst(%arg7 : memref<80xf32, #tpu.memory_space<vmem>>)
      tpu.yield
    }) : () -> ()
    "tpu.region"() ({
      %run_scoped3A = tpu.sem_alloc : memref<!tpu.dma_semaphore, #tpu.memory_space<semaphore_mem>>
      %dma_start3A_49 = tpu.memref_slice %arg8[%mul3A_2] : memref<10240xf32, #tpu.memory_space<vmem_shared>> -> memref<640xf32, #tpu.memory_space<vmem_shared>>
      %dma_start3A_50 = tpu.memref_slice %arg4[%mul3A_2] : memref<10240xf32, #tpu.memory_space<hbm>> -> memref<640xf32, #tpu.memory_space<hbm>>
      tpu.enqueue_dma source(%dma_start3A_50 : memref<640xf32, #tpu.memory_space<hbm>>) target(%dma_start3A_49 : memref<640xf32, #tpu.memory_space<vmem_shared>>) target_semaphore(%run_scoped3A : memref<!tpu.dma_semaphore, #tpu.memory_space<semaphore_mem>>)
      %dma_wait3A_51 = tpu.memref_slice %arg8[%mul3A_2] : memref<10240xf32, #tpu.memory_space<vmem_shared>> -> memref<640xf32, #tpu.memory_space<vmem_shared>>
      %dma_wait3A_52 = tpu.memref_slice %arg4[%mul3A_2] : memref<10240xf32, #tpu.memory_space<hbm>> -> memref<640xf32, #tpu.memory_space<hbm>>
      tpu.wait_dma2 semaphore(%run_scoped3A : memref<!tpu.dma_semaphore, #tpu.memory_space<semaphore_mem>>) src(%dma_wait3A_52 : memref<640xf32, #tpu.memory_space<hbm>>) dst(%dma_wait3A_51 : memref<640xf32, #tpu.memory_space<vmem_shared>>)
      tpu.yield
    }) : () -> ()
    %barrier3A = arith.constant 0 : index
    tpu.barrier barrier_id(%barrier3A)
    %dma_start3A = arith.constant 0 : i32
    %dma_start3A_5 = tpu.memref_slice %arg6[%dma_start3A] : memref<10000xi32, #tpu.memory_space<vmem>> -> memref<80xi32, #tpu.memory_space<vmem>>
    %dma_start3A_6 = arith.constant 0 : i32
    %dma_start3A_7 = tpu.memref_slice %arg8[%dma_start3A_6] : memref<10240xf32, #tpu.memory_space<vmem_shared>> -> memref<10240xf32, #tpu.memory_space<vmem_shared>>
    tpu.enqueue_indirect_dma source(%arg7 : memref<80xf32, #tpu.memory_space<vmem>>) target(%dma_start3A_7 : memref<10240xf32, #tpu.memory_space<vmem_shared>>) offsets(%dma_start3A_5 : memref<80xi32, #tpu.memory_space<vmem>>) semaphore(%arg9 : memref<!tpu.dma_semaphore, #tpu.memory_space<semaphore_mem>>) {add = true}
    %dma_start3A_8 = arith.constant 80 : i32
    %dma_start3A_9 = tpu.memref_slice %arg6[%dma_start3A_8] : memref<10000xi32, #tpu.memory_space<vmem>> -> memref<80xi32, #tpu.memory_space<vmem>>
    %dma_start3A_10 = arith.constant 0 : i32
    %dma_start3A_11 = tpu.memref_slice %arg8[%dma_start3A_10] : memref<10240xf32, #tpu.memory_space<vmem_shared>> -> memref<10240xf32, #tpu.memory_space<vmem_shared>>
    tpu.enqueue_indirect_dma source(%arg7 : memref<80xf32, #tpu.memory_space<vmem>>) target(%dma_start3A_11 : memref<10240xf32, #tpu.memory_space<vmem_shared>>) offsets(%dma_start3A_9 : memref<80xi32, #tpu.memory_space<vmem>>) semaphore(%arg10 : memref<!tpu.dma_semaphore, #tpu.memory_space<semaphore_mem>>) {add = true}
    %dma_start3A_12 = arith.constant 160 : i32
    %dma_start3A_13 = tpu.memref_slice %arg6[%dma_start3A_12] : memref<10000xi32, #tpu.memory_space<vmem>> -> memref<80xi32, #tpu.memory_space<vmem>>
    %dma_start3A_14 = arith.constant 0 : i32
    %dma_start3A_15 = tpu.memref_slice %arg8[%dma_start3A_14] : memref<10240xf32, #tpu.memory_space<vmem_shared>> -> memref<10240xf32, #tpu.memory_space<vmem_shared>>
    tpu.enqueue_indirect_dma source(%arg7 : memref<80xf32, #tpu.memory_space<vmem>>) target(%dma_start3A_15 : memref<10240xf32, #tpu.memory_space<vmem_shared>>) offsets(%dma_start3A_13 : memref<80xi32, #tpu.memory_space<vmem>>) semaphore(%arg11 : memref<!tpu.dma_semaphore, #tpu.memory_space<semaphore_mem>>) {add = true}
    %dma_start3A_16 = arith.constant 240 : i32
    %dma_start3A_17 = tpu.memref_slice %arg6[%dma_start3A_16] : memref<10000xi32, #tpu.memory_space<vmem>> -> memref<80xi32, #tpu.memory_space<vmem>>
    %dma_start3A_18 = arith.constant 0 : i32
    %dma_start3A_19 = tpu.memref_slice %arg8[%dma_start3A_18] : memref<10240xf32, #tpu.memory_space<vmem_shared>> -> memref<10240xf32, #tpu.memory_space<vmem_shared>>
    tpu.enqueue_indirect_dma source(%arg7 : memref<80xf32, #tpu.memory_space<vmem>>) target(%dma_start3A_19 : memref<10240xf32, #tpu.memory_space<vmem_shared>>) offsets(%dma_start3A_17 : memref<80xi32, #tpu.memory_space<vmem>>) semaphore(%arg12 : memref<!tpu.dma_semaphore, #tpu.memory_space<semaphore_mem>>) {add = true}
    %dma_start3A_20 = arith.constant 320 : i32
    %dma_start3A_21 = tpu.memref_slice %arg6[%dma_start3A_20] : memref<10000xi32, #tpu.memory_space<vmem>> -> memref<80xi32, #tpu.memory_space<vmem>>
    %dma_start3A_22 = arith.constant 0 : i32
    %dma_start3A_23 = tpu.memref_slice %arg8[%dma_start3A_22] : memref<10240xf32, #tpu.memory_space<vmem_shared>> -> memref<10240xf32, #tpu.memory_space<vmem_shared>>
    tpu.enqueue_indirect_dma source(%arg7 : memref<80xf32, #tpu.memory_space<vmem>>) target(%dma_start3A_23 : memref<10240xf32, #tpu.memory_space<vmem_shared>>) offsets(%dma_start3A_21 : memref<80xi32, #tpu.memory_space<vmem>>) semaphore(%arg13 : memref<!tpu.dma_semaphore, #tpu.memory_space<semaphore_mem>>) {add = true}
    %scan3A = arith.constant 0 : i32
    %scan3A_24 = arith.constant 0 : i32
    %scan3A_25 = arith.constant 24 : i32
    %scan3A_26 = arith.addi %scan3A_24, %scan3A_25 : i32
    %scan3A_27 = arith.constant 1 : i32
    scf.for %scan3A_49 = %scan3A_24 to %scan3A_26 step %scan3A_27  : i32 {
      %mul3A_50 = arith.constant 5 : i32
      %mul3A_51 = arith.muli %scan3A_49, %mul3A_50 : i32
      %add3A_52 = arith.constant 0 : i32
      %add3A_53 = arith.addi %mul3A_51, %add3A_52 : i32
      %mul3A_54 = arith.constant 80 : i32
      %mul3A_55 = arith.muli %add3A_53, %mul3A_54 : i32
      %dma_wait3A_56 = tpu.memref_slice %arg6[%mul3A_55] : memref<10000xi32, #tpu.memory_space<vmem>> -> memref<80xi32, #tpu.memory_space<vmem>>
      %dma_wait3A_57 = arith.constant 0 : i32
      %dma_wait3A_58 = tpu.memref_slice %arg8[%dma_wait3A_57] : memref<10240xf32, #tpu.memory_space<vmem_shared>> -> memref<10240xf32, #tpu.memory_space<vmem_shared>>
      tpu.wait_indirect_dma semaphore(%arg9 : memref<!tpu.dma_semaphore, #tpu.memory_space<semaphore_mem>>) src(%arg7 : memref<80xf32, #tpu.memory_space<vmem>>) dst(%dma_wait3A_58 : memref<10240xf32, #tpu.memory_space<vmem_shared>>)
      %add3A_59 = arith.constant 5 : i32
      %add3A_60 = arith.addi %mul3A_51, %add3A_59 : i32
      %add3A_61 = arith.constant 0 : i32
      %add3A_62 = arith.addi %add3A_60, %add3A_61 : i32
      %mul3A_63 = arith.constant 80 : i32
      %mul3A_64 = arith.muli %add3A_62, %mul3A_63 : i32
      %dma_start3A_65 = tpu.memref_slice %arg6[%mul3A_64] : memref<10000xi32, #tpu.memory_space<vmem>> -> memref<80xi32, #tpu.memory_space<vmem>>
      %dma_start3A_66 = arith.constant 0 : i32
      %dma_start3A_67 = tpu.memref_slice %arg8[%dma_start3A_66] : memref<10240xf32, #tpu.memory_space<vmem_shared>> -> memref<10240xf32, #tpu.memory_space<vmem_shared>>
      tpu.enqueue_indirect_dma source(%arg7 : memref<80xf32, #tpu.memory_space<vmem>>) target(%dma_start3A_67 : memref<10240xf32, #tpu.memory_space<vmem_shared>>) offsets(%dma_start3A_65 : memref<80xi32, #tpu.memory_space<vmem>>) semaphore(%arg9 : memref<!tpu.dma_semaphore, #tpu.memory_space<semaphore_mem>>) {add = true}
      %add3A_68 = arith.constant 1 : i32
      %add3A_69 = arith.addi %mul3A_51, %add3A_68 : i32
      %mul3A_70 = arith.constant 80 : i32
      %mul3A_71 = arith.muli %add3A_69, %mul3A_70 : i32
      %dma_wait3A_72 = tpu.memref_slice %arg6[%mul3A_71] : memref<10000xi32, #tpu.memory_space<vmem>> -> memref<80xi32, #tpu.memory_space<vmem>>
      %dma_wait3A_73 = arith.constant 0 : i32
      %dma_wait3A_74 = tpu.memref_slice %arg8[%dma_wait3A_73] : memref<10240xf32, #tpu.memory_space<vmem_shared>> -> memref<10240xf32, #tpu.memory_space<vmem_shared>>
      tpu.wait_indirect_dma semaphore(%arg10 : memref<!tpu.dma_semaphore, #tpu.memory_space<semaphore_mem>>) src(%arg7 : memref<80xf32, #tpu.memory_space<vmem>>) dst(%dma_wait3A_74 : memref<10240xf32, #tpu.memory_space<vmem_shared>>)
      %add3A_75 = arith.constant 5 : i32
      %add3A_76 = arith.addi %mul3A_51, %add3A_75 : i32
      %add3A_77 = arith.constant 1 : i32
      %add3A_78 = arith.addi %add3A_76, %add3A_77 : i32
      %mul3A_79 = arith.constant 80 : i32
      %mul3A_80 = arith.muli %add3A_78, %mul3A_79 : i32
      %dma_start3A_81 = tpu.memref_slice %arg6[%mul3A_80] : memref<10000xi32, #tpu.memory_space<vmem>> -> memref<80xi32, #tpu.memory_space<vmem>>
      %dma_start3A_82 = arith.constant 0 : i32
      %dma_start3A_83 = tpu.memref_slice %arg8[%dma_start3A_82] : memref<10240xf32, #tpu.memory_space<vmem_shared>> -> memref<10240xf32, #tpu.memory_space<vmem_shared>>
      tpu.enqueue_indirect_dma source(%arg7 : memref<80xf32, #tpu.memory_space<vmem>>) target(%dma_start3A_83 : memref<10240xf32, #tpu.memory_space<vmem_shared>>) offsets(%dma_start3A_81 : memref<80xi32, #tpu.memory_space<vmem>>) semaphore(%arg10 : memref<!tpu.dma_semaphore, #tpu.memory_space<semaphore_mem>>) {add = true}
      %add3A_84 = arith.constant 2 : i32
      %add3A_85 = arith.addi %mul3A_51, %add3A_84 : i32
      %mul3A_86 = arith.constant 80 : i32
      %mul3A_87 = arith.muli %add3A_85, %mul3A_86 : i32
      %dma_wait3A_88 = tpu.memref_slice %arg6[%mul3A_87] : memref<10000xi32, #tpu.memory_space<vmem>> -> memref<80xi32, #tpu.memory_space<vmem>>
      %dma_wait3A_89 = arith.constant 0 : i32
      %dma_wait3A_90 = tpu.memref_slice %arg8[%dma_wait3A_89] : memref<10240xf32, #tpu.memory_space<vmem_shared>> -> memref<10240xf32, #tpu.memory_space<vmem_shared>>
      tpu.wait_indirect_dma semaphore(%arg11 : memref<!tpu.dma_semaphore, #tpu.memory_space<semaphore_mem>>) src(%arg7 : memref<80xf32, #tpu.memory_space<vmem>>) dst(%dma_wait3A_90 : memref<10240xf32, #tpu.memory_space<vmem_shared>>)
      %add3A_91 = arith.constant 5 : i32
      %add3A_92 = arith.addi %mul3A_51, %add3A_91 : i32
      %add3A_93 = arith.constant 2 : i32
      %add3A_94 = arith.addi %add3A_92, %add3A_93 : i32
      %mul3A_95 = arith.constant 80 : i32
      %mul3A_96 = arith.muli %add3A_94, %mul3A_95 : i32
      %dma_start3A_97 = tpu.memref_slice %arg6[%mul3A_96] : memref<10000xi32, #tpu.memory_space<vmem>> -> memref<80xi32, #tpu.memory_space<vmem>>
      %dma_start3A_98 = arith.constant 0 : i32
      %dma_start3A_99 = tpu.memref_slice %arg8[%dma_start3A_98] : memref<10240xf32, #tpu.memory_space<vmem_shared>> -> memref<10240xf32, #tpu.memory_space<vmem_shared>>
      tpu.enqueue_indirect_dma source(%arg7 : memref<80xf32, #tpu.memory_space<vmem>>) target(%dma_start3A_99 : memref<10240xf32, #tpu.memory_space<vmem_shared>>) offsets(%dma_start3A_97 : memref<80xi32, #tpu.memory_space<vmem>>) semaphore(%arg11 : memref<!tpu.dma_semaphore, #tpu.memory_space<semaphore_mem>>) {add = true}
      %add3A_100 = arith.constant 3 : i32
      %add3A_101 = arith.addi %mul3A_51, %add3A_100 : i32
      %mul3A_102 = arith.constant 80 : i32
      %mul3A_103 = arith.muli %add3A_101, %mul3A_102 : i32
      %dma_wait3A_104 = tpu.memref_slice %arg6[%mul3A_103] : memref<10000xi32, #tpu.memory_space<vmem>> -> memref<80xi32, #tpu.memory_space<vmem>>
      %dma_wait3A_105 = arith.constant 0 : i32
      %dma_wait3A_106 = tpu.memref_slice %arg8[%dma_wait3A_105] : memref<10240xf32, #tpu.memory_space<vmem_shared>> -> memref<10240xf32, #tpu.memory_space<vmem_shared>>
      tpu.wait_indirect_dma semaphore(%arg12 : memref<!tpu.dma_semaphore, #tpu.memory_space<semaphore_mem>>) src(%arg7 : memref<80xf32, #tpu.memory_space<vmem>>) dst(%dma_wait3A_106 : memref<10240xf32, #tpu.memory_space<vmem_shared>>)
      %add3A_107 = arith.constant 5 : i32
      %add3A_108 = arith.addi %mul3A_51, %add3A_107 : i32
      %add3A_109 = arith.constant 3 : i32
      %add3A_110 = arith.addi %add3A_108, %add3A_109 : i32
      %mul3A_111 = arith.constant 80 : i32
      %mul3A_112 = arith.muli %add3A_110, %mul3A_111 : i32
      %dma_start3A_113 = tpu.memref_slice %arg6[%mul3A_112] : memref<10000xi32, #tpu.memory_space<vmem>> -> memref<80xi32, #tpu.memory_space<vmem>>
      %dma_start3A_114 = arith.constant 0 : i32
      %dma_start3A_115 = tpu.memref_slice %arg8[%dma_start3A_114] : memref<10240xf32, #tpu.memory_space<vmem_shared>> -> memref<10240xf32, #tpu.memory_space<vmem_shared>>
      tpu.enqueue_indirect_dma source(%arg7 : memref<80xf32, #tpu.memory_space<vmem>>) target(%dma_start3A_115 : memref<10240xf32, #tpu.memory_space<vmem_shared>>) offsets(%dma_start3A_113 : memref<80xi32, #tpu.memory_space<vmem>>) semaphore(%arg12 : memref<!tpu.dma_semaphore, #tpu.memory_space<semaphore_mem>>) {add = true}
      %add3A_116 = arith.constant 4 : i32
      %add3A_117 = arith.addi %mul3A_51, %add3A_116 : i32
      %mul3A_118 = arith.constant 80 : i32
      %mul3A_119 = arith.muli %add3A_117, %mul3A_118 : i32
      %dma_wait3A_120 = tpu.memref_slice %arg6[%mul3A_119] : memref<10000xi32, #tpu.memory_space<vmem>> -> memref<80xi32, #tpu.memory_space<vmem>>
      %dma_wait3A_121 = arith.constant 0 : i32
      %dma_wait3A_122 = tpu.memref_slice %arg8[%dma_wait3A_121] : memref<10240xf32, #tpu.memory_space<vmem_shared>> -> memref<10240xf32, #tpu.memory_space<vmem_shared>>
      tpu.wait_indirect_dma semaphore(%arg13 : memref<!tpu.dma_semaphore, #tpu.memory_space<semaphore_mem>>) src(%arg7 : memref<80xf32, #tpu.memory_space<vmem>>) dst(%dma_wait3A_122 : memref<10240xf32, #tpu.memory_space<vmem_shared>>)
      %add3A_123 = arith.constant 5 : i32
      %add3A_124 = arith.addi %mul3A_51, %add3A_123 : i32
      %add3A_125 = arith.constant 4 : i32
      %add3A_126 = arith.addi %add3A_124, %add3A_125 : i32
      %mul3A_127 = arith.constant 80 : i32
      %mul3A_128 = arith.muli %add3A_126, %mul3A_127 : i32
      %dma_start3A_129 = tpu.memref_slice %arg6[%mul3A_128] : memref<10000xi32, #tpu.memory_space<vmem>> -> memref<80xi32, #tpu.memory_space<vmem>>
      %dma_start3A_130 = arith.constant 0 : i32
      %dma_start3A_131 = tpu.memref_slice %arg8[%dma_start3A_130] : memref<10240xf32, #tpu.memory_space<vmem_shared>> -> memref<10240xf32, #tpu.memory_space<vmem_shared>>
      tpu.enqueue_indirect_dma source(%arg7 : memref<80xf32, #tpu.memory_space<vmem>>) target(%dma_start3A_131 : memref<10240xf32, #tpu.memory_space<vmem_shared>>) offsets(%dma_start3A_129 : memref<80xi32, #tpu.memory_space<vmem>>) semaphore(%arg13 : memref<!tpu.dma_semaphore, #tpu.memory_space<semaphore_mem>>) {add = true}
    }
    %scan3A_28 = arith.constant 24 : i32
    %dma_wait3A = arith.constant 9600 : i32
    %dma_wait3A_29 = tpu.memref_slice %arg6[%dma_wait3A] : memref<10000xi32, #tpu.memory_space<vmem>> -> memref<80xi32, #tpu.memory_space<vmem>>
    %dma_wait3A_30 = arith.constant 0 : i32
    %dma_wait3A_31 = tpu.memref_slice %arg8[%dma_wait3A_30] : memref<10240xf32, #tpu.memory_space<vmem_shared>> -> memref<10240xf32, #tpu.memory_space<vmem_shared>>
    tpu.wait_indirect_dma semaphore(%arg9 : memref<!tpu.dma_semaphore, #tpu.memory_space<semaphore_mem>>) src(%arg7 : memref<80xf32, #tpu.memory_space<vmem>>) dst(%dma_wait3A_31 : memref<10240xf32, #tpu.memory_space<vmem_shared>>)
    %dma_wait3A_32 = arith.constant 9680 : i32
    %dma_wait3A_33 = tpu.memref_slice %arg6[%dma_wait3A_32] : memref<10000xi32, #tpu.memory_space<vmem>> -> memref<80xi32, #tpu.memory_space<vmem>>
    %dma_wait3A_34 = arith.constant 0 : i32
    %dma_wait3A_35 = tpu.memref_slice %arg8[%dma_wait3A_34] : memref<10240xf32, #tpu.memory_space<vmem_shared>> -> memref<10240xf32, #tpu.memory_space<vmem_shared>>
    tpu.wait_indirect_dma semaphore(%arg10 : memref<!tpu.dma_semaphore, #tpu.memory_space<semaphore_mem>>) src(%arg7 : memref<80xf32, #tpu.memory_space<vmem>>) dst(%dma_wait3A_35 : memref<10240xf32, #tpu.memory_space<vmem_shared>>)
    %dma_wait3A_36 = arith.constant 9760 : i32
    %dma_wait3A_37 = tpu.memref_slice %arg6[%dma_wait3A_36] : memref<10000xi32, #tpu.memory_space<vmem>> -> memref<80xi32, #tpu.memory_space<vmem>>
    %dma_wait3A_38 = arith.constant 0 : i32
    %dma_wait3A_39 = tpu.memref_slice %arg8[%dma_wait3A_38] : memref<10240xf32, #tpu.memory_space<vmem_shared>> -> memref<10240xf32, #tpu.memory_space<vmem_shared>>
    tpu.wait_indirect_dma semaphore(%arg11 : memref<!tpu.dma_semaphore, #tpu.memory_space<semaphore_mem>>) src(%arg7 : memref<80xf32, #tpu.memory_space<vmem>>) dst(%dma_wait3A_39 : memref<10240xf32, #tpu.memory_space<vmem_shared>>)
    %dma_wait3A_40 = arith.constant 9840 : i32
    %dma_wait3A_41 = tpu.memref_slice %arg6[%dma_wait3A_40] : memref<10000xi32, #tpu.memory_space<vmem>> -> memref<80xi32, #tpu.memory_space<vmem>>
    %dma_wait3A_42 = arith.constant 0 : i32
    %dma_wait3A_43 = tpu.memref_slice %arg8[%dma_wait3A_42] : memref<10240xf32, #tpu.memory_space<vmem_shared>> -> memref<10240xf32, #tpu.memory_space<vmem_shared>>
    tpu.wait_indirect_dma semaphore(%arg12 : memref<!tpu.dma_semaphore, #tpu.memory_space<semaphore_mem>>) src(%arg7 : memref<80xf32, #tpu.memory_space<vmem>>) dst(%dma_wait3A_43 : memref<10240xf32, #tpu.memory_space<vmem_shared>>)
    %dma_wait3A_44 = arith.constant 9920 : i32
    %dma_wait3A_45 = tpu.memref_slice %arg6[%dma_wait3A_44] : memref<10000xi32, #tpu.memory_space<vmem>> -> memref<80xi32, #tpu.memory_space<vmem>>
    %dma_wait3A_46 = arith.constant 0 : i32
    %dma_wait3A_47 = tpu.memref_slice %arg8[%dma_wait3A_46] : memref<10240xf32, #tpu.memory_space<vmem_shared>> -> memref<10240xf32, #tpu.memory_space<vmem_shared>>
    tpu.wait_indirect_dma semaphore(%arg13 : memref<!tpu.dma_semaphore, #tpu.memory_space<semaphore_mem>>) src(%arg7 : memref<80xf32, #tpu.memory_space<vmem>>) dst(%dma_wait3A_47 : memref<10240xf32, #tpu.memory_space<vmem_shared>>)
    %barrier3A_48 = arith.constant 0 : index
    tpu.barrier barrier_id(%barrier3A_48)
    "tpu.region"() ({
      %run_scoped3A = tpu.sem_alloc : memref<!tpu.dma_semaphore, #tpu.memory_space<semaphore_mem>>
      %dma_start3A_49 = tpu.memref_slice %arg5[%arg0, %mul3A_2] : memref<2x10240xf32, #tpu.memory_space<hbm>> -> memref<1x640xf32, #tpu.memory_space<hbm>>
      %dma_start3A_50 = tpu.memref_squeeze %dma_start3A_49 : memref<1x640xf32, #tpu.memory_space<hbm>> -> memref<640xf32, #tpu.memory_space<hbm>>
      %dma_start3A_51 = tpu.memref_slice %arg8[%mul3A_2] : memref<10240xf32, #tpu.memory_space<vmem_shared>> -> memref<640xf32, #tpu.memory_space<vmem_shared>>
      tpu.enqueue_dma source(%dma_start3A_51 : memref<640xf32, #tpu.memory_space<vmem_shared>>) target(%dma_start3A_50 : memref<640xf32, #tpu.memory_space<hbm>>) target_semaphore(%run_scoped3A : memref<!tpu.dma_semaphore, #tpu.memory_space<semaphore_mem>>)
      %dma_wait3A_52 = tpu.memref_slice %arg5[%arg0, %mul3A_2] : memref<2x10240xf32, #tpu.memory_space<hbm>> -> memref<1x640xf32, #tpu.memory_space<hbm>>
      %dma_wait3A_53 = tpu.memref_squeeze %dma_wait3A_52 : memref<1x640xf32, #tpu.memory_space<hbm>> -> memref<640xf32, #tpu.memory_space<hbm>>
      %dma_wait3A_54 = tpu.memref_slice %arg8[%mul3A_2] : memref<10240xf32, #tpu.memory_space<vmem_shared>> -> memref<640xf32, #tpu.memory_space<vmem_shared>>
      tpu.wait_dma2 semaphore(%run_scoped3A : memref<!tpu.dma_semaphore, #tpu.memory_space<semaphore_mem>>) src(%dma_wait3A_54 : memref<640xf32, #tpu.memory_space<vmem_shared>>) dst(%dma_wait3A_53 : memref<640xf32, #tpu.memory_space<hbm>>)
      tpu.yield
    }) : () -> ()
    return
  }
}

#map = affine_map<(d0, d1) -> (0, 0)>
#map1 = affine_map<(d0, d1) -> (0)>
#map2 = affine_map<(d0, d1) -> (0, 0, 0)>
module attributes {stable_mosaic.version = 14 : i64} {
  func.func @round_kernel(%arg0: i32, %arg1: i32, %arg2: memref<10240x32xf32, #tpu.memory_space<hbm>>, %arg3: memref<320000xi32, #tpu.memory_space<hbm>>, %arg4: memref<320000xi32, #tpu.memory_space<hbm>>, %arg5: memref<10240x32xf32, #tpu.memory_space<hbm>>, %arg6: memref<2x10240x32xf32, #tpu.memory_space<hbm>>, %arg7: memref<10000xi32, #tpu.memory_space<vmem>>, %arg8: memref<10000xi32, #tpu.memory_space<vmem>>, %arg9: memref<80x32xf32, #tpu.memory_space<vmem>>, %arg10: memref<80x32xf32, #tpu.memory_space<vmem>>, %arg11: memref<80x32xf32, #tpu.memory_space<vmem>>, %arg12: memref<80x32xf32, #tpu.memory_space<vmem>>, %arg13: memref<80x32xf32, #tpu.memory_space<vmem>>, %arg14: memref<10240x32xf32, #tpu.memory_space<vmem_shared>>, %arg15: memref<10240x32xf32, #tpu.memory_space<vmem_shared>>, %arg16: memref<!tpu.dma_semaphore, #tpu.memory_space<semaphore_mem>>, %arg17: memref<!tpu.dma_semaphore, #tpu.memory_space<semaphore_mem>>, %arg18: memref<!tpu.dma_semaphore, #tpu.memory_space<semaphore_mem>>, %arg19: memref<!tpu.dma_semaphore, #tpu.memory_space<semaphore_mem>>, %arg20: memref<!tpu.dma_semaphore, #tpu.memory_space<semaphore_mem>>, %arg21: memref<!tpu.dma_semaphore, #tpu.memory_space<semaphore_mem>>, %arg22: memref<!tpu.dma_semaphore, #tpu.memory_space<semaphore_mem>>, %arg23: memref<!tpu.dma_semaphore, #tpu.memory_space<semaphore_mem>>, %arg24: memref<!tpu.dma_semaphore, #tpu.memory_space<semaphore_mem>>, %arg25: memref<!tpu.dma_semaphore, #tpu.memory_space<semaphore_mem>>) attributes {dimension_semantics = [#tpu.dimension_semantics<core_parallel>, #tpu.dimension_semantics<subcore_parallel>], iteration_bounds = array<i64: 2, 16>, scalar_prefetch = 0 : i64, scratch_operands = 19 : i64, tpu.core_type = #tpu.core_type<sc_vector_subcore>, window_params = [{transform_indices = #map}, {transform_indices = #map1}, {transform_indices = #map1}, {transform_indices = #map}, {transform_indices = #map2}]} {
    %mul3A = arith.constant 2 : i32
    %mul3A_0 = arith.muli %arg1, %mul3A : i32
    %add3A = arith.addi %mul3A_0, %arg0 : i32
    %mul3A_1 = arith.constant 640 : i32
    %mul3A_2 = arith.muli %arg1, %mul3A_1 : i32
    %mul3A_3 = arith.constant 10000 : i32
    %mul3A_4 = arith.muli %add3A, %mul3A_3 : i32
    "tpu.region"() ({
      %run_scoped3A = tpu.sem_alloc : memref<!tpu.dma_semaphore, #tpu.memory_space<semaphore_mem>>
      %dma_start3A_111 = tpu.memref_slice %arg3[%mul3A_4] : memref<320000xi32, #tpu.memory_space<hbm>> -> memref<10000xi32, #tpu.memory_space<hbm>>
      %dma_start3A_112 = tpu.memref_slice %arg3[%mul3A_4] : memref<320000xi32, #tpu.memory_space<hbm>> -> memref<10000xi32, #tpu.memory_space<hbm>>
      tpu.enqueue_dma source(%dma_start3A_112 : memref<10000xi32, #tpu.memory_space<hbm>>) target(%arg7 : memref<10000xi32, #tpu.memory_space<vmem>>) target_semaphore(%run_scoped3A : memref<!tpu.dma_semaphore, #tpu.memory_space<semaphore_mem>>)
      %dma_wait3A_113 = tpu.memref_slice %arg3[%mul3A_4] : memref<320000xi32, #tpu.memory_space<hbm>> -> memref<10000xi32, #tpu.memory_space<hbm>>
      %dma_wait3A_114 = tpu.memref_slice %arg3[%mul3A_4] : memref<320000xi32, #tpu.memory_space<hbm>> -> memref<10000xi32, #tpu.memory_space<hbm>>
      tpu.wait_dma2 semaphore(%run_scoped3A : memref<!tpu.dma_semaphore, #tpu.memory_space<semaphore_mem>>) src(%dma_wait3A_114 : memref<10000xi32, #tpu.memory_space<hbm>>) dst(%arg7 : memref<10000xi32, #tpu.memory_space<vmem>>)
      tpu.yield
    }) : () -> ()
    %mul3A_5 = arith.constant 10000 : i32
    %mul3A_6 = arith.muli %add3A, %mul3A_5 : i32
    "tpu.region"() ({
      %run_scoped3A = tpu.sem_alloc : memref<!tpu.dma_semaphore, #tpu.memory_space<semaphore_mem>>
      %dma_start3A_111 = tpu.memref_slice %arg4[%mul3A_6] : memref<320000xi32, #tpu.memory_space<hbm>> -> memref<10000xi32, #tpu.memory_space<hbm>>
      %dma_start3A_112 = tpu.memref_slice %arg4[%mul3A_6] : memref<320000xi32, #tpu.memory_space<hbm>> -> memref<10000xi32, #tpu.memory_space<hbm>>
      tpu.enqueue_dma source(%dma_start3A_112 : memref<10000xi32, #tpu.memory_space<hbm>>) target(%arg8 : memref<10000xi32, #tpu.memory_space<vmem>>) target_semaphore(%run_scoped3A : memref<!tpu.dma_semaphore, #tpu.memory_space<semaphore_mem>>)
      %dma_wait3A_113 = tpu.memref_slice %arg4[%mul3A_6] : memref<320000xi32, #tpu.memory_space<hbm>> -> memref<10000xi32, #tpu.memory_space<hbm>>
      %dma_wait3A_114 = tpu.memref_slice %arg4[%mul3A_6] : memref<320000xi32, #tpu.memory_space<hbm>> -> memref<10000xi32, #tpu.memory_space<hbm>>
      tpu.wait_dma2 semaphore(%run_scoped3A : memref<!tpu.dma_semaphore, #tpu.memory_space<semaphore_mem>>) src(%dma_wait3A_114 : memref<10000xi32, #tpu.memory_space<hbm>>) dst(%arg8 : memref<10000xi32, #tpu.memory_space<vmem>>)
      tpu.yield
    }) : () -> ()
    "tpu.region"() ({
      %run_scoped3A = tpu.sem_alloc : memref<!tpu.dma_semaphore, #tpu.memory_space<semaphore_mem>>
      %dma_start3A_111 = arith.constant 0 : i32
      %dma_start3A_112 = tpu.memref_slice %arg14[%mul3A_2, %dma_start3A_111] : memref<10240x32xf32, #tpu.memory_space<vmem_shared>> -> memref<640x32xf32, #tpu.memory_space<vmem_shared>>
      %dma_start3A_113 = arith.constant 0 : i32
      %dma_start3A_114 = tpu.memref_slice %arg2[%mul3A_2, %dma_start3A_113] : memref<10240x32xf32, #tpu.memory_space<hbm>> -> memref<640x32xf32, #tpu.memory_space<hbm>>
      tpu.enqueue_dma source(%dma_start3A_114 : memref<640x32xf32, #tpu.memory_space<hbm>>) target(%dma_start3A_112 : memref<640x32xf32, #tpu.memory_space<vmem_shared>>) target_semaphore(%run_scoped3A : memref<!tpu.dma_semaphore, #tpu.memory_space<semaphore_mem>>)
      %dma_wait3A_115 = arith.constant 0 : i32
      %dma_wait3A_116 = tpu.memref_slice %arg14[%mul3A_2, %dma_wait3A_115] : memref<10240x32xf32, #tpu.memory_space<vmem_shared>> -> memref<640x32xf32, #tpu.memory_space<vmem_shared>>
      %dma_wait3A_117 = arith.constant 0 : i32
      %dma_wait3A_118 = tpu.memref_slice %arg2[%mul3A_2, %dma_wait3A_117] : memref<10240x32xf32, #tpu.memory_space<hbm>> -> memref<640x32xf32, #tpu.memory_space<hbm>>
      tpu.wait_dma2 semaphore(%run_scoped3A : memref<!tpu.dma_semaphore, #tpu.memory_space<semaphore_mem>>) src(%dma_wait3A_118 : memref<640x32xf32, #tpu.memory_space<hbm>>) dst(%dma_wait3A_116 : memref<640x32xf32, #tpu.memory_space<vmem_shared>>)
      tpu.yield
    }) : () -> ()
    "tpu.region"() ({
      %run_scoped3A = tpu.sem_alloc : memref<!tpu.dma_semaphore, #tpu.memory_space<semaphore_mem>>
      %dma_start3A_111 = arith.constant 0 : i32
      %dma_start3A_112 = tpu.memref_slice %arg15[%mul3A_2, %dma_start3A_111] : memref<10240x32xf32, #tpu.memory_space<vmem_shared>> -> memref<640x32xf32, #tpu.memory_space<vmem_shared>>
      %dma_start3A_113 = arith.constant 0 : i32
      %dma_start3A_114 = tpu.memref_slice %arg5[%mul3A_2, %dma_start3A_113] : memref<10240x32xf32, #tpu.memory_space<hbm>> -> memref<640x32xf32, #tpu.memory_space<hbm>>
      tpu.enqueue_dma source(%dma_start3A_114 : memref<640x32xf32, #tpu.memory_space<hbm>>) target(%dma_start3A_112 : memref<640x32xf32, #tpu.memory_space<vmem_shared>>) target_semaphore(%run_scoped3A : memref<!tpu.dma_semaphore, #tpu.memory_space<semaphore_mem>>)
      %dma_wait3A_115 = arith.constant 0 : i32
      %dma_wait3A_116 = tpu.memref_slice %arg15[%mul3A_2, %dma_wait3A_115] : memref<10240x32xf32, #tpu.memory_space<vmem_shared>> -> memref<640x32xf32, #tpu.memory_space<vmem_shared>>
      %dma_wait3A_117 = arith.constant 0 : i32
      %dma_wait3A_118 = tpu.memref_slice %arg5[%mul3A_2, %dma_wait3A_117] : memref<10240x32xf32, #tpu.memory_space<hbm>> -> memref<640x32xf32, #tpu.memory_space<hbm>>
      tpu.wait_dma2 semaphore(%run_scoped3A : memref<!tpu.dma_semaphore, #tpu.memory_space<semaphore_mem>>) src(%dma_wait3A_118 : memref<640x32xf32, #tpu.memory_space<hbm>>) dst(%dma_wait3A_116 : memref<640x32xf32, #tpu.memory_space<vmem_shared>>)
      tpu.yield
    }) : () -> ()
    %barrier3A = arith.constant 0 : index
    tpu.barrier barrier_id(%barrier3A)
    %dma_start3A = arith.constant 0 : i32
    %dma_start3A_7 = tpu.memref_slice %arg7[%dma_start3A] : memref<10000xi32, #tpu.memory_space<vmem>> -> memref<80xi32, #tpu.memory_space<vmem>>
    %dma_start3A_8 = arith.constant 0 : i32
    %dma_start3A_9 = arith.constant 0 : i32
    %dma_start3A_10 = tpu.memref_slice %arg14[%dma_start3A_8, %dma_start3A_9] : memref<10240x32xf32, #tpu.memory_space<vmem_shared>> -> memref<10240x32xf32, #tpu.memory_space<vmem_shared>>
    tpu.enqueue_indirect_dma source(%dma_start3A_10 : memref<10240x32xf32, #tpu.memory_space<vmem_shared>>) target(%arg9 : memref<80x32xf32, #tpu.memory_space<vmem>>) offsets(%dma_start3A_7 : memref<80xi32, #tpu.memory_space<vmem>>) semaphore(%arg16 : memref<!tpu.dma_semaphore, #tpu.memory_space<semaphore_mem>>)
    %dma_start3A_11 = arith.constant 80 : i32
    %dma_start3A_12 = tpu.memref_slice %arg7[%dma_start3A_11] : memref<10000xi32, #tpu.memory_space<vmem>> -> memref<80xi32, #tpu.memory_space<vmem>>
    %dma_start3A_13 = arith.constant 0 : i32
    %dma_start3A_14 = arith.constant 0 : i32
    %dma_start3A_15 = tpu.memref_slice %arg14[%dma_start3A_13, %dma_start3A_14] : memref<10240x32xf32, #tpu.memory_space<vmem_shared>> -> memref<10240x32xf32, #tpu.memory_space<vmem_shared>>
    tpu.enqueue_indirect_dma source(%dma_start3A_15 : memref<10240x32xf32, #tpu.memory_space<vmem_shared>>) target(%arg10 : memref<80x32xf32, #tpu.memory_space<vmem>>) offsets(%dma_start3A_12 : memref<80xi32, #tpu.memory_space<vmem>>) semaphore(%arg17 : memref<!tpu.dma_semaphore, #tpu.memory_space<semaphore_mem>>)
    %dma_start3A_16 = arith.constant 160 : i32
    %dma_start3A_17 = tpu.memref_slice %arg7[%dma_start3A_16] : memref<10000xi32, #tpu.memory_space<vmem>> -> memref<80xi32, #tpu.memory_space<vmem>>
    %dma_start3A_18 = arith.constant 0 : i32
    %dma_start3A_19 = arith.constant 0 : i32
    %dma_start3A_20 = tpu.memref_slice %arg14[%dma_start3A_18, %dma_start3A_19] : memref<10240x32xf32, #tpu.memory_space<vmem_shared>> -> memref<10240x32xf32, #tpu.memory_space<vmem_shared>>
    tpu.enqueue_indirect_dma source(%dma_start3A_20 : memref<10240x32xf32, #tpu.memory_space<vmem_shared>>) target(%arg11 : memref<80x32xf32, #tpu.memory_space<vmem>>) offsets(%dma_start3A_17 : memref<80xi32, #tpu.memory_space<vmem>>) semaphore(%arg18 : memref<!tpu.dma_semaphore, #tpu.memory_space<semaphore_mem>>)
    %dma_start3A_21 = arith.constant 240 : i32
    %dma_start3A_22 = tpu.memref_slice %arg7[%dma_start3A_21] : memref<10000xi32, #tpu.memory_space<vmem>> -> memref<80xi32, #tpu.memory_space<vmem>>
    %dma_start3A_23 = arith.constant 0 : i32
    %dma_start3A_24 = arith.constant 0 : i32
    %dma_start3A_25 = tpu.memref_slice %arg14[%dma_start3A_23, %dma_start3A_24] : memref<10240x32xf32, #tpu.memory_space<vmem_shared>> -> memref<10240x32xf32, #tpu.memory_space<vmem_shared>>
    tpu.enqueue_indirect_dma source(%dma_start3A_25 : memref<10240x32xf32, #tpu.memory_space<vmem_shared>>) target(%arg12 : memref<80x32xf32, #tpu.memory_space<vmem>>) offsets(%dma_start3A_22 : memref<80xi32, #tpu.memory_space<vmem>>) semaphore(%arg19 : memref<!tpu.dma_semaphore, #tpu.memory_space<semaphore_mem>>)
    %dma_start3A_26 = arith.constant 320 : i32
    %dma_start3A_27 = tpu.memref_slice %arg7[%dma_start3A_26] : memref<10000xi32, #tpu.memory_space<vmem>> -> memref<80xi32, #tpu.memory_space<vmem>>
    %dma_start3A_28 = arith.constant 0 : i32
    %dma_start3A_29 = arith.constant 0 : i32
    %dma_start3A_30 = tpu.memref_slice %arg14[%dma_start3A_28, %dma_start3A_29] : memref<10240x32xf32, #tpu.memory_space<vmem_shared>> -> memref<10240x32xf32, #tpu.memory_space<vmem_shared>>
    tpu.enqueue_indirect_dma source(%dma_start3A_30 : memref<10240x32xf32, #tpu.memory_space<vmem_shared>>) target(%arg13 : memref<80x32xf32, #tpu.memory_space<vmem>>) offsets(%dma_start3A_27 : memref<80xi32, #tpu.memory_space<vmem>>) semaphore(%arg20 : memref<!tpu.dma_semaphore, #tpu.memory_space<semaphore_mem>>)
    %scan3A = arith.constant 0 : i32
    %scan3A_31 = arith.constant 0 : i32
    %scan3A_32 = arith.constant 24 : i32
    %scan3A_33 = arith.addi %scan3A_31, %scan3A_32 : i32
    %scan3A_34 = arith.constant 1 : i32
    scf.for %scan3A_111 = %scan3A_31 to %scan3A_33 step %scan3A_34  : i32 {
      %mul3A_112 = arith.constant 5 : i32
      %mul3A_113 = arith.muli %scan3A_111, %mul3A_112 : i32
      %add3A_114 = arith.constant 0 : i32
      %add3A_115 = arith.addi %mul3A_113, %add3A_114 : i32
      %mul3A_116 = arith.constant 80 : i32
      %mul3A_117 = arith.muli %add3A_115, %mul3A_116 : i32
      %dma_wait3A_118 = tpu.memref_slice %arg7[%mul3A_117] : memref<10000xi32, #tpu.memory_space<vmem>> -> memref<80xi32, #tpu.memory_space<vmem>>
      %dma_wait3A_119 = arith.constant 0 : i32
      %dma_wait3A_120 = arith.constant 0 : i32
      %dma_wait3A_121 = tpu.memref_slice %arg14[%dma_wait3A_119, %dma_wait3A_120] : memref<10240x32xf32, #tpu.memory_space<vmem_shared>> -> memref<10240x32xf32, #tpu.memory_space<vmem_shared>>
      tpu.wait_indirect_dma semaphore(%arg16 : memref<!tpu.dma_semaphore, #tpu.memory_space<semaphore_mem>>) src(%dma_wait3A_121 : memref<10240x32xf32, #tpu.memory_space<vmem_shared>>) dst(%arg9 : memref<80x32xf32, #tpu.memory_space<vmem>>)
      %add3A_122 = arith.constant 0 : i32
      %add3A_123 = arith.addi %mul3A_113, %add3A_122 : i32
      %mul3A_124 = arith.constant 80 : i32
      %mul3A_125 = arith.muli %add3A_123, %mul3A_124 : i32
      %dma_start3A_126 = tpu.memref_slice %arg8[%mul3A_125] : memref<10000xi32, #tpu.memory_space<vmem>> -> memref<80xi32, #tpu.memory_space<vmem>>
      %dma_start3A_127 = arith.constant 0 : i32
      %dma_start3A_128 = arith.constant 0 : i32
      %dma_start3A_129 = tpu.memref_slice %arg15[%dma_start3A_127, %dma_start3A_128] : memref<10240x32xf32, #tpu.memory_space<vmem_shared>> -> memref<10240x32xf32, #tpu.memory_space<vmem_shared>>
      tpu.enqueue_indirect_dma source(%arg9 : memref<80x32xf32, #tpu.memory_space<vmem>>) target(%dma_start3A_129 : memref<10240x32xf32, #tpu.memory_space<vmem_shared>>) offsets(%dma_start3A_126 : memref<80xi32, #tpu.memory_space<vmem>>) semaphore(%arg21 : memref<!tpu.dma_semaphore, #tpu.memory_space<semaphore_mem>>) {add = true}
      %add3A_130 = arith.constant 1 : i32
      %add3A_131 = arith.addi %mul3A_113, %add3A_130 : i32
      %mul3A_132 = arith.constant 80 : i32
      %mul3A_133 = arith.muli %add3A_131, %mul3A_132 : i32
      %dma_wait3A_134 = tpu.memref_slice %arg7[%mul3A_133] : memref<10000xi32, #tpu.memory_space<vmem>> -> memref<80xi32, #tpu.memory_space<vmem>>
      %dma_wait3A_135 = arith.constant 0 : i32
      %dma_wait3A_136 = arith.constant 0 : i32
      %dma_wait3A_137 = tpu.memref_slice %arg14[%dma_wait3A_135, %dma_wait3A_136] : memref<10240x32xf32, #tpu.memory_space<vmem_shared>> -> memref<10240x32xf32, #tpu.memory_space<vmem_shared>>
      tpu.wait_indirect_dma semaphore(%arg17 : memref<!tpu.dma_semaphore, #tpu.memory_space<semaphore_mem>>) src(%dma_wait3A_137 : memref<10240x32xf32, #tpu.memory_space<vmem_shared>>) dst(%arg10 : memref<80x32xf32, #tpu.memory_space<vmem>>)
      %add3A_138 = arith.constant 1 : i32
      %add3A_139 = arith.addi %mul3A_113, %add3A_138 : i32
      %mul3A_140 = arith.constant 80 : i32
      %mul3A_141 = arith.muli %add3A_139, %mul3A_140 : i32
      %dma_start3A_142 = tpu.memref_slice %arg8[%mul3A_141] : memref<10000xi32, #tpu.memory_space<vmem>> -> memref<80xi32, #tpu.memory_space<vmem>>
      %dma_start3A_143 = arith.constant 0 : i32
      %dma_start3A_144 = arith.constant 0 : i32
      %dma_start3A_145 = tpu.memref_slice %arg15[%dma_start3A_143, %dma_start3A_144] : memref<10240x32xf32, #tpu.memory_space<vmem_shared>> -> memref<10240x32xf32, #tpu.memory_space<vmem_shared>>
      tpu.enqueue_indirect_dma source(%arg10 : memref<80x32xf32, #tpu.memory_space<vmem>>) target(%dma_start3A_145 : memref<10240x32xf32, #tpu.memory_space<vmem_shared>>) offsets(%dma_start3A_142 : memref<80xi32, #tpu.memory_space<vmem>>) semaphore(%arg22 : memref<!tpu.dma_semaphore, #tpu.memory_space<semaphore_mem>>) {add = true}
      %add3A_146 = arith.constant 2 : i32
      %add3A_147 = arith.addi %mul3A_113, %add3A_146 : i32
      %mul3A_148 = arith.constant 80 : i32
      %mul3A_149 = arith.muli %add3A_147, %mul3A_148 : i32
      %dma_wait3A_150 = tpu.memref_slice %arg7[%mul3A_149] : memref<10000xi32, #tpu.memory_space<vmem>> -> memref<80xi32, #tpu.memory_space<vmem>>
      %dma_wait3A_151 = arith.constant 0 : i32
      %dma_wait3A_152 = arith.constant 0 : i32
      %dma_wait3A_153 = tpu.memref_slice %arg14[%dma_wait3A_151, %dma_wait3A_152] : memref<10240x32xf32, #tpu.memory_space<vmem_shared>> -> memref<10240x32xf32, #tpu.memory_space<vmem_shared>>
      tpu.wait_indirect_dma semaphore(%arg18 : memref<!tpu.dma_semaphore, #tpu.memory_space<semaphore_mem>>) src(%dma_wait3A_153 : memref<10240x32xf32, #tpu.memory_space<vmem_shared>>) dst(%arg11 : memref<80x32xf32, #tpu.memory_space<vmem>>)
      %add3A_154 = arith.constant 2 : i32
      %add3A_155 = arith.addi %mul3A_113, %add3A_154 : i32
      %mul3A_156 = arith.constant 80 : i32
      %mul3A_157 = arith.muli %add3A_155, %mul3A_156 : i32
      %dma_start3A_158 = tpu.memref_slice %arg8[%mul3A_157] : memref<10000xi32, #tpu.memory_space<vmem>> -> memref<80xi32, #tpu.memory_space<vmem>>
      %dma_start3A_159 = arith.constant 0 : i32
      %dma_start3A_160 = arith.constant 0 : i32
      %dma_start3A_161 = tpu.memref_slice %arg15[%dma_start3A_159, %dma_start3A_160] : memref<10240x32xf32, #tpu.memory_space<vmem_shared>> -> memref<10240x32xf32, #tpu.memory_space<vmem_shared>>
      tpu.enqueue_indirect_dma source(%arg11 : memref<80x32xf32, #tpu.memory_space<vmem>>) target(%dma_start3A_161 : memref<10240x32xf32, #tpu.memory_space<vmem_shared>>) offsets(%dma_start3A_158 : memref<80xi32, #tpu.memory_space<vmem>>) semaphore(%arg23 : memref<!tpu.dma_semaphore, #tpu.memory_space<semaphore_mem>>) {add = true}
      %add3A_162 = arith.constant 3 : i32
      %add3A_163 = arith.addi %mul3A_113, %add3A_162 : i32
      %mul3A_164 = arith.constant 80 : i32
      %mul3A_165 = arith.muli %add3A_163, %mul3A_164 : i32
      %dma_wait3A_166 = tpu.memref_slice %arg7[%mul3A_165] : memref<10000xi32, #tpu.memory_space<vmem>> -> memref<80xi32, #tpu.memory_space<vmem>>
      %dma_wait3A_167 = arith.constant 0 : i32
      %dma_wait3A_168 = arith.constant 0 : i32
      %dma_wait3A_169 = tpu.memref_slice %arg14[%dma_wait3A_167, %dma_wait3A_168] : memref<10240x32xf32, #tpu.memory_space<vmem_shared>> -> memref<10240x32xf32, #tpu.memory_space<vmem_shared>>
      tpu.wait_indirect_dma semaphore(%arg19 : memref<!tpu.dma_semaphore, #tpu.memory_space<semaphore_mem>>) src(%dma_wait3A_169 : memref<10240x32xf32, #tpu.memory_space<vmem_shared>>) dst(%arg12 : memref<80x32xf32, #tpu.memory_space<vmem>>)
      %add3A_170 = arith.constant 3 : i32
      %add3A_171 = arith.addi %mul3A_113, %add3A_170 : i32
      %mul3A_172 = arith.constant 80 : i32
      %mul3A_173 = arith.muli %add3A_171, %mul3A_172 : i32
      %dma_start3A_174 = tpu.memref_slice %arg8[%mul3A_173] : memref<10000xi32, #tpu.memory_space<vmem>> -> memref<80xi32, #tpu.memory_space<vmem>>
      %dma_start3A_175 = arith.constant 0 : i32
      %dma_start3A_176 = arith.constant 0 : i32
      %dma_start3A_177 = tpu.memref_slice %arg15[%dma_start3A_175, %dma_start3A_176] : memref<10240x32xf32, #tpu.memory_space<vmem_shared>> -> memref<10240x32xf32, #tpu.memory_space<vmem_shared>>
      tpu.enqueue_indirect_dma source(%arg12 : memref<80x32xf32, #tpu.memory_space<vmem>>) target(%dma_start3A_177 : memref<10240x32xf32, #tpu.memory_space<vmem_shared>>) offsets(%dma_start3A_174 : memref<80xi32, #tpu.memory_space<vmem>>) semaphore(%arg24 : memref<!tpu.dma_semaphore, #tpu.memory_space<semaphore_mem>>) {add = true}
      %add3A_178 = arith.constant 4 : i32
      %add3A_179 = arith.addi %mul3A_113, %add3A_178 : i32
      %mul3A_180 = arith.constant 80 : i32
      %mul3A_181 = arith.muli %add3A_179, %mul3A_180 : i32
      %dma_wait3A_182 = tpu.memref_slice %arg7[%mul3A_181] : memref<10000xi32, #tpu.memory_space<vmem>> -> memref<80xi32, #tpu.memory_space<vmem>>
      %dma_wait3A_183 = arith.constant 0 : i32
      %dma_wait3A_184 = arith.constant 0 : i32
      %dma_wait3A_185 = tpu.memref_slice %arg14[%dma_wait3A_183, %dma_wait3A_184] : memref<10240x32xf32, #tpu.memory_space<vmem_shared>> -> memref<10240x32xf32, #tpu.memory_space<vmem_shared>>
      tpu.wait_indirect_dma semaphore(%arg20 : memref<!tpu.dma_semaphore, #tpu.memory_space<semaphore_mem>>) src(%dma_wait3A_185 : memref<10240x32xf32, #tpu.memory_space<vmem_shared>>) dst(%arg13 : memref<80x32xf32, #tpu.memory_space<vmem>>)
      %add3A_186 = arith.constant 4 : i32
      %add3A_187 = arith.addi %mul3A_113, %add3A_186 : i32
      %mul3A_188 = arith.constant 80 : i32
      %mul3A_189 = arith.muli %add3A_187, %mul3A_188 : i32
      %dma_start3A_190 = tpu.memref_slice %arg8[%mul3A_189] : memref<10000xi32, #tpu.memory_space<vmem>> -> memref<80xi32, #tpu.memory_space<vmem>>
      %dma_start3A_191 = arith.constant 0 : i32
      %dma_start3A_192 = arith.constant 0 : i32
      %dma_start3A_193 = tpu.memref_slice %arg15[%dma_start3A_191, %dma_start3A_192] : memref<10240x32xf32, #tpu.memory_space<vmem_shared>> -> memref<10240x32xf32, #tpu.memory_space<vmem_shared>>
      tpu.enqueue_indirect_dma source(%arg13 : memref<80x32xf32, #tpu.memory_space<vmem>>) target(%dma_start3A_193 : memref<10240x32xf32, #tpu.memory_space<vmem_shared>>) offsets(%dma_start3A_190 : memref<80xi32, #tpu.memory_space<vmem>>) semaphore(%arg25 : memref<!tpu.dma_semaphore, #tpu.memory_space<semaphore_mem>>) {add = true}
      %add3A_194 = arith.constant 0 : i32
      %add3A_195 = arith.addi %mul3A_113, %add3A_194 : i32
      %mul3A_196 = arith.constant 80 : i32
      %mul3A_197 = arith.muli %add3A_195, %mul3A_196 : i32
      %dma_wait3A_198 = tpu.memref_slice %arg8[%mul3A_197] : memref<10000xi32, #tpu.memory_space<vmem>> -> memref<80xi32, #tpu.memory_space<vmem>>
      %dma_wait3A_199 = arith.constant 0 : i32
      %dma_wait3A_200 = arith.constant 0 : i32
      %dma_wait3A_201 = tpu.memref_slice %arg15[%dma_wait3A_199, %dma_wait3A_200] : memref<10240x32xf32, #tpu.memory_space<vmem_shared>> -> memref<10240x32xf32, #tpu.memory_space<vmem_shared>>
      tpu.wait_indirect_dma semaphore(%arg21 : memref<!tpu.dma_semaphore, #tpu.memory_space<semaphore_mem>>) src(%arg9 : memref<80x32xf32, #tpu.memory_space<vmem>>) dst(%dma_wait3A_201 : memref<10240x32xf32, #tpu.memory_space<vmem_shared>>)
      %add3A_202 = arith.constant 5 : i32
      %add3A_203 = arith.addi %mul3A_113, %add3A_202 : i32
      %add3A_204 = arith.constant 0 : i32
      %add3A_205 = arith.addi %add3A_203, %add3A_204 : i32
      %mul3A_206 = arith.constant 80 : i32
      %mul3A_207 = arith.muli %add3A_205, %mul3A_206 : i32
      %dma_start3A_208 = tpu.memref_slice %arg7[%mul3A_207] : memref<10000xi32, #tpu.memory_space<vmem>> -> memref<80xi32, #tpu.memory_space<vmem>>
      %dma_start3A_209 = arith.constant 0 : i32
      %dma_start3A_210 = arith.constant 0 : i32
      %dma_start3A_211 = tpu.memref_slice %arg14[%dma_start3A_209, %dma_start3A_210] : memref<10240x32xf32, #tpu.memory_space<vmem_shared>> -> memref<10240x32xf32, #tpu.memory_space<vmem_shared>>
      tpu.enqueue_indirect_dma source(%dma_start3A_211 : memref<10240x32xf32, #tpu.memory_space<vmem_shared>>) target(%arg9 : memref<80x32xf32, #tpu.memory_space<vmem>>) offsets(%dma_start3A_208 : memref<80xi32, #tpu.memory_space<vmem>>) semaphore(%arg16 : memref<!tpu.dma_semaphore, #tpu.memory_space<semaphore_mem>>)
      %add3A_212 = arith.constant 1 : i32
      %add3A_213 = arith.addi %mul3A_113, %add3A_212 : i32
      %mul3A_214 = arith.constant 80 : i32
      %mul3A_215 = arith.muli %add3A_213, %mul3A_214 : i32
      %dma_wait3A_216 = tpu.memref_slice %arg8[%mul3A_215] : memref<10000xi32, #tpu.memory_space<vmem>> -> memref<80xi32, #tpu.memory_space<vmem>>
      %dma_wait3A_217 = arith.constant 0 : i32
      %dma_wait3A_218 = arith.constant 0 : i32
      %dma_wait3A_219 = tpu.memref_slice %arg15[%dma_wait3A_217, %dma_wait3A_218] : memref<10240x32xf32, #tpu.memory_space<vmem_shared>> -> memref<10240x32xf32, #tpu.memory_space<vmem_shared>>
      tpu.wait_indirect_dma semaphore(%arg22 : memref<!tpu.dma_semaphore, #tpu.memory_space<semaphore_mem>>) src(%arg10 : memref<80x32xf32, #tpu.memory_space<vmem>>) dst(%dma_wait3A_219 : memref<10240x32xf32, #tpu.memory_space<vmem_shared>>)
      %add3A_220 = arith.constant 5 : i32
      %add3A_221 = arith.addi %mul3A_113, %add3A_220 : i32
      %add3A_222 = arith.constant 1 : i32
      %add3A_223 = arith.addi %add3A_221, %add3A_222 : i32
      %mul3A_224 = arith.constant 80 : i32
      %mul3A_225 = arith.muli %add3A_223, %mul3A_224 : i32
      %dma_start3A_226 = tpu.memref_slice %arg7[%mul3A_225] : memref<10000xi32, #tpu.memory_space<vmem>> -> memref<80xi32, #tpu.memory_space<vmem>>
      %dma_start3A_227 = arith.constant 0 : i32
      %dma_start3A_228 = arith.constant 0 : i32
      %dma_start3A_229 = tpu.memref_slice %arg14[%dma_start3A_227, %dma_start3A_228] : memref<10240x32xf32, #tpu.memory_space<vmem_shared>> -> memref<10240x32xf32, #tpu.memory_space<vmem_shared>>
      tpu.enqueue_indirect_dma source(%dma_start3A_229 : memref<10240x32xf32, #tpu.memory_space<vmem_shared>>) target(%arg10 : memref<80x32xf32, #tpu.memory_space<vmem>>) offsets(%dma_start3A_226 : memref<80xi32, #tpu.memory_space<vmem>>) semaphore(%arg17 : memref<!tpu.dma_semaphore, #tpu.memory_space<semaphore_mem>>)
      %add3A_230 = arith.constant 2 : i32
      %add3A_231 = arith.addi %mul3A_113, %add3A_230 : i32
      %mul3A_232 = arith.constant 80 : i32
      %mul3A_233 = arith.muli %add3A_231, %mul3A_232 : i32
      %dma_wait3A_234 = tpu.memref_slice %arg8[%mul3A_233] : memref<10000xi32, #tpu.memory_space<vmem>> -> memref<80xi32, #tpu.memory_space<vmem>>
      %dma_wait3A_235 = arith.constant 0 : i32
      %dma_wait3A_236 = arith.constant 0 : i32
      %dma_wait3A_237 = tpu.memref_slice %arg15[%dma_wait3A_235, %dma_wait3A_236] : memref<10240x32xf32, #tpu.memory_space<vmem_shared>> -> memref<10240x32xf32, #tpu.memory_space<vmem_shared>>
      tpu.wait_indirect_dma semaphore(%arg23 : memref<!tpu.dma_semaphore, #tpu.memory_space<semaphore_mem>>) src(%arg11 : memref<80x32xf32, #tpu.memory_space<vmem>>) dst(%dma_wait3A_237 : memref<10240x32xf32, #tpu.memory_space<vmem_shared>>)
      %add3A_238 = arith.constant 5 : i32
      %add3A_239 = arith.addi %mul3A_113, %add3A_238 : i32
      %add3A_240 = arith.constant 2 : i32
      %add3A_241 = arith.addi %add3A_239, %add3A_240 : i32
      %mul3A_242 = arith.constant 80 : i32
      %mul3A_243 = arith.muli %add3A_241, %mul3A_242 : i32
      %dma_start3A_244 = tpu.memref_slice %arg7[%mul3A_243] : memref<10000xi32, #tpu.memory_space<vmem>> -> memref<80xi32, #tpu.memory_space<vmem>>
      %dma_start3A_245 = arith.constant 0 : i32
      %dma_start3A_246 = arith.constant 0 : i32
      %dma_start3A_247 = tpu.memref_slice %arg14[%dma_start3A_245, %dma_start3A_246] : memref<10240x32xf32, #tpu.memory_space<vmem_shared>> -> memref<10240x32xf32, #tpu.memory_space<vmem_shared>>
      tpu.enqueue_indirect_dma source(%dma_start3A_247 : memref<10240x32xf32, #tpu.memory_space<vmem_shared>>) target(%arg11 : memref<80x32xf32, #tpu.memory_space<vmem>>) offsets(%dma_start3A_244 : memref<80xi32, #tpu.memory_space<vmem>>) semaphore(%arg18 : memref<!tpu.dma_semaphore, #tpu.memory_space<semaphore_mem>>)
      %add3A_248 = arith.constant 3 : i32
      %add3A_249 = arith.addi %mul3A_113, %add3A_248 : i32
      %mul3A_250 = arith.constant 80 : i32
      %mul3A_251 = arith.muli %add3A_249, %mul3A_250 : i32
      %dma_wait3A_252 = tpu.memref_slice %arg8[%mul3A_251] : memref<10000xi32, #tpu.memory_space<vmem>> -> memref<80xi32, #tpu.memory_space<vmem>>
      %dma_wait3A_253 = arith.constant 0 : i32
      %dma_wait3A_254 = arith.constant 0 : i32
      %dma_wait3A_255 = tpu.memref_slice %arg15[%dma_wait3A_253, %dma_wait3A_254] : memref<10240x32xf32, #tpu.memory_space<vmem_shared>> -> memref<10240x32xf32, #tpu.memory_space<vmem_shared>>
      tpu.wait_indirect_dma semaphore(%arg24 : memref<!tpu.dma_semaphore, #tpu.memory_space<semaphore_mem>>) src(%arg12 : memref<80x32xf32, #tpu.memory_space<vmem>>) dst(%dma_wait3A_255 : memref<10240x32xf32, #tpu.memory_space<vmem_shared>>)
      %add3A_256 = arith.constant 5 : i32
      %add3A_257 = arith.addi %mul3A_113, %add3A_256 : i32
      %add3A_258 = arith.constant 3 : i32
      %add3A_259 = arith.addi %add3A_257, %add3A_258 : i32
      %mul3A_260 = arith.constant 80 : i32
      %mul3A_261 = arith.muli %add3A_259, %mul3A_260 : i32
      %dma_start3A_262 = tpu.memref_slice %arg7[%mul3A_261] : memref<10000xi32, #tpu.memory_space<vmem>> -> memref<80xi32, #tpu.memory_space<vmem>>
      %dma_start3A_263 = arith.constant 0 : i32
      %dma_start3A_264 = arith.constant 0 : i32
      %dma_start3A_265 = tpu.memref_slice %arg14[%dma_start3A_263, %dma_start3A_264] : memref<10240x32xf32, #tpu.memory_space<vmem_shared>> -> memref<10240x32xf32, #tpu.memory_space<vmem_shared>>
      tpu.enqueue_indirect_dma source(%dma_start3A_265 : memref<10240x32xf32, #tpu.memory_space<vmem_shared>>) target(%arg12 : memref<80x32xf32, #tpu.memory_space<vmem>>) offsets(%dma_start3A_262 : memref<80xi32, #tpu.memory_space<vmem>>) semaphore(%arg19 : memref<!tpu.dma_semaphore, #tpu.memory_space<semaphore_mem>>)
      %add3A_266 = arith.constant 4 : i32
      %add3A_267 = arith.addi %mul3A_113, %add3A_266 : i32
      %mul3A_268 = arith.constant 80 : i32
      %mul3A_269 = arith.muli %add3A_267, %mul3A_268 : i32
      %dma_wait3A_270 = tpu.memref_slice %arg8[%mul3A_269] : memref<10000xi32, #tpu.memory_space<vmem>> -> memref<80xi32, #tpu.memory_space<vmem>>
      %dma_wait3A_271 = arith.constant 0 : i32
      %dma_wait3A_272 = arith.constant 0 : i32
      %dma_wait3A_273 = tpu.memref_slice %arg15[%dma_wait3A_271, %dma_wait3A_272] : memref<10240x32xf32, #tpu.memory_space<vmem_shared>> -> memref<10240x32xf32, #tpu.memory_space<vmem_shared>>
      tpu.wait_indirect_dma semaphore(%arg25 : memref<!tpu.dma_semaphore, #tpu.memory_space<semaphore_mem>>) src(%arg13 : memref<80x32xf32, #tpu.memory_space<vmem>>) dst(%dma_wait3A_273 : memref<10240x32xf32, #tpu.memory_space<vmem_shared>>)
      %add3A_274 = arith.constant 5 : i32
      %add3A_275 = arith.addi %mul3A_113, %add3A_274 : i32
      %add3A_276 = arith.constant 4 : i32
      %add3A_277 = arith.addi %add3A_275, %add3A_276 : i32
      %mul3A_278 = arith.constant 80 : i32
      %mul3A_279 = arith.muli %add3A_277, %mul3A_278 : i32
      %dma_start3A_280 = tpu.memref_slice %arg7[%mul3A_279] : memref<10000xi32, #tpu.memory_space<vmem>> -> memref<80xi32, #tpu.memory_space<vmem>>
      %dma_start3A_281 = arith.constant 0 : i32
      %dma_start3A_282 = arith.constant 0 : i32
      %dma_start3A_283 = tpu.memref_slice %arg14[%dma_start3A_281, %dma_start3A_282] : memref<10240x32xf32, #tpu.memory_space<vmem_shared>> -> memref<10240x32xf32, #tpu.memory_space<vmem_shared>>
      tpu.enqueue_indirect_dma source(%dma_start3A_283 : memref<10240x32xf32, #tpu.memory_space<vmem_shared>>) target(%arg13 : memref<80x32xf32, #tpu.memory_space<vmem>>) offsets(%dma_start3A_280 : memref<80xi32, #tpu.memory_space<vmem>>) semaphore(%arg20 : memref<!tpu.dma_semaphore, #tpu.memory_space<semaphore_mem>>)
    }
    %scan3A_35 = arith.constant 24 : i32
    %dma_wait3A = arith.constant 9600 : i32
    %dma_wait3A_36 = tpu.memref_slice %arg7[%dma_wait3A] : memref<10000xi32, #tpu.memory_space<vmem>> -> memref<80xi32, #tpu.memory_space<vmem>>
    %dma_wait3A_37 = arith.constant 0 : i32
    %dma_wait3A_38 = arith.constant 0 : i32
    %dma_wait3A_39 = tpu.memref_slice %arg14[%dma_wait3A_37, %dma_wait3A_38] : memref<10240x32xf32, #tpu.memory_space<vmem_shared>> -> memref<10240x32xf32, #tpu.memory_space<vmem_shared>>
    tpu.wait_indirect_dma semaphore(%arg16 : memref<!tpu.dma_semaphore, #tpu.memory_space<semaphore_mem>>) src(%dma_wait3A_39 : memref<10240x32xf32, #tpu.memory_space<vmem_shared>>) dst(%arg9 : memref<80x32xf32, #tpu.memory_space<vmem>>)
    %dma_start3A_40 = arith.constant 9600 : i32
    %dma_start3A_41 = tpu.memref_slice %arg8[%dma_start3A_40] : memref<10000xi32, #tpu.memory_space<vmem>> -> memref<80xi32, #tpu.memory_space<vmem>>
    %dma_start3A_42 = arith.constant 0 : i32
    %dma_start3A_43 = arith.constant 0 : i32
    %dma_start3A_44 = tpu.memref_slice %arg15[%dma_start3A_42, %dma_start3A_43] : memref<10240x32xf32, #tpu.memory_space<vmem_shared>> -> memref<10240x32xf32, #tpu.memory_space<vmem_shared>>
    tpu.enqueue_indirect_dma source(%arg9 : memref<80x32xf32, #tpu.memory_space<vmem>>) target(%dma_start3A_44 : memref<10240x32xf32, #tpu.memory_space<vmem_shared>>) offsets(%dma_start3A_41 : memref<80xi32, #tpu.memory_space<vmem>>) semaphore(%arg21 : memref<!tpu.dma_semaphore, #tpu.memory_space<semaphore_mem>>) {add = true}
    %dma_wait3A_45 = arith.constant 9680 : i32
    %dma_wait3A_46 = tpu.memref_slice %arg7[%dma_wait3A_45] : memref<10000xi32, #tpu.memory_space<vmem>> -> memref<80xi32, #tpu.memory_space<vmem>>
    %dma_wait3A_47 = arith.constant 0 : i32
    %dma_wait3A_48 = arith.constant 0 : i32
    %dma_wait3A_49 = tpu.memref_slice %arg14[%dma_wait3A_47, %dma_wait3A_48] : memref<10240x32xf32, #tpu.memory_space<vmem_shared>> -> memref<10240x32xf32, #tpu.memory_space<vmem_shared>>
    tpu.wait_indirect_dma semaphore(%arg17 : memref<!tpu.dma_semaphore, #tpu.memory_space<semaphore_mem>>) src(%dma_wait3A_49 : memref<10240x32xf32, #tpu.memory_space<vmem_shared>>) dst(%arg10 : memref<80x32xf32, #tpu.memory_space<vmem>>)
    %dma_start3A_50 = arith.constant 9680 : i32
    %dma_start3A_51 = tpu.memref_slice %arg8[%dma_start3A_50] : memref<10000xi32, #tpu.memory_space<vmem>> -> memref<80xi32, #tpu.memory_space<vmem>>
    %dma_start3A_52 = arith.constant 0 : i32
    %dma_start3A_53 = arith.constant 0 : i32
    %dma_start3A_54 = tpu.memref_slice %arg15[%dma_start3A_52, %dma_start3A_53] : memref<10240x32xf32, #tpu.memory_space<vmem_shared>> -> memref<10240x32xf32, #tpu.memory_space<vmem_shared>>
    tpu.enqueue_indirect_dma source(%arg10 : memref<80x32xf32, #tpu.memory_space<vmem>>) target(%dma_start3A_54 : memref<10240x32xf32, #tpu.memory_space<vmem_shared>>) offsets(%dma_start3A_51 : memref<80xi32, #tpu.memory_space<vmem>>) semaphore(%arg22 : memref<!tpu.dma_semaphore, #tpu.memory_space<semaphore_mem>>) {add = true}
    %dma_wait3A_55 = arith.constant 9760 : i32
    %dma_wait3A_56 = tpu.memref_slice %arg7[%dma_wait3A_55] : memref<10000xi32, #tpu.memory_space<vmem>> -> memref<80xi32, #tpu.memory_space<vmem>>
    %dma_wait3A_57 = arith.constant 0 : i32
    %dma_wait3A_58 = arith.constant 0 : i32
    %dma_wait3A_59 = tpu.memref_slice %arg14[%dma_wait3A_57, %dma_wait3A_58] : memref<10240x32xf32, #tpu.memory_space<vmem_shared>> -> memref<10240x32xf32, #tpu.memory_space<vmem_shared>>
    tpu.wait_indirect_dma semaphore(%arg18 : memref<!tpu.dma_semaphore, #tpu.memory_space<semaphore_mem>>) src(%dma_wait3A_59 : memref<10240x32xf32, #tpu.memory_space<vmem_shared>>) dst(%arg11 : memref<80x32xf32, #tpu.memory_space<vmem>>)
    %dma_start3A_60 = arith.constant 9760 : i32
    %dma_start3A_61 = tpu.memref_slice %arg8[%dma_start3A_60] : memref<10000xi32, #tpu.memory_space<vmem>> -> memref<80xi32, #tpu.memory_space<vmem>>
    %dma_start3A_62 = arith.constant 0 : i32
    %dma_start3A_63 = arith.constant 0 : i32
    %dma_start3A_64 = tpu.memref_slice %arg15[%dma_start3A_62, %dma_start3A_63] : memref<10240x32xf32, #tpu.memory_space<vmem_shared>> -> memref<10240x32xf32, #tpu.memory_space<vmem_shared>>
    tpu.enqueue_indirect_dma source(%arg11 : memref<80x32xf32, #tpu.memory_space<vmem>>) target(%dma_start3A_64 : memref<10240x32xf32, #tpu.memory_space<vmem_shared>>) offsets(%dma_start3A_61 : memref<80xi32, #tpu.memory_space<vmem>>) semaphore(%arg23 : memref<!tpu.dma_semaphore, #tpu.memory_space<semaphore_mem>>) {add = true}
    %dma_wait3A_65 = arith.constant 9840 : i32
    %dma_wait3A_66 = tpu.memref_slice %arg7[%dma_wait3A_65] : memref<10000xi32, #tpu.memory_space<vmem>> -> memref<80xi32, #tpu.memory_space<vmem>>
    %dma_wait3A_67 = arith.constant 0 : i32
    %dma_wait3A_68 = arith.constant 0 : i32
    %dma_wait3A_69 = tpu.memref_slice %arg14[%dma_wait3A_67, %dma_wait3A_68] : memref<10240x32xf32, #tpu.memory_space<vmem_shared>> -> memref<10240x32xf32, #tpu.memory_space<vmem_shared>>
    tpu.wait_indirect_dma semaphore(%arg19 : memref<!tpu.dma_semaphore, #tpu.memory_space<semaphore_mem>>) src(%dma_wait3A_69 : memref<10240x32xf32, #tpu.memory_space<vmem_shared>>) dst(%arg12 : memref<80x32xf32, #tpu.memory_space<vmem>>)
    %dma_start3A_70 = arith.constant 9840 : i32
    %dma_start3A_71 = tpu.memref_slice %arg8[%dma_start3A_70] : memref<10000xi32, #tpu.memory_space<vmem>> -> memref<80xi32, #tpu.memory_space<vmem>>
    %dma_start3A_72 = arith.constant 0 : i32
    %dma_start3A_73 = arith.constant 0 : i32
    %dma_start3A_74 = tpu.memref_slice %arg15[%dma_start3A_72, %dma_start3A_73] : memref<10240x32xf32, #tpu.memory_space<vmem_shared>> -> memref<10240x32xf32, #tpu.memory_space<vmem_shared>>
    tpu.enqueue_indirect_dma source(%arg12 : memref<80x32xf32, #tpu.memory_space<vmem>>) target(%dma_start3A_74 : memref<10240x32xf32, #tpu.memory_space<vmem_shared>>) offsets(%dma_start3A_71 : memref<80xi32, #tpu.memory_space<vmem>>) semaphore(%arg24 : memref<!tpu.dma_semaphore, #tpu.memory_space<semaphore_mem>>) {add = true}
    %dma_wait3A_75 = arith.constant 9920 : i32
    %dma_wait3A_76 = tpu.memref_slice %arg7[%dma_wait3A_75] : memref<10000xi32, #tpu.memory_space<vmem>> -> memref<80xi32, #tpu.memory_space<vmem>>
    %dma_wait3A_77 = arith.constant 0 : i32
    %dma_wait3A_78 = arith.constant 0 : i32
    %dma_wait3A_79 = tpu.memref_slice %arg14[%dma_wait3A_77, %dma_wait3A_78] : memref<10240x32xf32, #tpu.memory_space<vmem_shared>> -> memref<10240x32xf32, #tpu.memory_space<vmem_shared>>
    tpu.wait_indirect_dma semaphore(%arg20 : memref<!tpu.dma_semaphore, #tpu.memory_space<semaphore_mem>>) src(%dma_wait3A_79 : memref<10240x32xf32, #tpu.memory_space<vmem_shared>>) dst(%arg13 : memref<80x32xf32, #tpu.memory_space<vmem>>)
    %dma_start3A_80 = arith.constant 9920 : i32
    %dma_start3A_81 = tpu.memref_slice %arg8[%dma_start3A_80] : memref<10000xi32, #tpu.memory_space<vmem>> -> memref<80xi32, #tpu.memory_space<vmem>>
    %dma_start3A_82 = arith.constant 0 : i32
    %dma_start3A_83 = arith.constant 0 : i32
    %dma_start3A_84 = tpu.memref_slice %arg15[%dma_start3A_82, %dma_start3A_83] : memref<10240x32xf32, #tpu.memory_space<vmem_shared>> -> memref<10240x32xf32, #tpu.memory_space<vmem_shared>>
    tpu.enqueue_indirect_dma source(%arg13 : memref<80x32xf32, #tpu.memory_space<vmem>>) target(%dma_start3A_84 : memref<10240x32xf32, #tpu.memory_space<vmem_shared>>) offsets(%dma_start3A_81 : memref<80xi32, #tpu.memory_space<vmem>>) semaphore(%arg25 : memref<!tpu.dma_semaphore, #tpu.memory_space<semaphore_mem>>) {add = true}
    %dma_wait3A_85 = arith.constant 9600 : i32
    %dma_wait3A_86 = tpu.memref_slice %arg8[%dma_wait3A_85] : memref<10000xi32, #tpu.memory_space<vmem>> -> memref<80xi32, #tpu.memory_space<vmem>>
    %dma_wait3A_87 = arith.constant 0 : i32
    %dma_wait3A_88 = arith.constant 0 : i32
    %dma_wait3A_89 = tpu.memref_slice %arg15[%dma_wait3A_87, %dma_wait3A_88] : memref<10240x32xf32, #tpu.memory_space<vmem_shared>> -> memref<10240x32xf32, #tpu.memory_space<vmem_shared>>
    tpu.wait_indirect_dma semaphore(%arg21 : memref<!tpu.dma_semaphore, #tpu.memory_space<semaphore_mem>>) src(%arg9 : memref<80x32xf32, #tpu.memory_space<vmem>>) dst(%dma_wait3A_89 : memref<10240x32xf32, #tpu.memory_space<vmem_shared>>)
    %dma_wait3A_90 = arith.constant 9680 : i32
    %dma_wait3A_91 = tpu.memref_slice %arg8[%dma_wait3A_90] : memref<10000xi32, #tpu.memory_space<vmem>> -> memref<80xi32, #tpu.memory_space<vmem>>
    %dma_wait3A_92 = arith.constant 0 : i32
    %dma_wait3A_93 = arith.constant 0 : i32
    %dma_wait3A_94 = tpu.memref_slice %arg15[%dma_wait3A_92, %dma_wait3A_93] : memref<10240x32xf32, #tpu.memory_space<vmem_shared>> -> memref<10240x32xf32, #tpu.memory_space<vmem_shared>>
    tpu.wait_indirect_dma semaphore(%arg22 : memref<!tpu.dma_semaphore, #tpu.memory_space<semaphore_mem>>) src(%arg10 : memref<80x32xf32, #tpu.memory_space<vmem>>) dst(%dma_wait3A_94 : memref<10240x32xf32, #tpu.memory_space<vmem_shared>>)
    %dma_wait3A_95 = arith.constant 9760 : i32
    %dma_wait3A_96 = tpu.memref_slice %arg8[%dma_wait3A_95] : memref<10000xi32, #tpu.memory_space<vmem>> -> memref<80xi32, #tpu.memory_space<vmem>>
    %dma_wait3A_97 = arith.constant 0 : i32
    %dma_wait3A_98 = arith.constant 0 : i32
    %dma_wait3A_99 = tpu.memref_slice %arg15[%dma_wait3A_97, %dma_wait3A_98] : memref<10240x32xf32, #tpu.memory_space<vmem_shared>> -> memref<10240x32xf32, #tpu.memory_space<vmem_shared>>
    tpu.wait_indirect_dma semaphore(%arg23 : memref<!tpu.dma_semaphore, #tpu.memory_space<semaphore_mem>>) src(%arg11 : memref<80x32xf32, #tpu.memory_space<vmem>>) dst(%dma_wait3A_99 : memref<10240x32xf32, #tpu.memory_space<vmem_shared>>)
    %dma_wait3A_100 = arith.constant 9840 : i32
    %dma_wait3A_101 = tpu.memref_slice %arg8[%dma_wait3A_100] : memref<10000xi32, #tpu.memory_space<vmem>> -> memref<80xi32, #tpu.memory_space<vmem>>
    %dma_wait3A_102 = arith.constant 0 : i32
    %dma_wait3A_103 = arith.constant 0 : i32
    %dma_wait3A_104 = tpu.memref_slice %arg15[%dma_wait3A_102, %dma_wait3A_103] : memref<10240x32xf32, #tpu.memory_space<vmem_shared>> -> memref<10240x32xf32, #tpu.memory_space<vmem_shared>>
    tpu.wait_indirect_dma semaphore(%arg24 : memref<!tpu.dma_semaphore, #tpu.memory_space<semaphore_mem>>) src(%arg12 : memref<80x32xf32, #tpu.memory_space<vmem>>) dst(%dma_wait3A_104 : memref<10240x32xf32, #tpu.memory_space<vmem_shared>>)
    %dma_wait3A_105 = arith.constant 9920 : i32
    %dma_wait3A_106 = tpu.memref_slice %arg8[%dma_wait3A_105] : memref<10000xi32, #tpu.memory_space<vmem>> -> memref<80xi32, #tpu.memory_space<vmem>>
    %dma_wait3A_107 = arith.constant 0 : i32
    %dma_wait3A_108 = arith.constant 0 : i32
    %dma_wait3A_109 = tpu.memref_slice %arg15[%dma_wait3A_107, %dma_wait3A_108] : memref<10240x32xf32, #tpu.memory_space<vmem_shared>> -> memref<10240x32xf32, #tpu.memory_space<vmem_shared>>
    tpu.wait_indirect_dma semaphore(%arg25 : memref<!tpu.dma_semaphore, #tpu.memory_space<semaphore_mem>>) src(%arg13 : memref<80x32xf32, #tpu.memory_space<vmem>>) dst(%dma_wait3A_109 : memref<10240x32xf32, #tpu.memory_space<vmem_shared>>)
    %barrier3A_110 = arith.constant 0 : index
    tpu.barrier barrier_id(%barrier3A_110)
    "tpu.region"() ({
      %run_scoped3A = tpu.sem_alloc : memref<!tpu.dma_semaphore, #tpu.memory_space<semaphore_mem>>
      %dma_start3A_111 = arith.constant 0 : i32
      %dma_start3A_112 = tpu.memref_slice %arg6[%arg0, %mul3A_2, %dma_start3A_111] : memref<2x10240x32xf32, #tpu.memory_space<hbm>> -> memref<1x640x32xf32, #tpu.memory_space<hbm>>
      %dma_start3A_113 = tpu.memref_squeeze %dma_start3A_112 : memref<1x640x32xf32, #tpu.memory_space<hbm>> -> memref<640x32xf32, #tpu.memory_space<hbm>>
      %dma_start3A_114 = arith.constant 0 : i32
      %dma_start3A_115 = tpu.memref_slice %arg15[%mul3A_2, %dma_start3A_114] : memref<10240x32xf32, #tpu.memory_space<vmem_shared>> -> memref<640x32xf32, #tpu.memory_space<vmem_shared>>
      tpu.enqueue_dma source(%dma_start3A_115 : memref<640x32xf32, #tpu.memory_space<vmem_shared>>) target(%dma_start3A_113 : memref<640x32xf32, #tpu.memory_space<hbm>>) target_semaphore(%run_scoped3A : memref<!tpu.dma_semaphore, #tpu.memory_space<semaphore_mem>>)
      %dma_wait3A_116 = arith.constant 0 : i32
      %dma_wait3A_117 = tpu.memref_slice %arg6[%arg0, %mul3A_2, %dma_wait3A_116] : memref<2x10240x32xf32, #tpu.memory_space<hbm>> -> memref<1x640x32xf32, #tpu.memory_space<hbm>>
      %dma_wait3A_118 = tpu.memref_squeeze %dma_wait3A_117 : memref<1x640x32xf32, #tpu.memory_space<hbm>> -> memref<640x32xf32, #tpu.memory_space<hbm>>
      %dma_wait3A_119 = arith.constant 0 : i32
      %dma_wait3A_120 = tpu.memref_slice %arg15[%mul3A_2, %dma_wait3A_119] : memref<10240x32xf32, #tpu.memory_space<vmem_shared>> -> memref<640x32xf32, #tpu.memory_space<vmem_shared>>
      tpu.wait_dma2 semaphore(%run_scoped3A : memref<!tpu.dma_semaphore, #tpu.memory_space<semaphore_mem>>) src(%dma_wait3A_120 : memref<640x32xf32, #tpu.memory_space<vmem_shared>>) dst(%dma_wait3A_118 : memref<640x32xf32, #tpu.memory_space<hbm>>)
      tpu.yield
    }) : () -> ()
    return
  }
}

#map = affine_map<(d0, d1) -> (0, 0)>
#map1 = affine_map<(d0, d1) -> (0)>
#map2 = affine_map<(d0, d1) -> (0, 0, 0)>
module attributes {stable_mosaic.version = 14 : i64} {
  func.func @round_kernel(%arg0: i32, %arg1: i32, %arg2: memref<10240x32xf32, #tpu.memory_space<hbm>>, %arg3: memref<320000xi32, #tpu.memory_space<hbm>>, %arg4: memref<320000xi32, #tpu.memory_space<hbm>>, %arg5: memref<10240x32xf32, #tpu.memory_space<hbm>>, %arg6: memref<2x10240x32xf32, #tpu.memory_space<hbm>>, %arg7: memref<10000xi32, #tpu.memory_space<vmem>>, %arg8: memref<10000xi32, #tpu.memory_space<vmem>>, %arg9: memref<80x32xf32, #tpu.memory_space<vmem>>, %arg10: memref<80x32xf32, #tpu.memory_space<vmem>>, %arg11: memref<80x32xf32, #tpu.memory_space<vmem>>, %arg12: memref<80x32xf32, #tpu.memory_space<vmem>>, %arg13: memref<80x32xf32, #tpu.memory_space<vmem>>, %arg14: memref<10240x32xf32, #tpu.memory_space<vmem_shared>>, %arg15: memref<10240x32xf32, #tpu.memory_space<vmem_shared>>, %arg16: memref<!tpu.dma_semaphore, #tpu.memory_space<semaphore_mem>>, %arg17: memref<!tpu.dma_semaphore, #tpu.memory_space<semaphore_mem>>, %arg18: memref<!tpu.dma_semaphore, #tpu.memory_space<semaphore_mem>>, %arg19: memref<!tpu.dma_semaphore, #tpu.memory_space<semaphore_mem>>, %arg20: memref<!tpu.dma_semaphore, #tpu.memory_space<semaphore_mem>>, %arg21: memref<!tpu.dma_semaphore, #tpu.memory_space<semaphore_mem>>, %arg22: memref<!tpu.dma_semaphore, #tpu.memory_space<semaphore_mem>>, %arg23: memref<!tpu.dma_semaphore, #tpu.memory_space<semaphore_mem>>, %arg24: memref<!tpu.dma_semaphore, #tpu.memory_space<semaphore_mem>>, %arg25: memref<!tpu.dma_semaphore, #tpu.memory_space<semaphore_mem>>) attributes {dimension_semantics = [#tpu.dimension_semantics<core_parallel>, #tpu.dimension_semantics<subcore_parallel>], iteration_bounds = array<i64: 2, 16>, scalar_prefetch = 0 : i64, scratch_operands = 19 : i64, tpu.core_type = #tpu.core_type<sc_vector_subcore>, window_params = [{transform_indices = #map}, {transform_indices = #map1}, {transform_indices = #map1}, {transform_indices = #map}, {transform_indices = #map2}]} {
    %mul3A = arith.constant 2 : i32
    %mul3A_0 = arith.muli %arg1, %mul3A : i32
    %add3A = arith.addi %mul3A_0, %arg0 : i32
    %mul3A_1 = arith.constant 640 : i32
    %mul3A_2 = arith.muli %arg1, %mul3A_1 : i32
    %mul3A_3 = arith.constant 10000 : i32
    %mul3A_4 = arith.muli %add3A, %mul3A_3 : i32
    "tpu.region"() ({
      %run_scoped3A = tpu.sem_alloc : memref<!tpu.dma_semaphore, #tpu.memory_space<semaphore_mem>>
      %dma_start3A_111 = tpu.memref_slice %arg3[%mul3A_4] : memref<320000xi32, #tpu.memory_space<hbm>> -> memref<10000xi32, #tpu.memory_space<hbm>>
      %dma_start3A_112 = tpu.memref_slice %arg3[%mul3A_4] : memref<320000xi32, #tpu.memory_space<hbm>> -> memref<10000xi32, #tpu.memory_space<hbm>>
      tpu.enqueue_dma source(%dma_start3A_112 : memref<10000xi32, #tpu.memory_space<hbm>>) target(%arg7 : memref<10000xi32, #tpu.memory_space<vmem>>) target_semaphore(%run_scoped3A : memref<!tpu.dma_semaphore, #tpu.memory_space<semaphore_mem>>)
      %dma_wait3A_113 = tpu.memref_slice %arg3[%mul3A_4] : memref<320000xi32, #tpu.memory_space<hbm>> -> memref<10000xi32, #tpu.memory_space<hbm>>
      %dma_wait3A_114 = tpu.memref_slice %arg3[%mul3A_4] : memref<320000xi32, #tpu.memory_space<hbm>> -> memref<10000xi32, #tpu.memory_space<hbm>>
      tpu.wait_dma2 semaphore(%run_scoped3A : memref<!tpu.dma_semaphore, #tpu.memory_space<semaphore_mem>>) src(%dma_wait3A_114 : memref<10000xi32, #tpu.memory_space<hbm>>) dst(%arg7 : memref<10000xi32, #tpu.memory_space<vmem>>)
      tpu.yield
    }) : () -> ()
    %mul3A_5 = arith.constant 10000 : i32
    %mul3A_6 = arith.muli %add3A, %mul3A_5 : i32
    "tpu.region"() ({
      %run_scoped3A = tpu.sem_alloc : memref<!tpu.dma_semaphore, #tpu.memory_space<semaphore_mem>>
      %dma_start3A_111 = tpu.memref_slice %arg4[%mul3A_6] : memref<320000xi32, #tpu.memory_space<hbm>> -> memref<10000xi32, #tpu.memory_space<hbm>>
      %dma_start3A_112 = tpu.memref_slice %arg4[%mul3A_6] : memref<320000xi32, #tpu.memory_space<hbm>> -> memref<10000xi32, #tpu.memory_space<hbm>>
      tpu.enqueue_dma source(%dma_start3A_112 : memref<10000xi32, #tpu.memory_space<hbm>>) target(%arg8 : memref<10000xi32, #tpu.memory_space<vmem>>) target_semaphore(%run_scoped3A : memref<!tpu.dma_semaphore, #tpu.memory_space<semaphore_mem>>)
      %dma_wait3A_113 = tpu.memref_slice %arg4[%mul3A_6] : memref<320000xi32, #tpu.memory_space<hbm>> -> memref<10000xi32, #tpu.memory_space<hbm>>
      %dma_wait3A_114 = tpu.memref_slice %arg4[%mul3A_6] : memref<320000xi32, #tpu.memory_space<hbm>> -> memref<10000xi32, #tpu.memory_space<hbm>>
      tpu.wait_dma2 semaphore(%run_scoped3A : memref<!tpu.dma_semaphore, #tpu.memory_space<semaphore_mem>>) src(%dma_wait3A_114 : memref<10000xi32, #tpu.memory_space<hbm>>) dst(%arg8 : memref<10000xi32, #tpu.memory_space<vmem>>)
      tpu.yield
    }) : () -> ()
    "tpu.region"() ({
      %run_scoped3A = tpu.sem_alloc : memref<!tpu.dma_semaphore, #tpu.memory_space<semaphore_mem>>
      %dma_start3A_111 = arith.constant 0 : i32
      %dma_start3A_112 = tpu.memref_slice %arg14[%mul3A_2, %dma_start3A_111] : memref<10240x32xf32, #tpu.memory_space<vmem_shared>> -> memref<640x32xf32, #tpu.memory_space<vmem_shared>>
      %dma_start3A_113 = arith.constant 0 : i32
      %dma_start3A_114 = tpu.memref_slice %arg2[%mul3A_2, %dma_start3A_113] : memref<10240x32xf32, #tpu.memory_space<hbm>> -> memref<640x32xf32, #tpu.memory_space<hbm>>
      tpu.enqueue_dma source(%dma_start3A_114 : memref<640x32xf32, #tpu.memory_space<hbm>>) target(%dma_start3A_112 : memref<640x32xf32, #tpu.memory_space<vmem_shared>>) target_semaphore(%run_scoped3A : memref<!tpu.dma_semaphore, #tpu.memory_space<semaphore_mem>>)
      %dma_wait3A_115 = arith.constant 0 : i32
      %dma_wait3A_116 = tpu.memref_slice %arg14[%mul3A_2, %dma_wait3A_115] : memref<10240x32xf32, #tpu.memory_space<vmem_shared>> -> memref<640x32xf32, #tpu.memory_space<vmem_shared>>
      %dma_wait3A_117 = arith.constant 0 : i32
      %dma_wait3A_118 = tpu.memref_slice %arg2[%mul3A_2, %dma_wait3A_117] : memref<10240x32xf32, #tpu.memory_space<hbm>> -> memref<640x32xf32, #tpu.memory_space<hbm>>
      tpu.wait_dma2 semaphore(%run_scoped3A : memref<!tpu.dma_semaphore, #tpu.memory_space<semaphore_mem>>) src(%dma_wait3A_118 : memref<640x32xf32, #tpu.memory_space<hbm>>) dst(%dma_wait3A_116 : memref<640x32xf32, #tpu.memory_space<vmem_shared>>)
      tpu.yield
    }) : () -> ()
    "tpu.region"() ({
      %run_scoped3A = tpu.sem_alloc : memref<!tpu.dma_semaphore, #tpu.memory_space<semaphore_mem>>
      %dma_start3A_111 = arith.constant 0 : i32
      %dma_start3A_112 = tpu.memref_slice %arg15[%mul3A_2, %dma_start3A_111] : memref<10240x32xf32, #tpu.memory_space<vmem_shared>> -> memref<640x32xf32, #tpu.memory_space<vmem_shared>>
      %dma_start3A_113 = arith.constant 0 : i32
      %dma_start3A_114 = tpu.memref_slice %arg5[%mul3A_2, %dma_start3A_113] : memref<10240x32xf32, #tpu.memory_space<hbm>> -> memref<640x32xf32, #tpu.memory_space<hbm>>
      tpu.enqueue_dma source(%dma_start3A_114 : memref<640x32xf32, #tpu.memory_space<hbm>>) target(%dma_start3A_112 : memref<640x32xf32, #tpu.memory_space<vmem_shared>>) target_semaphore(%run_scoped3A : memref<!tpu.dma_semaphore, #tpu.memory_space<semaphore_mem>>)
      %dma_wait3A_115 = arith.constant 0 : i32
      %dma_wait3A_116 = tpu.memref_slice %arg15[%mul3A_2, %dma_wait3A_115] : memref<10240x32xf32, #tpu.memory_space<vmem_shared>> -> memref<640x32xf32, #tpu.memory_space<vmem_shared>>
      %dma_wait3A_117 = arith.constant 0 : i32
      %dma_wait3A_118 = tpu.memref_slice %arg5[%mul3A_2, %dma_wait3A_117] : memref<10240x32xf32, #tpu.memory_space<hbm>> -> memref<640x32xf32, #tpu.memory_space<hbm>>
      tpu.wait_dma2 semaphore(%run_scoped3A : memref<!tpu.dma_semaphore, #tpu.memory_space<semaphore_mem>>) src(%dma_wait3A_118 : memref<640x32xf32, #tpu.memory_space<hbm>>) dst(%dma_wait3A_116 : memref<640x32xf32, #tpu.memory_space<vmem_shared>>)
      tpu.yield
    }) : () -> ()
    %barrier3A = arith.constant 0 : index
    tpu.barrier barrier_id(%barrier3A)
    %dma_start3A = arith.constant 0 : i32
    %dma_start3A_7 = tpu.memref_slice %arg7[%dma_start3A] : memref<10000xi32, #tpu.memory_space<vmem>> -> memref<80xi32, #tpu.memory_space<vmem>>
    %dma_start3A_8 = arith.constant 0 : i32
    %dma_start3A_9 = arith.constant 0 : i32
    %dma_start3A_10 = tpu.memref_slice %arg14[%dma_start3A_8, %dma_start3A_9] : memref<10240x32xf32, #tpu.memory_space<vmem_shared>> -> memref<10240x32xf32, #tpu.memory_space<vmem_shared>>
    tpu.enqueue_indirect_dma source(%dma_start3A_10 : memref<10240x32xf32, #tpu.memory_space<vmem_shared>>) target(%arg9 : memref<80x32xf32, #tpu.memory_space<vmem>>) offsets(%dma_start3A_7 : memref<80xi32, #tpu.memory_space<vmem>>) semaphore(%arg16 : memref<!tpu.dma_semaphore, #tpu.memory_space<semaphore_mem>>)
    %dma_start3A_11 = arith.constant 80 : i32
    %dma_start3A_12 = tpu.memref_slice %arg7[%dma_start3A_11] : memref<10000xi32, #tpu.memory_space<vmem>> -> memref<80xi32, #tpu.memory_space<vmem>>
    %dma_start3A_13 = arith.constant 0 : i32
    %dma_start3A_14 = arith.constant 0 : i32
    %dma_start3A_15 = tpu.memref_slice %arg14[%dma_start3A_13, %dma_start3A_14] : memref<10240x32xf32, #tpu.memory_space<vmem_shared>> -> memref<10240x32xf32, #tpu.memory_space<vmem_shared>>
    tpu.enqueue_indirect_dma source(%dma_start3A_15 : memref<10240x32xf32, #tpu.memory_space<vmem_shared>>) target(%arg10 : memref<80x32xf32, #tpu.memory_space<vmem>>) offsets(%dma_start3A_12 : memref<80xi32, #tpu.memory_space<vmem>>) semaphore(%arg17 : memref<!tpu.dma_semaphore, #tpu.memory_space<semaphore_mem>>)
    %dma_start3A_16 = arith.constant 160 : i32
    %dma_start3A_17 = tpu.memref_slice %arg7[%dma_start3A_16] : memref<10000xi32, #tpu.memory_space<vmem>> -> memref<80xi32, #tpu.memory_space<vmem>>
    %dma_start3A_18 = arith.constant 0 : i32
    %dma_start3A_19 = arith.constant 0 : i32
    %dma_start3A_20 = tpu.memref_slice %arg14[%dma_start3A_18, %dma_start3A_19] : memref<10240x32xf32, #tpu.memory_space<vmem_shared>> -> memref<10240x32xf32, #tpu.memory_space<vmem_shared>>
    tpu.enqueue_indirect_dma source(%dma_start3A_20 : memref<10240x32xf32, #tpu.memory_space<vmem_shared>>) target(%arg11 : memref<80x32xf32, #tpu.memory_space<vmem>>) offsets(%dma_start3A_17 : memref<80xi32, #tpu.memory_space<vmem>>) semaphore(%arg18 : memref<!tpu.dma_semaphore, #tpu.memory_space<semaphore_mem>>)
    %dma_start3A_21 = arith.constant 240 : i32
    %dma_start3A_22 = tpu.memref_slice %arg7[%dma_start3A_21] : memref<10000xi32, #tpu.memory_space<vmem>> -> memref<80xi32, #tpu.memory_space<vmem>>
    %dma_start3A_23 = arith.constant 0 : i32
    %dma_start3A_24 = arith.constant 0 : i32
    %dma_start3A_25 = tpu.memref_slice %arg14[%dma_start3A_23, %dma_start3A_24] : memref<10240x32xf32, #tpu.memory_space<vmem_shared>> -> memref<10240x32xf32, #tpu.memory_space<vmem_shared>>
    tpu.enqueue_indirect_dma source(%dma_start3A_25 : memref<10240x32xf32, #tpu.memory_space<vmem_shared>>) target(%arg12 : memref<80x32xf32, #tpu.memory_space<vmem>>) offsets(%dma_start3A_22 : memref<80xi32, #tpu.memory_space<vmem>>) semaphore(%arg19 : memref<!tpu.dma_semaphore, #tpu.memory_space<semaphore_mem>>)
    %dma_start3A_26 = arith.constant 320 : i32
    %dma_start3A_27 = tpu.memref_slice %arg7[%dma_start3A_26] : memref<10000xi32, #tpu.memory_space<vmem>> -> memref<80xi32, #tpu.memory_space<vmem>>
    %dma_start3A_28 = arith.constant 0 : i32
    %dma_start3A_29 = arith.constant 0 : i32
    %dma_start3A_30 = tpu.memref_slice %arg14[%dma_start3A_28, %dma_start3A_29] : memref<10240x32xf32, #tpu.memory_space<vmem_shared>> -> memref<10240x32xf32, #tpu.memory_space<vmem_shared>>
    tpu.enqueue_indirect_dma source(%dma_start3A_30 : memref<10240x32xf32, #tpu.memory_space<vmem_shared>>) target(%arg13 : memref<80x32xf32, #tpu.memory_space<vmem>>) offsets(%dma_start3A_27 : memref<80xi32, #tpu.memory_space<vmem>>) semaphore(%arg20 : memref<!tpu.dma_semaphore, #tpu.memory_space<semaphore_mem>>)
    %scan3A = arith.constant 0 : i32
    %scan3A_31 = arith.constant 0 : i32
    %scan3A_32 = arith.constant 24 : i32
    %scan3A_33 = arith.addi %scan3A_31, %scan3A_32 : i32
    %scan3A_34 = arith.constant 1 : i32
    scf.for %scan3A_111 = %scan3A_31 to %scan3A_33 step %scan3A_34  : i32 {
      %mul3A_112 = arith.constant 5 : i32
      %mul3A_113 = arith.muli %scan3A_111, %mul3A_112 : i32
      %add3A_114 = arith.constant 0 : i32
      %add3A_115 = arith.addi %mul3A_113, %add3A_114 : i32
      %mul3A_116 = arith.constant 80 : i32
      %mul3A_117 = arith.muli %add3A_115, %mul3A_116 : i32
      %dma_wait3A_118 = tpu.memref_slice %arg7[%mul3A_117] : memref<10000xi32, #tpu.memory_space<vmem>> -> memref<80xi32, #tpu.memory_space<vmem>>
      %dma_wait3A_119 = arith.constant 0 : i32
      %dma_wait3A_120 = arith.constant 0 : i32
      %dma_wait3A_121 = tpu.memref_slice %arg14[%dma_wait3A_119, %dma_wait3A_120] : memref<10240x32xf32, #tpu.memory_space<vmem_shared>> -> memref<10240x32xf32, #tpu.memory_space<vmem_shared>>
      tpu.wait_indirect_dma semaphore(%arg16 : memref<!tpu.dma_semaphore, #tpu.memory_space<semaphore_mem>>) src(%dma_wait3A_121 : memref<10240x32xf32, #tpu.memory_space<vmem_shared>>) dst(%arg9 : memref<80x32xf32, #tpu.memory_space<vmem>>)
      %add3A_122 = arith.constant 0 : i32
      %add3A_123 = arith.addi %mul3A_113, %add3A_122 : i32
      %mul3A_124 = arith.constant 80 : i32
      %mul3A_125 = arith.muli %add3A_123, %mul3A_124 : i32
      %dma_start3A_126 = tpu.memref_slice %arg8[%mul3A_125] : memref<10000xi32, #tpu.memory_space<vmem>> -> memref<80xi32, #tpu.memory_space<vmem>>
      %dma_start3A_127 = arith.constant 0 : i32
      %dma_start3A_128 = arith.constant 0 : i32
      %dma_start3A_129 = tpu.memref_slice %arg15[%dma_start3A_127, %dma_start3A_128] : memref<10240x32xf32, #tpu.memory_space<vmem_shared>> -> memref<10240x32xf32, #tpu.memory_space<vmem_shared>>
      tpu.enqueue_indirect_dma source(%arg9 : memref<80x32xf32, #tpu.memory_space<vmem>>) target(%dma_start3A_129 : memref<10240x32xf32, #tpu.memory_space<vmem_shared>>) offsets(%dma_start3A_126 : memref<80xi32, #tpu.memory_space<vmem>>) semaphore(%arg21 : memref<!tpu.dma_semaphore, #tpu.memory_space<semaphore_mem>>) {add = true}
      %add3A_130 = arith.constant 1 : i32
      %add3A_131 = arith.addi %mul3A_113, %add3A_130 : i32
      %mul3A_132 = arith.constant 80 : i32
      %mul3A_133 = arith.muli %add3A_131, %mul3A_132 : i32
      %dma_wait3A_134 = tpu.memref_slice %arg7[%mul3A_133] : memref<10000xi32, #tpu.memory_space<vmem>> -> memref<80xi32, #tpu.memory_space<vmem>>
      %dma_wait3A_135 = arith.constant 0 : i32
      %dma_wait3A_136 = arith.constant 0 : i32
      %dma_wait3A_137 = tpu.memref_slice %arg14[%dma_wait3A_135, %dma_wait3A_136] : memref<10240x32xf32, #tpu.memory_space<vmem_shared>> -> memref<10240x32xf32, #tpu.memory_space<vmem_shared>>
      tpu.wait_indirect_dma semaphore(%arg17 : memref<!tpu.dma_semaphore, #tpu.memory_space<semaphore_mem>>) src(%dma_wait3A_137 : memref<10240x32xf32, #tpu.memory_space<vmem_shared>>) dst(%arg10 : memref<80x32xf32, #tpu.memory_space<vmem>>)
      %add3A_138 = arith.constant 1 : i32
      %add3A_139 = arith.addi %mul3A_113, %add3A_138 : i32
      %mul3A_140 = arith.constant 80 : i32
      %mul3A_141 = arith.muli %add3A_139, %mul3A_140 : i32
      %dma_start3A_142 = tpu.memref_slice %arg8[%mul3A_141] : memref<10000xi32, #tpu.memory_space<vmem>> -> memref<80xi32, #tpu.memory_space<vmem>>
      %dma_start3A_143 = arith.constant 0 : i32
      %dma_start3A_144 = arith.constant 0 : i32
      %dma_start3A_145 = tpu.memref_slice %arg15[%dma_start3A_143, %dma_start3A_144] : memref<10240x32xf32, #tpu.memory_space<vmem_shared>> -> memref<10240x32xf32, #tpu.memory_space<vmem_shared>>
      tpu.enqueue_indirect_dma source(%arg10 : memref<80x32xf32, #tpu.memory_space<vmem>>) target(%dma_start3A_145 : memref<10240x32xf32, #tpu.memory_space<vmem_shared>>) offsets(%dma_start3A_142 : memref<80xi32, #tpu.memory_space<vmem>>) semaphore(%arg22 : memref<!tpu.dma_semaphore, #tpu.memory_space<semaphore_mem>>) {add = true}
      %add3A_146 = arith.constant 2 : i32
      %add3A_147 = arith.addi %mul3A_113, %add3A_146 : i32
      %mul3A_148 = arith.constant 80 : i32
      %mul3A_149 = arith.muli %add3A_147, %mul3A_148 : i32
      %dma_wait3A_150 = tpu.memref_slice %arg7[%mul3A_149] : memref<10000xi32, #tpu.memory_space<vmem>> -> memref<80xi32, #tpu.memory_space<vmem>>
      %dma_wait3A_151 = arith.constant 0 : i32
      %dma_wait3A_152 = arith.constant 0 : i32
      %dma_wait3A_153 = tpu.memref_slice %arg14[%dma_wait3A_151, %dma_wait3A_152] : memref<10240x32xf32, #tpu.memory_space<vmem_shared>> -> memref<10240x32xf32, #tpu.memory_space<vmem_shared>>
      tpu.wait_indirect_dma semaphore(%arg18 : memref<!tpu.dma_semaphore, #tpu.memory_space<semaphore_mem>>) src(%dma_wait3A_153 : memref<10240x32xf32, #tpu.memory_space<vmem_shared>>) dst(%arg11 : memref<80x32xf32, #tpu.memory_space<vmem>>)
      %add3A_154 = arith.constant 2 : i32
      %add3A_155 = arith.addi %mul3A_113, %add3A_154 : i32
      %mul3A_156 = arith.constant 80 : i32
      %mul3A_157 = arith.muli %add3A_155, %mul3A_156 : i32
      %dma_start3A_158 = tpu.memref_slice %arg8[%mul3A_157] : memref<10000xi32, #tpu.memory_space<vmem>> -> memref<80xi32, #tpu.memory_space<vmem>>
      %dma_start3A_159 = arith.constant 0 : i32
      %dma_start3A_160 = arith.constant 0 : i32
      %dma_start3A_161 = tpu.memref_slice %arg15[%dma_start3A_159, %dma_start3A_160] : memref<10240x32xf32, #tpu.memory_space<vmem_shared>> -> memref<10240x32xf32, #tpu.memory_space<vmem_shared>>
      tpu.enqueue_indirect_dma source(%arg11 : memref<80x32xf32, #tpu.memory_space<vmem>>) target(%dma_start3A_161 : memref<10240x32xf32, #tpu.memory_space<vmem_shared>>) offsets(%dma_start3A_158 : memref<80xi32, #tpu.memory_space<vmem>>) semaphore(%arg23 : memref<!tpu.dma_semaphore, #tpu.memory_space<semaphore_mem>>) {add = true}
      %add3A_162 = arith.constant 3 : i32
      %add3A_163 = arith.addi %mul3A_113, %add3A_162 : i32
      %mul3A_164 = arith.constant 80 : i32
      %mul3A_165 = arith.muli %add3A_163, %mul3A_164 : i32
      %dma_wait3A_166 = tpu.memref_slice %arg7[%mul3A_165] : memref<10000xi32, #tpu.memory_space<vmem>> -> memref<80xi32, #tpu.memory_space<vmem>>
      %dma_wait3A_167 = arith.constant 0 : i32
      %dma_wait3A_168 = arith.constant 0 : i32
      %dma_wait3A_169 = tpu.memref_slice %arg14[%dma_wait3A_167, %dma_wait3A_168] : memref<10240x32xf32, #tpu.memory_space<vmem_shared>> -> memref<10240x32xf32, #tpu.memory_space<vmem_shared>>
      tpu.wait_indirect_dma semaphore(%arg19 : memref<!tpu.dma_semaphore, #tpu.memory_space<semaphore_mem>>) src(%dma_wait3A_169 : memref<10240x32xf32, #tpu.memory_space<vmem_shared>>) dst(%arg12 : memref<80x32xf32, #tpu.memory_space<vmem>>)
      %add3A_170 = arith.constant 3 : i32
      %add3A_171 = arith.addi %mul3A_113, %add3A_170 : i32
      %mul3A_172 = arith.constant 80 : i32
      %mul3A_173 = arith.muli %add3A_171, %mul3A_172 : i32
      %dma_start3A_174 = tpu.memref_slice %arg8[%mul3A_173] : memref<10000xi32, #tpu.memory_space<vmem>> -> memref<80xi32, #tpu.memory_space<vmem>>
      %dma_start3A_175 = arith.constant 0 : i32
      %dma_start3A_176 = arith.constant 0 : i32
      %dma_start3A_177 = tpu.memref_slice %arg15[%dma_start3A_175, %dma_start3A_176] : memref<10240x32xf32, #tpu.memory_space<vmem_shared>> -> memref<10240x32xf32, #tpu.memory_space<vmem_shared>>
      tpu.enqueue_indirect_dma source(%arg12 : memref<80x32xf32, #tpu.memory_space<vmem>>) target(%dma_start3A_177 : memref<10240x32xf32, #tpu.memory_space<vmem_shared>>) offsets(%dma_start3A_174 : memref<80xi32, #tpu.memory_space<vmem>>) semaphore(%arg24 : memref<!tpu.dma_semaphore, #tpu.memory_space<semaphore_mem>>) {add = true}
      %add3A_178 = arith.constant 4 : i32
      %add3A_179 = arith.addi %mul3A_113, %add3A_178 : i32
      %mul3A_180 = arith.constant 80 : i32
      %mul3A_181 = arith.muli %add3A_179, %mul3A_180 : i32
      %dma_wait3A_182 = tpu.memref_slice %arg7[%mul3A_181] : memref<10000xi32, #tpu.memory_space<vmem>> -> memref<80xi32, #tpu.memory_space<vmem>>
      %dma_wait3A_183 = arith.constant 0 : i32
      %dma_wait3A_184 = arith.constant 0 : i32
      %dma_wait3A_185 = tpu.memref_slice %arg14[%dma_wait3A_183, %dma_wait3A_184] : memref<10240x32xf32, #tpu.memory_space<vmem_shared>> -> memref<10240x32xf32, #tpu.memory_space<vmem_shared>>
      tpu.wait_indirect_dma semaphore(%arg20 : memref<!tpu.dma_semaphore, #tpu.memory_space<semaphore_mem>>) src(%dma_wait3A_185 : memref<10240x32xf32, #tpu.memory_space<vmem_shared>>) dst(%arg13 : memref<80x32xf32, #tpu.memory_space<vmem>>)
      %add3A_186 = arith.constant 4 : i32
      %add3A_187 = arith.addi %mul3A_113, %add3A_186 : i32
      %mul3A_188 = arith.constant 80 : i32
      %mul3A_189 = arith.muli %add3A_187, %mul3A_188 : i32
      %dma_start3A_190 = tpu.memref_slice %arg8[%mul3A_189] : memref<10000xi32, #tpu.memory_space<vmem>> -> memref<80xi32, #tpu.memory_space<vmem>>
      %dma_start3A_191 = arith.constant 0 : i32
      %dma_start3A_192 = arith.constant 0 : i32
      %dma_start3A_193 = tpu.memref_slice %arg15[%dma_start3A_191, %dma_start3A_192] : memref<10240x32xf32, #tpu.memory_space<vmem_shared>> -> memref<10240x32xf32, #tpu.memory_space<vmem_shared>>
      tpu.enqueue_indirect_dma source(%arg13 : memref<80x32xf32, #tpu.memory_space<vmem>>) target(%dma_start3A_193 : memref<10240x32xf32, #tpu.memory_space<vmem_shared>>) offsets(%dma_start3A_190 : memref<80xi32, #tpu.memory_space<vmem>>) semaphore(%arg25 : memref<!tpu.dma_semaphore, #tpu.memory_space<semaphore_mem>>) {add = true}
      %add3A_194 = arith.constant 0 : i32
      %add3A_195 = arith.addi %mul3A_113, %add3A_194 : i32
      %mul3A_196 = arith.constant 80 : i32
      %mul3A_197 = arith.muli %add3A_195, %mul3A_196 : i32
      %dma_wait3A_198 = tpu.memref_slice %arg8[%mul3A_197] : memref<10000xi32, #tpu.memory_space<vmem>> -> memref<80xi32, #tpu.memory_space<vmem>>
      %dma_wait3A_199 = arith.constant 0 : i32
      %dma_wait3A_200 = arith.constant 0 : i32
      %dma_wait3A_201 = tpu.memref_slice %arg15[%dma_wait3A_199, %dma_wait3A_200] : memref<10240x32xf32, #tpu.memory_space<vmem_shared>> -> memref<10240x32xf32, #tpu.memory_space<vmem_shared>>
      tpu.wait_indirect_dma semaphore(%arg21 : memref<!tpu.dma_semaphore, #tpu.memory_space<semaphore_mem>>) src(%arg9 : memref<80x32xf32, #tpu.memory_space<vmem>>) dst(%dma_wait3A_201 : memref<10240x32xf32, #tpu.memory_space<vmem_shared>>)
      %add3A_202 = arith.constant 5 : i32
      %add3A_203 = arith.addi %mul3A_113, %add3A_202 : i32
      %add3A_204 = arith.constant 0 : i32
      %add3A_205 = arith.addi %add3A_203, %add3A_204 : i32
      %mul3A_206 = arith.constant 80 : i32
      %mul3A_207 = arith.muli %add3A_205, %mul3A_206 : i32
      %dma_start3A_208 = tpu.memref_slice %arg7[%mul3A_207] : memref<10000xi32, #tpu.memory_space<vmem>> -> memref<80xi32, #tpu.memory_space<vmem>>
      %dma_start3A_209 = arith.constant 0 : i32
      %dma_start3A_210 = arith.constant 0 : i32
      %dma_start3A_211 = tpu.memref_slice %arg14[%dma_start3A_209, %dma_start3A_210] : memref<10240x32xf32, #tpu.memory_space<vmem_shared>> -> memref<10240x32xf32, #tpu.memory_space<vmem_shared>>
      tpu.enqueue_indirect_dma source(%dma_start3A_211 : memref<10240x32xf32, #tpu.memory_space<vmem_shared>>) target(%arg9 : memref<80x32xf32, #tpu.memory_space<vmem>>) offsets(%dma_start3A_208 : memref<80xi32, #tpu.memory_space<vmem>>) semaphore(%arg16 : memref<!tpu.dma_semaphore, #tpu.memory_space<semaphore_mem>>)
      %add3A_212 = arith.constant 1 : i32
      %add3A_213 = arith.addi %mul3A_113, %add3A_212 : i32
      %mul3A_214 = arith.constant 80 : i32
      %mul3A_215 = arith.muli %add3A_213, %mul3A_214 : i32
      %dma_wait3A_216 = tpu.memref_slice %arg8[%mul3A_215] : memref<10000xi32, #tpu.memory_space<vmem>> -> memref<80xi32, #tpu.memory_space<vmem>>
      %dma_wait3A_217 = arith.constant 0 : i32
      %dma_wait3A_218 = arith.constant 0 : i32
      %dma_wait3A_219 = tpu.memref_slice %arg15[%dma_wait3A_217, %dma_wait3A_218] : memref<10240x32xf32, #tpu.memory_space<vmem_shared>> -> memref<10240x32xf32, #tpu.memory_space<vmem_shared>>
      tpu.wait_indirect_dma semaphore(%arg22 : memref<!tpu.dma_semaphore, #tpu.memory_space<semaphore_mem>>) src(%arg10 : memref<80x32xf32, #tpu.memory_space<vmem>>) dst(%dma_wait3A_219 : memref<10240x32xf32, #tpu.memory_space<vmem_shared>>)
      %add3A_220 = arith.constant 5 : i32
      %add3A_221 = arith.addi %mul3A_113, %add3A_220 : i32
      %add3A_222 = arith.constant 1 : i32
      %add3A_223 = arith.addi %add3A_221, %add3A_222 : i32
      %mul3A_224 = arith.constant 80 : i32
      %mul3A_225 = arith.muli %add3A_223, %mul3A_224 : i32
      %dma_start3A_226 = tpu.memref_slice %arg7[%mul3A_225] : memref<10000xi32, #tpu.memory_space<vmem>> -> memref<80xi32, #tpu.memory_space<vmem>>
      %dma_start3A_227 = arith.constant 0 : i32
      %dma_start3A_228 = arith.constant 0 : i32
      %dma_start3A_229 = tpu.memref_slice %arg14[%dma_start3A_227, %dma_start3A_228] : memref<10240x32xf32, #tpu.memory_space<vmem_shared>> -> memref<10240x32xf32, #tpu.memory_space<vmem_shared>>
      tpu.enqueue_indirect_dma source(%dma_start3A_229 : memref<10240x32xf32, #tpu.memory_space<vmem_shared>>) target(%arg10 : memref<80x32xf32, #tpu.memory_space<vmem>>) offsets(%dma_start3A_226 : memref<80xi32, #tpu.memory_space<vmem>>) semaphore(%arg17 : memref<!tpu.dma_semaphore, #tpu.memory_space<semaphore_mem>>)
      %add3A_230 = arith.constant 2 : i32
      %add3A_231 = arith.addi %mul3A_113, %add3A_230 : i32
      %mul3A_232 = arith.constant 80 : i32
      %mul3A_233 = arith.muli %add3A_231, %mul3A_232 : i32
      %dma_wait3A_234 = tpu.memref_slice %arg8[%mul3A_233] : memref<10000xi32, #tpu.memory_space<vmem>> -> memref<80xi32, #tpu.memory_space<vmem>>
      %dma_wait3A_235 = arith.constant 0 : i32
      %dma_wait3A_236 = arith.constant 0 : i32
      %dma_wait3A_237 = tpu.memref_slice %arg15[%dma_wait3A_235, %dma_wait3A_236] : memref<10240x32xf32, #tpu.memory_space<vmem_shared>> -> memref<10240x32xf32, #tpu.memory_space<vmem_shared>>
      tpu.wait_indirect_dma semaphore(%arg23 : memref<!tpu.dma_semaphore, #tpu.memory_space<semaphore_mem>>) src(%arg11 : memref<80x32xf32, #tpu.memory_space<vmem>>) dst(%dma_wait3A_237 : memref<10240x32xf32, #tpu.memory_space<vmem_shared>>)
      %add3A_238 = arith.constant 5 : i32
      %add3A_239 = arith.addi %mul3A_113, %add3A_238 : i32
      %add3A_240 = arith.constant 2 : i32
      %add3A_241 = arith.addi %add3A_239, %add3A_240 : i32
      %mul3A_242 = arith.constant 80 : i32
      %mul3A_243 = arith.muli %add3A_241, %mul3A_242 : i32
      %dma_start3A_244 = tpu.memref_slice %arg7[%mul3A_243] : memref<10000xi32, #tpu.memory_space<vmem>> -> memref<80xi32, #tpu.memory_space<vmem>>
      %dma_start3A_245 = arith.constant 0 : i32
      %dma_start3A_246 = arith.constant 0 : i32
      %dma_start3A_247 = tpu.memref_slice %arg14[%dma_start3A_245, %dma_start3A_246] : memref<10240x32xf32, #tpu.memory_space<vmem_shared>> -> memref<10240x32xf32, #tpu.memory_space<vmem_shared>>
      tpu.enqueue_indirect_dma source(%dma_start3A_247 : memref<10240x32xf32, #tpu.memory_space<vmem_shared>>) target(%arg11 : memref<80x32xf32, #tpu.memory_space<vmem>>) offsets(%dma_start3A_244 : memref<80xi32, #tpu.memory_space<vmem>>) semaphore(%arg18 : memref<!tpu.dma_semaphore, #tpu.memory_space<semaphore_mem>>)
      %add3A_248 = arith.constant 3 : i32
      %add3A_249 = arith.addi %mul3A_113, %add3A_248 : i32
      %mul3A_250 = arith.constant 80 : i32
      %mul3A_251 = arith.muli %add3A_249, %mul3A_250 : i32
      %dma_wait3A_252 = tpu.memref_slice %arg8[%mul3A_251] : memref<10000xi32, #tpu.memory_space<vmem>> -> memref<80xi32, #tpu.memory_space<vmem>>
      %dma_wait3A_253 = arith.constant 0 : i32
      %dma_wait3A_254 = arith.constant 0 : i32
      %dma_wait3A_255 = tpu.memref_slice %arg15[%dma_wait3A_253, %dma_wait3A_254] : memref<10240x32xf32, #tpu.memory_space<vmem_shared>> -> memref<10240x32xf32, #tpu.memory_space<vmem_shared>>
      tpu.wait_indirect_dma semaphore(%arg24 : memref<!tpu.dma_semaphore, #tpu.memory_space<semaphore_mem>>) src(%arg12 : memref<80x32xf32, #tpu.memory_space<vmem>>) dst(%dma_wait3A_255 : memref<10240x32xf32, #tpu.memory_space<vmem_shared>>)
      %add3A_256 = arith.constant 5 : i32
      %add3A_257 = arith.addi %mul3A_113, %add3A_256 : i32
      %add3A_258 = arith.constant 3 : i32
      %add3A_259 = arith.addi %add3A_257, %add3A_258 : i32
      %mul3A_260 = arith.constant 80 : i32
      %mul3A_261 = arith.muli %add3A_259, %mul3A_260 : i32
      %dma_start3A_262 = tpu.memref_slice %arg7[%mul3A_261] : memref<10000xi32, #tpu.memory_space<vmem>> -> memref<80xi32, #tpu.memory_space<vmem>>
      %dma_start3A_263 = arith.constant 0 : i32
      %dma_start3A_264 = arith.constant 0 : i32
      %dma_start3A_265 = tpu.memref_slice %arg14[%dma_start3A_263, %dma_start3A_264] : memref<10240x32xf32, #tpu.memory_space<vmem_shared>> -> memref<10240x32xf32, #tpu.memory_space<vmem_shared>>
      tpu.enqueue_indirect_dma source(%dma_start3A_265 : memref<10240x32xf32, #tpu.memory_space<vmem_shared>>) target(%arg12 : memref<80x32xf32, #tpu.memory_space<vmem>>) offsets(%dma_start3A_262 : memref<80xi32, #tpu.memory_space<vmem>>) semaphore(%arg19 : memref<!tpu.dma_semaphore, #tpu.memory_space<semaphore_mem>>)
      %add3A_266 = arith.constant 4 : i32
      %add3A_267 = arith.addi %mul3A_113, %add3A_266 : i32
      %mul3A_268 = arith.constant 80 : i32
      %mul3A_269 = arith.muli %add3A_267, %mul3A_268 : i32
      %dma_wait3A_270 = tpu.memref_slice %arg8[%mul3A_269] : memref<10000xi32, #tpu.memory_space<vmem>> -> memref<80xi32, #tpu.memory_space<vmem>>
      %dma_wait3A_271 = arith.constant 0 : i32
      %dma_wait3A_272 = arith.constant 0 : i32
      %dma_wait3A_273 = tpu.memref_slice %arg15[%dma_wait3A_271, %dma_wait3A_272] : memref<10240x32xf32, #tpu.memory_space<vmem_shared>> -> memref<10240x32xf32, #tpu.memory_space<vmem_shared>>
      tpu.wait_indirect_dma semaphore(%arg25 : memref<!tpu.dma_semaphore, #tpu.memory_space<semaphore_mem>>) src(%arg13 : memref<80x32xf32, #tpu.memory_space<vmem>>) dst(%dma_wait3A_273 : memref<10240x32xf32, #tpu.memory_space<vmem_shared>>)
      %add3A_274 = arith.constant 5 : i32
      %add3A_275 = arith.addi %mul3A_113, %add3A_274 : i32
      %add3A_276 = arith.constant 4 : i32
      %add3A_277 = arith.addi %add3A_275, %add3A_276 : i32
      %mul3A_278 = arith.constant 80 : i32
      %mul3A_279 = arith.muli %add3A_277, %mul3A_278 : i32
      %dma_start3A_280 = tpu.memref_slice %arg7[%mul3A_279] : memref<10000xi32, #tpu.memory_space<vmem>> -> memref<80xi32, #tpu.memory_space<vmem>>
      %dma_start3A_281 = arith.constant 0 : i32
      %dma_start3A_282 = arith.constant 0 : i32
      %dma_start3A_283 = tpu.memref_slice %arg14[%dma_start3A_281, %dma_start3A_282] : memref<10240x32xf32, #tpu.memory_space<vmem_shared>> -> memref<10240x32xf32, #tpu.memory_space<vmem_shared>>
      tpu.enqueue_indirect_dma source(%dma_start3A_283 : memref<10240x32xf32, #tpu.memory_space<vmem_shared>>) target(%arg13 : memref<80x32xf32, #tpu.memory_space<vmem>>) offsets(%dma_start3A_280 : memref<80xi32, #tpu.memory_space<vmem>>) semaphore(%arg20 : memref<!tpu.dma_semaphore, #tpu.memory_space<semaphore_mem>>)
    }
    %scan3A_35 = arith.constant 24 : i32
    %dma_wait3A = arith.constant 9600 : i32
    %dma_wait3A_36 = tpu.memref_slice %arg7[%dma_wait3A] : memref<10000xi32, #tpu.memory_space<vmem>> -> memref<80xi32, #tpu.memory_space<vmem>>
    %dma_wait3A_37 = arith.constant 0 : i32
    %dma_wait3A_38 = arith.constant 0 : i32
    %dma_wait3A_39 = tpu.memref_slice %arg14[%dma_wait3A_37, %dma_wait3A_38] : memref<10240x32xf32, #tpu.memory_space<vmem_shared>> -> memref<10240x32xf32, #tpu.memory_space<vmem_shared>>
    tpu.wait_indirect_dma semaphore(%arg16 : memref<!tpu.dma_semaphore, #tpu.memory_space<semaphore_mem>>) src(%dma_wait3A_39 : memref<10240x32xf32, #tpu.memory_space<vmem_shared>>) dst(%arg9 : memref<80x32xf32, #tpu.memory_space<vmem>>)
    %dma_start3A_40 = arith.constant 9600 : i32
    %dma_start3A_41 = tpu.memref_slice %arg8[%dma_start3A_40] : memref<10000xi32, #tpu.memory_space<vmem>> -> memref<80xi32, #tpu.memory_space<vmem>>
    %dma_start3A_42 = arith.constant 0 : i32
    %dma_start3A_43 = arith.constant 0 : i32
    %dma_start3A_44 = tpu.memref_slice %arg15[%dma_start3A_42, %dma_start3A_43] : memref<10240x32xf32, #tpu.memory_space<vmem_shared>> -> memref<10240x32xf32, #tpu.memory_space<vmem_shared>>
    tpu.enqueue_indirect_dma source(%arg9 : memref<80x32xf32, #tpu.memory_space<vmem>>) target(%dma_start3A_44 : memref<10240x32xf32, #tpu.memory_space<vmem_shared>>) offsets(%dma_start3A_41 : memref<80xi32, #tpu.memory_space<vmem>>) semaphore(%arg21 : memref<!tpu.dma_semaphore, #tpu.memory_space<semaphore_mem>>) {add = true}
    %dma_wait3A_45 = arith.constant 9680 : i32
    %dma_wait3A_46 = tpu.memref_slice %arg7[%dma_wait3A_45] : memref<10000xi32, #tpu.memory_space<vmem>> -> memref<80xi32, #tpu.memory_space<vmem>>
    %dma_wait3A_47 = arith.constant 0 : i32
    %dma_wait3A_48 = arith.constant 0 : i32
    %dma_wait3A_49 = tpu.memref_slice %arg14[%dma_wait3A_47, %dma_wait3A_48] : memref<10240x32xf32, #tpu.memory_space<vmem_shared>> -> memref<10240x32xf32, #tpu.memory_space<vmem_shared>>
    tpu.wait_indirect_dma semaphore(%arg17 : memref<!tpu.dma_semaphore, #tpu.memory_space<semaphore_mem>>) src(%dma_wait3A_49 : memref<10240x32xf32, #tpu.memory_space<vmem_shared>>) dst(%arg10 : memref<80x32xf32, #tpu.memory_space<vmem>>)
    %dma_start3A_50 = arith.constant 9680 : i32
    %dma_start3A_51 = tpu.memref_slice %arg8[%dma_start3A_50] : memref<10000xi32, #tpu.memory_space<vmem>> -> memref<80xi32, #tpu.memory_space<vmem>>
    %dma_start3A_52 = arith.constant 0 : i32
    %dma_start3A_53 = arith.constant 0 : i32
    %dma_start3A_54 = tpu.memref_slice %arg15[%dma_start3A_52, %dma_start3A_53] : memref<10240x32xf32, #tpu.memory_space<vmem_shared>> -> memref<10240x32xf32, #tpu.memory_space<vmem_shared>>
    tpu.enqueue_indirect_dma source(%arg10 : memref<80x32xf32, #tpu.memory_space<vmem>>) target(%dma_start3A_54 : memref<10240x32xf32, #tpu.memory_space<vmem_shared>>) offsets(%dma_start3A_51 : memref<80xi32, #tpu.memory_space<vmem>>) semaphore(%arg22 : memref<!tpu.dma_semaphore, #tpu.memory_space<semaphore_mem>>) {add = true}
    %dma_wait3A_55 = arith.constant 9760 : i32
    %dma_wait3A_56 = tpu.memref_slice %arg7[%dma_wait3A_55] : memref<10000xi32, #tpu.memory_space<vmem>> -> memref<80xi32, #tpu.memory_space<vmem>>
    %dma_wait3A_57 = arith.constant 0 : i32
    %dma_wait3A_58 = arith.constant 0 : i32
    %dma_wait3A_59 = tpu.memref_slice %arg14[%dma_wait3A_57, %dma_wait3A_58] : memref<10240x32xf32, #tpu.memory_space<vmem_shared>> -> memref<10240x32xf32, #tpu.memory_space<vmem_shared>>
    tpu.wait_indirect_dma semaphore(%arg18 : memref<!tpu.dma_semaphore, #tpu.memory_space<semaphore_mem>>) src(%dma_wait3A_59 : memref<10240x32xf32, #tpu.memory_space<vmem_shared>>) dst(%arg11 : memref<80x32xf32, #tpu.memory_space<vmem>>)
    %dma_start3A_60 = arith.constant 9760 : i32
    %dma_start3A_61 = tpu.memref_slice %arg8[%dma_start3A_60] : memref<10000xi32, #tpu.memory_space<vmem>> -> memref<80xi32, #tpu.memory_space<vmem>>
    %dma_start3A_62 = arith.constant 0 : i32
    %dma_start3A_63 = arith.constant 0 : i32
    %dma_start3A_64 = tpu.memref_slice %arg15[%dma_start3A_62, %dma_start3A_63] : memref<10240x32xf32, #tpu.memory_space<vmem_shared>> -> memref<10240x32xf32, #tpu.memory_space<vmem_shared>>
    tpu.enqueue_indirect_dma source(%arg11 : memref<80x32xf32, #tpu.memory_space<vmem>>) target(%dma_start3A_64 : memref<10240x32xf32, #tpu.memory_space<vmem_shared>>) offsets(%dma_start3A_61 : memref<80xi32, #tpu.memory_space<vmem>>) semaphore(%arg23 : memref<!tpu.dma_semaphore, #tpu.memory_space<semaphore_mem>>) {add = true}
    %dma_wait3A_65 = arith.constant 9840 : i32
    %dma_wait3A_66 = tpu.memref_slice %arg7[%dma_wait3A_65] : memref<10000xi32, #tpu.memory_space<vmem>> -> memref<80xi32, #tpu.memory_space<vmem>>
    %dma_wait3A_67 = arith.constant 0 : i32
    %dma_wait3A_68 = arith.constant 0 : i32
    %dma_wait3A_69 = tpu.memref_slice %arg14[%dma_wait3A_67, %dma_wait3A_68] : memref<10240x32xf32, #tpu.memory_space<vmem_shared>> -> memref<10240x32xf32, #tpu.memory_space<vmem_shared>>
    tpu.wait_indirect_dma semaphore(%arg19 : memref<!tpu.dma_semaphore, #tpu.memory_space<semaphore_mem>>) src(%dma_wait3A_69 : memref<10240x32xf32, #tpu.memory_space<vmem_shared>>) dst(%arg12 : memref<80x32xf32, #tpu.memory_space<vmem>>)
    %dma_start3A_70 = arith.constant 9840 : i32
    %dma_start3A_71 = tpu.memref_slice %arg8[%dma_start3A_70] : memref<10000xi32, #tpu.memory_space<vmem>> -> memref<80xi32, #tpu.memory_space<vmem>>
    %dma_start3A_72 = arith.constant 0 : i32
    %dma_start3A_73 = arith.constant 0 : i32
    %dma_start3A_74 = tpu.memref_slice %arg15[%dma_start3A_72, %dma_start3A_73] : memref<10240x32xf32, #tpu.memory_space<vmem_shared>> -> memref<10240x32xf32, #tpu.memory_space<vmem_shared>>
    tpu.enqueue_indirect_dma source(%arg12 : memref<80x32xf32, #tpu.memory_space<vmem>>) target(%dma_start3A_74 : memref<10240x32xf32, #tpu.memory_space<vmem_shared>>) offsets(%dma_start3A_71 : memref<80xi32, #tpu.memory_space<vmem>>) semaphore(%arg24 : memref<!tpu.dma_semaphore, #tpu.memory_space<semaphore_mem>>) {add = true}
    %dma_wait3A_75 = arith.constant 9920 : i32
    %dma_wait3A_76 = tpu.memref_slice %arg7[%dma_wait3A_75] : memref<10000xi32, #tpu.memory_space<vmem>> -> memref<80xi32, #tpu.memory_space<vmem>>
    %dma_wait3A_77 = arith.constant 0 : i32
    %dma_wait3A_78 = arith.constant 0 : i32
    %dma_wait3A_79 = tpu.memref_slice %arg14[%dma_wait3A_77, %dma_wait3A_78] : memref<10240x32xf32, #tpu.memory_space<vmem_shared>> -> memref<10240x32xf32, #tpu.memory_space<vmem_shared>>
    tpu.wait_indirect_dma semaphore(%arg20 : memref<!tpu.dma_semaphore, #tpu.memory_space<semaphore_mem>>) src(%dma_wait3A_79 : memref<10240x32xf32, #tpu.memory_space<vmem_shared>>) dst(%arg13 : memref<80x32xf32, #tpu.memory_space<vmem>>)
    %dma_start3A_80 = arith.constant 9920 : i32
    %dma_start3A_81 = tpu.memref_slice %arg8[%dma_start3A_80] : memref<10000xi32, #tpu.memory_space<vmem>> -> memref<80xi32, #tpu.memory_space<vmem>>
    %dma_start3A_82 = arith.constant 0 : i32
    %dma_start3A_83 = arith.constant 0 : i32
    %dma_start3A_84 = tpu.memref_slice %arg15[%dma_start3A_82, %dma_start3A_83] : memref<10240x32xf32, #tpu.memory_space<vmem_shared>> -> memref<10240x32xf32, #tpu.memory_space<vmem_shared>>
    tpu.enqueue_indirect_dma source(%arg13 : memref<80x32xf32, #tpu.memory_space<vmem>>) target(%dma_start3A_84 : memref<10240x32xf32, #tpu.memory_space<vmem_shared>>) offsets(%dma_start3A_81 : memref<80xi32, #tpu.memory_space<vmem>>) semaphore(%arg25 : memref<!tpu.dma_semaphore, #tpu.memory_space<semaphore_mem>>) {add = true}
    %dma_wait3A_85 = arith.constant 9600 : i32
    %dma_wait3A_86 = tpu.memref_slice %arg8[%dma_wait3A_85] : memref<10000xi32, #tpu.memory_space<vmem>> -> memref<80xi32, #tpu.memory_space<vmem>>
    %dma_wait3A_87 = arith.constant 0 : i32
    %dma_wait3A_88 = arith.constant 0 : i32
    %dma_wait3A_89 = tpu.memref_slice %arg15[%dma_wait3A_87, %dma_wait3A_88] : memref<10240x32xf32, #tpu.memory_space<vmem_shared>> -> memref<10240x32xf32, #tpu.memory_space<vmem_shared>>
    tpu.wait_indirect_dma semaphore(%arg21 : memref<!tpu.dma_semaphore, #tpu.memory_space<semaphore_mem>>) src(%arg9 : memref<80x32xf32, #tpu.memory_space<vmem>>) dst(%dma_wait3A_89 : memref<10240x32xf32, #tpu.memory_space<vmem_shared>>)
    %dma_wait3A_90 = arith.constant 9680 : i32
    %dma_wait3A_91 = tpu.memref_slice %arg8[%dma_wait3A_90] : memref<10000xi32, #tpu.memory_space<vmem>> -> memref<80xi32, #tpu.memory_space<vmem>>
    %dma_wait3A_92 = arith.constant 0 : i32
    %dma_wait3A_93 = arith.constant 0 : i32
    %dma_wait3A_94 = tpu.memref_slice %arg15[%dma_wait3A_92, %dma_wait3A_93] : memref<10240x32xf32, #tpu.memory_space<vmem_shared>> -> memref<10240x32xf32, #tpu.memory_space<vmem_shared>>
    tpu.wait_indirect_dma semaphore(%arg22 : memref<!tpu.dma_semaphore, #tpu.memory_space<semaphore_mem>>) src(%arg10 : memref<80x32xf32, #tpu.memory_space<vmem>>) dst(%dma_wait3A_94 : memref<10240x32xf32, #tpu.memory_space<vmem_shared>>)
    %dma_wait3A_95 = arith.constant 9760 : i32
    %dma_wait3A_96 = tpu.memref_slice %arg8[%dma_wait3A_95] : memref<10000xi32, #tpu.memory_space<vmem>> -> memref<80xi32, #tpu.memory_space<vmem>>
    %dma_wait3A_97 = arith.constant 0 : i32
    %dma_wait3A_98 = arith.constant 0 : i32
    %dma_wait3A_99 = tpu.memref_slice %arg15[%dma_wait3A_97, %dma_wait3A_98] : memref<10240x32xf32, #tpu.memory_space<vmem_shared>> -> memref<10240x32xf32, #tpu.memory_space<vmem_shared>>
    tpu.wait_indirect_dma semaphore(%arg23 : memref<!tpu.dma_semaphore, #tpu.memory_space<semaphore_mem>>) src(%arg11 : memref<80x32xf32, #tpu.memory_space<vmem>>) dst(%dma_wait3A_99 : memref<10240x32xf32, #tpu.memory_space<vmem_shared>>)
    %dma_wait3A_100 = arith.constant 9840 : i32
    %dma_wait3A_101 = tpu.memref_slice %arg8[%dma_wait3A_100] : memref<10000xi32, #tpu.memory_space<vmem>> -> memref<80xi32, #tpu.memory_space<vmem>>
    %dma_wait3A_102 = arith.constant 0 : i32
    %dma_wait3A_103 = arith.constant 0 : i32
    %dma_wait3A_104 = tpu.memref_slice %arg15[%dma_wait3A_102, %dma_wait3A_103] : memref<10240x32xf32, #tpu.memory_space<vmem_shared>> -> memref<10240x32xf32, #tpu.memory_space<vmem_shared>>
    tpu.wait_indirect_dma semaphore(%arg24 : memref<!tpu.dma_semaphore, #tpu.memory_space<semaphore_mem>>) src(%arg12 : memref<80x32xf32, #tpu.memory_space<vmem>>) dst(%dma_wait3A_104 : memref<10240x32xf32, #tpu.memory_space<vmem_shared>>)
    %dma_wait3A_105 = arith.constant 9920 : i32
    %dma_wait3A_106 = tpu.memref_slice %arg8[%dma_wait3A_105] : memref<10000xi32, #tpu.memory_space<vmem>> -> memref<80xi32, #tpu.memory_space<vmem>>
    %dma_wait3A_107 = arith.constant 0 : i32
    %dma_wait3A_108 = arith.constant 0 : i32
    %dma_wait3A_109 = tpu.memref_slice %arg15[%dma_wait3A_107, %dma_wait3A_108] : memref<10240x32xf32, #tpu.memory_space<vmem_shared>> -> memref<10240x32xf32, #tpu.memory_space<vmem_shared>>
    tpu.wait_indirect_dma semaphore(%arg25 : memref<!tpu.dma_semaphore, #tpu.memory_space<semaphore_mem>>) src(%arg13 : memref<80x32xf32, #tpu.memory_space<vmem>>) dst(%dma_wait3A_109 : memref<10240x32xf32, #tpu.memory_space<vmem_shared>>)
    %barrier3A_110 = arith.constant 0 : index
    tpu.barrier barrier_id(%barrier3A_110)
    "tpu.region"() ({
      %run_scoped3A = tpu.sem_alloc : memref<!tpu.dma_semaphore, #tpu.memory_space<semaphore_mem>>
      %dma_start3A_111 = arith.constant 0 : i32
      %dma_start3A_112 = tpu.memref_slice %arg6[%arg0, %mul3A_2, %dma_start3A_111] : memref<2x10240x32xf32, #tpu.memory_space<hbm>> -> memref<1x640x32xf32, #tpu.memory_space<hbm>>
      %dma_start3A_113 = tpu.memref_squeeze %dma_start3A_112 : memref<1x640x32xf32, #tpu.memory_space<hbm>> -> memref<640x32xf32, #tpu.memory_space<hbm>>
      %dma_start3A_114 = arith.constant 0 : i32
      %dma_start3A_115 = tpu.memref_slice %arg15[%mul3A_2, %dma_start3A_114] : memref<10240x32xf32, #tpu.memory_space<vmem_shared>> -> memref<640x32xf32, #tpu.memory_space<vmem_shared>>
      tpu.enqueue_dma source(%dma_start3A_115 : memref<640x32xf32, #tpu.memory_space<vmem_shared>>) target(%dma_start3A_113 : memref<640x32xf32, #tpu.memory_space<hbm>>) target_semaphore(%run_scoped3A : memref<!tpu.dma_semaphore, #tpu.memory_space<semaphore_mem>>)
      %dma_wait3A_116 = arith.constant 0 : i32
      %dma_wait3A_117 = tpu.memref_slice %arg6[%arg0, %mul3A_2, %dma_wait3A_116] : memref<2x10240x32xf32, #tpu.memory_space<hbm>> -> memref<1x640x32xf32, #tpu.memory_space<hbm>>
      %dma_wait3A_118 = tpu.memref_squeeze %dma_wait3A_117 : memref<1x640x32xf32, #tpu.memory_space<hbm>> -> memref<640x32xf32, #tpu.memory_space<hbm>>
      %dma_wait3A_119 = arith.constant 0 : i32
      %dma_wait3A_120 = tpu.memref_slice %arg15[%mul3A_2, %dma_wait3A_119] : memref<10240x32xf32, #tpu.memory_space<vmem_shared>> -> memref<640x32xf32, #tpu.memory_space<vmem_shared>>
      tpu.wait_dma2 semaphore(%run_scoped3A : memref<!tpu.dma_semaphore, #tpu.memory_space<semaphore_mem>>) src(%dma_wait3A_120 : memref<640x32xf32, #tpu.memory_space<vmem_shared>>) dst(%dma_wait3A_118 : memref<640x32xf32, #tpu.memory_space<hbm>>)
      tpu.yield
    }) : () -> ()
    return
  }
}

#map = affine_map<(d0, d1) -> (0, 0)>
#map1 = affine_map<(d0, d1) -> (0)>
#map2 = affine_map<(d0, d1) -> (0, 0, 0)>
module attributes {stable_mosaic.version = 14 : i64} {
  func.func @round_kernel(%arg0: i32, %arg1: i32, %arg2: memref<10240x32xf32, #tpu.memory_space<hbm>>, %arg3: memref<320000xi32, #tpu.memory_space<hbm>>, %arg4: memref<320000xi32, #tpu.memory_space<hbm>>, %arg5: memref<10240x32xf32, #tpu.memory_space<hbm>>, %arg6: memref<2x10240x32xf32, #tpu.memory_space<hbm>>, %arg7: memref<10000xi32, #tpu.memory_space<vmem>>, %arg8: memref<10000xi32, #tpu.memory_space<vmem>>, %arg9: memref<80x32xf32, #tpu.memory_space<vmem>>, %arg10: memref<80x32xf32, #tpu.memory_space<vmem>>, %arg11: memref<80x32xf32, #tpu.memory_space<vmem>>, %arg12: memref<80x32xf32, #tpu.memory_space<vmem>>, %arg13: memref<80x32xf32, #tpu.memory_space<vmem>>, %arg14: memref<10240x32xf32, #tpu.memory_space<vmem_shared>>, %arg15: memref<10240x32xf32, #tpu.memory_space<vmem_shared>>, %arg16: memref<!tpu.dma_semaphore, #tpu.memory_space<semaphore_mem>>, %arg17: memref<!tpu.dma_semaphore, #tpu.memory_space<semaphore_mem>>, %arg18: memref<!tpu.dma_semaphore, #tpu.memory_space<semaphore_mem>>, %arg19: memref<!tpu.dma_semaphore, #tpu.memory_space<semaphore_mem>>, %arg20: memref<!tpu.dma_semaphore, #tpu.memory_space<semaphore_mem>>, %arg21: memref<!tpu.dma_semaphore, #tpu.memory_space<semaphore_mem>>, %arg22: memref<!tpu.dma_semaphore, #tpu.memory_space<semaphore_mem>>, %arg23: memref<!tpu.dma_semaphore, #tpu.memory_space<semaphore_mem>>, %arg24: memref<!tpu.dma_semaphore, #tpu.memory_space<semaphore_mem>>, %arg25: memref<!tpu.dma_semaphore, #tpu.memory_space<semaphore_mem>>) attributes {dimension_semantics = [#tpu.dimension_semantics<core_parallel>, #tpu.dimension_semantics<subcore_parallel>], iteration_bounds = array<i64: 2, 16>, scalar_prefetch = 0 : i64, scratch_operands = 19 : i64, tpu.core_type = #tpu.core_type<sc_vector_subcore>, window_params = [{transform_indices = #map}, {transform_indices = #map1}, {transform_indices = #map1}, {transform_indices = #map}, {transform_indices = #map2}]} {
    %mul3A = arith.constant 2 : i32
    %mul3A_0 = arith.muli %arg1, %mul3A : i32
    %add3A = arith.addi %mul3A_0, %arg0 : i32
    %mul3A_1 = arith.constant 640 : i32
    %mul3A_2 = arith.muli %arg1, %mul3A_1 : i32
    %mul3A_3 = arith.constant 10000 : i32
    %mul3A_4 = arith.muli %add3A, %mul3A_3 : i32
    "tpu.region"() ({
      %run_scoped3A = tpu.sem_alloc : memref<!tpu.dma_semaphore, #tpu.memory_space<semaphore_mem>>
      %dma_start3A_111 = tpu.memref_slice %arg3[%mul3A_4] : memref<320000xi32, #tpu.memory_space<hbm>> -> memref<10000xi32, #tpu.memory_space<hbm>>
      %dma_start3A_112 = tpu.memref_slice %arg3[%mul3A_4] : memref<320000xi32, #tpu.memory_space<hbm>> -> memref<10000xi32, #tpu.memory_space<hbm>>
      tpu.enqueue_dma source(%dma_start3A_112 : memref<10000xi32, #tpu.memory_space<hbm>>) target(%arg7 : memref<10000xi32, #tpu.memory_space<vmem>>) target_semaphore(%run_scoped3A : memref<!tpu.dma_semaphore, #tpu.memory_space<semaphore_mem>>)
      %dma_wait3A_113 = tpu.memref_slice %arg3[%mul3A_4] : memref<320000xi32, #tpu.memory_space<hbm>> -> memref<10000xi32, #tpu.memory_space<hbm>>
      %dma_wait3A_114 = tpu.memref_slice %arg3[%mul3A_4] : memref<320000xi32, #tpu.memory_space<hbm>> -> memref<10000xi32, #tpu.memory_space<hbm>>
      tpu.wait_dma2 semaphore(%run_scoped3A : memref<!tpu.dma_semaphore, #tpu.memory_space<semaphore_mem>>) src(%dma_wait3A_114 : memref<10000xi32, #tpu.memory_space<hbm>>) dst(%arg7 : memref<10000xi32, #tpu.memory_space<vmem>>)
      tpu.yield
    }) : () -> ()
    %mul3A_5 = arith.constant 10000 : i32
    %mul3A_6 = arith.muli %add3A, %mul3A_5 : i32
    "tpu.region"() ({
      %run_scoped3A = tpu.sem_alloc : memref<!tpu.dma_semaphore, #tpu.memory_space<semaphore_mem>>
      %dma_start3A_111 = tpu.memref_slice %arg4[%mul3A_6] : memref<320000xi32, #tpu.memory_space<hbm>> -> memref<10000xi32, #tpu.memory_space<hbm>>
      %dma_start3A_112 = tpu.memref_slice %arg4[%mul3A_6] : memref<320000xi32, #tpu.memory_space<hbm>> -> memref<10000xi32, #tpu.memory_space<hbm>>
      tpu.enqueue_dma source(%dma_start3A_112 : memref<10000xi32, #tpu.memory_space<hbm>>) target(%arg8 : memref<10000xi32, #tpu.memory_space<vmem>>) target_semaphore(%run_scoped3A : memref<!tpu.dma_semaphore, #tpu.memory_space<semaphore_mem>>)
      %dma_wait3A_113 = tpu.memref_slice %arg4[%mul3A_6] : memref<320000xi32, #tpu.memory_space<hbm>> -> memref<10000xi32, #tpu.memory_space<hbm>>
      %dma_wait3A_114 = tpu.memref_slice %arg4[%mul3A_6] : memref<320000xi32, #tpu.memory_space<hbm>> -> memref<10000xi32, #tpu.memory_space<hbm>>
      tpu.wait_dma2 semaphore(%run_scoped3A : memref<!tpu.dma_semaphore, #tpu.memory_space<semaphore_mem>>) src(%dma_wait3A_114 : memref<10000xi32, #tpu.memory_space<hbm>>) dst(%arg8 : memref<10000xi32, #tpu.memory_space<vmem>>)
      tpu.yield
    }) : () -> ()
    "tpu.region"() ({
      %run_scoped3A = tpu.sem_alloc : memref<!tpu.dma_semaphore, #tpu.memory_space<semaphore_mem>>
      %dma_start3A_111 = arith.constant 0 : i32
      %dma_start3A_112 = tpu.memref_slice %arg14[%mul3A_2, %dma_start3A_111] : memref<10240x32xf32, #tpu.memory_space<vmem_shared>> -> memref<640x32xf32, #tpu.memory_space<vmem_shared>>
      %dma_start3A_113 = arith.constant 0 : i32
      %dma_start3A_114 = tpu.memref_slice %arg2[%mul3A_2, %dma_start3A_113] : memref<10240x32xf32, #tpu.memory_space<hbm>> -> memref<640x32xf32, #tpu.memory_space<hbm>>
      tpu.enqueue_dma source(%dma_start3A_114 : memref<640x32xf32, #tpu.memory_space<hbm>>) target(%dma_start3A_112 : memref<640x32xf32, #tpu.memory_space<vmem_shared>>) target_semaphore(%run_scoped3A : memref<!tpu.dma_semaphore, #tpu.memory_space<semaphore_mem>>)
      %dma_wait3A_115 = arith.constant 0 : i32
      %dma_wait3A_116 = tpu.memref_slice %arg14[%mul3A_2, %dma_wait3A_115] : memref<10240x32xf32, #tpu.memory_space<vmem_shared>> -> memref<640x32xf32, #tpu.memory_space<vmem_shared>>
      %dma_wait3A_117 = arith.constant 0 : i32
      %dma_wait3A_118 = tpu.memref_slice %arg2[%mul3A_2, %dma_wait3A_117] : memref<10240x32xf32, #tpu.memory_space<hbm>> -> memref<640x32xf32, #tpu.memory_space<hbm>>
      tpu.wait_dma2 semaphore(%run_scoped3A : memref<!tpu.dma_semaphore, #tpu.memory_space<semaphore_mem>>) src(%dma_wait3A_118 : memref<640x32xf32, #tpu.memory_space<hbm>>) dst(%dma_wait3A_116 : memref<640x32xf32, #tpu.memory_space<vmem_shared>>)
      tpu.yield
    }) : () -> ()
    "tpu.region"() ({
      %run_scoped3A = tpu.sem_alloc : memref<!tpu.dma_semaphore, #tpu.memory_space<semaphore_mem>>
      %dma_start3A_111 = arith.constant 0 : i32
      %dma_start3A_112 = tpu.memref_slice %arg15[%mul3A_2, %dma_start3A_111] : memref<10240x32xf32, #tpu.memory_space<vmem_shared>> -> memref<640x32xf32, #tpu.memory_space<vmem_shared>>
      %dma_start3A_113 = arith.constant 0 : i32
      %dma_start3A_114 = tpu.memref_slice %arg5[%mul3A_2, %dma_start3A_113] : memref<10240x32xf32, #tpu.memory_space<hbm>> -> memref<640x32xf32, #tpu.memory_space<hbm>>
      tpu.enqueue_dma source(%dma_start3A_114 : memref<640x32xf32, #tpu.memory_space<hbm>>) target(%dma_start3A_112 : memref<640x32xf32, #tpu.memory_space<vmem_shared>>) target_semaphore(%run_scoped3A : memref<!tpu.dma_semaphore, #tpu.memory_space<semaphore_mem>>)
      %dma_wait3A_115 = arith.constant 0 : i32
      %dma_wait3A_116 = tpu.memref_slice %arg15[%mul3A_2, %dma_wait3A_115] : memref<10240x32xf32, #tpu.memory_space<vmem_shared>> -> memref<640x32xf32, #tpu.memory_space<vmem_shared>>
      %dma_wait3A_117 = arith.constant 0 : i32
      %dma_wait3A_118 = tpu.memref_slice %arg5[%mul3A_2, %dma_wait3A_117] : memref<10240x32xf32, #tpu.memory_space<hbm>> -> memref<640x32xf32, #tpu.memory_space<hbm>>
      tpu.wait_dma2 semaphore(%run_scoped3A : memref<!tpu.dma_semaphore, #tpu.memory_space<semaphore_mem>>) src(%dma_wait3A_118 : memref<640x32xf32, #tpu.memory_space<hbm>>) dst(%dma_wait3A_116 : memref<640x32xf32, #tpu.memory_space<vmem_shared>>)
      tpu.yield
    }) : () -> ()
    %barrier3A = arith.constant 0 : index
    tpu.barrier barrier_id(%barrier3A)
    %dma_start3A = arith.constant 0 : i32
    %dma_start3A_7 = tpu.memref_slice %arg7[%dma_start3A] : memref<10000xi32, #tpu.memory_space<vmem>> -> memref<80xi32, #tpu.memory_space<vmem>>
    %dma_start3A_8 = arith.constant 0 : i32
    %dma_start3A_9 = arith.constant 0 : i32
    %dma_start3A_10 = tpu.memref_slice %arg14[%dma_start3A_8, %dma_start3A_9] : memref<10240x32xf32, #tpu.memory_space<vmem_shared>> -> memref<10240x32xf32, #tpu.memory_space<vmem_shared>>
    tpu.enqueue_indirect_dma source(%dma_start3A_10 : memref<10240x32xf32, #tpu.memory_space<vmem_shared>>) target(%arg9 : memref<80x32xf32, #tpu.memory_space<vmem>>) offsets(%dma_start3A_7 : memref<80xi32, #tpu.memory_space<vmem>>) semaphore(%arg16 : memref<!tpu.dma_semaphore, #tpu.memory_space<semaphore_mem>>)
    %dma_start3A_11 = arith.constant 80 : i32
    %dma_start3A_12 = tpu.memref_slice %arg7[%dma_start3A_11] : memref<10000xi32, #tpu.memory_space<vmem>> -> memref<80xi32, #tpu.memory_space<vmem>>
    %dma_start3A_13 = arith.constant 0 : i32
    %dma_start3A_14 = arith.constant 0 : i32
    %dma_start3A_15 = tpu.memref_slice %arg14[%dma_start3A_13, %dma_start3A_14] : memref<10240x32xf32, #tpu.memory_space<vmem_shared>> -> memref<10240x32xf32, #tpu.memory_space<vmem_shared>>
    tpu.enqueue_indirect_dma source(%dma_start3A_15 : memref<10240x32xf32, #tpu.memory_space<vmem_shared>>) target(%arg10 : memref<80x32xf32, #tpu.memory_space<vmem>>) offsets(%dma_start3A_12 : memref<80xi32, #tpu.memory_space<vmem>>) semaphore(%arg17 : memref<!tpu.dma_semaphore, #tpu.memory_space<semaphore_mem>>)
    %dma_start3A_16 = arith.constant 160 : i32
    %dma_start3A_17 = tpu.memref_slice %arg7[%dma_start3A_16] : memref<10000xi32, #tpu.memory_space<vmem>> -> memref<80xi32, #tpu.memory_space<vmem>>
    %dma_start3A_18 = arith.constant 0 : i32
    %dma_start3A_19 = arith.constant 0 : i32
    %dma_start3A_20 = tpu.memref_slice %arg14[%dma_start3A_18, %dma_start3A_19] : memref<10240x32xf32, #tpu.memory_space<vmem_shared>> -> memref<10240x32xf32, #tpu.memory_space<vmem_shared>>
    tpu.enqueue_indirect_dma source(%dma_start3A_20 : memref<10240x32xf32, #tpu.memory_space<vmem_shared>>) target(%arg11 : memref<80x32xf32, #tpu.memory_space<vmem>>) offsets(%dma_start3A_17 : memref<80xi32, #tpu.memory_space<vmem>>) semaphore(%arg18 : memref<!tpu.dma_semaphore, #tpu.memory_space<semaphore_mem>>)
    %dma_start3A_21 = arith.constant 240 : i32
    %dma_start3A_22 = tpu.memref_slice %arg7[%dma_start3A_21] : memref<10000xi32, #tpu.memory_space<vmem>> -> memref<80xi32, #tpu.memory_space<vmem>>
    %dma_start3A_23 = arith.constant 0 : i32
    %dma_start3A_24 = arith.constant 0 : i32
    %dma_start3A_25 = tpu.memref_slice %arg14[%dma_start3A_23, %dma_start3A_24] : memref<10240x32xf32, #tpu.memory_space<vmem_shared>> -> memref<10240x32xf32, #tpu.memory_space<vmem_shared>>
    tpu.enqueue_indirect_dma source(%dma_start3A_25 : memref<10240x32xf32, #tpu.memory_space<vmem_shared>>) target(%arg12 : memref<80x32xf32, #tpu.memory_space<vmem>>) offsets(%dma_start3A_22 : memref<80xi32, #tpu.memory_space<vmem>>) semaphore(%arg19 : memref<!tpu.dma_semaphore, #tpu.memory_space<semaphore_mem>>)
    %dma_start3A_26 = arith.constant 320 : i32
    %dma_start3A_27 = tpu.memref_slice %arg7[%dma_start3A_26] : memref<10000xi32, #tpu.memory_space<vmem>> -> memref<80xi32, #tpu.memory_space<vmem>>
    %dma_start3A_28 = arith.constant 0 : i32
    %dma_start3A_29 = arith.constant 0 : i32
    %dma_start3A_30 = tpu.memref_slice %arg14[%dma_start3A_28, %dma_start3A_29] : memref<10240x32xf32, #tpu.memory_space<vmem_shared>> -> memref<10240x32xf32, #tpu.memory_space<vmem_shared>>
    tpu.enqueue_indirect_dma source(%dma_start3A_30 : memref<10240x32xf32, #tpu.memory_space<vmem_shared>>) target(%arg13 : memref<80x32xf32, #tpu.memory_space<vmem>>) offsets(%dma_start3A_27 : memref<80xi32, #tpu.memory_space<vmem>>) semaphore(%arg20 : memref<!tpu.dma_semaphore, #tpu.memory_space<semaphore_mem>>)
    %scan3A = arith.constant 0 : i32
    %scan3A_31 = arith.constant 0 : i32
    %scan3A_32 = arith.constant 24 : i32
    %scan3A_33 = arith.addi %scan3A_31, %scan3A_32 : i32
    %scan3A_34 = arith.constant 1 : i32
    scf.for %scan3A_111 = %scan3A_31 to %scan3A_33 step %scan3A_34  : i32 {
      %mul3A_112 = arith.constant 5 : i32
      %mul3A_113 = arith.muli %scan3A_111, %mul3A_112 : i32
      %add3A_114 = arith.constant 0 : i32
      %add3A_115 = arith.addi %mul3A_113, %add3A_114 : i32
      %mul3A_116 = arith.constant 80 : i32
      %mul3A_117 = arith.muli %add3A_115, %mul3A_116 : i32
      %dma_wait3A_118 = tpu.memref_slice %arg7[%mul3A_117] : memref<10000xi32, #tpu.memory_space<vmem>> -> memref<80xi32, #tpu.memory_space<vmem>>
      %dma_wait3A_119 = arith.constant 0 : i32
      %dma_wait3A_120 = arith.constant 0 : i32
      %dma_wait3A_121 = tpu.memref_slice %arg14[%dma_wait3A_119, %dma_wait3A_120] : memref<10240x32xf32, #tpu.memory_space<vmem_shared>> -> memref<10240x32xf32, #tpu.memory_space<vmem_shared>>
      tpu.wait_indirect_dma semaphore(%arg16 : memref<!tpu.dma_semaphore, #tpu.memory_space<semaphore_mem>>) src(%dma_wait3A_121 : memref<10240x32xf32, #tpu.memory_space<vmem_shared>>) dst(%arg9 : memref<80x32xf32, #tpu.memory_space<vmem>>)
      %add3A_122 = arith.constant 0 : i32
      %add3A_123 = arith.addi %mul3A_113, %add3A_122 : i32
      %mul3A_124 = arith.constant 80 : i32
      %mul3A_125 = arith.muli %add3A_123, %mul3A_124 : i32
      %dma_start3A_126 = tpu.memref_slice %arg8[%mul3A_125] : memref<10000xi32, #tpu.memory_space<vmem>> -> memref<80xi32, #tpu.memory_space<vmem>>
      %dma_start3A_127 = arith.constant 0 : i32
      %dma_start3A_128 = arith.constant 0 : i32
      %dma_start3A_129 = tpu.memref_slice %arg15[%dma_start3A_127, %dma_start3A_128] : memref<10240x32xf32, #tpu.memory_space<vmem_shared>> -> memref<10240x32xf32, #tpu.memory_space<vmem_shared>>
      tpu.enqueue_indirect_dma source(%arg9 : memref<80x32xf32, #tpu.memory_space<vmem>>) target(%dma_start3A_129 : memref<10240x32xf32, #tpu.memory_space<vmem_shared>>) offsets(%dma_start3A_126 : memref<80xi32, #tpu.memory_space<vmem>>) semaphore(%arg21 : memref<!tpu.dma_semaphore, #tpu.memory_space<semaphore_mem>>) {add = true}
      %add3A_130 = arith.constant 1 : i32
      %add3A_131 = arith.addi %mul3A_113, %add3A_130 : i32
      %mul3A_132 = arith.constant 80 : i32
      %mul3A_133 = arith.muli %add3A_131, %mul3A_132 : i32
      %dma_wait3A_134 = tpu.memref_slice %arg7[%mul3A_133] : memref<10000xi32, #tpu.memory_space<vmem>> -> memref<80xi32, #tpu.memory_space<vmem>>
      %dma_wait3A_135 = arith.constant 0 : i32
      %dma_wait3A_136 = arith.constant 0 : i32
      %dma_wait3A_137 = tpu.memref_slice %arg14[%dma_wait3A_135, %dma_wait3A_136] : memref<10240x32xf32, #tpu.memory_space<vmem_shared>> -> memref<10240x32xf32, #tpu.memory_space<vmem_shared>>
      tpu.wait_indirect_dma semaphore(%arg17 : memref<!tpu.dma_semaphore, #tpu.memory_space<semaphore_mem>>) src(%dma_wait3A_137 : memref<10240x32xf32, #tpu.memory_space<vmem_shared>>) dst(%arg10 : memref<80x32xf32, #tpu.memory_space<vmem>>)
      %add3A_138 = arith.constant 1 : i32
      %add3A_139 = arith.addi %mul3A_113, %add3A_138 : i32
      %mul3A_140 = arith.constant 80 : i32
      %mul3A_141 = arith.muli %add3A_139, %mul3A_140 : i32
      %dma_start3A_142 = tpu.memref_slice %arg8[%mul3A_141] : memref<10000xi32, #tpu.memory_space<vmem>> -> memref<80xi32, #tpu.memory_space<vmem>>
      %dma_start3A_143 = arith.constant 0 : i32
      %dma_start3A_144 = arith.constant 0 : i32
      %dma_start3A_145 = tpu.memref_slice %arg15[%dma_start3A_143, %dma_start3A_144] : memref<10240x32xf32, #tpu.memory_space<vmem_shared>> -> memref<10240x32xf32, #tpu.memory_space<vmem_shared>>
      tpu.enqueue_indirect_dma source(%arg10 : memref<80x32xf32, #tpu.memory_space<vmem>>) target(%dma_start3A_145 : memref<10240x32xf32, #tpu.memory_space<vmem_shared>>) offsets(%dma_start3A_142 : memref<80xi32, #tpu.memory_space<vmem>>) semaphore(%arg22 : memref<!tpu.dma_semaphore, #tpu.memory_space<semaphore_mem>>) {add = true}
      %add3A_146 = arith.constant 2 : i32
      %add3A_147 = arith.addi %mul3A_113, %add3A_146 : i32
      %mul3A_148 = arith.constant 80 : i32
      %mul3A_149 = arith.muli %add3A_147, %mul3A_148 : i32
      %dma_wait3A_150 = tpu.memref_slice %arg7[%mul3A_149] : memref<10000xi32, #tpu.memory_space<vmem>> -> memref<80xi32, #tpu.memory_space<vmem>>
      %dma_wait3A_151 = arith.constant 0 : i32
      %dma_wait3A_152 = arith.constant 0 : i32
      %dma_wait3A_153 = tpu.memref_slice %arg14[%dma_wait3A_151, %dma_wait3A_152] : memref<10240x32xf32, #tpu.memory_space<vmem_shared>> -> memref<10240x32xf32, #tpu.memory_space<vmem_shared>>
      tpu.wait_indirect_dma semaphore(%arg18 : memref<!tpu.dma_semaphore, #tpu.memory_space<semaphore_mem>>) src(%dma_wait3A_153 : memref<10240x32xf32, #tpu.memory_space<vmem_shared>>) dst(%arg11 : memref<80x32xf32, #tpu.memory_space<vmem>>)
      %add3A_154 = arith.constant 2 : i32
      %add3A_155 = arith.addi %mul3A_113, %add3A_154 : i32
      %mul3A_156 = arith.constant 80 : i32
      %mul3A_157 = arith.muli %add3A_155, %mul3A_156 : i32
      %dma_start3A_158 = tpu.memref_slice %arg8[%mul3A_157] : memref<10000xi32, #tpu.memory_space<vmem>> -> memref<80xi32, #tpu.memory_space<vmem>>
      %dma_start3A_159 = arith.constant 0 : i32
      %dma_start3A_160 = arith.constant 0 : i32
      %dma_start3A_161 = tpu.memref_slice %arg15[%dma_start3A_159, %dma_start3A_160] : memref<10240x32xf32, #tpu.memory_space<vmem_shared>> -> memref<10240x32xf32, #tpu.memory_space<vmem_shared>>
      tpu.enqueue_indirect_dma source(%arg11 : memref<80x32xf32, #tpu.memory_space<vmem>>) target(%dma_start3A_161 : memref<10240x32xf32, #tpu.memory_space<vmem_shared>>) offsets(%dma_start3A_158 : memref<80xi32, #tpu.memory_space<vmem>>) semaphore(%arg23 : memref<!tpu.dma_semaphore, #tpu.memory_space<semaphore_mem>>) {add = true}
      %add3A_162 = arith.constant 3 : i32
      %add3A_163 = arith.addi %mul3A_113, %add3A_162 : i32
      %mul3A_164 = arith.constant 80 : i32
      %mul3A_165 = arith.muli %add3A_163, %mul3A_164 : i32
      %dma_wait3A_166 = tpu.memref_slice %arg7[%mul3A_165] : memref<10000xi32, #tpu.memory_space<vmem>> -> memref<80xi32, #tpu.memory_space<vmem>>
      %dma_wait3A_167 = arith.constant 0 : i32
      %dma_wait3A_168 = arith.constant 0 : i32
      %dma_wait3A_169 = tpu.memref_slice %arg14[%dma_wait3A_167, %dma_wait3A_168] : memref<10240x32xf32, #tpu.memory_space<vmem_shared>> -> memref<10240x32xf32, #tpu.memory_space<vmem_shared>>
      tpu.wait_indirect_dma semaphore(%arg19 : memref<!tpu.dma_semaphore, #tpu.memory_space<semaphore_mem>>) src(%dma_wait3A_169 : memref<10240x32xf32, #tpu.memory_space<vmem_shared>>) dst(%arg12 : memref<80x32xf32, #tpu.memory_space<vmem>>)
      %add3A_170 = arith.constant 3 : i32
      %add3A_171 = arith.addi %mul3A_113, %add3A_170 : i32
      %mul3A_172 = arith.constant 80 : i32
      %mul3A_173 = arith.muli %add3A_171, %mul3A_172 : i32
      %dma_start3A_174 = tpu.memref_slice %arg8[%mul3A_173] : memref<10000xi32, #tpu.memory_space<vmem>> -> memref<80xi32, #tpu.memory_space<vmem>>
      %dma_start3A_175 = arith.constant 0 : i32
      %dma_start3A_176 = arith.constant 0 : i32
      %dma_start3A_177 = tpu.memref_slice %arg15[%dma_start3A_175, %dma_start3A_176] : memref<10240x32xf32, #tpu.memory_space<vmem_shared>> -> memref<10240x32xf32, #tpu.memory_space<vmem_shared>>
      tpu.enqueue_indirect_dma source(%arg12 : memref<80x32xf32, #tpu.memory_space<vmem>>) target(%dma_start3A_177 : memref<10240x32xf32, #tpu.memory_space<vmem_shared>>) offsets(%dma_start3A_174 : memref<80xi32, #tpu.memory_space<vmem>>) semaphore(%arg24 : memref<!tpu.dma_semaphore, #tpu.memory_space<semaphore_mem>>) {add = true}
      %add3A_178 = arith.constant 4 : i32
      %add3A_179 = arith.addi %mul3A_113, %add3A_178 : i32
      %mul3A_180 = arith.constant 80 : i32
      %mul3A_181 = arith.muli %add3A_179, %mul3A_180 : i32
      %dma_wait3A_182 = tpu.memref_slice %arg7[%mul3A_181] : memref<10000xi32, #tpu.memory_space<vmem>> -> memref<80xi32, #tpu.memory_space<vmem>>
      %dma_wait3A_183 = arith.constant 0 : i32
      %dma_wait3A_184 = arith.constant 0 : i32
      %dma_wait3A_185 = tpu.memref_slice %arg14[%dma_wait3A_183, %dma_wait3A_184] : memref<10240x32xf32, #tpu.memory_space<vmem_shared>> -> memref<10240x32xf32, #tpu.memory_space<vmem_shared>>
      tpu.wait_indirect_dma semaphore(%arg20 : memref<!tpu.dma_semaphore, #tpu.memory_space<semaphore_mem>>) src(%dma_wait3A_185 : memref<10240x32xf32, #tpu.memory_space<vmem_shared>>) dst(%arg13 : memref<80x32xf32, #tpu.memory_space<vmem>>)
      %add3A_186 = arith.constant 4 : i32
      %add3A_187 = arith.addi %mul3A_113, %add3A_186 : i32
      %mul3A_188 = arith.constant 80 : i32
      %mul3A_189 = arith.muli %add3A_187, %mul3A_188 : i32
      %dma_start3A_190 = tpu.memref_slice %arg8[%mul3A_189] : memref<10000xi32, #tpu.memory_space<vmem>> -> memref<80xi32, #tpu.memory_space<vmem>>
      %dma_start3A_191 = arith.constant 0 : i32
      %dma_start3A_192 = arith.constant 0 : i32
      %dma_start3A_193 = tpu.memref_slice %arg15[%dma_start3A_191, %dma_start3A_192] : memref<10240x32xf32, #tpu.memory_space<vmem_shared>> -> memref<10240x32xf32, #tpu.memory_space<vmem_shared>>
      tpu.enqueue_indirect_dma source(%arg13 : memref<80x32xf32, #tpu.memory_space<vmem>>) target(%dma_start3A_193 : memref<10240x32xf32, #tpu.memory_space<vmem_shared>>) offsets(%dma_start3A_190 : memref<80xi32, #tpu.memory_space<vmem>>) semaphore(%arg25 : memref<!tpu.dma_semaphore, #tpu.memory_space<semaphore_mem>>) {add = true}
      %add3A_194 = arith.constant 0 : i32
      %add3A_195 = arith.addi %mul3A_113, %add3A_194 : i32
      %mul3A_196 = arith.constant 80 : i32
      %mul3A_197 = arith.muli %add3A_195, %mul3A_196 : i32
      %dma_wait3A_198 = tpu.memref_slice %arg8[%mul3A_197] : memref<10000xi32, #tpu.memory_space<vmem>> -> memref<80xi32, #tpu.memory_space<vmem>>
      %dma_wait3A_199 = arith.constant 0 : i32
      %dma_wait3A_200 = arith.constant 0 : i32
      %dma_wait3A_201 = tpu.memref_slice %arg15[%dma_wait3A_199, %dma_wait3A_200] : memref<10240x32xf32, #tpu.memory_space<vmem_shared>> -> memref<10240x32xf32, #tpu.memory_space<vmem_shared>>
      tpu.wait_indirect_dma semaphore(%arg21 : memref<!tpu.dma_semaphore, #tpu.memory_space<semaphore_mem>>) src(%arg9 : memref<80x32xf32, #tpu.memory_space<vmem>>) dst(%dma_wait3A_201 : memref<10240x32xf32, #tpu.memory_space<vmem_shared>>)
      %add3A_202 = arith.constant 5 : i32
      %add3A_203 = arith.addi %mul3A_113, %add3A_202 : i32
      %add3A_204 = arith.constant 0 : i32
      %add3A_205 = arith.addi %add3A_203, %add3A_204 : i32
      %mul3A_206 = arith.constant 80 : i32
      %mul3A_207 = arith.muli %add3A_205, %mul3A_206 : i32
      %dma_start3A_208 = tpu.memref_slice %arg7[%mul3A_207] : memref<10000xi32, #tpu.memory_space<vmem>> -> memref<80xi32, #tpu.memory_space<vmem>>
      %dma_start3A_209 = arith.constant 0 : i32
      %dma_start3A_210 = arith.constant 0 : i32
      %dma_start3A_211 = tpu.memref_slice %arg14[%dma_start3A_209, %dma_start3A_210] : memref<10240x32xf32, #tpu.memory_space<vmem_shared>> -> memref<10240x32xf32, #tpu.memory_space<vmem_shared>>
      tpu.enqueue_indirect_dma source(%dma_start3A_211 : memref<10240x32xf32, #tpu.memory_space<vmem_shared>>) target(%arg9 : memref<80x32xf32, #tpu.memory_space<vmem>>) offsets(%dma_start3A_208 : memref<80xi32, #tpu.memory_space<vmem>>) semaphore(%arg16 : memref<!tpu.dma_semaphore, #tpu.memory_space<semaphore_mem>>)
      %add3A_212 = arith.constant 1 : i32
      %add3A_213 = arith.addi %mul3A_113, %add3A_212 : i32
      %mul3A_214 = arith.constant 80 : i32
      %mul3A_215 = arith.muli %add3A_213, %mul3A_214 : i32
      %dma_wait3A_216 = tpu.memref_slice %arg8[%mul3A_215] : memref<10000xi32, #tpu.memory_space<vmem>> -> memref<80xi32, #tpu.memory_space<vmem>>
      %dma_wait3A_217 = arith.constant 0 : i32
      %dma_wait3A_218 = arith.constant 0 : i32
      %dma_wait3A_219 = tpu.memref_slice %arg15[%dma_wait3A_217, %dma_wait3A_218] : memref<10240x32xf32, #tpu.memory_space<vmem_shared>> -> memref<10240x32xf32, #tpu.memory_space<vmem_shared>>
      tpu.wait_indirect_dma semaphore(%arg22 : memref<!tpu.dma_semaphore, #tpu.memory_space<semaphore_mem>>) src(%arg10 : memref<80x32xf32, #tpu.memory_space<vmem>>) dst(%dma_wait3A_219 : memref<10240x32xf32, #tpu.memory_space<vmem_shared>>)
      %add3A_220 = arith.constant 5 : i32
      %add3A_221 = arith.addi %mul3A_113, %add3A_220 : i32
      %add3A_222 = arith.constant 1 : i32
      %add3A_223 = arith.addi %add3A_221, %add3A_222 : i32
      %mul3A_224 = arith.constant 80 : i32
      %mul3A_225 = arith.muli %add3A_223, %mul3A_224 : i32
      %dma_start3A_226 = tpu.memref_slice %arg7[%mul3A_225] : memref<10000xi32, #tpu.memory_space<vmem>> -> memref<80xi32, #tpu.memory_space<vmem>>
      %dma_start3A_227 = arith.constant 0 : i32
      %dma_start3A_228 = arith.constant 0 : i32
      %dma_start3A_229 = tpu.memref_slice %arg14[%dma_start3A_227, %dma_start3A_228] : memref<10240x32xf32, #tpu.memory_space<vmem_shared>> -> memref<10240x32xf32, #tpu.memory_space<vmem_shared>>
      tpu.enqueue_indirect_dma source(%dma_start3A_229 : memref<10240x32xf32, #tpu.memory_space<vmem_shared>>) target(%arg10 : memref<80x32xf32, #tpu.memory_space<vmem>>) offsets(%dma_start3A_226 : memref<80xi32, #tpu.memory_space<vmem>>) semaphore(%arg17 : memref<!tpu.dma_semaphore, #tpu.memory_space<semaphore_mem>>)
      %add3A_230 = arith.constant 2 : i32
      %add3A_231 = arith.addi %mul3A_113, %add3A_230 : i32
      %mul3A_232 = arith.constant 80 : i32
      %mul3A_233 = arith.muli %add3A_231, %mul3A_232 : i32
      %dma_wait3A_234 = tpu.memref_slice %arg8[%mul3A_233] : memref<10000xi32, #tpu.memory_space<vmem>> -> memref<80xi32, #tpu.memory_space<vmem>>
      %dma_wait3A_235 = arith.constant 0 : i32
      %dma_wait3A_236 = arith.constant 0 : i32
      %dma_wait3A_237 = tpu.memref_slice %arg15[%dma_wait3A_235, %dma_wait3A_236] : memref<10240x32xf32, #tpu.memory_space<vmem_shared>> -> memref<10240x32xf32, #tpu.memory_space<vmem_shared>>
      tpu.wait_indirect_dma semaphore(%arg23 : memref<!tpu.dma_semaphore, #tpu.memory_space<semaphore_mem>>) src(%arg11 : memref<80x32xf32, #tpu.memory_space<vmem>>) dst(%dma_wait3A_237 : memref<10240x32xf32, #tpu.memory_space<vmem_shared>>)
      %add3A_238 = arith.constant 5 : i32
      %add3A_239 = arith.addi %mul3A_113, %add3A_238 : i32
      %add3A_240 = arith.constant 2 : i32
      %add3A_241 = arith.addi %add3A_239, %add3A_240 : i32
      %mul3A_242 = arith.constant 80 : i32
      %mul3A_243 = arith.muli %add3A_241, %mul3A_242 : i32
      %dma_start3A_244 = tpu.memref_slice %arg7[%mul3A_243] : memref<10000xi32, #tpu.memory_space<vmem>> -> memref<80xi32, #tpu.memory_space<vmem>>
      %dma_start3A_245 = arith.constant 0 : i32
      %dma_start3A_246 = arith.constant 0 : i32
      %dma_start3A_247 = tpu.memref_slice %arg14[%dma_start3A_245, %dma_start3A_246] : memref<10240x32xf32, #tpu.memory_space<vmem_shared>> -> memref<10240x32xf32, #tpu.memory_space<vmem_shared>>
      tpu.enqueue_indirect_dma source(%dma_start3A_247 : memref<10240x32xf32, #tpu.memory_space<vmem_shared>>) target(%arg11 : memref<80x32xf32, #tpu.memory_space<vmem>>) offsets(%dma_start3A_244 : memref<80xi32, #tpu.memory_space<vmem>>) semaphore(%arg18 : memref<!tpu.dma_semaphore, #tpu.memory_space<semaphore_mem>>)
      %add3A_248 = arith.constant 3 : i32
      %add3A_249 = arith.addi %mul3A_113, %add3A_248 : i32
      %mul3A_250 = arith.constant 80 : i32
      %mul3A_251 = arith.muli %add3A_249, %mul3A_250 : i32
      %dma_wait3A_252 = tpu.memref_slice %arg8[%mul3A_251] : memref<10000xi32, #tpu.memory_space<vmem>> -> memref<80xi32, #tpu.memory_space<vmem>>
      %dma_wait3A_253 = arith.constant 0 : i32
      %dma_wait3A_254 = arith.constant 0 : i32
      %dma_wait3A_255 = tpu.memref_slice %arg15[%dma_wait3A_253, %dma_wait3A_254] : memref<10240x32xf32, #tpu.memory_space<vmem_shared>> -> memref<10240x32xf32, #tpu.memory_space<vmem_shared>>
      tpu.wait_indirect_dma semaphore(%arg24 : memref<!tpu.dma_semaphore, #tpu.memory_space<semaphore_mem>>) src(%arg12 : memref<80x32xf32, #tpu.memory_space<vmem>>) dst(%dma_wait3A_255 : memref<10240x32xf32, #tpu.memory_space<vmem_shared>>)
      %add3A_256 = arith.constant 5 : i32
      %add3A_257 = arith.addi %mul3A_113, %add3A_256 : i32
      %add3A_258 = arith.constant 3 : i32
      %add3A_259 = arith.addi %add3A_257, %add3A_258 : i32
      %mul3A_260 = arith.constant 80 : i32
      %mul3A_261 = arith.muli %add3A_259, %mul3A_260 : i32
      %dma_start3A_262 = tpu.memref_slice %arg7[%mul3A_261] : memref<10000xi32, #tpu.memory_space<vmem>> -> memref<80xi32, #tpu.memory_space<vmem>>
      %dma_start3A_263 = arith.constant 0 : i32
      %dma_start3A_264 = arith.constant 0 : i32
      %dma_start3A_265 = tpu.memref_slice %arg14[%dma_start3A_263, %dma_start3A_264] : memref<10240x32xf32, #tpu.memory_space<vmem_shared>> -> memref<10240x32xf32, #tpu.memory_space<vmem_shared>>
      tpu.enqueue_indirect_dma source(%dma_start3A_265 : memref<10240x32xf32, #tpu.memory_space<vmem_shared>>) target(%arg12 : memref<80x32xf32, #tpu.memory_space<vmem>>) offsets(%dma_start3A_262 : memref<80xi32, #tpu.memory_space<vmem>>) semaphore(%arg19 : memref<!tpu.dma_semaphore, #tpu.memory_space<semaphore_mem>>)
      %add3A_266 = arith.constant 4 : i32
      %add3A_267 = arith.addi %mul3A_113, %add3A_266 : i32
      %mul3A_268 = arith.constant 80 : i32
      %mul3A_269 = arith.muli %add3A_267, %mul3A_268 : i32
      %dma_wait3A_270 = tpu.memref_slice %arg8[%mul3A_269] : memref<10000xi32, #tpu.memory_space<vmem>> -> memref<80xi32, #tpu.memory_space<vmem>>
      %dma_wait3A_271 = arith.constant 0 : i32
      %dma_wait3A_272 = arith.constant 0 : i32
      %dma_wait3A_273 = tpu.memref_slice %arg15[%dma_wait3A_271, %dma_wait3A_272] : memref<10240x32xf32, #tpu.memory_space<vmem_shared>> -> memref<10240x32xf32, #tpu.memory_space<vmem_shared>>
      tpu.wait_indirect_dma semaphore(%arg25 : memref<!tpu.dma_semaphore, #tpu.memory_space<semaphore_mem>>) src(%arg13 : memref<80x32xf32, #tpu.memory_space<vmem>>) dst(%dma_wait3A_273 : memref<10240x32xf32, #tpu.memory_space<vmem_shared>>)
      %add3A_274 = arith.constant 5 : i32
      %add3A_275 = arith.addi %mul3A_113, %add3A_274 : i32
      %add3A_276 = arith.constant 4 : i32
      %add3A_277 = arith.addi %add3A_275, %add3A_276 : i32
      %mul3A_278 = arith.constant 80 : i32
      %mul3A_279 = arith.muli %add3A_277, %mul3A_278 : i32
      %dma_start3A_280 = tpu.memref_slice %arg7[%mul3A_279] : memref<10000xi32, #tpu.memory_space<vmem>> -> memref<80xi32, #tpu.memory_space<vmem>>
      %dma_start3A_281 = arith.constant 0 : i32
      %dma_start3A_282 = arith.constant 0 : i32
      %dma_start3A_283 = tpu.memref_slice %arg14[%dma_start3A_281, %dma_start3A_282] : memref<10240x32xf32, #tpu.memory_space<vmem_shared>> -> memref<10240x32xf32, #tpu.memory_space<vmem_shared>>
      tpu.enqueue_indirect_dma source(%dma_start3A_283 : memref<10240x32xf32, #tpu.memory_space<vmem_shared>>) target(%arg13 : memref<80x32xf32, #tpu.memory_space<vmem>>) offsets(%dma_start3A_280 : memref<80xi32, #tpu.memory_space<vmem>>) semaphore(%arg20 : memref<!tpu.dma_semaphore, #tpu.memory_space<semaphore_mem>>)
    }
    %scan3A_35 = arith.constant 24 : i32
    %dma_wait3A = arith.constant 9600 : i32
    %dma_wait3A_36 = tpu.memref_slice %arg7[%dma_wait3A] : memref<10000xi32, #tpu.memory_space<vmem>> -> memref<80xi32, #tpu.memory_space<vmem>>
    %dma_wait3A_37 = arith.constant 0 : i32
    %dma_wait3A_38 = arith.constant 0 : i32
    %dma_wait3A_39 = tpu.memref_slice %arg14[%dma_wait3A_37, %dma_wait3A_38] : memref<10240x32xf32, #tpu.memory_space<vmem_shared>> -> memref<10240x32xf32, #tpu.memory_space<vmem_shared>>
    tpu.wait_indirect_dma semaphore(%arg16 : memref<!tpu.dma_semaphore, #tpu.memory_space<semaphore_mem>>) src(%dma_wait3A_39 : memref<10240x32xf32, #tpu.memory_space<vmem_shared>>) dst(%arg9 : memref<80x32xf32, #tpu.memory_space<vmem>>)
    %dma_start3A_40 = arith.constant 9600 : i32
    %dma_start3A_41 = tpu.memref_slice %arg8[%dma_start3A_40] : memref<10000xi32, #tpu.memory_space<vmem>> -> memref<80xi32, #tpu.memory_space<vmem>>
    %dma_start3A_42 = arith.constant 0 : i32
    %dma_start3A_43 = arith.constant 0 : i32
    %dma_start3A_44 = tpu.memref_slice %arg15[%dma_start3A_42, %dma_start3A_43] : memref<10240x32xf32, #tpu.memory_space<vmem_shared>> -> memref<10240x32xf32, #tpu.memory_space<vmem_shared>>
    tpu.enqueue_indirect_dma source(%arg9 : memref<80x32xf32, #tpu.memory_space<vmem>>) target(%dma_start3A_44 : memref<10240x32xf32, #tpu.memory_space<vmem_shared>>) offsets(%dma_start3A_41 : memref<80xi32, #tpu.memory_space<vmem>>) semaphore(%arg21 : memref<!tpu.dma_semaphore, #tpu.memory_space<semaphore_mem>>) {add = true}
    %dma_wait3A_45 = arith.constant 9680 : i32
    %dma_wait3A_46 = tpu.memref_slice %arg7[%dma_wait3A_45] : memref<10000xi32, #tpu.memory_space<vmem>> -> memref<80xi32, #tpu.memory_space<vmem>>
    %dma_wait3A_47 = arith.constant 0 : i32
    %dma_wait3A_48 = arith.constant 0 : i32
    %dma_wait3A_49 = tpu.memref_slice %arg14[%dma_wait3A_47, %dma_wait3A_48] : memref<10240x32xf32, #tpu.memory_space<vmem_shared>> -> memref<10240x32xf32, #tpu.memory_space<vmem_shared>>
    tpu.wait_indirect_dma semaphore(%arg17 : memref<!tpu.dma_semaphore, #tpu.memory_space<semaphore_mem>>) src(%dma_wait3A_49 : memref<10240x32xf32, #tpu.memory_space<vmem_shared>>) dst(%arg10 : memref<80x32xf32, #tpu.memory_space<vmem>>)
    %dma_start3A_50 = arith.constant 9680 : i32
    %dma_start3A_51 = tpu.memref_slice %arg8[%dma_start3A_50] : memref<10000xi32, #tpu.memory_space<vmem>> -> memref<80xi32, #tpu.memory_space<vmem>>
    %dma_start3A_52 = arith.constant 0 : i32
    %dma_start3A_53 = arith.constant 0 : i32
    %dma_start3A_54 = tpu.memref_slice %arg15[%dma_start3A_52, %dma_start3A_53] : memref<10240x32xf32, #tpu.memory_space<vmem_shared>> -> memref<10240x32xf32, #tpu.memory_space<vmem_shared>>
    tpu.enqueue_indirect_dma source(%arg10 : memref<80x32xf32, #tpu.memory_space<vmem>>) target(%dma_start3A_54 : memref<10240x32xf32, #tpu.memory_space<vmem_shared>>) offsets(%dma_start3A_51 : memref<80xi32, #tpu.memory_space<vmem>>) semaphore(%arg22 : memref<!tpu.dma_semaphore, #tpu.memory_space<semaphore_mem>>) {add = true}
    %dma_wait3A_55 = arith.constant 9760 : i32
    %dma_wait3A_56 = tpu.memref_slice %arg7[%dma_wait3A_55] : memref<10000xi32, #tpu.memory_space<vmem>> -> memref<80xi32, #tpu.memory_space<vmem>>
    %dma_wait3A_57 = arith.constant 0 : i32
    %dma_wait3A_58 = arith.constant 0 : i32
    %dma_wait3A_59 = tpu.memref_slice %arg14[%dma_wait3A_57, %dma_wait3A_58] : memref<10240x32xf32, #tpu.memory_space<vmem_shared>> -> memref<10240x32xf32, #tpu.memory_space<vmem_shared>>
    tpu.wait_indirect_dma semaphore(%arg18 : memref<!tpu.dma_semaphore, #tpu.memory_space<semaphore_mem>>) src(%dma_wait3A_59 : memref<10240x32xf32, #tpu.memory_space<vmem_shared>>) dst(%arg11 : memref<80x32xf32, #tpu.memory_space<vmem>>)
    %dma_start3A_60 = arith.constant 9760 : i32
    %dma_start3A_61 = tpu.memref_slice %arg8[%dma_start3A_60] : memref<10000xi32, #tpu.memory_space<vmem>> -> memref<80xi32, #tpu.memory_space<vmem>>
    %dma_start3A_62 = arith.constant 0 : i32
    %dma_start3A_63 = arith.constant 0 : i32
    %dma_start3A_64 = tpu.memref_slice %arg15[%dma_start3A_62, %dma_start3A_63] : memref<10240x32xf32, #tpu.memory_space<vmem_shared>> -> memref<10240x32xf32, #tpu.memory_space<vmem_shared>>
    tpu.enqueue_indirect_dma source(%arg11 : memref<80x32xf32, #tpu.memory_space<vmem>>) target(%dma_start3A_64 : memref<10240x32xf32, #tpu.memory_space<vmem_shared>>) offsets(%dma_start3A_61 : memref<80xi32, #tpu.memory_space<vmem>>) semaphore(%arg23 : memref<!tpu.dma_semaphore, #tpu.memory_space<semaphore_mem>>) {add = true}
    %dma_wait3A_65 = arith.constant 9840 : i32
    %dma_wait3A_66 = tpu.memref_slice %arg7[%dma_wait3A_65] : memref<10000xi32, #tpu.memory_space<vmem>> -> memref<80xi32, #tpu.memory_space<vmem>>
    %dma_wait3A_67 = arith.constant 0 : i32
    %dma_wait3A_68 = arith.constant 0 : i32
    %dma_wait3A_69 = tpu.memref_slice %arg14[%dma_wait3A_67, %dma_wait3A_68] : memref<10240x32xf32, #tpu.memory_space<vmem_shared>> -> memref<10240x32xf32, #tpu.memory_space<vmem_shared>>
    tpu.wait_indirect_dma semaphore(%arg19 : memref<!tpu.dma_semaphore, #tpu.memory_space<semaphore_mem>>) src(%dma_wait3A_69 : memref<10240x32xf32, #tpu.memory_space<vmem_shared>>) dst(%arg12 : memref<80x32xf32, #tpu.memory_space<vmem>>)
    %dma_start3A_70 = arith.constant 9840 : i32
    %dma_start3A_71 = tpu.memref_slice %arg8[%dma_start3A_70] : memref<10000xi32, #tpu.memory_space<vmem>> -> memref<80xi32, #tpu.memory_space<vmem>>
    %dma_start3A_72 = arith.constant 0 : i32
    %dma_start3A_73 = arith.constant 0 : i32
    %dma_start3A_74 = tpu.memref_slice %arg15[%dma_start3A_72, %dma_start3A_73] : memref<10240x32xf32, #tpu.memory_space<vmem_shared>> -> memref<10240x32xf32, #tpu.memory_space<vmem_shared>>
    tpu.enqueue_indirect_dma source(%arg12 : memref<80x32xf32, #tpu.memory_space<vmem>>) target(%dma_start3A_74 : memref<10240x32xf32, #tpu.memory_space<vmem_shared>>) offsets(%dma_start3A_71 : memref<80xi32, #tpu.memory_space<vmem>>) semaphore(%arg24 : memref<!tpu.dma_semaphore, #tpu.memory_space<semaphore_mem>>) {add = true}
    %dma_wait3A_75 = arith.constant 9920 : i32
    %dma_wait3A_76 = tpu.memref_slice %arg7[%dma_wait3A_75] : memref<10000xi32, #tpu.memory_space<vmem>> -> memref<80xi32, #tpu.memory_space<vmem>>
    %dma_wait3A_77 = arith.constant 0 : i32
    %dma_wait3A_78 = arith.constant 0 : i32
    %dma_wait3A_79 = tpu.memref_slice %arg14[%dma_wait3A_77, %dma_wait3A_78] : memref<10240x32xf32, #tpu.memory_space<vmem_shared>> -> memref<10240x32xf32, #tpu.memory_space<vmem_shared>>
    tpu.wait_indirect_dma semaphore(%arg20 : memref<!tpu.dma_semaphore, #tpu.memory_space<semaphore_mem>>) src(%dma_wait3A_79 : memref<10240x32xf32, #tpu.memory_space<vmem_shared>>) dst(%arg13 : memref<80x32xf32, #tpu.memory_space<vmem>>)
    %dma_start3A_80 = arith.constant 9920 : i32
    %dma_start3A_81 = tpu.memref_slice %arg8[%dma_start3A_80] : memref<10000xi32, #tpu.memory_space<vmem>> -> memref<80xi32, #tpu.memory_space<vmem>>
    %dma_start3A_82 = arith.constant 0 : i32
    %dma_start3A_83 = arith.constant 0 : i32
    %dma_start3A_84 = tpu.memref_slice %arg15[%dma_start3A_82, %dma_start3A_83] : memref<10240x32xf32, #tpu.memory_space<vmem_shared>> -> memref<10240x32xf32, #tpu.memory_space<vmem_shared>>
    tpu.enqueue_indirect_dma source(%arg13 : memref<80x32xf32, #tpu.memory_space<vmem>>) target(%dma_start3A_84 : memref<10240x32xf32, #tpu.memory_space<vmem_shared>>) offsets(%dma_start3A_81 : memref<80xi32, #tpu.memory_space<vmem>>) semaphore(%arg25 : memref<!tpu.dma_semaphore, #tpu.memory_space<semaphore_mem>>) {add = true}
    %dma_wait3A_85 = arith.constant 9600 : i32
    %dma_wait3A_86 = tpu.memref_slice %arg8[%dma_wait3A_85] : memref<10000xi32, #tpu.memory_space<vmem>> -> memref<80xi32, #tpu.memory_space<vmem>>
    %dma_wait3A_87 = arith.constant 0 : i32
    %dma_wait3A_88 = arith.constant 0 : i32
    %dma_wait3A_89 = tpu.memref_slice %arg15[%dma_wait3A_87, %dma_wait3A_88] : memref<10240x32xf32, #tpu.memory_space<vmem_shared>> -> memref<10240x32xf32, #tpu.memory_space<vmem_shared>>
    tpu.wait_indirect_dma semaphore(%arg21 : memref<!tpu.dma_semaphore, #tpu.memory_space<semaphore_mem>>) src(%arg9 : memref<80x32xf32, #tpu.memory_space<vmem>>) dst(%dma_wait3A_89 : memref<10240x32xf32, #tpu.memory_space<vmem_shared>>)
    %dma_wait3A_90 = arith.constant 9680 : i32
    %dma_wait3A_91 = tpu.memref_slice %arg8[%dma_wait3A_90] : memref<10000xi32, #tpu.memory_space<vmem>> -> memref<80xi32, #tpu.memory_space<vmem>>
    %dma_wait3A_92 = arith.constant 0 : i32
    %dma_wait3A_93 = arith.constant 0 : i32
    %dma_wait3A_94 = tpu.memref_slice %arg15[%dma_wait3A_92, %dma_wait3A_93] : memref<10240x32xf32, #tpu.memory_space<vmem_shared>> -> memref<10240x32xf32, #tpu.memory_space<vmem_shared>>
    tpu.wait_indirect_dma semaphore(%arg22 : memref<!tpu.dma_semaphore, #tpu.memory_space<semaphore_mem>>) src(%arg10 : memref<80x32xf32, #tpu.memory_space<vmem>>) dst(%dma_wait3A_94 : memref<10240x32xf32, #tpu.memory_space<vmem_shared>>)
    %dma_wait3A_95 = arith.constant 9760 : i32
    %dma_wait3A_96 = tpu.memref_slice %arg8[%dma_wait3A_95] : memref<10000xi32, #tpu.memory_space<vmem>> -> memref<80xi32, #tpu.memory_space<vmem>>
    %dma_wait3A_97 = arith.constant 0 : i32
    %dma_wait3A_98 = arith.constant 0 : i32
    %dma_wait3A_99 = tpu.memref_slice %arg15[%dma_wait3A_97, %dma_wait3A_98] : memref<10240x32xf32, #tpu.memory_space<vmem_shared>> -> memref<10240x32xf32, #tpu.memory_space<vmem_shared>>
    tpu.wait_indirect_dma semaphore(%arg23 : memref<!tpu.dma_semaphore, #tpu.memory_space<semaphore_mem>>) src(%arg11 : memref<80x32xf32, #tpu.memory_space<vmem>>) dst(%dma_wait3A_99 : memref<10240x32xf32, #tpu.memory_space<vmem_shared>>)
    %dma_wait3A_100 = arith.constant 9840 : i32
    %dma_wait3A_101 = tpu.memref_slice %arg8[%dma_wait3A_100] : memref<10000xi32, #tpu.memory_space<vmem>> -> memref<80xi32, #tpu.memory_space<vmem>>
    %dma_wait3A_102 = arith.constant 0 : i32
    %dma_wait3A_103 = arith.constant 0 : i32
    %dma_wait3A_104 = tpu.memref_slice %arg15[%dma_wait3A_102, %dma_wait3A_103] : memref<10240x32xf32, #tpu.memory_space<vmem_shared>> -> memref<10240x32xf32, #tpu.memory_space<vmem_shared>>
    tpu.wait_indirect_dma semaphore(%arg24 : memref<!tpu.dma_semaphore, #tpu.memory_space<semaphore_mem>>) src(%arg12 : memref<80x32xf32, #tpu.memory_space<vmem>>) dst(%dma_wait3A_104 : memref<10240x32xf32, #tpu.memory_space<vmem_shared>>)
    %dma_wait3A_105 = arith.constant 9920 : i32
    %dma_wait3A_106 = tpu.memref_slice %arg8[%dma_wait3A_105] : memref<10000xi32, #tpu.memory_space<vmem>> -> memref<80xi32, #tpu.memory_space<vmem>>
    %dma_wait3A_107 = arith.constant 0 : i32
    %dma_wait3A_108 = arith.constant 0 : i32
    %dma_wait3A_109 = tpu.memref_slice %arg15[%dma_wait3A_107, %dma_wait3A_108] : memref<10240x32xf32, #tpu.memory_space<vmem_shared>> -> memref<10240x32xf32, #tpu.memory_space<vmem_shared>>
    tpu.wait_indirect_dma semaphore(%arg25 : memref<!tpu.dma_semaphore, #tpu.memory_space<semaphore_mem>>) src(%arg13 : memref<80x32xf32, #tpu.memory_space<vmem>>) dst(%dma_wait3A_109 : memref<10240x32xf32, #tpu.memory_space<vmem_shared>>)
    %barrier3A_110 = arith.constant 0 : index
    tpu.barrier barrier_id(%barrier3A_110)
    "tpu.region"() ({
      %run_scoped3A = tpu.sem_alloc : memref<!tpu.dma_semaphore, #tpu.memory_space<semaphore_mem>>
      %dma_start3A_111 = arith.constant 0 : i32
      %dma_start3A_112 = tpu.memref_slice %arg6[%arg0, %mul3A_2, %dma_start3A_111] : memref<2x10240x32xf32, #tpu.memory_space<hbm>> -> memref<1x640x32xf32, #tpu.memory_space<hbm>>
      %dma_start3A_113 = tpu.memref_squeeze %dma_start3A_112 : memref<1x640x32xf32, #tpu.memory_space<hbm>> -> memref<640x32xf32, #tpu.memory_space<hbm>>
      %dma_start3A_114 = arith.constant 0 : i32
      %dma_start3A_115 = tpu.memref_slice %arg15[%mul3A_2, %dma_start3A_114] : memref<10240x32xf32, #tpu.memory_space<vmem_shared>> -> memref<640x32xf32, #tpu.memory_space<vmem_shared>>
      tpu.enqueue_dma source(%dma_start3A_115 : memref<640x32xf32, #tpu.memory_space<vmem_shared>>) target(%dma_start3A_113 : memref<640x32xf32, #tpu.memory_space<hbm>>) target_semaphore(%run_scoped3A : memref<!tpu.dma_semaphore, #tpu.memory_space<semaphore_mem>>)
      %dma_wait3A_116 = arith.constant 0 : i32
      %dma_wait3A_117 = tpu.memref_slice %arg6[%arg0, %mul3A_2, %dma_wait3A_116] : memref<2x10240x32xf32, #tpu.memory_space<hbm>> -> memref<1x640x32xf32, #tpu.memory_space<hbm>>
      %dma_wait3A_118 = tpu.memref_squeeze %dma_wait3A_117 : memref<1x640x32xf32, #tpu.memory_space<hbm>> -> memref<640x32xf32, #tpu.memory_space<hbm>>
      %dma_wait3A_119 = arith.constant 0 : i32
      %dma_wait3A_120 = tpu.memref_slice %arg15[%mul3A_2, %dma_wait3A_119] : memref<10240x32xf32, #tpu.memory_space<vmem_shared>> -> memref<640x32xf32, #tpu.memory_space<vmem_shared>>
      tpu.wait_dma2 semaphore(%run_scoped3A : memref<!tpu.dma_semaphore, #tpu.memory_space<semaphore_mem>>) src(%dma_wait3A_120 : memref<640x32xf32, #tpu.memory_space<vmem_shared>>) dst(%dma_wait3A_118 : memref<640x32xf32, #tpu.memory_space<hbm>>)
      tpu.yield
    }) : () -> ()
    return
  }
}

#map = affine_map<(d0, d1) -> (0, 0)>
#map1 = affine_map<(d0, d1) -> (0)>
#map2 = affine_map<(d0, d1) -> (0, 0, 0)>
module attributes {stable_mosaic.version = 14 : i64} {
  func.func @round_kernel(%arg0: i32, %arg1: i32, %arg2: memref<10240x32xf32, #tpu.memory_space<hbm>>, %arg3: memref<320000xi32, #tpu.memory_space<hbm>>, %arg4: memref<320000xi32, #tpu.memory_space<hbm>>, %arg5: memref<10240x32xf32, #tpu.memory_space<hbm>>, %arg6: memref<2x10240x32xf32, #tpu.memory_space<hbm>>, %arg7: memref<10000xi32, #tpu.memory_space<vmem>>, %arg8: memref<10000xi32, #tpu.memory_space<vmem>>, %arg9: memref<80x32xf32, #tpu.memory_space<vmem>>, %arg10: memref<80x32xf32, #tpu.memory_space<vmem>>, %arg11: memref<80x32xf32, #tpu.memory_space<vmem>>, %arg12: memref<80x32xf32, #tpu.memory_space<vmem>>, %arg13: memref<80x32xf32, #tpu.memory_space<vmem>>, %arg14: memref<10240x32xf32, #tpu.memory_space<vmem_shared>>, %arg15: memref<10240x32xf32, #tpu.memory_space<vmem_shared>>, %arg16: memref<!tpu.dma_semaphore, #tpu.memory_space<semaphore_mem>>, %arg17: memref<!tpu.dma_semaphore, #tpu.memory_space<semaphore_mem>>, %arg18: memref<!tpu.dma_semaphore, #tpu.memory_space<semaphore_mem>>, %arg19: memref<!tpu.dma_semaphore, #tpu.memory_space<semaphore_mem>>, %arg20: memref<!tpu.dma_semaphore, #tpu.memory_space<semaphore_mem>>, %arg21: memref<!tpu.dma_semaphore, #tpu.memory_space<semaphore_mem>>, %arg22: memref<!tpu.dma_semaphore, #tpu.memory_space<semaphore_mem>>, %arg23: memref<!tpu.dma_semaphore, #tpu.memory_space<semaphore_mem>>, %arg24: memref<!tpu.dma_semaphore, #tpu.memory_space<semaphore_mem>>, %arg25: memref<!tpu.dma_semaphore, #tpu.memory_space<semaphore_mem>>) attributes {dimension_semantics = [#tpu.dimension_semantics<core_parallel>, #tpu.dimension_semantics<subcore_parallel>], iteration_bounds = array<i64: 2, 16>, scalar_prefetch = 0 : i64, scratch_operands = 19 : i64, tpu.core_type = #tpu.core_type<sc_vector_subcore>, window_params = [{transform_indices = #map}, {transform_indices = #map1}, {transform_indices = #map1}, {transform_indices = #map}, {transform_indices = #map2}]} {
    %mul3A = arith.constant 2 : i32
    %mul3A_0 = arith.muli %arg1, %mul3A : i32
    %add3A = arith.addi %mul3A_0, %arg0 : i32
    %mul3A_1 = arith.constant 640 : i32
    %mul3A_2 = arith.muli %arg1, %mul3A_1 : i32
    %mul3A_3 = arith.constant 10000 : i32
    %mul3A_4 = arith.muli %add3A, %mul3A_3 : i32
    "tpu.region"() ({
      %run_scoped3A = tpu.sem_alloc : memref<!tpu.dma_semaphore, #tpu.memory_space<semaphore_mem>>
      %dma_start3A_111 = tpu.memref_slice %arg3[%mul3A_4] : memref<320000xi32, #tpu.memory_space<hbm>> -> memref<10000xi32, #tpu.memory_space<hbm>>
      %dma_start3A_112 = tpu.memref_slice %arg3[%mul3A_4] : memref<320000xi32, #tpu.memory_space<hbm>> -> memref<10000xi32, #tpu.memory_space<hbm>>
      tpu.enqueue_dma source(%dma_start3A_112 : memref<10000xi32, #tpu.memory_space<hbm>>) target(%arg7 : memref<10000xi32, #tpu.memory_space<vmem>>) target_semaphore(%run_scoped3A : memref<!tpu.dma_semaphore, #tpu.memory_space<semaphore_mem>>)
      %dma_wait3A_113 = tpu.memref_slice %arg3[%mul3A_4] : memref<320000xi32, #tpu.memory_space<hbm>> -> memref<10000xi32, #tpu.memory_space<hbm>>
      %dma_wait3A_114 = tpu.memref_slice %arg3[%mul3A_4] : memref<320000xi32, #tpu.memory_space<hbm>> -> memref<10000xi32, #tpu.memory_space<hbm>>
      tpu.wait_dma2 semaphore(%run_scoped3A : memref<!tpu.dma_semaphore, #tpu.memory_space<semaphore_mem>>) src(%dma_wait3A_114 : memref<10000xi32, #tpu.memory_space<hbm>>) dst(%arg7 : memref<10000xi32, #tpu.memory_space<vmem>>)
      tpu.yield
    }) : () -> ()
    %mul3A_5 = arith.constant 10000 : i32
    %mul3A_6 = arith.muli %add3A, %mul3A_5 : i32
    "tpu.region"() ({
      %run_scoped3A = tpu.sem_alloc : memref<!tpu.dma_semaphore, #tpu.memory_space<semaphore_mem>>
      %dma_start3A_111 = tpu.memref_slice %arg4[%mul3A_6] : memref<320000xi32, #tpu.memory_space<hbm>> -> memref<10000xi32, #tpu.memory_space<hbm>>
      %dma_start3A_112 = tpu.memref_slice %arg4[%mul3A_6] : memref<320000xi32, #tpu.memory_space<hbm>> -> memref<10000xi32, #tpu.memory_space<hbm>>
      tpu.enqueue_dma source(%dma_start3A_112 : memref<10000xi32, #tpu.memory_space<hbm>>) target(%arg8 : memref<10000xi32, #tpu.memory_space<vmem>>) target_semaphore(%run_scoped3A : memref<!tpu.dma_semaphore, #tpu.memory_space<semaphore_mem>>)
      %dma_wait3A_113 = tpu.memref_slice %arg4[%mul3A_6] : memref<320000xi32, #tpu.memory_space<hbm>> -> memref<10000xi32, #tpu.memory_space<hbm>>
      %dma_wait3A_114 = tpu.memref_slice %arg4[%mul3A_6] : memref<320000xi32, #tpu.memory_space<hbm>> -> memref<10000xi32, #tpu.memory_space<hbm>>
      tpu.wait_dma2 semaphore(%run_scoped3A : memref<!tpu.dma_semaphore, #tpu.memory_space<semaphore_mem>>) src(%dma_wait3A_114 : memref<10000xi32, #tpu.memory_space<hbm>>) dst(%arg8 : memref<10000xi32, #tpu.memory_space<vmem>>)
      tpu.yield
    }) : () -> ()
    "tpu.region"() ({
      %run_scoped3A = tpu.sem_alloc : memref<!tpu.dma_semaphore, #tpu.memory_space<semaphore_mem>>
      %dma_start3A_111 = arith.constant 0 : i32
      %dma_start3A_112 = tpu.memref_slice %arg14[%mul3A_2, %dma_start3A_111] : memref<10240x32xf32, #tpu.memory_space<vmem_shared>> -> memref<640x32xf32, #tpu.memory_space<vmem_shared>>
      %dma_start3A_113 = arith.constant 0 : i32
      %dma_start3A_114 = tpu.memref_slice %arg2[%mul3A_2, %dma_start3A_113] : memref<10240x32xf32, #tpu.memory_space<hbm>> -> memref<640x32xf32, #tpu.memory_space<hbm>>
      tpu.enqueue_dma source(%dma_start3A_114 : memref<640x32xf32, #tpu.memory_space<hbm>>) target(%dma_start3A_112 : memref<640x32xf32, #tpu.memory_space<vmem_shared>>) target_semaphore(%run_scoped3A : memref<!tpu.dma_semaphore, #tpu.memory_space<semaphore_mem>>)
      %dma_wait3A_115 = arith.constant 0 : i32
      %dma_wait3A_116 = tpu.memref_slice %arg14[%mul3A_2, %dma_wait3A_115] : memref<10240x32xf32, #tpu.memory_space<vmem_shared>> -> memref<640x32xf32, #tpu.memory_space<vmem_shared>>
      %dma_wait3A_117 = arith.constant 0 : i32
      %dma_wait3A_118 = tpu.memref_slice %arg2[%mul3A_2, %dma_wait3A_117] : memref<10240x32xf32, #tpu.memory_space<hbm>> -> memref<640x32xf32, #tpu.memory_space<hbm>>
      tpu.wait_dma2 semaphore(%run_scoped3A : memref<!tpu.dma_semaphore, #tpu.memory_space<semaphore_mem>>) src(%dma_wait3A_118 : memref<640x32xf32, #tpu.memory_space<hbm>>) dst(%dma_wait3A_116 : memref<640x32xf32, #tpu.memory_space<vmem_shared>>)
      tpu.yield
    }) : () -> ()
    "tpu.region"() ({
      %run_scoped3A = tpu.sem_alloc : memref<!tpu.dma_semaphore, #tpu.memory_space<semaphore_mem>>
      %dma_start3A_111 = arith.constant 0 : i32
      %dma_start3A_112 = tpu.memref_slice %arg15[%mul3A_2, %dma_start3A_111] : memref<10240x32xf32, #tpu.memory_space<vmem_shared>> -> memref<640x32xf32, #tpu.memory_space<vmem_shared>>
      %dma_start3A_113 = arith.constant 0 : i32
      %dma_start3A_114 = tpu.memref_slice %arg5[%mul3A_2, %dma_start3A_113] : memref<10240x32xf32, #tpu.memory_space<hbm>> -> memref<640x32xf32, #tpu.memory_space<hbm>>
      tpu.enqueue_dma source(%dma_start3A_114 : memref<640x32xf32, #tpu.memory_space<hbm>>) target(%dma_start3A_112 : memref<640x32xf32, #tpu.memory_space<vmem_shared>>) target_semaphore(%run_scoped3A : memref<!tpu.dma_semaphore, #tpu.memory_space<semaphore_mem>>)
      %dma_wait3A_115 = arith.constant 0 : i32
      %dma_wait3A_116 = tpu.memref_slice %arg15[%mul3A_2, %dma_wait3A_115] : memref<10240x32xf32, #tpu.memory_space<vmem_shared>> -> memref<640x32xf32, #tpu.memory_space<vmem_shared>>
      %dma_wait3A_117 = arith.constant 0 : i32
      %dma_wait3A_118 = tpu.memref_slice %arg5[%mul3A_2, %dma_wait3A_117] : memref<10240x32xf32, #tpu.memory_space<hbm>> -> memref<640x32xf32, #tpu.memory_space<hbm>>
      tpu.wait_dma2 semaphore(%run_scoped3A : memref<!tpu.dma_semaphore, #tpu.memory_space<semaphore_mem>>) src(%dma_wait3A_118 : memref<640x32xf32, #tpu.memory_space<hbm>>) dst(%dma_wait3A_116 : memref<640x32xf32, #tpu.memory_space<vmem_shared>>)
      tpu.yield
    }) : () -> ()
    %barrier3A = arith.constant 0 : index
    tpu.barrier barrier_id(%barrier3A)
    %dma_start3A = arith.constant 0 : i32
    %dma_start3A_7 = tpu.memref_slice %arg7[%dma_start3A] : memref<10000xi32, #tpu.memory_space<vmem>> -> memref<80xi32, #tpu.memory_space<vmem>>
    %dma_start3A_8 = arith.constant 0 : i32
    %dma_start3A_9 = arith.constant 0 : i32
    %dma_start3A_10 = tpu.memref_slice %arg14[%dma_start3A_8, %dma_start3A_9] : memref<10240x32xf32, #tpu.memory_space<vmem_shared>> -> memref<10240x32xf32, #tpu.memory_space<vmem_shared>>
    tpu.enqueue_indirect_dma source(%dma_start3A_10 : memref<10240x32xf32, #tpu.memory_space<vmem_shared>>) target(%arg9 : memref<80x32xf32, #tpu.memory_space<vmem>>) offsets(%dma_start3A_7 : memref<80xi32, #tpu.memory_space<vmem>>) semaphore(%arg16 : memref<!tpu.dma_semaphore, #tpu.memory_space<semaphore_mem>>)
    %dma_start3A_11 = arith.constant 80 : i32
    %dma_start3A_12 = tpu.memref_slice %arg7[%dma_start3A_11] : memref<10000xi32, #tpu.memory_space<vmem>> -> memref<80xi32, #tpu.memory_space<vmem>>
    %dma_start3A_13 = arith.constant 0 : i32
    %dma_start3A_14 = arith.constant 0 : i32
    %dma_start3A_15 = tpu.memref_slice %arg14[%dma_start3A_13, %dma_start3A_14] : memref<10240x32xf32, #tpu.memory_space<vmem_shared>> -> memref<10240x32xf32, #tpu.memory_space<vmem_shared>>
    tpu.enqueue_indirect_dma source(%dma_start3A_15 : memref<10240x32xf32, #tpu.memory_space<vmem_shared>>) target(%arg10 : memref<80x32xf32, #tpu.memory_space<vmem>>) offsets(%dma_start3A_12 : memref<80xi32, #tpu.memory_space<vmem>>) semaphore(%arg17 : memref<!tpu.dma_semaphore, #tpu.memory_space<semaphore_mem>>)
    %dma_start3A_16 = arith.constant 160 : i32
    %dma_start3A_17 = tpu.memref_slice %arg7[%dma_start3A_16] : memref<10000xi32, #tpu.memory_space<vmem>> -> memref<80xi32, #tpu.memory_space<vmem>>
    %dma_start3A_18 = arith.constant 0 : i32
    %dma_start3A_19 = arith.constant 0 : i32
    %dma_start3A_20 = tpu.memref_slice %arg14[%dma_start3A_18, %dma_start3A_19] : memref<10240x32xf32, #tpu.memory_space<vmem_shared>> -> memref<10240x32xf32, #tpu.memory_space<vmem_shared>>
    tpu.enqueue_indirect_dma source(%dma_start3A_20 : memref<10240x32xf32, #tpu.memory_space<vmem_shared>>) target(%arg11 : memref<80x32xf32, #tpu.memory_space<vmem>>) offsets(%dma_start3A_17 : memref<80xi32, #tpu.memory_space<vmem>>) semaphore(%arg18 : memref<!tpu.dma_semaphore, #tpu.memory_space<semaphore_mem>>)
    %dma_start3A_21 = arith.constant 240 : i32
    %dma_start3A_22 = tpu.memref_slice %arg7[%dma_start3A_21] : memref<10000xi32, #tpu.memory_space<vmem>> -> memref<80xi32, #tpu.memory_space<vmem>>
    %dma_start3A_23 = arith.constant 0 : i32
    %dma_start3A_24 = arith.constant 0 : i32
    %dma_start3A_25 = tpu.memref_slice %arg14[%dma_start3A_23, %dma_start3A_24] : memref<10240x32xf32, #tpu.memory_space<vmem_shared>> -> memref<10240x32xf32, #tpu.memory_space<vmem_shared>>
    tpu.enqueue_indirect_dma source(%dma_start3A_25 : memref<10240x32xf32, #tpu.memory_space<vmem_shared>>) target(%arg12 : memref<80x32xf32, #tpu.memory_space<vmem>>) offsets(%dma_start3A_22 : memref<80xi32, #tpu.memory_space<vmem>>) semaphore(%arg19 : memref<!tpu.dma_semaphore, #tpu.memory_space<semaphore_mem>>)
    %dma_start3A_26 = arith.constant 320 : i32
    %dma_start3A_27 = tpu.memref_slice %arg7[%dma_start3A_26] : memref<10000xi32, #tpu.memory_space<vmem>> -> memref<80xi32, #tpu.memory_space<vmem>>
    %dma_start3A_28 = arith.constant 0 : i32
    %dma_start3A_29 = arith.constant 0 : i32
    %dma_start3A_30 = tpu.memref_slice %arg14[%dma_start3A_28, %dma_start3A_29] : memref<10240x32xf32, #tpu.memory_space<vmem_shared>> -> memref<10240x32xf32, #tpu.memory_space<vmem_shared>>
    tpu.enqueue_indirect_dma source(%dma_start3A_30 : memref<10240x32xf32, #tpu.memory_space<vmem_shared>>) target(%arg13 : memref<80x32xf32, #tpu.memory_space<vmem>>) offsets(%dma_start3A_27 : memref<80xi32, #tpu.memory_space<vmem>>) semaphore(%arg20 : memref<!tpu.dma_semaphore, #tpu.memory_space<semaphore_mem>>)
    %scan3A = arith.constant 0 : i32
    %scan3A_31 = arith.constant 0 : i32
    %scan3A_32 = arith.constant 24 : i32
    %scan3A_33 = arith.addi %scan3A_31, %scan3A_32 : i32
    %scan3A_34 = arith.constant 1 : i32
    scf.for %scan3A_111 = %scan3A_31 to %scan3A_33 step %scan3A_34  : i32 {
      %mul3A_112 = arith.constant 5 : i32
      %mul3A_113 = arith.muli %scan3A_111, %mul3A_112 : i32
      %add3A_114 = arith.constant 0 : i32
      %add3A_115 = arith.addi %mul3A_113, %add3A_114 : i32
      %mul3A_116 = arith.constant 80 : i32
      %mul3A_117 = arith.muli %add3A_115, %mul3A_116 : i32
      %dma_wait3A_118 = tpu.memref_slice %arg7[%mul3A_117] : memref<10000xi32, #tpu.memory_space<vmem>> -> memref<80xi32, #tpu.memory_space<vmem>>
      %dma_wait3A_119 = arith.constant 0 : i32
      %dma_wait3A_120 = arith.constant 0 : i32
      %dma_wait3A_121 = tpu.memref_slice %arg14[%dma_wait3A_119, %dma_wait3A_120] : memref<10240x32xf32, #tpu.memory_space<vmem_shared>> -> memref<10240x32xf32, #tpu.memory_space<vmem_shared>>
      tpu.wait_indirect_dma semaphore(%arg16 : memref<!tpu.dma_semaphore, #tpu.memory_space<semaphore_mem>>) src(%dma_wait3A_121 : memref<10240x32xf32, #tpu.memory_space<vmem_shared>>) dst(%arg9 : memref<80x32xf32, #tpu.memory_space<vmem>>)
      %add3A_122 = arith.constant 0 : i32
      %add3A_123 = arith.addi %mul3A_113, %add3A_122 : i32
      %mul3A_124 = arith.constant 80 : i32
      %mul3A_125 = arith.muli %add3A_123, %mul3A_124 : i32
      %dma_start3A_126 = tpu.memref_slice %arg8[%mul3A_125] : memref<10000xi32, #tpu.memory_space<vmem>> -> memref<80xi32, #tpu.memory_space<vmem>>
      %dma_start3A_127 = arith.constant 0 : i32
      %dma_start3A_128 = arith.constant 0 : i32
      %dma_start3A_129 = tpu.memref_slice %arg15[%dma_start3A_127, %dma_start3A_128] : memref<10240x32xf32, #tpu.memory_space<vmem_shared>> -> memref<10240x32xf32, #tpu.memory_space<vmem_shared>>
      tpu.enqueue_indirect_dma source(%arg9 : memref<80x32xf32, #tpu.memory_space<vmem>>) target(%dma_start3A_129 : memref<10240x32xf32, #tpu.memory_space<vmem_shared>>) offsets(%dma_start3A_126 : memref<80xi32, #tpu.memory_space<vmem>>) semaphore(%arg21 : memref<!tpu.dma_semaphore, #tpu.memory_space<semaphore_mem>>) {add = true}
      %add3A_130 = arith.constant 1 : i32
      %add3A_131 = arith.addi %mul3A_113, %add3A_130 : i32
      %mul3A_132 = arith.constant 80 : i32
      %mul3A_133 = arith.muli %add3A_131, %mul3A_132 : i32
      %dma_wait3A_134 = tpu.memref_slice %arg7[%mul3A_133] : memref<10000xi32, #tpu.memory_space<vmem>> -> memref<80xi32, #tpu.memory_space<vmem>>
      %dma_wait3A_135 = arith.constant 0 : i32
      %dma_wait3A_136 = arith.constant 0 : i32
      %dma_wait3A_137 = tpu.memref_slice %arg14[%dma_wait3A_135, %dma_wait3A_136] : memref<10240x32xf32, #tpu.memory_space<vmem_shared>> -> memref<10240x32xf32, #tpu.memory_space<vmem_shared>>
      tpu.wait_indirect_dma semaphore(%arg17 : memref<!tpu.dma_semaphore, #tpu.memory_space<semaphore_mem>>) src(%dma_wait3A_137 : memref<10240x32xf32, #tpu.memory_space<vmem_shared>>) dst(%arg10 : memref<80x32xf32, #tpu.memory_space<vmem>>)
      %add3A_138 = arith.constant 1 : i32
      %add3A_139 = arith.addi %mul3A_113, %add3A_138 : i32
      %mul3A_140 = arith.constant 80 : i32
      %mul3A_141 = arith.muli %add3A_139, %mul3A_140 : i32
      %dma_start3A_142 = tpu.memref_slice %arg8[%mul3A_141] : memref<10000xi32, #tpu.memory_space<vmem>> -> memref<80xi32, #tpu.memory_space<vmem>>
      %dma_start3A_143 = arith.constant 0 : i32
      %dma_start3A_144 = arith.constant 0 : i32
      %dma_start3A_145 = tpu.memref_slice %arg15[%dma_start3A_143, %dma_start3A_144] : memref<10240x32xf32, #tpu.memory_space<vmem_shared>> -> memref<10240x32xf32, #tpu.memory_space<vmem_shared>>
      tpu.enqueue_indirect_dma source(%arg10 : memref<80x32xf32, #tpu.memory_space<vmem>>) target(%dma_start3A_145 : memref<10240x32xf32, #tpu.memory_space<vmem_shared>>) offsets(%dma_start3A_142 : memref<80xi32, #tpu.memory_space<vmem>>) semaphore(%arg22 : memref<!tpu.dma_semaphore, #tpu.memory_space<semaphore_mem>>) {add = true}
      %add3A_146 = arith.constant 2 : i32
      %add3A_147 = arith.addi %mul3A_113, %add3A_146 : i32
      %mul3A_148 = arith.constant 80 : i32
      %mul3A_149 = arith.muli %add3A_147, %mul3A_148 : i32
      %dma_wait3A_150 = tpu.memref_slice %arg7[%mul3A_149] : memref<10000xi32, #tpu.memory_space<vmem>> -> memref<80xi32, #tpu.memory_space<vmem>>
      %dma_wait3A_151 = arith.constant 0 : i32
      %dma_wait3A_152 = arith.constant 0 : i32
      %dma_wait3A_153 = tpu.memref_slice %arg14[%dma_wait3A_151, %dma_wait3A_152] : memref<10240x32xf32, #tpu.memory_space<vmem_shared>> -> memref<10240x32xf32, #tpu.memory_space<vmem_shared>>
      tpu.wait_indirect_dma semaphore(%arg18 : memref<!tpu.dma_semaphore, #tpu.memory_space<semaphore_mem>>) src(%dma_wait3A_153 : memref<10240x32xf32, #tpu.memory_space<vmem_shared>>) dst(%arg11 : memref<80x32xf32, #tpu.memory_space<vmem>>)
      %add3A_154 = arith.constant 2 : i32
      %add3A_155 = arith.addi %mul3A_113, %add3A_154 : i32
      %mul3A_156 = arith.constant 80 : i32
      %mul3A_157 = arith.muli %add3A_155, %mul3A_156 : i32
      %dma_start3A_158 = tpu.memref_slice %arg8[%mul3A_157] : memref<10000xi32, #tpu.memory_space<vmem>> -> memref<80xi32, #tpu.memory_space<vmem>>
      %dma_start3A_159 = arith.constant 0 : i32
      %dma_start3A_160 = arith.constant 0 : i32
      %dma_start3A_161 = tpu.memref_slice %arg15[%dma_start3A_159, %dma_start3A_160] : memref<10240x32xf32, #tpu.memory_space<vmem_shared>> -> memref<10240x32xf32, #tpu.memory_space<vmem_shared>>
      tpu.enqueue_indirect_dma source(%arg11 : memref<80x32xf32, #tpu.memory_space<vmem>>) target(%dma_start3A_161 : memref<10240x32xf32, #tpu.memory_space<vmem_shared>>) offsets(%dma_start3A_158 : memref<80xi32, #tpu.memory_space<vmem>>) semaphore(%arg23 : memref<!tpu.dma_semaphore, #tpu.memory_space<semaphore_mem>>) {add = true}
      %add3A_162 = arith.constant 3 : i32
      %add3A_163 = arith.addi %mul3A_113, %add3A_162 : i32
      %mul3A_164 = arith.constant 80 : i32
      %mul3A_165 = arith.muli %add3A_163, %mul3A_164 : i32
      %dma_wait3A_166 = tpu.memref_slice %arg7[%mul3A_165] : memref<10000xi32, #tpu.memory_space<vmem>> -> memref<80xi32, #tpu.memory_space<vmem>>
      %dma_wait3A_167 = arith.constant 0 : i32
      %dma_wait3A_168 = arith.constant 0 : i32
      %dma_wait3A_169 = tpu.memref_slice %arg14[%dma_wait3A_167, %dma_wait3A_168] : memref<10240x32xf32, #tpu.memory_space<vmem_shared>> -> memref<10240x32xf32, #tpu.memory_space<vmem_shared>>
      tpu.wait_indirect_dma semaphore(%arg19 : memref<!tpu.dma_semaphore, #tpu.memory_space<semaphore_mem>>) src(%dma_wait3A_169 : memref<10240x32xf32, #tpu.memory_space<vmem_shared>>) dst(%arg12 : memref<80x32xf32, #tpu.memory_space<vmem>>)
      %add3A_170 = arith.constant 3 : i32
      %add3A_171 = arith.addi %mul3A_113, %add3A_170 : i32
      %mul3A_172 = arith.constant 80 : i32
      %mul3A_173 = arith.muli %add3A_171, %mul3A_172 : i32
      %dma_start3A_174 = tpu.memref_slice %arg8[%mul3A_173] : memref<10000xi32, #tpu.memory_space<vmem>> -> memref<80xi32, #tpu.memory_space<vmem>>
      %dma_start3A_175 = arith.constant 0 : i32
      %dma_start3A_176 = arith.constant 0 : i32
      %dma_start3A_177 = tpu.memref_slice %arg15[%dma_start3A_175, %dma_start3A_176] : memref<10240x32xf32, #tpu.memory_space<vmem_shared>> -> memref<10240x32xf32, #tpu.memory_space<vmem_shared>>
      tpu.enqueue_indirect_dma source(%arg12 : memref<80x32xf32, #tpu.memory_space<vmem>>) target(%dma_start3A_177 : memref<10240x32xf32, #tpu.memory_space<vmem_shared>>) offsets(%dma_start3A_174 : memref<80xi32, #tpu.memory_space<vmem>>) semaphore(%arg24 : memref<!tpu.dma_semaphore, #tpu.memory_space<semaphore_mem>>) {add = true}
      %add3A_178 = arith.constant 4 : i32
      %add3A_179 = arith.addi %mul3A_113, %add3A_178 : i32
      %mul3A_180 = arith.constant 80 : i32
      %mul3A_181 = arith.muli %add3A_179, %mul3A_180 : i32
      %dma_wait3A_182 = tpu.memref_slice %arg7[%mul3A_181] : memref<10000xi32, #tpu.memory_space<vmem>> -> memref<80xi32, #tpu.memory_space<vmem>>
      %dma_wait3A_183 = arith.constant 0 : i32
      %dma_wait3A_184 = arith.constant 0 : i32
      %dma_wait3A_185 = tpu.memref_slice %arg14[%dma_wait3A_183, %dma_wait3A_184] : memref<10240x32xf32, #tpu.memory_space<vmem_shared>> -> memref<10240x32xf32, #tpu.memory_space<vmem_shared>>
      tpu.wait_indirect_dma semaphore(%arg20 : memref<!tpu.dma_semaphore, #tpu.memory_space<semaphore_mem>>) src(%dma_wait3A_185 : memref<10240x32xf32, #tpu.memory_space<vmem_shared>>) dst(%arg13 : memref<80x32xf32, #tpu.memory_space<vmem>>)
      %add3A_186 = arith.constant 4 : i32
      %add3A_187 = arith.addi %mul3A_113, %add3A_186 : i32
      %mul3A_188 = arith.constant 80 : i32
      %mul3A_189 = arith.muli %add3A_187, %mul3A_188 : i32
      %dma_start3A_190 = tpu.memref_slice %arg8[%mul3A_189] : memref<10000xi32, #tpu.memory_space<vmem>> -> memref<80xi32, #tpu.memory_space<vmem>>
      %dma_start3A_191 = arith.constant 0 : i32
      %dma_start3A_192 = arith.constant 0 : i32
      %dma_start3A_193 = tpu.memref_slice %arg15[%dma_start3A_191, %dma_start3A_192] : memref<10240x32xf32, #tpu.memory_space<vmem_shared>> -> memref<10240x32xf32, #tpu.memory_space<vmem_shared>>
      tpu.enqueue_indirect_dma source(%arg13 : memref<80x32xf32, #tpu.memory_space<vmem>>) target(%dma_start3A_193 : memref<10240x32xf32, #tpu.memory_space<vmem_shared>>) offsets(%dma_start3A_190 : memref<80xi32, #tpu.memory_space<vmem>>) semaphore(%arg25 : memref<!tpu.dma_semaphore, #tpu.memory_space<semaphore_mem>>) {add = true}
      %add3A_194 = arith.constant 0 : i32
      %add3A_195 = arith.addi %mul3A_113, %add3A_194 : i32
      %mul3A_196 = arith.constant 80 : i32
      %mul3A_197 = arith.muli %add3A_195, %mul3A_196 : i32
      %dma_wait3A_198 = tpu.memref_slice %arg8[%mul3A_197] : memref<10000xi32, #tpu.memory_space<vmem>> -> memref<80xi32, #tpu.memory_space<vmem>>
      %dma_wait3A_199 = arith.constant 0 : i32
      %dma_wait3A_200 = arith.constant 0 : i32
      %dma_wait3A_201 = tpu.memref_slice %arg15[%dma_wait3A_199, %dma_wait3A_200] : memref<10240x32xf32, #tpu.memory_space<vmem_shared>> -> memref<10240x32xf32, #tpu.memory_space<vmem_shared>>
      tpu.wait_indirect_dma semaphore(%arg21 : memref<!tpu.dma_semaphore, #tpu.memory_space<semaphore_mem>>) src(%arg9 : memref<80x32xf32, #tpu.memory_space<vmem>>) dst(%dma_wait3A_201 : memref<10240x32xf32, #tpu.memory_space<vmem_shared>>)
      %add3A_202 = arith.constant 5 : i32
      %add3A_203 = arith.addi %mul3A_113, %add3A_202 : i32
      %add3A_204 = arith.constant 0 : i32
      %add3A_205 = arith.addi %add3A_203, %add3A_204 : i32
      %mul3A_206 = arith.constant 80 : i32
      %mul3A_207 = arith.muli %add3A_205, %mul3A_206 : i32
      %dma_start3A_208 = tpu.memref_slice %arg7[%mul3A_207] : memref<10000xi32, #tpu.memory_space<vmem>> -> memref<80xi32, #tpu.memory_space<vmem>>
      %dma_start3A_209 = arith.constant 0 : i32
      %dma_start3A_210 = arith.constant 0 : i32
      %dma_start3A_211 = tpu.memref_slice %arg14[%dma_start3A_209, %dma_start3A_210] : memref<10240x32xf32, #tpu.memory_space<vmem_shared>> -> memref<10240x32xf32, #tpu.memory_space<vmem_shared>>
      tpu.enqueue_indirect_dma source(%dma_start3A_211 : memref<10240x32xf32, #tpu.memory_space<vmem_shared>>) target(%arg9 : memref<80x32xf32, #tpu.memory_space<vmem>>) offsets(%dma_start3A_208 : memref<80xi32, #tpu.memory_space<vmem>>) semaphore(%arg16 : memref<!tpu.dma_semaphore, #tpu.memory_space<semaphore_mem>>)
      %add3A_212 = arith.constant 1 : i32
      %add3A_213 = arith.addi %mul3A_113, %add3A_212 : i32
      %mul3A_214 = arith.constant 80 : i32
      %mul3A_215 = arith.muli %add3A_213, %mul3A_214 : i32
      %dma_wait3A_216 = tpu.memref_slice %arg8[%mul3A_215] : memref<10000xi32, #tpu.memory_space<vmem>> -> memref<80xi32, #tpu.memory_space<vmem>>
      %dma_wait3A_217 = arith.constant 0 : i32
      %dma_wait3A_218 = arith.constant 0 : i32
      %dma_wait3A_219 = tpu.memref_slice %arg15[%dma_wait3A_217, %dma_wait3A_218] : memref<10240x32xf32, #tpu.memory_space<vmem_shared>> -> memref<10240x32xf32, #tpu.memory_space<vmem_shared>>
      tpu.wait_indirect_dma semaphore(%arg22 : memref<!tpu.dma_semaphore, #tpu.memory_space<semaphore_mem>>) src(%arg10 : memref<80x32xf32, #tpu.memory_space<vmem>>) dst(%dma_wait3A_219 : memref<10240x32xf32, #tpu.memory_space<vmem_shared>>)
      %add3A_220 = arith.constant 5 : i32
      %add3A_221 = arith.addi %mul3A_113, %add3A_220 : i32
      %add3A_222 = arith.constant 1 : i32
      %add3A_223 = arith.addi %add3A_221, %add3A_222 : i32
      %mul3A_224 = arith.constant 80 : i32
      %mul3A_225 = arith.muli %add3A_223, %mul3A_224 : i32
      %dma_start3A_226 = tpu.memref_slice %arg7[%mul3A_225] : memref<10000xi32, #tpu.memory_space<vmem>> -> memref<80xi32, #tpu.memory_space<vmem>>
      %dma_start3A_227 = arith.constant 0 : i32
      %dma_start3A_228 = arith.constant 0 : i32
      %dma_start3A_229 = tpu.memref_slice %arg14[%dma_start3A_227, %dma_start3A_228] : memref<10240x32xf32, #tpu.memory_space<vmem_shared>> -> memref<10240x32xf32, #tpu.memory_space<vmem_shared>>
      tpu.enqueue_indirect_dma source(%dma_start3A_229 : memref<10240x32xf32, #tpu.memory_space<vmem_shared>>) target(%arg10 : memref<80x32xf32, #tpu.memory_space<vmem>>) offsets(%dma_start3A_226 : memref<80xi32, #tpu.memory_space<vmem>>) semaphore(%arg17 : memref<!tpu.dma_semaphore, #tpu.memory_space<semaphore_mem>>)
      %add3A_230 = arith.constant 2 : i32
      %add3A_231 = arith.addi %mul3A_113, %add3A_230 : i32
      %mul3A_232 = arith.constant 80 : i32
      %mul3A_233 = arith.muli %add3A_231, %mul3A_232 : i32
      %dma_wait3A_234 = tpu.memref_slice %arg8[%mul3A_233] : memref<10000xi32, #tpu.memory_space<vmem>> -> memref<80xi32, #tpu.memory_space<vmem>>
      %dma_wait3A_235 = arith.constant 0 : i32
      %dma_wait3A_236 = arith.constant 0 : i32
      %dma_wait3A_237 = tpu.memref_slice %arg15[%dma_wait3A_235, %dma_wait3A_236] : memref<10240x32xf32, #tpu.memory_space<vmem_shared>> -> memref<10240x32xf32, #tpu.memory_space<vmem_shared>>
      tpu.wait_indirect_dma semaphore(%arg23 : memref<!tpu.dma_semaphore, #tpu.memory_space<semaphore_mem>>) src(%arg11 : memref<80x32xf32, #tpu.memory_space<vmem>>) dst(%dma_wait3A_237 : memref<10240x32xf32, #tpu.memory_space<vmem_shared>>)
      %add3A_238 = arith.constant 5 : i32
      %add3A_239 = arith.addi %mul3A_113, %add3A_238 : i32
      %add3A_240 = arith.constant 2 : i32
      %add3A_241 = arith.addi %add3A_239, %add3A_240 : i32
      %mul3A_242 = arith.constant 80 : i32
      %mul3A_243 = arith.muli %add3A_241, %mul3A_242 : i32
      %dma_start3A_244 = tpu.memref_slice %arg7[%mul3A_243] : memref<10000xi32, #tpu.memory_space<vmem>> -> memref<80xi32, #tpu.memory_space<vmem>>
      %dma_start3A_245 = arith.constant 0 : i32
      %dma_start3A_246 = arith.constant 0 : i32
      %dma_start3A_247 = tpu.memref_slice %arg14[%dma_start3A_245, %dma_start3A_246] : memref<10240x32xf32, #tpu.memory_space<vmem_shared>> -> memref<10240x32xf32, #tpu.memory_space<vmem_shared>>
      tpu.enqueue_indirect_dma source(%dma_start3A_247 : memref<10240x32xf32, #tpu.memory_space<vmem_shared>>) target(%arg11 : memref<80x32xf32, #tpu.memory_space<vmem>>) offsets(%dma_start3A_244 : memref<80xi32, #tpu.memory_space<vmem>>) semaphore(%arg18 : memref<!tpu.dma_semaphore, #tpu.memory_space<semaphore_mem>>)
      %add3A_248 = arith.constant 3 : i32
      %add3A_249 = arith.addi %mul3A_113, %add3A_248 : i32
      %mul3A_250 = arith.constant 80 : i32
      %mul3A_251 = arith.muli %add3A_249, %mul3A_250 : i32
      %dma_wait3A_252 = tpu.memref_slice %arg8[%mul3A_251] : memref<10000xi32, #tpu.memory_space<vmem>> -> memref<80xi32, #tpu.memory_space<vmem>>
      %dma_wait3A_253 = arith.constant 0 : i32
      %dma_wait3A_254 = arith.constant 0 : i32
      %dma_wait3A_255 = tpu.memref_slice %arg15[%dma_wait3A_253, %dma_wait3A_254] : memref<10240x32xf32, #tpu.memory_space<vmem_shared>> -> memref<10240x32xf32, #tpu.memory_space<vmem_shared>>
      tpu.wait_indirect_dma semaphore(%arg24 : memref<!tpu.dma_semaphore, #tpu.memory_space<semaphore_mem>>) src(%arg12 : memref<80x32xf32, #tpu.memory_space<vmem>>) dst(%dma_wait3A_255 : memref<10240x32xf32, #tpu.memory_space<vmem_shared>>)
      %add3A_256 = arith.constant 5 : i32
      %add3A_257 = arith.addi %mul3A_113, %add3A_256 : i32
      %add3A_258 = arith.constant 3 : i32
      %add3A_259 = arith.addi %add3A_257, %add3A_258 : i32
      %mul3A_260 = arith.constant 80 : i32
      %mul3A_261 = arith.muli %add3A_259, %mul3A_260 : i32
      %dma_start3A_262 = tpu.memref_slice %arg7[%mul3A_261] : memref<10000xi32, #tpu.memory_space<vmem>> -> memref<80xi32, #tpu.memory_space<vmem>>
      %dma_start3A_263 = arith.constant 0 : i32
      %dma_start3A_264 = arith.constant 0 : i32
      %dma_start3A_265 = tpu.memref_slice %arg14[%dma_start3A_263, %dma_start3A_264] : memref<10240x32xf32, #tpu.memory_space<vmem_shared>> -> memref<10240x32xf32, #tpu.memory_space<vmem_shared>>
      tpu.enqueue_indirect_dma source(%dma_start3A_265 : memref<10240x32xf32, #tpu.memory_space<vmem_shared>>) target(%arg12 : memref<80x32xf32, #tpu.memory_space<vmem>>) offsets(%dma_start3A_262 : memref<80xi32, #tpu.memory_space<vmem>>) semaphore(%arg19 : memref<!tpu.dma_semaphore, #tpu.memory_space<semaphore_mem>>)
      %add3A_266 = arith.constant 4 : i32
      %add3A_267 = arith.addi %mul3A_113, %add3A_266 : i32
      %mul3A_268 = arith.constant 80 : i32
      %mul3A_269 = arith.muli %add3A_267, %mul3A_268 : i32
      %dma_wait3A_270 = tpu.memref_slice %arg8[%mul3A_269] : memref<10000xi32, #tpu.memory_space<vmem>> -> memref<80xi32, #tpu.memory_space<vmem>>
      %dma_wait3A_271 = arith.constant 0 : i32
      %dma_wait3A_272 = arith.constant 0 : i32
      %dma_wait3A_273 = tpu.memref_slice %arg15[%dma_wait3A_271, %dma_wait3A_272] : memref<10240x32xf32, #tpu.memory_space<vmem_shared>> -> memref<10240x32xf32, #tpu.memory_space<vmem_shared>>
      tpu.wait_indirect_dma semaphore(%arg25 : memref<!tpu.dma_semaphore, #tpu.memory_space<semaphore_mem>>) src(%arg13 : memref<80x32xf32, #tpu.memory_space<vmem>>) dst(%dma_wait3A_273 : memref<10240x32xf32, #tpu.memory_space<vmem_shared>>)
      %add3A_274 = arith.constant 5 : i32
      %add3A_275 = arith.addi %mul3A_113, %add3A_274 : i32
      %add3A_276 = arith.constant 4 : i32
      %add3A_277 = arith.addi %add3A_275, %add3A_276 : i32
      %mul3A_278 = arith.constant 80 : i32
      %mul3A_279 = arith.muli %add3A_277, %mul3A_278 : i32
      %dma_start3A_280 = tpu.memref_slice %arg7[%mul3A_279] : memref<10000xi32, #tpu.memory_space<vmem>> -> memref<80xi32, #tpu.memory_space<vmem>>
      %dma_start3A_281 = arith.constant 0 : i32
      %dma_start3A_282 = arith.constant 0 : i32
      %dma_start3A_283 = tpu.memref_slice %arg14[%dma_start3A_281, %dma_start3A_282] : memref<10240x32xf32, #tpu.memory_space<vmem_shared>> -> memref<10240x32xf32, #tpu.memory_space<vmem_shared>>
      tpu.enqueue_indirect_dma source(%dma_start3A_283 : memref<10240x32xf32, #tpu.memory_space<vmem_shared>>) target(%arg13 : memref<80x32xf32, #tpu.memory_space<vmem>>) offsets(%dma_start3A_280 : memref<80xi32, #tpu.memory_space<vmem>>) semaphore(%arg20 : memref<!tpu.dma_semaphore, #tpu.memory_space<semaphore_mem>>)
    }
    %scan3A_35 = arith.constant 24 : i32
    %dma_wait3A = arith.constant 9600 : i32
    %dma_wait3A_36 = tpu.memref_slice %arg7[%dma_wait3A] : memref<10000xi32, #tpu.memory_space<vmem>> -> memref<80xi32, #tpu.memory_space<vmem>>
    %dma_wait3A_37 = arith.constant 0 : i32
    %dma_wait3A_38 = arith.constant 0 : i32
    %dma_wait3A_39 = tpu.memref_slice %arg14[%dma_wait3A_37, %dma_wait3A_38] : memref<10240x32xf32, #tpu.memory_space<vmem_shared>> -> memref<10240x32xf32, #tpu.memory_space<vmem_shared>>
    tpu.wait_indirect_dma semaphore(%arg16 : memref<!tpu.dma_semaphore, #tpu.memory_space<semaphore_mem>>) src(%dma_wait3A_39 : memref<10240x32xf32, #tpu.memory_space<vmem_shared>>) dst(%arg9 : memref<80x32xf32, #tpu.memory_space<vmem>>)
    %dma_start3A_40 = arith.constant 9600 : i32
    %dma_start3A_41 = tpu.memref_slice %arg8[%dma_start3A_40] : memref<10000xi32, #tpu.memory_space<vmem>> -> memref<80xi32, #tpu.memory_space<vmem>>
    %dma_start3A_42 = arith.constant 0 : i32
    %dma_start3A_43 = arith.constant 0 : i32
    %dma_start3A_44 = tpu.memref_slice %arg15[%dma_start3A_42, %dma_start3A_43] : memref<10240x32xf32, #tpu.memory_space<vmem_shared>> -> memref<10240x32xf32, #tpu.memory_space<vmem_shared>>
    tpu.enqueue_indirect_dma source(%arg9 : memref<80x32xf32, #tpu.memory_space<vmem>>) target(%dma_start3A_44 : memref<10240x32xf32, #tpu.memory_space<vmem_shared>>) offsets(%dma_start3A_41 : memref<80xi32, #tpu.memory_space<vmem>>) semaphore(%arg21 : memref<!tpu.dma_semaphore, #tpu.memory_space<semaphore_mem>>) {add = true}
    %dma_wait3A_45 = arith.constant 9680 : i32
    %dma_wait3A_46 = tpu.memref_slice %arg7[%dma_wait3A_45] : memref<10000xi32, #tpu.memory_space<vmem>> -> memref<80xi32, #tpu.memory_space<vmem>>
    %dma_wait3A_47 = arith.constant 0 : i32
    %dma_wait3A_48 = arith.constant 0 : i32
    %dma_wait3A_49 = tpu.memref_slice %arg14[%dma_wait3A_47, %dma_wait3A_48] : memref<10240x32xf32, #tpu.memory_space<vmem_shared>> -> memref<10240x32xf32, #tpu.memory_space<vmem_shared>>
    tpu.wait_indirect_dma semaphore(%arg17 : memref<!tpu.dma_semaphore, #tpu.memory_space<semaphore_mem>>) src(%dma_wait3A_49 : memref<10240x32xf32, #tpu.memory_space<vmem_shared>>) dst(%arg10 : memref<80x32xf32, #tpu.memory_space<vmem>>)
    %dma_start3A_50 = arith.constant 9680 : i32
    %dma_start3A_51 = tpu.memref_slice %arg8[%dma_start3A_50] : memref<10000xi32, #tpu.memory_space<vmem>> -> memref<80xi32, #tpu.memory_space<vmem>>
    %dma_start3A_52 = arith.constant 0 : i32
    %dma_start3A_53 = arith.constant 0 : i32
    %dma_start3A_54 = tpu.memref_slice %arg15[%dma_start3A_52, %dma_start3A_53] : memref<10240x32xf32, #tpu.memory_space<vmem_shared>> -> memref<10240x32xf32, #tpu.memory_space<vmem_shared>>
    tpu.enqueue_indirect_dma source(%arg10 : memref<80x32xf32, #tpu.memory_space<vmem>>) target(%dma_start3A_54 : memref<10240x32xf32, #tpu.memory_space<vmem_shared>>) offsets(%dma_start3A_51 : memref<80xi32, #tpu.memory_space<vmem>>) semaphore(%arg22 : memref<!tpu.dma_semaphore, #tpu.memory_space<semaphore_mem>>) {add = true}
    %dma_wait3A_55 = arith.constant 9760 : i32
    %dma_wait3A_56 = tpu.memref_slice %arg7[%dma_wait3A_55] : memref<10000xi32, #tpu.memory_space<vmem>> -> memref<80xi32, #tpu.memory_space<vmem>>
    %dma_wait3A_57 = arith.constant 0 : i32
    %dma_wait3A_58 = arith.constant 0 : i32
    %dma_wait3A_59 = tpu.memref_slice %arg14[%dma_wait3A_57, %dma_wait3A_58] : memref<10240x32xf32, #tpu.memory_space<vmem_shared>> -> memref<10240x32xf32, #tpu.memory_space<vmem_shared>>
    tpu.wait_indirect_dma semaphore(%arg18 : memref<!tpu.dma_semaphore, #tpu.memory_space<semaphore_mem>>) src(%dma_wait3A_59 : memref<10240x32xf32, #tpu.memory_space<vmem_shared>>) dst(%arg11 : memref<80x32xf32, #tpu.memory_space<vmem>>)
    %dma_start3A_60 = arith.constant 9760 : i32
    %dma_start3A_61 = tpu.memref_slice %arg8[%dma_start3A_60] : memref<10000xi32, #tpu.memory_space<vmem>> -> memref<80xi32, #tpu.memory_space<vmem>>
    %dma_start3A_62 = arith.constant 0 : i32
    %dma_start3A_63 = arith.constant 0 : i32
    %dma_start3A_64 = tpu.memref_slice %arg15[%dma_start3A_62, %dma_start3A_63] : memref<10240x32xf32, #tpu.memory_space<vmem_shared>> -> memref<10240x32xf32, #tpu.memory_space<vmem_shared>>
    tpu.enqueue_indirect_dma source(%arg11 : memref<80x32xf32, #tpu.memory_space<vmem>>) target(%dma_start3A_64 : memref<10240x32xf32, #tpu.memory_space<vmem_shared>>) offsets(%dma_start3A_61 : memref<80xi32, #tpu.memory_space<vmem>>) semaphore(%arg23 : memref<!tpu.dma_semaphore, #tpu.memory_space<semaphore_mem>>) {add = true}
    %dma_wait3A_65 = arith.constant 9840 : i32
    %dma_wait3A_66 = tpu.memref_slice %arg7[%dma_wait3A_65] : memref<10000xi32, #tpu.memory_space<vmem>> -> memref<80xi32, #tpu.memory_space<vmem>>
    %dma_wait3A_67 = arith.constant 0 : i32
    %dma_wait3A_68 = arith.constant 0 : i32
    %dma_wait3A_69 = tpu.memref_slice %arg14[%dma_wait3A_67, %dma_wait3A_68] : memref<10240x32xf32, #tpu.memory_space<vmem_shared>> -> memref<10240x32xf32, #tpu.memory_space<vmem_shared>>
    tpu.wait_indirect_dma semaphore(%arg19 : memref<!tpu.dma_semaphore, #tpu.memory_space<semaphore_mem>>) src(%dma_wait3A_69 : memref<10240x32xf32, #tpu.memory_space<vmem_shared>>) dst(%arg12 : memref<80x32xf32, #tpu.memory_space<vmem>>)
    %dma_start3A_70 = arith.constant 9840 : i32
    %dma_start3A_71 = tpu.memref_slice %arg8[%dma_start3A_70] : memref<10000xi32, #tpu.memory_space<vmem>> -> memref<80xi32, #tpu.memory_space<vmem>>
    %dma_start3A_72 = arith.constant 0 : i32
    %dma_start3A_73 = arith.constant 0 : i32
    %dma_start3A_74 = tpu.memref_slice %arg15[%dma_start3A_72, %dma_start3A_73] : memref<10240x32xf32, #tpu.memory_space<vmem_shared>> -> memref<10240x32xf32, #tpu.memory_space<vmem_shared>>
    tpu.enqueue_indirect_dma source(%arg12 : memref<80x32xf32, #tpu.memory_space<vmem>>) target(%dma_start3A_74 : memref<10240x32xf32, #tpu.memory_space<vmem_shared>>) offsets(%dma_start3A_71 : memref<80xi32, #tpu.memory_space<vmem>>) semaphore(%arg24 : memref<!tpu.dma_semaphore, #tpu.memory_space<semaphore_mem>>) {add = true}
    %dma_wait3A_75 = arith.constant 9920 : i32
    %dma_wait3A_76 = tpu.memref_slice %arg7[%dma_wait3A_75] : memref<10000xi32, #tpu.memory_space<vmem>> -> memref<80xi32, #tpu.memory_space<vmem>>
    %dma_wait3A_77 = arith.constant 0 : i32
    %dma_wait3A_78 = arith.constant 0 : i32
    %dma_wait3A_79 = tpu.memref_slice %arg14[%dma_wait3A_77, %dma_wait3A_78] : memref<10240x32xf32, #tpu.memory_space<vmem_shared>> -> memref<10240x32xf32, #tpu.memory_space<vmem_shared>>
    tpu.wait_indirect_dma semaphore(%arg20 : memref<!tpu.dma_semaphore, #tpu.memory_space<semaphore_mem>>) src(%dma_wait3A_79 : memref<10240x32xf32, #tpu.memory_space<vmem_shared>>) dst(%arg13 : memref<80x32xf32, #tpu.memory_space<vmem>>)
    %dma_start3A_80 = arith.constant 9920 : i32
    %dma_start3A_81 = tpu.memref_slice %arg8[%dma_start3A_80] : memref<10000xi32, #tpu.memory_space<vmem>> -> memref<80xi32, #tpu.memory_space<vmem>>
    %dma_start3A_82 = arith.constant 0 : i32
    %dma_start3A_83 = arith.constant 0 : i32
    %dma_start3A_84 = tpu.memref_slice %arg15[%dma_start3A_82, %dma_start3A_83] : memref<10240x32xf32, #tpu.memory_space<vmem_shared>> -> memref<10240x32xf32, #tpu.memory_space<vmem_shared>>
    tpu.enqueue_indirect_dma source(%arg13 : memref<80x32xf32, #tpu.memory_space<vmem>>) target(%dma_start3A_84 : memref<10240x32xf32, #tpu.memory_space<vmem_shared>>) offsets(%dma_start3A_81 : memref<80xi32, #tpu.memory_space<vmem>>) semaphore(%arg25 : memref<!tpu.dma_semaphore, #tpu.memory_space<semaphore_mem>>) {add = true}
    %dma_wait3A_85 = arith.constant 9600 : i32
    %dma_wait3A_86 = tpu.memref_slice %arg8[%dma_wait3A_85] : memref<10000xi32, #tpu.memory_space<vmem>> -> memref<80xi32, #tpu.memory_space<vmem>>
    %dma_wait3A_87 = arith.constant 0 : i32
    %dma_wait3A_88 = arith.constant 0 : i32
    %dma_wait3A_89 = tpu.memref_slice %arg15[%dma_wait3A_87, %dma_wait3A_88] : memref<10240x32xf32, #tpu.memory_space<vmem_shared>> -> memref<10240x32xf32, #tpu.memory_space<vmem_shared>>
    tpu.wait_indirect_dma semaphore(%arg21 : memref<!tpu.dma_semaphore, #tpu.memory_space<semaphore_mem>>) src(%arg9 : memref<80x32xf32, #tpu.memory_space<vmem>>) dst(%dma_wait3A_89 : memref<10240x32xf32, #tpu.memory_space<vmem_shared>>)
    %dma_wait3A_90 = arith.constant 9680 : i32
    %dma_wait3A_91 = tpu.memref_slice %arg8[%dma_wait3A_90] : memref<10000xi32, #tpu.memory_space<vmem>> -> memref<80xi32, #tpu.memory_space<vmem>>
    %dma_wait3A_92 = arith.constant 0 : i32
    %dma_wait3A_93 = arith.constant 0 : i32
    %dma_wait3A_94 = tpu.memref_slice %arg15[%dma_wait3A_92, %dma_wait3A_93] : memref<10240x32xf32, #tpu.memory_space<vmem_shared>> -> memref<10240x32xf32, #tpu.memory_space<vmem_shared>>
    tpu.wait_indirect_dma semaphore(%arg22 : memref<!tpu.dma_semaphore, #tpu.memory_space<semaphore_mem>>) src(%arg10 : memref<80x32xf32, #tpu.memory_space<vmem>>) dst(%dma_wait3A_94 : memref<10240x32xf32, #tpu.memory_space<vmem_shared>>)
    %dma_wait3A_95 = arith.constant 9760 : i32
    %dma_wait3A_96 = tpu.memref_slice %arg8[%dma_wait3A_95] : memref<10000xi32, #tpu.memory_space<vmem>> -> memref<80xi32, #tpu.memory_space<vmem>>
    %dma_wait3A_97 = arith.constant 0 : i32
    %dma_wait3A_98 = arith.constant 0 : i32
    %dma_wait3A_99 = tpu.memref_slice %arg15[%dma_wait3A_97, %dma_wait3A_98] : memref<10240x32xf32, #tpu.memory_space<vmem_shared>> -> memref<10240x32xf32, #tpu.memory_space<vmem_shared>>
    tpu.wait_indirect_dma semaphore(%arg23 : memref<!tpu.dma_semaphore, #tpu.memory_space<semaphore_mem>>) src(%arg11 : memref<80x32xf32, #tpu.memory_space<vmem>>) dst(%dma_wait3A_99 : memref<10240x32xf32, #tpu.memory_space<vmem_shared>>)
    %dma_wait3A_100 = arith.constant 9840 : i32
    %dma_wait3A_101 = tpu.memref_slice %arg8[%dma_wait3A_100] : memref<10000xi32, #tpu.memory_space<vmem>> -> memref<80xi32, #tpu.memory_space<vmem>>
    %dma_wait3A_102 = arith.constant 0 : i32
    %dma_wait3A_103 = arith.constant 0 : i32
    %dma_wait3A_104 = tpu.memref_slice %arg15[%dma_wait3A_102, %dma_wait3A_103] : memref<10240x32xf32, #tpu.memory_space<vmem_shared>> -> memref<10240x32xf32, #tpu.memory_space<vmem_shared>>
    tpu.wait_indirect_dma semaphore(%arg24 : memref<!tpu.dma_semaphore, #tpu.memory_space<semaphore_mem>>) src(%arg12 : memref<80x32xf32, #tpu.memory_space<vmem>>) dst(%dma_wait3A_104 : memref<10240x32xf32, #tpu.memory_space<vmem_shared>>)
    %dma_wait3A_105 = arith.constant 9920 : i32
    %dma_wait3A_106 = tpu.memref_slice %arg8[%dma_wait3A_105] : memref<10000xi32, #tpu.memory_space<vmem>> -> memref<80xi32, #tpu.memory_space<vmem>>
    %dma_wait3A_107 = arith.constant 0 : i32
    %dma_wait3A_108 = arith.constant 0 : i32
    %dma_wait3A_109 = tpu.memref_slice %arg15[%dma_wait3A_107, %dma_wait3A_108] : memref<10240x32xf32, #tpu.memory_space<vmem_shared>> -> memref<10240x32xf32, #tpu.memory_space<vmem_shared>>
    tpu.wait_indirect_dma semaphore(%arg25 : memref<!tpu.dma_semaphore, #tpu.memory_space<semaphore_mem>>) src(%arg13 : memref<80x32xf32, #tpu.memory_space<vmem>>) dst(%dma_wait3A_109 : memref<10240x32xf32, #tpu.memory_space<vmem_shared>>)
    %barrier3A_110 = arith.constant 0 : index
    tpu.barrier barrier_id(%barrier3A_110)
    "tpu.region"() ({
      %run_scoped3A = tpu.sem_alloc : memref<!tpu.dma_semaphore, #tpu.memory_space<semaphore_mem>>
      %dma_start3A_111 = arith.constant 0 : i32
      %dma_start3A_112 = tpu.memref_slice %arg6[%arg0, %mul3A_2, %dma_start3A_111] : memref<2x10240x32xf32, #tpu.memory_space<hbm>> -> memref<1x640x32xf32, #tpu.memory_space<hbm>>
      %dma_start3A_113 = tpu.memref_squeeze %dma_start3A_112 : memref<1x640x32xf32, #tpu.memory_space<hbm>> -> memref<640x32xf32, #tpu.memory_space<hbm>>
      %dma_start3A_114 = arith.constant 0 : i32
      %dma_start3A_115 = tpu.memref_slice %arg15[%mul3A_2, %dma_start3A_114] : memref<10240x32xf32, #tpu.memory_space<vmem_shared>> -> memref<640x32xf32, #tpu.memory_space<vmem_shared>>
      tpu.enqueue_dma source(%dma_start3A_115 : memref<640x32xf32, #tpu.memory_space<vmem_shared>>) target(%dma_start3A_113 : memref<640x32xf32, #tpu.memory_space<hbm>>) target_semaphore(%run_scoped3A : memref<!tpu.dma_semaphore, #tpu.memory_space<semaphore_mem>>)
      %dma_wait3A_116 = arith.constant 0 : i32
      %dma_wait3A_117 = tpu.memref_slice %arg6[%arg0, %mul3A_2, %dma_wait3A_116] : memref<2x10240x32xf32, #tpu.memory_space<hbm>> -> memref<1x640x32xf32, #tpu.memory_space<hbm>>
      %dma_wait3A_118 = tpu.memref_squeeze %dma_wait3A_117 : memref<1x640x32xf32, #tpu.memory_space<hbm>> -> memref<640x32xf32, #tpu.memory_space<hbm>>
      %dma_wait3A_119 = arith.constant 0 : i32
      %dma_wait3A_120 = tpu.memref_slice %arg15[%mul3A_2, %dma_wait3A_119] : memref<10240x32xf32, #tpu.memory_space<vmem_shared>> -> memref<640x32xf32, #tpu.memory_space<vmem_shared>>
      tpu.wait_dma2 semaphore(%run_scoped3A : memref<!tpu.dma_semaphore, #tpu.memory_space<semaphore_mem>>) src(%dma_wait3A_120 : memref<640x32xf32, #tpu.memory_space<vmem_shared>>) dst(%dma_wait3A_118 : memref<640x32xf32, #tpu.memory_space<hbm>>)
      tpu.yield
    }) : () -> ()
    return
  }
}

module attributes {stable_mosaic.version = 14 : i64} {
  func.func @_pre_body(%arg0: memref<2560x512xf32, #tpu.memory_space<vmem>>, %arg1: memref<128x32xf32, #tpu.memory_space<vmem>>, %arg2: memref<2x2560x4xf32, #tpu.memory_space<vmem>>, %arg3: memref<4x128xf32, #tpu.memory_space<vmem>>, %arg4: memref<2560x128xf32, #tpu.memory_space<vmem>>, %arg5: memref<2560x128xf32, #tpu.memory_space<vmem>>) attributes {dimension_semantics = [], scalar_prefetch = 0 : i64, scratch_operands = 0 : i64, tpu.core_type = #tpu.core_type<tc>} {
    %get3A = arith.constant 0 : index
    %get3A_0 = arith.constant 0 : index
    %get3A_1 = arith.constant 0 : index
    %get3A_2 = vector.load %arg2[%get3A, %get3A_0, %get3A_1] : memref<2x2560x4xf32, #tpu.memory_space<vmem>>, vector<1x2560x4xf32>
    %get3A_3 = vector.shape_cast %get3A_2 : vector<1x2560x4xf32> to vector<2560x4xf32>
    %get3A_4 = arith.constant 1 : index
    %get3A_5 = arith.constant 0 : index
    %get3A_6 = arith.constant 0 : index
    %get3A_7 = vector.load %arg2[%get3A_4, %get3A_5, %get3A_6] : memref<2x2560x4xf32, #tpu.memory_space<vmem>>, vector<1x2560x4xf32>
    %get3A_8 = vector.shape_cast %get3A_7 : vector<1x2560x4xf32> to vector<2560x4xf32>
    %add3A = arith.addf %get3A_3, %get3A_8 : vector<2560x4xf32>
    %add3A_9 = arith.constant 1.000000e+00 : f32
    %add3A_10 = vector.broadcast %add3A_9 : f32 to vector<2560x4xf32>
    %add3A_11 = arith.addf %add3A, %add3A_10 : vector<2560x4xf32>
    %get3A_12 = arith.constant 0 : index
    %get3A_13 = arith.constant 0 : index
    %get3A_14 = vector.load %arg3[%get3A_12, %get3A_13] : memref<4x128xf32, #tpu.memory_space<vmem>>, vector<4x128xf32>
    %dot_general3A = arith.constant dense<0.000000e+00> : vector<2560x128xf32>
    %dot_general3A_15 = tpu.matmul %add3A_11, %get3A_14, %dot_general3A {dimension_numbers = #tpu.dot_dimension_numbers<[1], [0], [0], [1], [0, 0, 1, 1], [], []>, transpose_lhs_hint = false} : vector<2560x4xf32>, vector<4x128xf32>, vector<2560x128xf32> -> vector<2560x128xf32>
    %rsqrt3A = math.rsqrt %dot_general3A_15 : vector<2560x128xf32>
    %get3A_16 = arith.constant 0 : index
    %get3A_17 = arith.constant 0 : index
    %get3A_18 = vector.load %arg0[%get3A_16, %get3A_17] : memref<2560x512xf32, #tpu.memory_space<vmem>>, vector<2560x512xf32>
    %get3A_19 = arith.constant 0 : index
    %get3A_20 = arith.constant 0 : index
    %get3A_21 = vector.load %arg1[%get3A_19, %get3A_20] : memref<128x32xf32, #tpu.memory_space<vmem>>, vector<128x32xf32>
    %slice3A = vector.extract_strided_slice %get3A_18 {offsets = [0, 0], sizes = [2560, 128], strides = [1, 1]} : vector<2560x512xf32> to vector<2560x128xf32>
    %dot_general3A_22 = arith.constant dense<0.000000e+00> : vector<2560x32xf32>
    %dot_general3A_23 = tpu.matmul %slice3A, %get3A_21, %dot_general3A_22 {dimension_numbers = #tpu.dot_dimension_numbers<[1], [0], [0], [1], [0, 0, 1, 1], [], []>, transpose_lhs_hint = false} : vector<2560x128xf32>, vector<128x32xf32>, vector<2560x32xf32> -> vector<2560x32xf32>
    %slice3A_24 = vector.extract_strided_slice %get3A_18 {offsets = [0, 128], sizes = [2560, 128], strides = [1, 1]} : vector<2560x512xf32> to vector<2560x128xf32>
    %dot_general3A_25 = arith.constant dense<0.000000e+00> : vector<2560x32xf32>
    %dot_general3A_26 = tpu.matmul %slice3A_24, %get3A_21, %dot_general3A_25 {dimension_numbers = #tpu.dot_dimension_numbers<[1], [0], [0], [1], [0, 0, 1, 1], [], []>, transpose_lhs_hint = false} : vector<2560x128xf32>, vector<128x32xf32>, vector<2560x32xf32> -> vector<2560x32xf32>
    %slice3A_27 = vector.extract_strided_slice %get3A_18 {offsets = [0, 256], sizes = [2560, 128], strides = [1, 1]} : vector<2560x512xf32> to vector<2560x128xf32>
    %dot_general3A_28 = arith.constant dense<0.000000e+00> : vector<2560x32xf32>
    %dot_general3A_29 = tpu.matmul %slice3A_27, %get3A_21, %dot_general3A_28 {dimension_numbers = #tpu.dot_dimension_numbers<[1], [0], [0], [1], [0, 0, 1, 1], [], []>, transpose_lhs_hint = false} : vector<2560x128xf32>, vector<128x32xf32>, vector<2560x32xf32> -> vector<2560x32xf32>
    %slice3A_30 = vector.extract_strided_slice %get3A_18 {offsets = [0, 384], sizes = [2560, 128], strides = [1, 1]} : vector<2560x512xf32> to vector<2560x128xf32>
    %dot_general3A_31 = arith.constant dense<0.000000e+00> : vector<2560x32xf32>
    %dot_general3A_32 = tpu.matmul %slice3A_30, %get3A_21, %dot_general3A_31 {dimension_numbers = #tpu.dot_dimension_numbers<[1], [0], [0], [1], [0, 0, 1, 1], [], []>, transpose_lhs_hint = false} : vector<2560x128xf32>, vector<128x32xf32>, vector<2560x32xf32> -> vector<2560x32xf32>
    %concatenate3A = tpu.concatenate %dot_general3A_23, %dot_general3A_26, %dot_general3A_29, %dot_general3A_32 in 1 : vector<2560x32xf32>, vector<2560x32xf32>, vector<2560x32xf32>, vector<2560x32xf32> -> vector<2560x128xf32>
    %mul3A = arith.mulf %concatenate3A, %rsqrt3A : vector<2560x128xf32>
    %swap3A = arith.constant 0 : index
    %swap3A_33 = arith.constant 0 : index
    %swap3A_34 = vector.load %arg4[%swap3A, %swap3A_33] : memref<2560x128xf32, #tpu.memory_space<vmem>>, vector<2560x128xf32>
    tpu.vector_store %arg4[%swap3A, %swap3A_33], %mul3A {strides = array<i32>} : memref<2560x128xf32, #tpu.memory_space<vmem>>, vector<2560x128xf32>,
    %swap3A_35 = arith.constant 0 : index
    %swap3A_36 = arith.constant 0 : index
    %swap3A_37 = vector.load %arg5[%swap3A_35, %swap3A_36] : memref<2560x128xf32, #tpu.memory_space<vmem>>, vector<2560x128xf32>
    tpu.vector_store %arg5[%swap3A_35, %swap3A_36], %rsqrt3A {strides = array<i32>} : memref<2560x128xf32, #tpu.memory_space<vmem>>, vector<2560x128xf32>,
    return
  }
}

module attributes {stable_mosaic.version = 14 : i64} {
  func.func @_node_body(%arg0: memref<2x2560x128xf32, #tpu.memory_space<vmem>>, %arg1: memref<2560x128xf32, #tpu.memory_space<vmem>>, %arg2: memref<2560x128xf32, #tpu.memory_space<vmem>>, %arg3: memref<1x128xf32, #tpu.memory_space<vmem>>, %arg4: memref<32x32xf32, #tpu.memory_space<vmem>>, %arg5: memref<2560x128xf32, #tpu.memory_space<vmem>>) attributes {dimension_semantics = [], scalar_prefetch = 0 : i64, scratch_operands = 0 : i64, tpu.core_type = #tpu.core_type<tc>} {
    %get3A = arith.constant 0 : index
    %get3A_0 = arith.constant 0 : index
    %get3A_1 = vector.load %arg2[%get3A, %get3A_0] : memref<2560x128xf32, #tpu.memory_space<vmem>>, vector<2560x128xf32>
    %get3A_2 = arith.constant 0 : index
    %get3A_3 = arith.constant 0 : index
    %get3A_4 = arith.constant 0 : index
    %get3A_5 = vector.load %arg0[%get3A_2, %get3A_3, %get3A_4] : memref<2x2560x128xf32, #tpu.memory_space<vmem>>, vector<1x2560x128xf32>
    %get3A_6 = vector.shape_cast %get3A_5 : vector<1x2560x128xf32> to vector<2560x128xf32>
    %get3A_7 = arith.constant 1 : index
    %get3A_8 = arith.constant 0 : index
    %get3A_9 = arith.constant 0 : index
    %get3A_10 = vector.load %arg0[%get3A_7, %get3A_8, %get3A_9] : memref<2x2560x128xf32, #tpu.memory_space<vmem>>, vector<1x2560x128xf32>
    %get3A_11 = vector.shape_cast %get3A_10 : vector<1x2560x128xf32> to vector<2560x128xf32>
    %add3A = arith.addf %get3A_6, %get3A_11 : vector<2560x128xf32>
    %get3A_12 = arith.constant 0 : index
    %get3A_13 = arith.constant 0 : index
    %get3A_14 = vector.load %arg1[%get3A_12, %get3A_13] : memref<2560x128xf32, #tpu.memory_space<vmem>>, vector<2560x128xf32>
    %add3A_15 = arith.addf %add3A, %get3A_14 : vector<2560x128xf32>
    %mul3A = arith.mulf %add3A_15, %get3A_1 : vector<2560x128xf32>
    %get3A_16 = arith.constant 0 : index
    %get3A_17 = arith.constant 0 : index
    %get3A_18 = vector.load %arg3[%get3A_16, %get3A_17] : memref<1x128xf32, #tpu.memory_space<vmem>>, vector<1x128xf32>
    %add3A_19 = vector.broadcast %get3A_18 : vector<1x128xf32> to vector<2560x128xf32>
    %add3A_20 = arith.addf %mul3A, %add3A_19 : vector<2560x128xf32>
    %max3A = arith.constant 0.000000e+00 : f32
    %max3A_21 = vector.broadcast %max3A : f32 to vector<2560x128xf32>
    %max3A_22 = arith.maximumf %add3A_20, %max3A_21 : vector<2560x128xf32>
    %get3A_23 = arith.constant 0 : index
    %get3A_24 = arith.constant 0 : index
    %get3A_25 = vector.load %arg4[%get3A_23, %get3A_24] : memref<32x32xf32, #tpu.memory_space<vmem>>, vector<32x32xf32>
    %slice3A = vector.extract_strided_slice %max3A_22 {offsets = [0, 0], sizes = [2560, 32], strides = [1, 1]} : vector<2560x128xf32> to vector<2560x32xf32>
    %dot_general3A = arith.constant dense<0.000000e+00> : vector<2560x32xf32>
    %dot_general3A_26 = tpu.matmul %slice3A, %get3A_25, %dot_general3A {dimension_numbers = #tpu.dot_dimension_numbers<[1], [0], [0], [1], [0, 0, 1, 1], [], []>, transpose_lhs_hint = false} : vector<2560x32xf32>, vector<32x32xf32>, vector<2560x32xf32> -> vector<2560x32xf32>
    %slice3A_27 = vector.extract_strided_slice %max3A_22 {offsets = [0, 32], sizes = [2560, 32], strides = [1, 1]} : vector<2560x128xf32> to vector<2560x32xf32>
    %dot_general3A_28 = arith.constant dense<0.000000e+00> : vector<2560x32xf32>
    %dot_general3A_29 = tpu.matmul %slice3A_27, %get3A_25, %dot_general3A_28 {dimension_numbers = #tpu.dot_dimension_numbers<[1], [0], [0], [1], [0, 0, 1, 1], [], []>, transpose_lhs_hint = false} : vector<2560x32xf32>, vector<32x32xf32>, vector<2560x32xf32> -> vector<2560x32xf32>
    %slice3A_30 = vector.extract_strided_slice %max3A_22 {offsets = [0, 64], sizes = [2560, 32], strides = [1, 1]} : vector<2560x128xf32> to vector<2560x32xf32>
    %dot_general3A_31 = arith.constant dense<0.000000e+00> : vector<2560x32xf32>
    %dot_general3A_32 = tpu.matmul %slice3A_30, %get3A_25, %dot_general3A_31 {dimension_numbers = #tpu.dot_dimension_numbers<[1], [0], [0], [1], [0, 0, 1, 1], [], []>, transpose_lhs_hint = false} : vector<2560x32xf32>, vector<32x32xf32>, vector<2560x32xf32> -> vector<2560x32xf32>
    %slice3A_33 = vector.extract_strided_slice %max3A_22 {offsets = [0, 96], sizes = [2560, 32], strides = [1, 1]} : vector<2560x128xf32> to vector<2560x32xf32>
    %dot_general3A_34 = arith.constant dense<0.000000e+00> : vector<2560x32xf32>
    %dot_general3A_35 = tpu.matmul %slice3A_33, %get3A_25, %dot_general3A_34 {dimension_numbers = #tpu.dot_dimension_numbers<[1], [0], [0], [1], [0, 0, 1, 1], [], []>, transpose_lhs_hint = false} : vector<2560x32xf32>, vector<32x32xf32>, vector<2560x32xf32> -> vector<2560x32xf32>
    %concatenate3A = tpu.concatenate %dot_general3A_26, %dot_general3A_29, %dot_general3A_32, %dot_general3A_35 in 1 : vector<2560x32xf32>, vector<2560x32xf32>, vector<2560x32xf32>, vector<2560x32xf32> -> vector<2560x128xf32>
    %mul3A_36 = arith.mulf %concatenate3A, %get3A_1 : vector<2560x128xf32>
    %swap3A = arith.constant 0 : index
    %swap3A_37 = arith.constant 0 : index
    %swap3A_38 = vector.load %arg5[%swap3A, %swap3A_37] : memref<2560x128xf32, #tpu.memory_space<vmem>>, vector<2560x128xf32>
    tpu.vector_store %arg5[%swap3A, %swap3A_37], %mul3A_36 {strides = array<i32>} : memref<2560x128xf32, #tpu.memory_space<vmem>>, vector<2560x128xf32>,
    return
  }
}

module attributes {stable_mosaic.version = 14 : i64} {
  func.func @_final_body(%arg0: memref<2x2560x128xf32, #tpu.memory_space<vmem>>, %arg1: memref<2560x128xf32, #tpu.memory_space<vmem>>, %arg2: memref<2560x128xf32, #tpu.memory_space<vmem>>, %arg3: memref<1x128xf32, #tpu.memory_space<vmem>>, %arg4: memref<32x16xf32, #tpu.memory_space<vmem>>, %arg5: memref<1x16xf32, #tpu.memory_space<vmem>>, %arg6: memref<16x4xf32, #tpu.memory_space<vmem>>, %arg7: memref<1x4xf32, #tpu.memory_space<vmem>>, %arg8: memref<1x4xf32, #tpu.memory_space<vmem>>) attributes {dimension_semantics = [], scalar_prefetch = 0 : i64, scratch_operands = 0 : i64, tpu.core_type = #tpu.core_type<tc>} {
    %get3A = arith.constant 0 : index
    %get3A_0 = arith.constant 0 : index
    %get3A_1 = arith.constant 0 : index
    %get3A_2 = vector.load %arg0[%get3A, %get3A_0, %get3A_1] : memref<2x2560x128xf32, #tpu.memory_space<vmem>>, vector<1x2560x128xf32>
    %get3A_3 = vector.shape_cast %get3A_2 : vector<1x2560x128xf32> to vector<2560x128xf32>
    %get3A_4 = arith.constant 1 : index
    %get3A_5 = arith.constant 0 : index
    %get3A_6 = arith.constant 0 : index
    %get3A_7 = vector.load %arg0[%get3A_4, %get3A_5, %get3A_6] : memref<2x2560x128xf32, #tpu.memory_space<vmem>>, vector<1x2560x128xf32>
    %get3A_8 = vector.shape_cast %get3A_7 : vector<1x2560x128xf32> to vector<2560x128xf32>
    %add3A = arith.addf %get3A_3, %get3A_8 : vector<2560x128xf32>
    %get3A_9 = arith.constant 0 : index
    %get3A_10 = arith.constant 0 : index
    %get3A_11 = vector.load %arg1[%get3A_9, %get3A_10] : memref<2560x128xf32, #tpu.memory_space<vmem>>, vector<2560x128xf32>
    %add3A_12 = arith.addf %add3A, %get3A_11 : vector<2560x128xf32>
    %get3A_13 = arith.constant 0 : index
    %get3A_14 = arith.constant 0 : index
    %get3A_15 = vector.load %arg2[%get3A_13, %get3A_14] : memref<2560x128xf32, #tpu.memory_space<vmem>>, vector<2560x128xf32>
    %mul3A = arith.mulf %add3A_12, %get3A_15 : vector<2560x128xf32>
    %get3A_16 = arith.constant 0 : index
    %get3A_17 = arith.constant 0 : index
    %get3A_18 = vector.load %arg3[%get3A_16, %get3A_17] : memref<1x128xf32, #tpu.memory_space<vmem>>, vector<1x128xf32>
    %add3A_19 = vector.broadcast %get3A_18 : vector<1x128xf32> to vector<2560x128xf32>
    %add3A_20 = arith.addf %mul3A, %add3A_19 : vector<2560x128xf32>
    %max3A = arith.constant 0.000000e+00 : f32
    %max3A_21 = vector.broadcast %max3A : f32 to vector<2560x128xf32>
    %max3A_22 = arith.maximumf %add3A_20, %max3A_21 : vector<2560x128xf32>
    %iota3A = tpu.iota {dimensions = array<i32: 0>} : vector<2560x128xi32>
    %lt3A = arith.constant 2500 : i32
    %lt3A_23 = vector.broadcast %lt3A : i32 to vector<2560x128xi32>
    %lt3A_24 = arith.cmpi slt, %iota3A, %lt3A_23 : vector<2560x128xi32>
    %jit3A = arith.constant 0xFF800000 : f32
    %broadcast_in_dim3A = vector.broadcast %jit3A : f32 to vector<2560x128xf32>
    %select_n3A = arith.select %lt3A_24, %max3A_22, %broadcast_in_dim3A : vector<2560x128xi1>, vector<2560x128xf32>
    %reduce_max3A = arith.constant dense<0xFF800000> : vector<128xf32>
    %reduce_max3A_25 = vector.multi_reduction <maximumf>, %select_n3A, %reduce_max3A [0] : vector<2560x128xf32> to vector<128xf32>
    %broadcast_in_dim3A_26 = vector.shape_cast %reduce_max3A_25 : vector<128xf32> to vector<1x128xf32>
    %slice3A = vector.extract_strided_slice %broadcast_in_dim3A_26 {offsets = [0, 0], sizes = [1, 32], strides = [1, 1]} : vector<1x128xf32> to vector<1x32xf32>
    %slice3A_27 = vector.extract_strided_slice %broadcast_in_dim3A_26 {offsets = [0, 32], sizes = [1, 32], strides = [1, 1]} : vector<1x128xf32> to vector<1x32xf32>
    %max3A_28 = arith.maximumf %slice3A, %slice3A_27 : vector<1x32xf32>
    %slice3A_29 = vector.extract_strided_slice %broadcast_in_dim3A_26 {offsets = [0, 64], sizes = [1, 32], strides = [1, 1]} : vector<1x128xf32> to vector<1x32xf32>
    %slice3A_30 = vector.extract_strided_slice %broadcast_in_dim3A_26 {offsets = [0, 96], sizes = [1, 32], strides = [1, 1]} : vector<1x128xf32> to vector<1x32xf32>
    %max3A_31 = arith.maximumf %slice3A_29, %slice3A_30 : vector<1x32xf32>
    %max3A_32 = arith.maximumf %max3A_28, %max3A_31 : vector<1x32xf32>
    %get3A_33 = arith.constant 0 : index
    %get3A_34 = arith.constant 0 : index
    %get3A_35 = vector.load %arg4[%get3A_33, %get3A_34] : memref<32x16xf32, #tpu.memory_space<vmem>>, vector<32x16xf32>
    %dot_general3A = arith.constant dense<0.000000e+00> : vector<1x16xf32>
    %dot_general3A_36 = tpu.matmul %max3A_32, %get3A_35, %dot_general3A {dimension_numbers = #tpu.dot_dimension_numbers<[1], [0], [0], [1], [0, 0, 1, 1], [], []>, transpose_lhs_hint = false} : vector<1x32xf32>, vector<32x16xf32>, vector<1x16xf32> -> vector<1x16xf32>
    %get3A_37 = arith.constant 0 : index
    %get3A_38 = arith.constant 0 : index
    %get3A_39 = vector.load %arg5[%get3A_37, %get3A_38] : memref<1x16xf32, #tpu.memory_space<vmem>>, vector<1x16xf32>
    %add3A_40 = arith.addf %dot_general3A_36, %get3A_39 : vector<1x16xf32>
    %max3A_41 = arith.constant 0.000000e+00 : f32
    %max3A_42 = vector.broadcast %max3A_41 : f32 to vector<1x16xf32>
    %max3A_43 = arith.maximumf %add3A_40, %max3A_42 : vector<1x16xf32>
    %get3A_44 = arith.constant 0 : index
    %get3A_45 = arith.constant 0 : index
    %get3A_46 = vector.load %arg6[%get3A_44, %get3A_45] : memref<16x4xf32, #tpu.memory_space<vmem>>, vector<16x4xf32>
    %dot_general3A_47 = arith.constant dense<0.000000e+00> : vector<1x4xf32>
    %dot_general3A_48 = tpu.matmul %max3A_43, %get3A_46, %dot_general3A_47 {dimension_numbers = #tpu.dot_dimension_numbers<[1], [0], [0], [1], [0, 0, 1, 1], [], []>, transpose_lhs_hint = false} : vector<1x16xf32>, vector<16x4xf32>, vector<1x4xf32> -> vector<1x4xf32>
    %get3A_49 = arith.constant 0 : index
    %get3A_50 = arith.constant 0 : index
    %get3A_51 = vector.load %arg7[%get3A_49, %get3A_50] : memref<1x4xf32, #tpu.memory_space<vmem>>, vector<1x4xf32>
    %add3A_52 = arith.addf %dot_general3A_48, %get3A_51 : vector<1x4xf32>
    %swap3A = arith.constant 0 : index
    %swap3A_53 = arith.constant 0 : index
    %swap3A_54 = vector.load %arg8[%swap3A, %swap3A_53] : memref<1x4xf32, #tpu.memory_space<vmem>>, vector<1x4xf32>
    tpu.vector_store %arg8[%swap3A, %swap3A_53], %add3A_52 {strides = array<i32>} : memref<1x4xf32, #tpu.memory_space<vmem>>, vector<1x4xf32>,
    return
  }
}

</mosaic_0001>

<sc_bundles>
// kernel: kernel.14.cloned.1.call-start
scs
__scs_entry_jumppad:
0x0: {  	(pc) =	sbr.rel $0x88, $3  }
0x1: {  	(tag) =	ssettag $0x0;
	lr =	simm.s32 $0x1  }
0x2: {  	[smem:$0x3F90] =	sst lr;
	_ =	strace $0xD0000000  }
0x3: {  	_ = 	snop  }
0x4: {  	_ = 	snop  }
0x5: {  	_ = 	snop  }
0x6: {  	_ = 	snop  }
0x7: {  	_ = 	snop  }
__scs_overlays_trampoline_lowered:
0x8: {  	[smem:$0x3F9F] =	sst s0  }
0x9: {  	[smem:$0x3FA0] =	sst s1  }
0xa: {  	[smem:$0x3FA1] =	sst s2  }
0xb: {  	[smem:$0x3FA2] =	sst s3  }
0xc: {  	[smem:$0x3FA3] =	sst s4  }
0xd: {  	[smem:$0x3FA4] =	sst s5  }
0xe: {  	[smem:$0x3FA5] =	sst s6  }
0xf: {  	[smem:$0x3FA6] =	sst s7  }
0x10: {  	[smem:$0x3FA7] =	sst s8  }
0x11: {  	[smem:$0x3FA8] =	sst s9;
	s0 =	simm.s32 @!p0 $0x0  }
0x12: {  	s1 =	sld [smem:$0x3F8E];
	s0 =	simm.s32 @p0 $0x1  }
0x13: {  	[smem:$0x3FA9] =	sst s0;
	s0 =	simm.s32 @!p1 $0x0  }
0x14: {  	s2 =	sld [smem:$0x3F8D];
	s0 =	simm.s32 @p1 $0x1  }
0x15: {  	[smem:$0x3FAA] =	sst s0;
	s0 =	simm.s32 @!p2 $0x0  }
0x16: {  	s3 =	sld [smem:$0x3FDB];
	s0 =	simm.s32 @p2 $0x1  }
0x17: {  	s4 =	simm.s32 $0x1BF5;
	[smem:$0x3FAC] =	sst s0  }
0x18: {  	s0 =	sld [smem:$0x3F8F];
	_ =	swait.ge [sflag:s4], $0x0  }
0x19: {  	s7 =	sld [smem:$0x3F90]  }
0x1a: {  	s8 =	sadd.s32 $0xFFFFE003, lr  }
0x1b: {  	s9 =	sadd.s32 $0xFFFFFEF7, lr;
	s5 =	simm.s32 $0xFFFFFFFF;
	p2 =	slt.u32 s8, $0xFFFFF086  }
0x1c: {  	p1 =	slt.u32 s9, $0xF7A;
	s5 =	simm.s32 @!p2 $0x0  }
0x1d: {  	s5 =	simm.s32 @p1 $0x1;
	p0 =	seq.s32 s7, s2  }
0x1e: {  	s7 =	smul.u32 @!p0 $0xF7A, s2;
	p2 =	seq.s32 @!p0 s5, $0x0  }
0x1f: {  	s9 =	smul.u32 $0xF7A, s1;
	s8 =	simm.s32 @!p0 $0x1BF5;
	p2 =	por !p2, p0  }
0x20: {  	[sflag:s8] =	ssyncset.s32 @!p0 $0xFFFFF086;
	s6 =	sadd.s32 @!p0 s3, s7;
	s7 =	simm.s32 @!p0 $0x108  }
0x21: {  	s3 =	sadd.s32 s3, s9;
	s6 =	sadd.s32 @!p0 $0x88, s6;
	s7 =	simm.s32 @p2 $0x1082  }
0x22: {  	[simem:s7], [sflag:s8] =	dma.local @!p0 [hbm:s6], $0xF7A  }
0x23: {  	s9 =	sor.u32 $0xD0000000, s2;
	s6 =	simm.s32 $0x108;
	_ =	swait.ge @!p0 [sflag:s8], $0x0  }
0x24: {  	s3 =	sadd.s32 $0x88, s3;
	s6 =	simm.s32 @!p1 $0x1082;
	[sflag:s4] =	ssyncset.s32 $0xFFFFF086  }
0x25: {  	[simem:s6], [sflag:s4] =	dma.local [hbm:s3], $0xF7A  }
0x26: {  	[smem:$0x3F90] =	sst s1;
	(tag) =	ssettag s2;
	_ =	strace s9  }
0x27: {  	s1 =	sld [smem:$0x3FA0]  }
0x28: {  	s2 =	sld [smem:$0x3FA1]  }
0x29: {  	s4 =	sld [smem:$0x3FA3]  }
0x2a: {  	p0 =	seq.s32 s5, $0x0;
	s5 =	sld [smem:$0x3FA4]  }
0x2b: {  	s6 =	sld [smem:$0x3FA5]  }
0x2c: {  	s7 =	sld [smem:$0x3FA6]  }
0x2d: {  	s3 =	simm.s32 $0x108;
	s8 =	sld [smem:$0x3FA7]  }
0x2e: {  	s3 =	simm.s32 @!p0 $0x1082;
	s9 =	sld [smem:$0x3FA8]  }
0x2f: {  	lr =	sadd.s32 s0, s3;
	s0 =	sld [smem:$0x3F9F]  }
0x30: {  	s3 =	sld [smem:$0x3FA2]  }
0x31: {  	[smem:$0x3FAB] =	sst s10  }
0x32: {  	s10 =	sld [smem:$0x3FA9];
	_ =	sdelay $0x3  }
0x33: {  	p0 =	seq.s32 s10, $0x1;
	s10 =	sld [smem:$0x3FAB];
	_ =	sdelay $0x3  }
0x34: {  	[smem:$0x3FAB] =	sst s10  }
0x35: {  	s10 =	sld [smem:$0x3FAA];
	_ =	sdelay $0x3  }
0x36: {  	p1 =	seq.s32 s10, $0x1;
	s10 =	sld [smem:$0x3FAB];
	_ =	sdelay $0x3  }
0x37: {  	[smem:$0x3FAB] =	sst s10  }
0x38: {  	s10 =	sld [smem:$0x3FAC]  }
0x39: {  	_ = 	snop;
	(pc) =	sbr.ind lr, $3  }
0x3a: {  	_ = 	snop  }
0x3b: {  	_ = 	snop  }
0x3c: {  	p2 =	seq.s32 s10, $0x1;
	s10 =	sld [smem:$0x3FAB]  }
0x3d: {  	_ =	shalt  }
0x3e: {  	_ =	shalt  }
0x3f: {  	_ =	shalt  }
0x40: {  	_ =	shalt  }
0x41: {  	_ =	shalt  }
0x42: {  	_ =	shalt  }
0x43: {  	_ =	shalt  }
0x44: {  	_ =	shalt  }
0x45: {  	_ =	shalt  }
0x46: {  	_ =	shalt  }
0x47: {  	_ =	shalt  }
0x48: {  	_ =	shalt  }
0x49: {  	_ =	shalt  }
0x4a: {  	_ =	shalt  }
0x4b: {  	_ =	shalt  }
0x4c: {  	_ =	shalt  }
0x4d: {  	_ =	shalt  }
0x4e: {  	_ =	shalt  }
0x4f: {  	_ =	shalt  }
0x50: {  	_ =	shalt  }
0x51: {  	_ =	shalt  }
0x52: {  	_ =	shalt  }
0x53: {  	_ =	shalt  }
0x54: {  	_ =	shalt  }
0x55: {  	_ =	shalt  }
0x56: {  	_ =	shalt  }
0x57: {  	_ =	shalt  }
0x58: {  	_ =	shalt  }
0x59: {  	_ =	shalt  }
0x5a: {  	_ =	shalt  }
0x5b: {  	_ =	shalt  }
0x5c: {  	_ =	shalt  }
0x5d: {  	_ =	shalt  }
0x5e: {  	_ =	shalt  }
0x5f: {  	_ =	shalt  }
0x60: {  	_ =	shalt  }
0x61: {  	_ =	shalt  }
0x62: {  	_ =	shalt  }
0x63: {  	_ =	shalt  }
0x64: {  	_ =	shalt  }
0x65: {  	_ =	shalt  }
0x66: {  	_ =	shalt  }
0x67: {  	_ =	shalt  }
0x68: {  	_ =	shalt  }
0x69: {  	_ =	shalt  }
0x6a: {  	_ =	shalt  }
0x6b: {  	_ =	shalt  }
0x6c: {  	_ =	shalt  }
0x6d: {  	_ =	shalt  }
0x6e: {  	_ =	shalt  }
0x6f: {  	_ =	shalt  }
0x70: {  	_ =	shalt  }
0x71: {  	_ =	shalt  }
0x72: {  	_ =	shalt  }
0x73: {  	_ =	shalt  }
0x74: {  	_ =	shalt  }
0x75: {  	_ =	shalt  }
0x76: {  	_ =	shalt  }
0x77: {  	_ =	shalt  }
0x78: {  	_ =	shalt  }
0x79: {  	_ =	shalt  }
0x7a: {  	_ =	shalt  }
0x7b: {  	_ =	shalt  }
0x7c: {  	_ =	shalt  }
0x7d: {  	_ =	shalt  }
0x7e: {  	_ =	shalt  }
0x7f: {  	_ =	shalt  }
0x80: {  	_ =	shalt  }
0x81: {  	_ =	shalt  }
0x82: {  	_ =	shalt  }
0x83: {  	_ =	shalt  }
0x84: {  	_ =	shalt  }
0x85: {  	_ =	shalt  }
0x86: {  	_ =	shalt  }
0x87: {  	_ =	shalt  }
.Lfunc_end0:
.L_simem_size_0:
called_computation_lowered:
.L_overlay_start_0:
0x88: {  	s2 =	sld [smem:$0x3FD9]  }
0x89: {  	s3 =	sld [smem:$0x3FFE];
	_ =	sdelay $0x1  }
0x8a: {  	s1 =	srdreg.scid  }
0x8b: {  	s0 =	sand.u32 $0x1, s1  }
0x8c: {  	s14 =	sshll.u32 s0, $0xA;
	s2 =	sadd.s32 s3, s2  }
0x8d: {  	s2 =	sadd.s32 s2, s14  }
0x8e: {  	[smem:$0x3FB7] =	sst s2  }
0x8f: {  	_ = 	snop  }
0x90: {  	s2 =	sld [smem:$0x3FD0];
	_ =	sdelay $0x2  }
0x91: {  	s15 =	simm.s32 $0xA;
	s4 =	simm.s32 $0x10  }
0x92: {  	[smem:s4], [sflag:s15] =	dma.local [hbm:s2], $0x1  }
0x93: {  	_ =	swait.eq [sflag:s15], $0x1  }
0x94: {  	[sflag:s15] =	ssyncset.done $0x0  }
0x95: {  	s16 =	sld [smem:$0x10];
	[sflag:s15] =	ssyncadd.s32 $0xFFFFFFFF  }
0x96: {  	s17 =	sld [smem:$0x11];
	(tm) =	ssettm $0x1  }
0x97: {  	s18 =	sld [smem:$0x3FFB];
	_ =	sdelay $0x3  }
0x98: {  	_ =	strace s18  }
0x99: {  	s4 =	sld [smem:$0x3FFC];
	_ =	sdelay $0x3  }
0x9a: {  	_ =	strace s4  }
0x9b: {  	s4 =	sld [smem:$0x3FFD];
	_ =	sdelay $0x3  }
0x9c: {  	_ =	strace s4  }
0x9d: {  	_ =	strace $0x8FFFFFFF  }
0x9e: {  	s19 =	sld [smem:$0x3FDB];
	_ =	sdelay $0x1  }
0x9f: {  	s5 =	simm.s32 $_scs_section_size  }
0xa0: {  	s6 =	simm.s32 $_size__tile_overlayer_lowered;
	s7 =	simm.s32 $_tile_overlayer_lowered  }
0xa1: {  	s22 =	simm.s32 $0x1BFF;
	s21 =	sshll.u32 s7, $0x1;
	s4 =	sadd.s32 s5, s19  }
0xa2: {  	s8 =	simm.s32 $0x0;
	s20 =	sshll.u32 s6, $0x1;
	s6 =	sadd.s32 s21, s4  }
0xa3: {  	[timem:s8], [sflag:s22] =	dma.local [hbm:s6], s20  }
0xa4: {  	_ =	swait.ge [sflag:s22], s20  }
0xa5: {  	s5 =	ssub.s32 $0x0, s20;
	[sflag:s22] =	ssyncset.done $0x0  }
0xa6: {  	[sflag:s22] =	ssyncadd.s32 s5;
	_ =	sdelay $0x1  }
0xa7: {  	s23 =	simm.s32 $0x1B8B  }
0xa8: {  	_ =	swait.ge [sflag:s23], $0x1  }
0xa9: {  	[sflag:s23] =	ssyncset.done $0x0  }
0xaa: {  	s25 =	simm.s32 $0x1B8E;
	s24 =	sld [smem:$0x3FFE];
	[sflag:s23] =	ssyncadd.s32 $0xFFFFFFFF  }
0xab: {  	s26 =	simm.s32 $execute0_lowered;
	[smem:$0x3FD2] =	sst s25  }
0xac: {  	s6 =	sshll.u32 s26, $0x1;
	_ =	strace $0x80000046;
	[dreg:$0x1] =	wrdreg $0xFFFFFFFF  }
0xad: {  	s28 =	simm.s32 $_size_execute0_lowered;
	s4 =	sadd.s32 s4, s6;
	[dreg:$0x0] =	wrdreg $0x0  }
0xae: {  	s6 =	sshll.u32 s28, $0x1;
	[dreg:$0x2] =	wrdreg s4  }
0xaf: {  	[dreg:$0x3] =	wrdreg s6  }
0xb0: {  	[dreg:$0x4] =	wrdreg $0xC0  }
0xb1: {  	_ =	task [dreg:s8], $0x5FFFF  }
0xb2: {  	[dreg:$0x1] =	wrdreg $0xFFFFFFFF  }
0xb3: {  	[dreg:$0x0] =	wrdreg $0x60  }
0xb4: {  	[dreg:$0x2] =	wrdreg s24  }
0xb5: {  	[dreg:$0x3] =	wrdreg s16  }
0xb6: {  	[dreg:$0x4] =	wrdreg s17  }
0xb7: {  	[dreg:$0x5] =	wrdreg $0x27600  }
0xb8: {  	[dreg:$0x6] =	wrdreg $0x9  }
0xb9: {  	_ =	task.clear_ibuf [dreg:s8], $0x7FFFF;
	_ =	strace $0x90000046  }
0xba: {  	s29 =	simm.s32 $0x9;
	_ =	strace $0x80000048  }
0xbb: {  	_ =	swait.ge [sflag:s29], $0x1  }
0xbc: {  	[sflag:s29] =	ssyncadd.s32 $0xFFFFFFFF  }
0xbd: {  	_ =	strace $0x90000048  }
0xbe: {  	_ =	sfence  }
0xbf: {  	s30 =	sld [smem:$0x0];
	_ =	sdelay $0x2  }
0xc0: {  	s31 =	sshll.u32 s1, $0xD;
	s1 =	sshrl.u32 s1, $0x2  }
0xc1: {  	s3 =	sand.u32 $0x4000, s31;
	s1 =	sadd.s32 s1, s30  }
0xc2: {  	s0 =	sor.u32 s3, s0;
	s1 =	sshll.u32 s1, $0x11  }
0xc3: {  	s0 =	sor.u32 s1, s0  }
0xc4: {  	s0 =	sadd.s32 $0x8F2B, s0  }
0xc5: {  	[sflag:s0] =	ssyncadd.remote.s32 $0x1  }
0xc6: {  	_ =	sfence.sel $0xFFFF  }
0xc7: {  	[dreg:$0x0] =	wrdreg $0xFFFFFFFF;
	(pc) =	sbr.abs _section_cstart, $3  }
0xc8: {  	[dreg:$0x1] =	wrdreg $0xFFFFFFFF  }
0xc9: {  	_ =	task.clear_ibuf [dreg:s8], $0x2FFFF;
	_ =	strace $0x9FFFFFFF  }
0xca: {  	(tm) =	ssettm $0x7FFFFFFF  }
0xcb: {  	_ =	shalt  }
tec
execute0_lowered:
.L_overlay_start_1:
0x0: {  	(tag) =	ssettag $0x1  }
0x1: {  	s5 =	rddreg [dreg:$0x0]  }
0x2: {  	s1 =	rddreg [dreg:$0x1];
	s2 =	srdreg.scid  }
0x3: {  	s0 =	stileid.u32;
	s7 =	rddreg [dreg:$0x2]  }
0x4: {  	s3 =	rddreg [dreg:$0x3];
	s4 =	simm.s32 $0x0;
	s13 =	simm.s32 $0x50  }
0x5: {  	s14 =	simm.s32 $0xA0;
	s15 =	simm.s32 $0xF0;
	s16 =	simm.s32 $0x140  }
0x6: {  	s17 =	simm.s32 $0x1;
	s18 =	simm.s32 $0x2;
	s19 =	simm.s32 $0x3  }
0x7: {  	s20 =	simm.s32 $0x4;
	s21 =	simm.s32 $0x5;
	s22 =	simm.s32 $0x0  }
0x8: {  	s6 =	sand.u32 $0x1, s2;
	s28 =	sshll.u32 s0, $0x1;
	s2 =	rddreg [dreg:$0x4]  }
0x9: {  	[smem:$0x7FF] =	sst s4;
	s9 =	smul.u32 $0x280, s0;
	s31 =	sshll.u32 s0, $0x6  }
0xa: {  	s8 =	sor.u32 s6, s28;
	s10 =	ssub.s32 $0x2, s6;
	s6 =	smul.u32 $0x2800, s6  }
0xb: {  	_ =	strace $0x80000047;
	s8 =	smul.u32 $0x4E2, s8;
	s11 =	sshrl.u32 s9, $0x3  }
0xc: {  	s12 =	sshrl.u32 s10, $0x1;
	s29 =	sadd.s32 s9, s3;
	s11 =	sadd.s32 s11, s5  }
0xd: {  	s10 =	ssub.s32 s10, s12;
	s6 =	sadd.s32 s9, s6;
	s9 =	simm.s32 $0x6  }
0xe: {  	s12 =	sshrl.u32 s29, $0x3;
	s8 =	sadd.s32 s8, s5;
	s30 =	sshrl.u32 s6, $0x3  }
0xf: {  	s6 =	sadd.s32 $0x19800, s11;
	s11 =	sor.u32 $0x1C06, s31;
	s5 =	sadd.s32 $0xFA00, s8  }
0x10: {  	s7 =	sadd.s32 s7, s30;
	s8 =	smax.u32 s10, $0x1;
	s10 =	simm.s32 $0x2710  }
.LBB2_1:
0x11: {  	[tilespmem:s4], [sflag:$0x6] =	stream.linear.gather [hbm4b:s5+s4], $0x2710, $0x38;
	[tilespmem:$0x29E0] =	vst v63  }
0x12: {  	_ =	swait.ge [sflag:s9], $0x2710  }
0x13: {  	[sflag:s9] =	ssyncset.done $0x0  }
0x14: {  	[sflag:s9] =	ssyncadd.s32 $0xFFFFD8F0  }
0x15: {  	[tilespmem:s10], [sflag:$0x6] =	stream.linear.gather [hbm4b:s1+s4], $0x50, $0x38;
	[tilespmem:$0x29E0] =	vst v63  }
0x16: {  	_ =	swait.ge [sflag:s9], $0x50  }
0x17: {  	[sflag:s9] =	ssyncset.done $0x0  }
0x18: {  	[sflag:s9] =	ssyncadd.s32 $0xFFFFFFB0  }
0x19: {  	[spmem:s12], [sflag:s11] =	dma.local [hbm:s6], $0x50  }
0x1a: {  	_ =	swait.ge [sflag:s9], $0x50  }
0x1b: {  	[sflag:s9] =	ssyncset.done $0x0  }
0x1c: {  	[sflag:s9] =	ssyncadd.s32 $0xFFFFFFB0  }
0x1d: {  	[bflag:$0x0] =	sbarrier.arrive $0xFFFF  }
0x1e: {  	[spmem:s3] =	stream.indirect.scatter.add.f32 [tilespmem:s10], [sflag:$0x1], $0x1, s4, s13, $0xb8;
	[tilespmem:$0x29E0] =	vst v63  }
0x1f: {  	_ = 	snop  }
0x20: {  	[spmem:s3] =	stream.indirect.scatter.add.f32 [tilespmem:s10], [sflag:$0x2], $0x1, s13, s13, $0xb8;
	[tilespmem:$0x29E0] =	vst v63  }
0x21: {  	_ = 	snop  }
0x22: {  	[spmem:s3] =	stream.indirect.scatter.add.f32 [tilespmem:s10], [sflag:$0x3], $0x1, s14, s13, $0xb8;
	[tilespmem:$0x29E0] =	vst v63  }
0x23: {  	_ = 	snop  }
0x24: {  	[spmem:s3] =	stream.indirect.scatter.add.f32 [tilespmem:s10], [sflag:$0x4], $0x1, s15, s13, $0xb8;
	[tilespmem:$0x29E0] =	vst v63  }
0x25: {  	_ = 	snop  }
0x26: {  	[spmem:s3] =	stream.indirect.scatter.add.f32 [tilespmem:s10], [sflag:$0x5], $0x1, s16, s13, $0xb8;
	[tilespmem:$0x29E0] =	vst v63  }
0x27: {  	_ =	swait.ge [sflag:s17], $0x50  }
0x28: {  	[sflag:s17] =	ssyncset.done $0x0  }
0x29: {  	s23 =	simm.s32 $0x190;
	[sflag:s17] =	ssyncadd.s32 $0xFFFFFFB0  }
0x2a: {  	[spmem:s3] =	stream.indirect.scatter.add.f32 [tilespmem:s10], [sflag:$0x1], $0x1, s23, s13, $0xb8;
	[tilespmem:$0x29E0] =	vst v63  }
0x2b: {  	_ =	swait.ge [sflag:s18], $0x50  }
0x2c: {  	[sflag:s18] =	ssyncset.done $0x0  }
0x2d: {  	s29 =	simm.s32 $0x1E0;
	[sflag:s18] =	ssyncadd.s32 $0xFFFFFFB0  }
0x2e: {  	[spmem:s3] =	stream.indirect.scatter.add.f32 [tilespmem:s10], [sflag:$0x2], $0x1, s29, s13, $0xb8;
	[tilespmem:$0x29E0] =	vst v63  }
0x2f: {  	_ =	swait.ge [sflag:s19], $0x50  }
0x30: {  	[sflag:s19] =	ssyncset.done $0x0  }
0x31: {  	s30 =	simm.s32 $0x230;
	[sflag:s19] =	ssyncadd.s32 $0xFFFFFFB0  }
0x32: {  	[spmem:s3] =	stream.indirect.scatter.add.f32 [tilespmem:s10], [sflag:$0x3], $0x1, s30, s13, $0xb8;
	[tilespmem:$0x29E0] =	vst v63  }
0x33: {  	_ =	swait.ge [sflag:s20], $0x50  }
0x34: {  	[sflag:s20] =	ssyncset.done $0x0  }
0x35: {  	s31 =	simm.s32 $0x280;
	[sflag:s20] =	ssyncadd.s32 $0xFFFFFFB0  }
0x36: {  	[spmem:s3] =	stream.indirect.scatter.add.f32 [tilespmem:s10], [sflag:$0x4], $0x1, s31, s13, $0xb8;
	[tilespmem:$0x29E0] =	vst v63  }
0x37: {  	_ =	swait.ge [sflag:s21], $0x50  }
0x38: {  	[sflag:s21] =	ssyncset.done $0x0  }
0x39: {  	s24 =	simm.s32 $0x2D0;
	s23 =	simm.s32 $0xFFFF7040;
	[sflag:s21] =	ssyncadd.s32 $0xFFFFFFB0  }
.LBB2_2:
0x3a: {  	[spmem:s3] =	stream.indirect.scatter.add.f32 [tilespmem:s10], [sflag:$0x5], $0x1, s24, s13, $0xb8;
	[tilespmem:$0x29E0] =	vst v63  }
0x3b: {  	s24 =	smov.u32 s23  }
0x3c: {  	p0 =	sne.s32 s23, $0xFFFFF9C0;
	s23 =	sadd.s32 $0x640, s23;
	_ =	swait.ge [sflag:s17], $0x50  }
0x3d: {  	s24 =	sshra.s32 s24, $0x2;
	[sflag:s17] =	ssyncset.done $0x0  }
0x3e: {  	s25 =	sadd.s32 $0x2710, s24;
	[sflag:s17] =	ssyncadd.s32 $0xFFFFFFB0  }
0x3f: {  	[spmem:s3] =	stream.indirect.scatter.add.f32 [tilespmem:s10], [sflag:$0x1], $0x1, s25, s13, $0xb8;
	[tilespmem:$0x29E0] =	vst v63  }
0x40: {  	_ =	swait.ge [sflag:s18], $0x50  }
0x41: {  	[sflag:s18] =	ssyncset.done $0x0  }
0x42: {  	s25 =	sadd.s32 $0x2760, s24;
	[sflag:s18] =	ssyncadd.s32 $0xFFFFFFB0  }
0x43: {  	[spmem:s3] =	stream.indirect.scatter.add.f32 [tilespmem:s10], [sflag:$0x2], $0x1, s25, s13, $0xb8;
	[tilespmem:$0x29E0] =	vst v63  }
0x44: {  	_ =	swait.ge [sflag:s19], $0x50  }
0x45: {  	[sflag:s19] =	ssyncset.done $0x0  }
0x46: {  	s25 =	sadd.s32 $0x27B0, s24;
	[sflag:s19] =	ssyncadd.s32 $0xFFFFFFB0  }
0x47: {  	[spmem:s3] =	stream.indirect.scatter.add.f32 [tilespmem:s10], [sflag:$0x3], $0x1, s25, s13, $0xb8;
	[tilespmem:$0x29E0] =	vst v63  }
0x48: {  	_ =	swait.ge [sflag:s20], $0x50  }
0x49: {  	[sflag:s20] =	ssyncset.done $0x0  }
.Ltmp0:
0x4a: {  	s25 =	sadd.s32 $0x2800, s24;
	[sflag:s20] =	ssyncadd.s32 $0xFFFFFFB0;
	(pc) =	sbr.rel @p0 .LBB2_2-.Ltmp0, $4  }
0x4b: {  	[spmem:s3] =	stream.indirect.scatter.add.f32 [tilespmem:s10], [sflag:$0x4], $0x1, s25, s13, $0xb8;
	[tilespmem:$0x29E0] =	vst v63  }
0x4c: {  	_ =	swait.ge [sflag:s21], $0x50  }
0x4d: {  	[sflag:s21] =	ssyncset.done $0x0  }
0x4e: {  	s24 =	sadd.s32 $0x2850, s24;
	[sflag:s21] =	ssyncadd.s32 $0xFFFFFFB0  }
0x4f: {  	[spmem:s3] =	stream.indirect.scatter.add.f32 [tilespmem:s10], [sflag:$0x5], $0x1, s24, s13, $0xb8;
	[tilespmem:$0x29E0] =	vst v63  }
0x50: {  	_ =	swait.ge [sflag:s17], $0x50  }
0x51: {  	[sflag:s17] =	ssyncset.done $0x0  }
0x52: {  	[sflag:s17] =	ssyncadd.s32 $0xFFFFFFB0  }
0x53: {  	_ =	swait.ge [sflag:s18], $0x50  }
0x54: {  	[sflag:s18] =	ssyncset.done $0x0  }
0x55: {  	[sflag:s18] =	ssyncadd.s32 $0xFFFFFFB0  }
0x56: {  	_ =	swait.ge [sflag:s19], $0x50  }
0x57: {  	[sflag:s19] =	ssyncset.done $0x0  }
0x58: {  	[sflag:s19] =	ssyncadd.s32 $0xFFFFFFB0  }
0x59: {  	_ =	swait.ge [sflag:s20], $0x50  }
0x5a: {  	[sflag:s20] =	ssyncset.done $0x0  }
0x5b: {  	[sflag:s20] =	ssyncadd.s32 $0xFFFFFFB0  }
0x5c: {  	_ =	swait.ge [sflag:s21], $0x50  }
0x5d: {  	s22 =	sadd.s32 $0x1, s22;
	[sflag:s21] =	ssyncset.done $0x0  }
0x5e: {  	p0 =	sne.s32 s22, s8;
	[sflag:s21] =	ssyncadd.s32 $0xFFFFFFB0  }
.Ltmp1:
0x5f: {  	[bflag:$0x0] =	sbarrier.arrive $0xFFFF;
	(pc) =	sbr.rel @p0 .LBB2_1-.Ltmp1, $4  }
0x60: {  	[hbm:s7], [sflag:s11] =	dma.local [spmem:s12], $0x50  }
0x61: {  	_ =	swait.ge [sflag:s9], $0x50  }
0x62: {  	[sflag:s9] =	ssyncset.done $0x0  }
0x63: {  	[sflag:s9] =	ssyncadd.s32 $0xFFFFFFB0  }
0x64: {  	_ =	sfence.sel $0x180000  }
0x65: {  	[bflag:$0x0] =	sbarrier.arrive $0xFFFF  }
0x66: {  	p0 =	sne.s32 s0, $0x0;
	_ =	strace $0x90000047  }
0x67: {  	s0 =	sadd.s32 @!p0 $0x100000, s2;
	[bflag:$0x2] =	sbarrier.arrive $0xFFFF  }
0x68: {  	[sflag:s0] =	ssyncadd.tile.s32 @!p0 $0x1;
	_ =	shalt  }
.Lfunc_end2:
_tile_overlayer_lowered:
.L_overlay_start_2:
0x69: {  	(tag) =	ssettag $0x2  }
0x6a: {  	s0 =	rddreg [dreg:$0x0];
	s2 =	stileid.u32  }
0x6b: {  	s1 =	rddreg [dreg:$0x1];
	p0 =	sne.s32 s2, $0x0  }
0x6c: {  	s3 =	rddreg [dreg:$0x2];
	[bflag:$0x3] =	sbarrier.arrive $0xFFFF;
	s2 =	simm.s32 @!p0 $0x1C06  }
0x6d: {  	[timem:s3], [sflag:s2] =	dma.local @!p0 [hbm:s0], s1  }
0x6e: {  	s0 =	simm.s32 @!p0 $0x6  }
0x6f: {  	_ =	swait.ge @!p0 [sflag:s0], s1  }
0x70: {  	s1 =	ssub.s32 @!p0 $0x0, s1;
	[sflag:s0] =	ssyncset.done @!p0 $0x0  }
0x71: {  	[sflag:s0] =	ssyncadd.s32 @!p0 s1  }
0x72: {  	[bflag:$0x3] =	sbarrier.arrive $0xFFFF  }
0x73: {  	_ =	shalt  }

// kernel: kernel.17.cloned.1.call-start
scs
__scs_entry_jumppad:
0x0: {  	(pc) =	sbr.rel $0x88, $3  }
0x1: {  	(tag) =	ssettag $0x0;
	lr =	simm.s32 $0x1  }
0x2: {  	[smem:$0x3F90] =	sst lr;
	_ =	strace $0xD0000000  }
0x3: {  	_ = 	snop  }
0x4: {  	_ = 	snop  }
0x5: {  	_ = 	snop  }
0x6: {  	_ = 	snop  }
0x7: {  	_ = 	snop  }
__scs_overlays_trampoline_lowered:
0x8: {  	[smem:$0x3F9F] =	sst s0  }
0x9: {  	[smem:$0x3FA0] =	sst s1  }
0xa: {  	[smem:$0x3FA1] =	sst s2  }
0xb: {  	[smem:$0x3FA2] =	sst s3  }
0xc: {  	[smem:$0x3FA3] =	sst s4  }
0xd: {  	[smem:$0x3FA4] =	sst s5  }
0xe: {  	[smem:$0x3FA5] =	sst s6  }
0xf: {  	[smem:$0x3FA6] =	sst s7  }
0x10: {  	[smem:$0x3FA7] =	sst s8  }
0x11: {  	[smem:$0x3FA8] =	sst s9;
	s0 =	simm.s32 @!p0 $0x0  }
0x12: {  	s1 =	sld [smem:$0x3F8E];
	s0 =	simm.s32 @p0 $0x1  }
0x13: {  	[smem:$0x3FA9] =	sst s0;
	s0 =	simm.s32 @!p1 $0x0  }
0x14: {  	s2 =	sld [smem:$0x3F8D];
	s0 =	simm.s32 @p1 $0x1  }
0x15: {  	[smem:$0x3FAA] =	sst s0;
	s0 =	simm.s32 @!p2 $0x0  }
0x16: {  	s3 =	sld [smem:$0x3FDB];
	s0 =	simm.s32 @p2 $0x1  }
0x17: {  	s4 =	simm.s32 $0x1BF5;
	[smem:$0x3FAC] =	sst s0  }
0x18: {  	s0 =	sld [smem:$0x3F8F];
	_ =	swait.ge [sflag:s4], $0x0  }
0x19: {  	s7 =	sld [smem:$0x3F90]  }
0x1a: {  	s8 =	sadd.s32 $0xFFFFE003, lr  }
0x1b: {  	s9 =	sadd.s32 $0xFFFFFEF7, lr;
	s5 =	simm.s32 $0xFFFFFFFF;
	p2 =	slt.u32 s8, $0xFFFFF086  }
0x1c: {  	p1 =	slt.u32 s9, $0xF7A;
	s5 =	simm.s32 @!p2 $0x0  }
0x1d: {  	s5 =	simm.s32 @p1 $0x1;
	p0 =	seq.s32 s7, s2  }
0x1e: {  	s7 =	smul.u32 @!p0 $0xF7A, s2;
	p2 =	seq.s32 @!p0 s5, $0x0  }
0x1f: {  	s9 =	smul.u32 $0xF7A, s1;
	s8 =	simm.s32 @!p0 $0x1BF5;
	p2 =	por !p2, p0  }
0x20: {  	[sflag:s8] =	ssyncset.s32 @!p0 $0xFFFFF086;
	s6 =	sadd.s32 @!p0 s3, s7;
	s7 =	simm.s32 @!p0 $0x108  }
0x21: {  	s3 =	sadd.s32 s3, s9;
	s6 =	sadd.s32 @!p0 $0x88, s6;
	s7 =	simm.s32 @p2 $0x1082  }
0x22: {  	[simem:s7], [sflag:s8] =	dma.local @!p0 [hbm:s6], $0xF7A  }
0x23: {  	s9 =	sor.u32 $0xD0000000, s2;
	s6 =	simm.s32 $0x108;
	_ =	swait.ge @!p0 [sflag:s8], $0x0  }
0x24: {  	s3 =	sadd.s32 $0x88, s3;
	s6 =	simm.s32 @!p1 $0x1082;
	[sflag:s4] =	ssyncset.s32 $0xFFFFF086  }
0x25: {  	[simem:s6], [sflag:s4] =	dma.local [hbm:s3], $0xF7A  }
0x26: {  	[smem:$0x3F90] =	sst s1;
	(tag) =	ssettag s2;
	_ =	strace s9  }
0x27: {  	s1 =	sld [smem:$0x3FA0]  }
0x28: {  	s2 =	sld [smem:$0x3FA1]  }
0x29: {  	s4 =	sld [smem:$0x3FA3]  }
0x2a: {  	p0 =	seq.s32 s5, $0x0;
	s5 =	sld [smem:$0x3FA4]  }
0x2b: {  	s6 =	sld [smem:$0x3FA5]  }
0x2c: {  	s7 =	sld [smem:$0x3FA6]  }
0x2d: {  	s3 =	simm.s32 $0x108;
	s8 =	sld [smem:$0x3FA7]  }
0x2e: {  	s3 =	simm.s32 @!p0 $0x1082;
	s9 =	sld [smem:$0x3FA8]  }
0x2f: {  	lr =	sadd.s32 s0, s3;
	s0 =	sld [smem:$0x3F9F]  }
0x30: {  	s3 =	sld [smem:$0x3FA2]  }
0x31: {  	[smem:$0x3FAB] =	sst s10  }
0x32: {  	s10 =	sld [smem:$0x3FA9];
	_ =	sdelay $0x3  }
0x33: {  	p0 =	seq.s32 s10, $0x1;
	s10 =	sld [smem:$0x3FAB];
	_ =	sdelay $0x3  }
0x34: {  	[smem:$0x3FAB] =	sst s10  }
0x35: {  	s10 =	sld [smem:$0x3FAA];
	_ =	sdelay $0x3  }
0x36: {  	p1 =	seq.s32 s10, $0x1;
	s10 =	sld [smem:$0x3FAB];
	_ =	sdelay $0x3  }
0x37: {  	[smem:$0x3FAB] =	sst s10  }
0x38: {  	s10 =	sld [smem:$0x3FAC]  }
0x39: {  	_ = 	snop;
	(pc) =	sbr.ind lr, $3  }
0x3a: {  	_ = 	snop  }
0x3b: {  	_ = 	snop  }
0x3c: {  	p2 =	seq.s32 s10, $0x1;
	s10 =	sld [smem:$0x3FAB]  }
0x3d: {  	_ =	shalt  }
0x3e: {  	_ =	shalt  }
0x3f: {  	_ =	shalt  }
0x40: {  	_ =	shalt  }
0x41: {  	_ =	shalt  }
0x42: {  	_ =	shalt  }
0x43: {  	_ =	shalt  }
0x44: {  	_ =	shalt  }
0x45: {  	_ =	shalt  }
0x46: {  	_ =	shalt  }
0x47: {  	_ =	shalt  }
0x48: {  	_ =	shalt  }
0x49: {  	_ =	shalt  }
0x4a: {  	_ =	shalt  }
0x4b: {  	_ =	shalt  }
0x4c: {  	_ =	shalt  }
0x4d: {  	_ =	shalt  }
0x4e: {  	_ =	shalt  }
0x4f: {  	_ =	shalt  }
0x50: {  	_ =	shalt  }
0x51: {  	_ =	shalt  }
0x52: {  	_ =	shalt  }
0x53: {  	_ =	shalt  }
0x54: {  	_ =	shalt  }
0x55: {  	_ =	shalt  }
0x56: {  	_ =	shalt  }
0x57: {  	_ =	shalt  }
0x58: {  	_ =	shalt  }
0x59: {  	_ =	shalt  }
0x5a: {  	_ =	shalt  }
0x5b: {  	_ =	shalt  }
0x5c: {  	_ =	shalt  }
0x5d: {  	_ =	shalt  }
0x5e: {  	_ =	shalt  }
0x5f: {  	_ =	shalt  }
0x60: {  	_ =	shalt  }
0x61: {  	_ =	shalt  }
0x62: {  	_ =	shalt  }
0x63: {  	_ =	shalt  }
0x64: {  	_ =	shalt  }
0x65: {  	_ =	shalt  }
0x66: {  	_ =	shalt  }
0x67: {  	_ =	shalt  }
0x68: {  	_ =	shalt  }
0x69: {  	_ =	shalt  }
0x6a: {  	_ =	shalt  }
0x6b: {  	_ =	shalt  }
0x6c: {  	_ =	shalt  }
0x6d: {  	_ =	shalt  }
0x6e: {  	_ =	shalt  }
0x6f: {  	_ =	shalt  }
0x70: {  	_ =	shalt  }
0x71: {  	_ =	shalt  }
0x72: {  	_ =	shalt  }
0x73: {  	_ =	shalt  }
0x74: {  	_ =	shalt  }
0x75: {  	_ =	shalt  }
0x76: {  	_ =	shalt  }
0x77: {  	_ =	shalt  }
0x78: {  	_ =	shalt  }
0x79: {  	_ =	shalt  }
0x7a: {  	_ =	shalt  }
0x7b: {  	_ =	shalt  }
0x7c: {  	_ =	shalt  }
0x7d: {  	_ =	shalt  }
0x7e: {  	_ =	shalt  }
0x7f: {  	_ =	shalt  }
0x80: {  	_ =	shalt  }
0x81: {  	_ =	shalt  }
0x82: {  	_ =	shalt  }
0x83: {  	_ =	shalt  }
0x84: {  	_ =	shalt  }
0x85: {  	_ =	shalt  }
0x86: {  	_ =	shalt  }
0x87: {  	_ =	shalt  }
.Lfunc_end0:
.L_simem_size_0:
called_computation.1_lowered:
.L_overlay_start_0:
0x88: {  	s2 =	sld [smem:$0x3FD9]  }
0x89: {  	s3 =	sld [smem:$0x3FFE];
	_ =	sdelay $0x1  }
0x8a: {  	s1 =	srdreg.scid  }
0x8b: {  	s0 =	sand.u32 $0x1, s1  }
0x8c: {  	s14 =	sshll.u32 s0, $0xA;
	s2 =	sadd.s32 s3, s2  }
0x8d: {  	s2 =	sadd.s32 s2, s14  }
0x8e: {  	[smem:$0x3FB7] =	sst s2  }
0x8f: {  	_ = 	snop  }
0x90: {  	s2 =	sld [smem:$0x3FD0];
	_ =	sdelay $0x2  }
0x91: {  	s15 =	simm.s32 $0xA;
	s4 =	simm.s32 $0x10  }
0x92: {  	[smem:s4], [sflag:s15] =	dma.local [hbm:s2], $0x1  }
0x93: {  	_ =	swait.eq [sflag:s15], $0x1  }
0x94: {  	[sflag:s15] =	ssyncset.done $0x0  }
0x95: {  	[sflag:s15] =	ssyncadd.s32 $0xFFFFFFFF  }
0x96: {  	s16 =	sld [smem:$0x11];
	(tm) =	ssettm $0x1  }
0x97: {  	s17 =	sld [smem:$0x3FFB];
	_ =	sdelay $0x3  }
0x98: {  	_ =	strace s17  }
0x99: {  	s3 =	sld [smem:$0x3FFC];
	_ =	sdelay $0x3  }
0x9a: {  	_ =	strace s3  }
0x9b: {  	s3 =	sld [smem:$0x3FFD];
	_ =	sdelay $0x3  }
0x9c: {  	_ =	strace s3  }
0x9d: {  	_ =	strace $0x8FFFFFFF  }
0x9e: {  	s18 =	sld [smem:$0x3FDB];
	_ =	sdelay $0x1  }
0x9f: {  	s19 =	simm.s32 $_scs_section_size  }
0xa0: {  	s5 =	simm.s32 $_size__tile_overlayer_lowered;
	s6 =	simm.s32 $_tile_overlayer_lowered  }
0xa1: {  	s22 =	simm.s32 $0x1BFF;
	s21 =	sshll.u32 s6, $0x1;
	s3 =	sadd.s32 s19, s18  }
0xa2: {  	s7 =	simm.s32 $0x0;
	s20 =	sshll.u32 s5, $0x1;
	s5 =	sadd.s32 s21, s3  }
0xa3: {  	[timem:s7], [sflag:s22] =	dma.local [hbm:s5], s20  }
0xa4: {  	_ =	swait.ge [sflag:s22], s20  }
0xa5: {  	s4 =	ssub.s32 $0x0, s20;
	[sflag:s22] =	ssyncset.done $0x0  }
0xa6: {  	[sflag:s22] =	ssyncadd.s32 s4;
	_ =	sdelay $0x1  }
0xa7: {  	s23 =	simm.s32 $0x1B8B  }
0xa8: {  	_ =	swait.ge [sflag:s23], $0x1  }
0xa9: {  	[sflag:s23] =	ssyncset.done $0x0  }
0xaa: {  	s25 =	simm.s32 $0x1B8E;
	s24 =	sld [smem:$0x3FFE];
	[sflag:s23] =	ssyncadd.s32 $0xFFFFFFFF  }
0xab: {  	s26 =	simm.s32 $execute0_lowered;
	[smem:$0x3FD2] =	sst s25  }
0xac: {  	s5 =	sshll.u32 s26, $0x1;
	_ =	strace $0x80000049;
	[dreg:$0x1] =	wrdreg $0xFFFFFFFF  }
0xad: {  	s28 =	simm.s32 $_size_execute0_lowered;
	s3 =	sadd.s32 s3, s5;
	[dreg:$0x0] =	wrdreg $0x0  }
0xae: {  	s5 =	sshll.u32 s28, $0x1;
	[dreg:$0x2] =	wrdreg s3  }
0xaf: {  	[dreg:$0x3] =	wrdreg s5  }
0xb0: {  	[dreg:$0x4] =	wrdreg $0xC0  }
0xb1: {  	_ =	task [dreg:s7], $0x5FFFF  }
0xb2: {  	[dreg:$0x1] =	wrdreg $0xFFFFFFFF  }
0xb3: {  	[dreg:$0x0] =	wrdreg $0x60  }
0xb4: {  	[dreg:$0x2] =	wrdreg s24  }
0xb5: {  	[dreg:$0x3] =	wrdreg s16  }
0xb6: {  	[dreg:$0x4] =	wrdreg $0x80200  }
0xb7: {  	[dreg:$0x5] =	wrdreg $0xD0200  }
0xb8: {  	[dreg:$0x6] =	wrdreg $0x9  }
0xb9: {  	_ =	task.clear_ibuf [dreg:s7], $0x7FFFF;
	_ =	strace $0x90000049  }
0xba: {  	s29 =	simm.s32 $0x9;
	_ =	strace $0x8000004B  }
0xbb: {  	_ =	swait.ge [sflag:s29], $0x1  }
0xbc: {  	[sflag:s29] =	ssyncadd.s32 $0xFFFFFFFF  }
0xbd: {  	_ =	strace $0x9000004B  }
0xbe: {  	_ =	sfence  }
0xbf: {  	s30 =	sld [smem:$0x0];
	_ =	sdelay $0x2  }
0xc0: {  	s31 =	sshll.u32 s1, $0xD;
	s1 =	sshrl.u32 s1, $0x2  }
0xc1: {  	s3 =	sand.u32 $0x4000, s31;
	s1 =	sadd.s32 s1, s30  }
0xc2: {  	s0 =	sor.u32 s3, s0;
	s1 =	sshll.u32 s1, $0x11  }
0xc3: {  	s0 =	sor.u32 s1, s0  }
0xc4: {  	s0 =	sadd.s32 $0x8F2B, s0  }
0xc5: {  	[sflag:s0] =	ssyncadd.remote.s32 $0x1  }
0xc6: {  	_ =	sfence.sel $0xFFFF  }
0xc7: {  	[dreg:$0x0] =	wrdreg $0xFFFFFFFF;
	(pc) =	sbr.abs _section_cstart, $3  }
0xc8: {  	[dreg:$0x1] =	wrdreg $0xFFFFFFFF  }
0xc9: {  	_ =	task.clear_ibuf [dreg:s7], $0x2FFFF;
	_ =	strace $0x9FFFFFFF  }
0xca: {  	(tm) =	ssettm $0x7FFFFFFF  }
0xcb: {  	_ =	shalt  }
tec
execute0_lowered:
.L_overlay_start_1:
0x0: {  	(tag) =	ssettag $0x1  }
0x1: {  	s0 =	rddreg [dreg:$0x0]  }
0x2: {  	s1 =	rddreg [dreg:$0x1]  }
0x3: {  	s3 =	srdreg.scid;
	s11 =	stileid.u32  }
0x4: {  	s2 =	rddreg [dreg:$0x2];
	s16 =	simm.s32 $0x50;
	s17 =	simm.s32 $0x4E20  }
0x5: {  	s18 =	simm.s32 $0x5820;
	s20 =	simm.s32 $0x6220;
	s22 =	simm.s32 $0x6C20  }
0x6: {  	s28 =	simm.s32 $0x3;
	s29 =	simm.s32 $0x4;
	s30 =	simm.s32 $0x5  }
0x7: {  	s31 =	simm.s32 $0x6;
	s19 =	simm.s32 $0xA;
	s5 =	sand.u32 $0x1, s3  }
0x8: {  	s4 =	sshll.u32 s11, $0x1;
	s3 =	rddreg [dreg:$0x3];
	s8 =	smul.u32 $0x5000, s11  }
0x9: {  	s26 =	sshll.u32 s11, $0x6;
	s11 =	simm.s32 $0xB;
	s6 =	sor.u32 s5, s4  }
0xa: {  	s4 =	simm.s32 $0x0;
	s9 =	ssub.s32 $0x2, s5;
	s5 =	smul.u32 $0x50000, s5  }
0xb: {  	s13 =	sor.u32 $0x1C0B, s26;
	s26 =	simm.s32 $0x2;
	s6 =	smul.u32 $0x4E2, s6  }
0xc: {  	[smem:$0x7FF] =	sst s4;
	s7 =	sshrl.u32 s8, $0x3;
	s23 =	sshrl.u32 s9, $0x1  }
0xd: {  	s12 =	sadd.s32 s8, s2;
	s15 =	sadd.s32 s8, s3;
	_ =	strace $0x8000004A  }
0xe: {  	s10 =	ssub.s32 s9, s23;
	s5 =	sadd.s32 s8, s5;
	s14 =	sshrl.u32 s12, $0x3  }
0xf: {  	s15 =	sshrl.u32 s15, $0x3;
	s12 =	simm.s32 $0x9;
	s23 =	simm.s32 $0x0  }
0x10: {  	s6 =	sadd.s32 s6, s0;
	s0 =	sadd.s32 s7, s0;
	s25 =	sshrl.u32 s5, $0x3  }
0x11: {  	s10 =	smax.u32 s10, $0x1;
	s24 =	sadd.s32 $0x5C00, s6;
	s6 =	sadd.s32 $0xFA00, s6  }
0x12: {  	s7 =	sadd.s32 $0x19800, s0;
	s8 =	sadd.s32 $0x23800, s0;
	s9 =	sadd.s32 s1, s25  }
0x13: {  	s25 =	simm.s32 $0x1;
	s1 =	simm.s32 $0x7;
	[dreg:$0x5] =	wrdreg s24  }
0x14: {  	s0 =	simm.s32 $0x8;
	[dreg:$0x6] =	wrdreg s6;
	s24 =	simm.s32 $0x7620  }
.LBB2_1:
0x15: {  	s5 =	rddreg [dreg:$0x5]  }
0x16: {  	[tilespmem:s4], [sflag:$0xB] =	stream.linear.gather [hbm4b:s5+s4], $0x2710, $0x38;
	[tilespmem:$0x12020] =	vst v63  }
0x17: {  	_ =	swait.ge [sflag:s11], $0x2710  }
0x18: {  	[sflag:s11] =	ssyncset.done $0x0  }
0x19: {  	s6 =	simm.s32 $0x2710;
	s21 =	rddreg [dreg:$0x6];
	[sflag:s11] =	ssyncadd.s32 $0xFFFFD8F0  }
0x1a: {  	[tilespmem:s6], [sflag:$0xB] =	stream.linear.gather [hbm4b:s21+s4], $0x2710, $0x38;
	[tilespmem:$0x12020] =	vst v63  }
0x1b: {  	_ =	swait.ge [sflag:s11], $0x2710  }
0x1c: {  	[sflag:s11] =	ssyncset.done $0x0  }
0x1d: {  	[sflag:s11] =	ssyncadd.s32 $0xFFFFD8F0  }
0x1e: {  	[spmem:s14], [sflag:s13] =	dma.local [hbm:s7], $0xA00  }
0x1f: {  	_ =	swait.ge [sflag:s11], $0xA00  }
0x20: {  	[sflag:s11] =	ssyncset.done $0x0  }
0x21: {  	[sflag:s11] =	ssyncadd.s32 $0xFFFFF600  }
0x22: {  	[spmem:s15], [sflag:s13] =	dma.local [hbm:s8], $0xA00  }
0x23: {  	_ =	swait.ge [sflag:s11], $0xA00  }
0x24: {  	[sflag:s11] =	ssyncset.done $0x0  }
0x25: {  	[sflag:s11] =	ssyncadd.s32 $0xFFFFF600  }
0x26: {  	[bflag:$0x0] =	sbarrier.arrive $0xFFFF  }
0x27: {  	[tilespmem:s17], [sflag:$0x1] =	stream.indirect.gather [spmem:s2], $0x20, s4, s16, $0xb8;
	[tilespmem:$0x12020] =	vst v63  }
0x28: {  	_ = 	snop  }
0x29: {  	[tilespmem:s18], [sflag:$0x2] =	stream.indirect.gather [spmem:s2], $0x20, s16, s16, $0xb8;
	[tilespmem:$0x12020] =	vst v63  }
0x2a: {  	s6 =	simm.s32 $0xA0  }
0x2b: {  	[tilespmem:s20], [sflag:$0x3] =	stream.indirect.gather [spmem:s2], $0x20, s6, s16, $0xb8;
	[tilespmem:$0x12020] =	vst v63  }
0x2c: {  	s21 =	simm.s32 $0xF0  }
0x2d: {  	[tilespmem:s22], [sflag:$0x4] =	stream.indirect.gather [spmem:s2], $0x20, s21, s16, $0xb8;
	[tilespmem:$0x12020] =	vst v63  }
0x2e: {  	s6 =	simm.s32 $0x140  }
0x2f: {  	[tilespmem:s24], [sflag:$0x5] =	stream.indirect.gather [spmem:s2], $0x20, s6, s16, $0xb8;
	[tilespmem:$0x12020] =	vst v63  }
0x30: {  	_ =	swait.ge [sflag:s25], $0xA00  }
0x31: {  	[sflag:s25] =	ssyncset.done $0x0  }
0x32: {  	s21 =	simm.s32 $0x2710;
	[sflag:s25] =	ssyncadd.s32 $0xFFFFF600  }
0x33: {  	[spmem:s3] =	stream.indirect.scatter.add.f32 [tilespmem:s17], [sflag:$0x6], $0x20, s21, s16, $0xb8;
	[tilespmem:$0x12020] =	vst v63  }
0x34: {  	_ =	swait.ge [sflag:s26], $0xA00  }
0x35: {  	[sflag:s26] =	ssyncset.done $0x0  }
0x36: {  	s6 =	simm.s32 $0x2760;
	[sflag:s26] =	ssyncadd.s32 $0xFFFFF600  }
0x37: {  	[spmem:s3] =	stream.indirect.scatter.add.f32 [tilespmem:s18], [sflag:$0x7], $0x20, s6, s16, $0xb8;
	[tilespmem:$0x12020] =	vst v63  }
0x38: {  	_ =	swait.ge [sflag:s28], $0xA00  }
0x39: {  	[sflag:s28] =	ssyncset.done $0x0  }
0x3a: {  	s21 =	simm.s32 $0x27B0;
	[sflag:s28] =	ssyncadd.s32 $0xFFFFF600  }
0x3b: {  	[spmem:s3] =	stream.indirect.scatter.add.f32 [tilespmem:s20], [sflag:$0x8], $0x20, s21, s16, $0xb8;
	[tilespmem:$0x12020] =	vst v63  }
0x3c: {  	_ =	swait.ge [sflag:s29], $0xA00  }
0x3d: {  	[sflag:s29] =	ssyncset.done $0x0  }
0x3e: {  	s6 =	simm.s32 $0x2800;
	[sflag:s29] =	ssyncadd.s32 $0xFFFFF600  }
0x3f: {  	[spmem:s3] =	stream.indirect.scatter.add.f32 [tilespmem:s22], [sflag:$0x9], $0x20, s6, s16, $0xb8;
	[tilespmem:$0x12020] =	vst v63  }
0x40: {  	_ =	swait.ge [sflag:s30], $0xA00  }
0x41: {  	[sflag:s30] =	ssyncset.done $0x0  }
0x42: {  	s21 =	simm.s32 $0x2850;
	[sflag:s30] =	ssyncadd.s32 $0xFFFFF600  }
0x43: {  	[spmem:s3] =	stream.indirect.scatter.add.f32 [tilespmem:s24], [sflag:$0xA], $0x20, s21, s16, $0xb8;
	[tilespmem:$0x12020] =	vst v63  }
0x44: {  	_ =	swait.ge [sflag:s31], $0xA00  }
0x45: {  	[sflag:s31] =	ssyncset.done $0x0  }
0x46: {  	s6 =	simm.s32 $0x190;
	[sflag:s31] =	ssyncadd.s32 $0xFFFFF600  }
0x47: {  	[tilespmem:s17], [sflag:$0x1] =	stream.indirect.gather [spmem:s2], $0x20, s6, s16, $0xb8;
	[tilespmem:$0x12020] =	vst v63  }
0x48: {  	_ =	swait.ge [sflag:s1], $0xA00  }
0x49: {  	[sflag:s1] =	ssyncset.done $0x0  }
0x4a: {  	s21 =	simm.s32 $0x1E0;
	[sflag:s1] =	ssyncadd.s32 $0xFFFFF600  }
0x4b: {  	[tilespmem:s18], [sflag:$0x2] =	stream.indirect.gather [spmem:s2], $0x20, s21, s16, $0xb8;
	[tilespmem:$0x12020] =	vst v63  }
0x4c: {  	_ =	swait.ge [sflag:s0], $0xA00  }
0x4d: {  	[sflag:s0] =	ssyncset.done $0x0  }
0x4e: {  	s6 =	simm.s32 $0x230;
	[sflag:s0] =	ssyncadd.s32 $0xFFFFF600  }
0x4f: {  	[tilespmem:s20], [sflag:$0x3] =	stream.indirect.gather [spmem:s2], $0x20, s6, s16, $0xb8;
	[tilespmem:$0x12020] =	vst v63  }
0x50: {  	_ =	swait.ge [sflag:s12], $0xA00  }
0x51: {  	[sflag:s12] =	ssyncset.done $0x0  }
0x52: {  	s21 =	simm.s32 $0x280;
	[sflag:s12] =	ssyncadd.s32 $0xFFFFF600  }
0x53: {  	[tilespmem:s22], [sflag:$0x4] =	stream.indirect.gather [spmem:s2], $0x20, s21, s16, $0xb8;
	[tilespmem:$0x12020] =	vst v63  }
0x54: {  	_ =	swait.ge [sflag:s19], $0xA00  }
0x55: {  	[sflag:s19] =	ssyncset.done $0x0  }
0x56: {  	s5 =	simm.s32 $0x2D0;
	s21 =	simm.s32 $0x640;
	[sflag:s19] =	ssyncadd.s32 $0xFFFFF600  }
.LBB2_2:
0x57: {  	[tilespmem:s24], [sflag:$0x5] =	stream.indirect.gather [spmem:s2], $0x20, s5, s16, $0xb8;
	[tilespmem:$0x12020] =	vst v63  }
0x58: {  	s5 =	smov.u32 s21  }
0x59: {  	p0 =	sne.s32 s21, $0x8FC0;
	s21 =	sadd.s32 $0x640, s21;
	_ =	swait.ge [sflag:s25], $0xA00  }
0x5a: {  	s5 =	sshra.s32 s5, $0x2;
	[sflag:s25] =	ssyncset.done $0x0  }
0x5b: {  	s6 =	sadd.s32 $0x2710, s5;
	[sflag:s25] =	ssyncadd.s32 $0xFFFFF600  }
0x5c: {  	[spmem:s3] =	stream.indirect.scatter.add.f32 [tilespmem:s17], [sflag:$0x6], $0x20, s6, s16, $0xb8;
	[tilespmem:$0x12020] =	vst v63  }
0x5d: {  	_ =	swait.ge [sflag:s26], $0xA00  }
0x5e: {  	[sflag:s26] =	ssyncset.done $0x0  }
0x5f: {  	s6 =	sadd.s32 $0x2760, s5;
	[sflag:s26] =	ssyncadd.s32 $0xFFFFF600  }
0x60: {  	[spmem:s3] =	stream.indirect.scatter.add.f32 [tilespmem:s18], [sflag:$0x7], $0x20, s6, s16, $0xb8;
	[tilespmem:$0x12020] =	vst v63  }
0x61: {  	_ =	swait.ge [sflag:s28], $0xA00  }
0x62: {  	[sflag:s28] =	ssyncset.done $0x0  }
0x63: {  	s6 =	sadd.s32 $0x27B0, s5;
	[sflag:s28] =	ssyncadd.s32 $0xFFFFF600  }
0x64: {  	[spmem:s3] =	stream.indirect.scatter.add.f32 [tilespmem:s20], [sflag:$0x8], $0x20, s6, s16, $0xb8;
	[tilespmem:$0x12020] =	vst v63  }
0x65: {  	_ =	swait.ge [sflag:s29], $0xA00  }
0x66: {  	[sflag:s29] =	ssyncset.done $0x0  }
0x67: {  	s6 =	sadd.s32 $0x2800, s5;
	[sflag:s29] =	ssyncadd.s32 $0xFFFFF600  }
0x68: {  	[spmem:s3] =	stream.indirect.scatter.add.f32 [tilespmem:s22], [sflag:$0x9], $0x20, s6, s16, $0xb8;
	[tilespmem:$0x12020] =	vst v63  }
0x69: {  	_ =	swait.ge [sflag:s30], $0xA00  }
0x6a: {  	[sflag:s30] =	ssyncset.done $0x0  }
0x6b: {  	s6 =	sadd.s32 $0x2850, s5;
	[sflag:s30] =	ssyncadd.s32 $0xFFFFF600  }
0x6c: {  	[spmem:s3] =	stream.indirect.scatter.add.f32 [tilespmem:s24], [sflag:$0xA], $0x20, s6, s16, $0xb8;
	[tilespmem:$0x12020] =	vst v63  }
0x6d: {  	_ =	swait.ge [sflag:s31], $0xA00  }
0x6e: {  	[sflag:s31] =	ssyncset.done $0x0  }
0x6f: {  	s6 =	sadd.s32 $0x190, s5;
	[sflag:s31] =	ssyncadd.s32 $0xFFFFF600  }
0x70: {  	[tilespmem:s17], [sflag:$0x1] =	stream.indirect.gather [spmem:s2], $0x20, s6, s16, $0xb8;
	[tilespmem:$0x12020] =	vst v63  }
0x71: {  	_ =	swait.ge [sflag:s1], $0xA00  }
0x72: {  	[sflag:s1] =	ssyncset.done $0x0  }
0x73: {  	s6 =	sadd.s32 $0x1E0, s5;
	[sflag:s1] =	ssyncadd.s32 $0xFFFFF600  }
0x74: {  	[tilespmem:s18], [sflag:$0x2] =	stream.indirect.gather [spmem:s2], $0x20, s6, s16, $0xb8;
	[tilespmem:$0x12020] =	vst v63  }
0x75: {  	_ =	swait.ge [sflag:s0], $0xA00  }
0x76: {  	[sflag:s0] =	ssyncset.done $0x0  }
0x77: {  	s6 =	sadd.s32 $0x230, s5;
	[sflag:s0] =	ssyncadd.s32 $0xFFFFF600  }
0x78: {  	[tilespmem:s20], [sflag:$0x3] =	stream.indirect.gather [spmem:s2], $0x20, s6, s16, $0xb8;
	[tilespmem:$0x12020] =	vst v63  }
0x79: {  	_ =	swait.ge [sflag:s12], $0xA00  }
0x7a: {  	[sflag:s12] =	ssyncset.done $0x0  }
.Ltmp0:
0x7b: {  	s6 =	sadd.s32 $0x280, s5;
	[sflag:s12] =	ssyncadd.s32 $0xFFFFF600;
	(pc) =	sbr.rel @p0 .LBB2_2-.Ltmp0, $4  }
0x7c: {  	[tilespmem:s22], [sflag:$0x4] =	stream.indirect.gather [spmem:s2], $0x20, s6, s16, $0xb8;
	[tilespmem:$0x12020] =	vst v63  }
0x7d: {  	_ =	swait.ge [sflag:s19], $0xA00  }
0x7e: {  	[sflag:s19] =	ssyncset.done $0x0  }
0x7f: {  	s5 =	sadd.s32 $0x2D0, s5;
	[sflag:s19] =	ssyncadd.s32 $0xFFFFF600  }
0x80: {  	[tilespmem:s24], [sflag:$0x5] =	stream.indirect.gather [spmem:s2], $0x20, s5, s16, $0xb8;
	[tilespmem:$0x12020] =	vst v63  }
0x81: {  	_ =	swait.ge [sflag:s25], $0xA00  }
0x82: {  	[sflag:s25] =	ssyncset.done $0x0  }
0x83: {  	s21 =	simm.s32 $0x4C90;
	[sflag:s25] =	ssyncadd.s32 $0xFFFFF600  }
0x84: {  	[spmem:s3] =	stream.indirect.scatter.add.f32 [tilespmem:s17], [sflag:$0x6], $0x20, s21, s16, $0xb8;
	[tilespmem:$0x12020] =	vst v63  }
0x85: {  	_ =	swait.ge [sflag:s26], $0xA00  }
0x86: {  	[sflag:s26] =	ssyncset.done $0x0  }
0x87: {  	s6 =	simm.s32 $0x4CE0;
	[sflag:s26] =	ssyncadd.s32 $0xFFFFF600  }
0x88: {  	[spmem:s3] =	stream.indirect.scatter.add.f32 [tilespmem:s18], [sflag:$0x7], $0x20, s6, s16, $0xb8;
	[tilespmem:$0x12020] =	vst v63  }
0x89: {  	_ =	swait.ge [sflag:s28], $0xA00  }
0x8a: {  	[sflag:s28] =	ssyncset.done $0x0  }
0x8b: {  	s21 =	simm.s32 $0x4D30;
	[sflag:s28] =	ssyncadd.s32 $0xFFFFF600  }
0x8c: {  	[spmem:s3] =	stream.indirect.scatter.add.f32 [tilespmem:s20], [sflag:$0x8], $0x20, s21, s16, $0xb8;
	[tilespmem:$0x12020] =	vst v63  }
0x8d: {  	_ =	swait.ge [sflag:s29], $0xA00  }
0x8e: {  	[sflag:s29] =	ssyncset.done $0x0  }
0x8f: {  	s6 =	simm.s32 $0x4D80;
	[sflag:s29] =	ssyncadd.s32 $0xFFFFF600  }
0x90: {  	[spmem:s3] =	stream.indirect.scatter.add.f32 [tilespmem:s22], [sflag:$0x9], $0x20, s6, s16, $0xb8;
	[tilespmem:$0x12020] =	vst v63  }
0x91: {  	_ =	swait.ge [sflag:s30], $0xA00  }
0x92: {  	[sflag:s30] =	ssyncset.done $0x0  }
0x93: {  	s21 =	simm.s32 $0x4DD0;
	[sflag:s30] =	ssyncadd.s32 $0xFFFFF600  }
0x94: {  	[spmem:s3] =	stream.indirect.scatter.add.f32 [tilespmem:s24], [sflag:$0xA], $0x20, s21, s16, $0xb8;
	[tilespmem:$0x12020] =	vst v63  }
0x95: {  	_ =	swait.ge [sflag:s31], $0xA00  }
0x96: {  	[sflag:s31] =	ssyncset.done $0x0  }
0x97: {  	[sflag:s31] =	ssyncadd.s32 $0xFFFFF600  }
0x98: {  	_ =	swait.ge [sflag:s1], $0xA00  }
0x99: {  	[sflag:s1] =	ssyncset.done $0x0  }
0x9a: {  	[sflag:s1] =	ssyncadd.s32 $0xFFFFF600  }
0x9b: {  	_ =	swait.ge [sflag:s0], $0xA00  }
0x9c: {  	[sflag:s0] =	ssyncset.done $0x0  }
0x9d: {  	[sflag:s0] =	ssyncadd.s32 $0xFFFFF600  }
0x9e: {  	_ =	swait.ge [sflag:s12], $0xA00  }
0x9f: {  	[sflag:s12] =	ssyncset.done $0x0  }
0xa0: {  	[sflag:s12] =	ssyncadd.s32 $0xFFFFF600  }
0xa1: {  	_ =	swait.ge [sflag:s19], $0xA00  }
0xa2: {  	s23 =	sadd.s32 $0x1, s23;
	[sflag:s19] =	ssyncset.done $0x0  }
0xa3: {  	p0 =	sne.s32 s23, s10;
	[sflag:s19] =	ssyncadd.s32 $0xFFFFF600  }
.Ltmp1:
0xa4: {  	[bflag:$0x0] =	sbarrier.arrive $0xFFFF;
	(pc) =	sbr.rel @p0 .LBB2_1-.Ltmp1, $4  }
0xa5: {  	[hbm:s9], [sflag:s13] =	dma.local [spmem:s15], $0xA00  }
0xa6: {  	_ =	swait.ge [sflag:s11], $0xA00  }
0xa7: {  	[sflag:s11] =	ssyncset.done $0x0  }
0xa8: {  	[sflag:s11] =	ssyncadd.s32 $0xFFFFF600  }
0xa9: {  	_ =	sfence.sel $0x180000  }
0xaa: {  	[bflag:$0x0] =	sbarrier.arrive $0xFFFF  }
0xab: {  	_ =	strace $0x9000004A  }
0xac: {  	s0 =	stileid.u32;
	[bflag:$0x2] =	sbarrier.arrive $0xFFFF  }
0xad: {  	p0 =	sne.s32 s0, $0x0;
	s0 =	rddreg [dreg:$0x4]  }
0xae: {  	s0 =	sadd.s32 @!p0 $0x100000, s0  }
0xaf: {  	[sflag:s0] =	ssyncadd.tile.s32 @!p0 $0x1;
	_ =	shalt  }
.Lfunc_end2:
_tile_overlayer_lowered:
.L_overlay_start_2:
0xb0: {  	(tag) =	ssettag $0x2  }
0xb1: {  	s0 =	rddreg [dreg:$0x0];
	s2 =	stileid.u32  }
0xb2: {  	s1 =	rddreg [dreg:$0x1];
	p0 =	sne.s32 s2, $0x0  }
0xb3: {  	s3 =	rddreg [dreg:$0x2];
	[bflag:$0x3] =	sbarrier.arrive $0xFFFF;
	s2 =	simm.s32 @!p0 $0x1C0B  }
0xb4: {  	[timem:s3], [sflag:s2] =	dma.local @!p0 [hbm:s0], s1  }
0xb5: {  	s0 =	simm.s32 @!p0 $0xB  }
0xb6: {  	_ =	swait.ge @!p0 [sflag:s0], s1  }
0xb7: {  	s1 =	ssub.s32 @!p0 $0x0, s1;
	[sflag:s0] =	ssyncset.done @!p0 $0x0  }
0xb8: {  	[sflag:s0] =	ssyncadd.s32 @!p0 s1  }
0xb9: {  	[bflag:$0x3] =	sbarrier.arrive $0xFFFF  }
0xba: {  	_ =	shalt  }

// kernel: kernel.20.cloned.1.call-start
scs
__scs_entry_jumppad:
0x0: {  	(pc) =	sbr.rel $0x88, $3  }
0x1: {  	(tag) =	ssettag $0x0;
	lr =	simm.s32 $0x1  }
0x2: {  	[smem:$0x3F90] =	sst lr;
	_ =	strace $0xD0000000  }
0x3: {  	_ = 	snop  }
0x4: {  	_ = 	snop  }
0x5: {  	_ = 	snop  }
0x6: {  	_ = 	snop  }
0x7: {  	_ = 	snop  }
__scs_overlays_trampoline_lowered:
0x8: {  	[smem:$0x3F9F] =	sst s0  }
0x9: {  	[smem:$0x3FA0] =	sst s1  }
0xa: {  	[smem:$0x3FA1] =	sst s2  }
0xb: {  	[smem:$0x3FA2] =	sst s3  }
0xc: {  	[smem:$0x3FA3] =	sst s4  }
0xd: {  	[smem:$0x3FA4] =	sst s5  }
0xe: {  	[smem:$0x3FA5] =	sst s6  }
0xf: {  	[smem:$0x3FA6] =	sst s7  }
0x10: {  	[smem:$0x3FA7] =	sst s8  }
0x11: {  	[smem:$0x3FA8] =	sst s9;
	s0 =	simm.s32 @!p0 $0x0  }
0x12: {  	s1 =	sld [smem:$0x3F8E];
	s0 =	simm.s32 @p0 $0x1  }
0x13: {  	[smem:$0x3FA9] =	sst s0;
	s0 =	simm.s32 @!p1 $0x0  }
0x14: {  	s2 =	sld [smem:$0x3F8D];
	s0 =	simm.s32 @p1 $0x1  }
0x15: {  	[smem:$0x3FAA] =	sst s0;
	s0 =	simm.s32 @!p2 $0x0  }
0x16: {  	s3 =	sld [smem:$0x3FDB];
	s0 =	simm.s32 @p2 $0x1  }
0x17: {  	s4 =	simm.s32 $0x1BF5;
	[smem:$0x3FAC] =	sst s0  }
0x18: {  	s0 =	sld [smem:$0x3F8F];
	_ =	swait.ge [sflag:s4], $0x0  }
0x19: {  	s7 =	sld [smem:$0x3F90]  }
0x1a: {  	s8 =	sadd.s32 $0xFFFFE003, lr  }
0x1b: {  	s9 =	sadd.s32 $0xFFFFFEF7, lr;
	s5 =	simm.s32 $0xFFFFFFFF;
	p2 =	slt.u32 s8, $0xFFFFF086  }
0x1c: {  	p1 =	slt.u32 s9, $0xF7A;
	s5 =	simm.s32 @!p2 $0x0  }
0x1d: {  	s5 =	simm.s32 @p1 $0x1;
	p0 =	seq.s32 s7, s2  }
0x1e: {  	s7 =	smul.u32 @!p0 $0xF7A, s2;
	p2 =	seq.s32 @!p0 s5, $0x0  }
0x1f: {  	s9 =	smul.u32 $0xF7A, s1;
	s8 =	simm.s32 @!p0 $0x1BF5;
	p2 =	por !p2, p0  }
0x20: {  	[sflag:s8] =	ssyncset.s32 @!p0 $0xFFFFF086;
	s6 =	sadd.s32 @!p0 s3, s7;
	s7 =	simm.s32 @!p0 $0x108  }
0x21: {  	s3 =	sadd.s32 s3, s9;
	s6 =	sadd.s32 @!p0 $0x88, s6;
	s7 =	simm.s32 @p2 $0x1082  }
0x22: {  	[simem:s7], [sflag:s8] =	dma.local @!p0 [hbm:s6], $0xF7A  }
0x23: {  	s9 =	sor.u32 $0xD0000000, s2;
	s6 =	simm.s32 $0x108;
	_ =	swait.ge @!p0 [sflag:s8], $0x0  }
0x24: {  	s3 =	sadd.s32 $0x88, s3;
	s6 =	simm.s32 @!p1 $0x1082;
	[sflag:s4] =	ssyncset.s32 $0xFFFFF086  }
0x25: {  	[simem:s6], [sflag:s4] =	dma.local [hbm:s3], $0xF7A  }
0x26: {  	[smem:$0x3F90] =	sst s1;
	(tag) =	ssettag s2;
	_ =	strace s9  }
0x27: {  	s1 =	sld [smem:$0x3FA0]  }
0x28: {  	s2 =	sld [smem:$0x3FA1]  }
0x29: {  	s4 =	sld [smem:$0x3FA3]  }
0x2a: {  	p0 =	seq.s32 s5, $0x0;
	s5 =	sld [smem:$0x3FA4]  }
0x2b: {  	s6 =	sld [smem:$0x3FA5]  }
0x2c: {  	s7 =	sld [smem:$0x3FA6]  }
0x2d: {  	s3 =	simm.s32 $0x108;
	s8 =	sld [smem:$0x3FA7]  }
0x2e: {  	s3 =	simm.s32 @!p0 $0x1082;
	s9 =	sld [smem:$0x3FA8]  }
0x2f: {  	lr =	sadd.s32 s0, s3;
	s0 =	sld [smem:$0x3F9F]  }
0x30: {  	s3 =	sld [smem:$0x3FA2]  }
0x31: {  	[smem:$0x3FAB] =	sst s10  }
0x32: {  	s10 =	sld [smem:$0x3FA9];
	_ =	sdelay $0x3  }
0x33: {  	p0 =	seq.s32 s10, $0x1;
	s10 =	sld [smem:$0x3FAB];
	_ =	sdelay $0x3  }
0x34: {  	[smem:$0x3FAB] =	sst s10  }
0x35: {  	s10 =	sld [smem:$0x3FAA];
	_ =	sdelay $0x3  }
0x36: {  	p1 =	seq.s32 s10, $0x1;
	s10 =	sld [smem:$0x3FAB];
	_ =	sdelay $0x3  }
0x37: {  	[smem:$0x3FAB] =	sst s10  }
0x38: {  	s10 =	sld [smem:$0x3FAC]  }
0x39: {  	_ = 	snop;
	(pc) =	sbr.ind lr, $3  }
0x3a: {  	_ = 	snop  }
0x3b: {  	_ = 	snop  }
0x3c: {  	p2 =	seq.s32 s10, $0x1;
	s10 =	sld [smem:$0x3FAB]  }
0x3d: {  	_ =	shalt  }
0x3e: {  	_ =	shalt  }
0x3f: {  	_ =	shalt  }
0x40: {  	_ =	shalt  }
0x41: {  	_ =	shalt  }
0x42: {  	_ =	shalt  }
0x43: {  	_ =	shalt  }
0x44: {  	_ =	shalt  }
0x45: {  	_ =	shalt  }
0x46: {  	_ =	shalt  }
0x47: {  	_ =	shalt  }
0x48: {  	_ =	shalt  }
0x49: {  	_ =	shalt  }
0x4a: {  	_ =	shalt  }
0x4b: {  	_ =	shalt  }
0x4c: {  	_ =	shalt  }
0x4d: {  	_ =	shalt  }
0x4e: {  	_ =	shalt  }
0x4f: {  	_ =	shalt  }
0x50: {  	_ =	shalt  }
0x51: {  	_ =	shalt  }
0x52: {  	_ =	shalt  }
0x53: {  	_ =	shalt  }
0x54: {  	_ =	shalt  }
0x55: {  	_ =	shalt  }
0x56: {  	_ =	shalt  }
0x57: {  	_ =	shalt  }
0x58: {  	_ =	shalt  }
0x59: {  	_ =	shalt  }
0x5a: {  	_ =	shalt  }
0x5b: {  	_ =	shalt  }
0x5c: {  	_ =	shalt  }
0x5d: {  	_ =	shalt  }
0x5e: {  	_ =	shalt  }
0x5f: {  	_ =	shalt  }
0x60: {  	_ =	shalt  }
0x61: {  	_ =	shalt  }
0x62: {  	_ =	shalt  }
0x63: {  	_ =	shalt  }
0x64: {  	_ =	shalt  }
0x65: {  	_ =	shalt  }
0x66: {  	_ =	shalt  }
0x67: {  	_ =	shalt  }
0x68: {  	_ =	shalt  }
0x69: {  	_ =	shalt  }
0x6a: {  	_ =	shalt  }
0x6b: {  	_ =	shalt  }
0x6c: {  	_ =	shalt  }
0x6d: {  	_ =	shalt  }
0x6e: {  	_ =	shalt  }
0x6f: {  	_ =	shalt  }
0x70: {  	_ =	shalt  }
0x71: {  	_ =	shalt  }
0x72: {  	_ =	shalt  }
0x73: {  	_ =	shalt  }
0x74: {  	_ =	shalt  }
0x75: {  	_ =	shalt  }
0x76: {  	_ =	shalt  }
0x77: {  	_ =	shalt  }
0x78: {  	_ =	shalt  }
0x79: {  	_ =	shalt  }
0x7a: {  	_ =	shalt  }
0x7b: {  	_ =	shalt  }
0x7c: {  	_ =	shalt  }
0x7d: {  	_ =	shalt  }
0x7e: {  	_ =	shalt  }
0x7f: {  	_ =	shalt  }
0x80: {  	_ =	shalt  }
0x81: {  	_ =	shalt  }
0x82: {  	_ =	shalt  }
0x83: {  	_ =	shalt  }
0x84: {  	_ =	shalt  }
0x85: {  	_ =	shalt  }
0x86: {  	_ =	shalt  }
0x87: {  	_ =	shalt  }
.Lfunc_end0:
.L_simem_size_0:
called_computation.2_lowered:
.L_overlay_start_0:
0x88: {  	s2 =	sld [smem:$0x3FD9]  }
0x89: {  	s3 =	sld [smem:$0x3FFE];
	_ =	sdelay $0x1  }
0x8a: {  	s1 =	srdreg.scid  }
0x8b: {  	s0 =	sand.u32 $0x1, s1  }
0x8c: {  	s14 =	sshll.u32 s0, $0xA;
	s2 =	sadd.s32 s3, s2  }
0x8d: {  	s2 =	sadd.s32 s2, s14  }
0x8e: {  	[smem:$0x3FB7] =	sst s2  }
0x8f: {  	_ = 	snop  }
0x90: {  	s2 =	sld [smem:$0x3FD0];
	_ =	sdelay $0x2  }
0x91: {  	s15 =	simm.s32 $0xA;
	s4 =	simm.s32 $0x10  }
0x92: {  	[smem:s4], [sflag:s15] =	dma.local [hbm:s2], $0x1  }
0x93: {  	_ =	swait.eq [sflag:s15], $0x1  }
0x94: {  	[sflag:s15] =	ssyncset.done $0x0  }
0x95: {  	[sflag:s15] =	ssyncadd.s32 $0xFFFFFFFF  }
0x96: {  	s16 =	sld [smem:$0x11];
	(tm) =	ssettm $0x1  }
0x97: {  	s17 =	sld [smem:$0x3FFB];
	_ =	sdelay $0x3  }
0x98: {  	_ =	strace s17  }
0x99: {  	s3 =	sld [smem:$0x3FFC];
	_ =	sdelay $0x3  }
0x9a: {  	_ =	strace s3  }
0x9b: {  	s3 =	sld [smem:$0x3FFD];
	_ =	sdelay $0x3  }
0x9c: {  	_ =	strace s3  }
0x9d: {  	_ =	strace $0x8FFFFFFF  }
0x9e: {  	s18 =	sld [smem:$0x3FDB];
	_ =	sdelay $0x1  }
0x9f: {  	s19 =	simm.s32 $_scs_section_size  }
0xa0: {  	s5 =	simm.s32 $_size__tile_overlayer_lowered;
	s6 =	simm.s32 $_tile_overlayer_lowered  }
0xa1: {  	s22 =	simm.s32 $0x1BFF;
	s21 =	sshll.u32 s6, $0x1;
	s3 =	sadd.s32 s19, s18  }
0xa2: {  	s7 =	simm.s32 $0x0;
	s20 =	sshll.u32 s5, $0x1;
	s5 =	sadd.s32 s21, s3  }
0xa3: {  	[timem:s7], [sflag:s22] =	dma.local [hbm:s5], s20  }
0xa4: {  	_ =	swait.ge [sflag:s22], s20  }
0xa5: {  	s4 =	ssub.s32 $0x0, s20;
	[sflag:s22] =	ssyncset.done $0x0  }
0xa6: {  	[sflag:s22] =	ssyncadd.s32 s4;
	_ =	sdelay $0x1  }
0xa7: {  	s23 =	simm.s32 $0x1B8B  }
0xa8: {  	_ =	swait.ge [sflag:s23], $0x1  }
0xa9: {  	[sflag:s23] =	ssyncset.done $0x0  }
0xaa: {  	s25 =	simm.s32 $0x1B8E;
	s24 =	sld [smem:$0x3FFE];
	[sflag:s23] =	ssyncadd.s32 $0xFFFFFFFF  }
0xab: {  	s26 =	simm.s32 $execute0_lowered;
	[smem:$0x3FD2] =	sst s25  }
0xac: {  	s5 =	sshll.u32 s26, $0x1;
	_ =	strace $0x8000004C;
	[dreg:$0x1] =	wrdreg $0xFFFFFFFF  }
0xad: {  	s28 =	simm.s32 $_size_execute0_lowered;
	s3 =	sadd.s32 s3, s5;
	[dreg:$0x0] =	wrdreg $0x0  }
0xae: {  	s5 =	sshll.u32 s28, $0x1;
	[dreg:$0x2] =	wrdreg s3  }
0xaf: {  	[dreg:$0x3] =	wrdreg s5  }
0xb0: {  	[dreg:$0x4] =	wrdreg $0xC0  }
0xb1: {  	_ =	task [dreg:s7], $0x5FFFF  }
0xb2: {  	[dreg:$0x1] =	wrdreg $0xFFFFFFFF  }
0xb3: {  	[dreg:$0x0] =	wrdreg $0x60  }
0xb4: {  	[dreg:$0x2] =	wrdreg s24  }
0xb5: {  	[dreg:$0x3] =	wrdreg s16  }
0xb6: {  	[dreg:$0x4] =	wrdreg $0x80200  }
0xb7: {  	[dreg:$0x5] =	wrdreg $0xD0200  }
0xb8: {  	[dreg:$0x6] =	wrdreg $0x9  }
0xb9: {  	_ =	task.clear_ibuf [dreg:s7], $0x7FFFF;
	_ =	strace $0x9000004C  }
0xba: {  	s29 =	simm.s32 $0x9;
	_ =	strace $0x8000004E  }
0xbb: {  	_ =	swait.ge [sflag:s29], $0x1  }
0xbc: {  	[sflag:s29] =	ssyncadd.s32 $0xFFFFFFFF  }
0xbd: {  	_ =	strace $0x9000004E  }
0xbe: {  	_ =	sfence  }
0xbf: {  	s30 =	sld [smem:$0x0];
	_ =	sdelay $0x2  }
0xc0: {  	s31 =	sshll.u32 s1, $0xD;
	s1 =	sshrl.u32 s1, $0x2  }
0xc1: {  	s3 =	sand.u32 $0x4000, s31;
	s1 =	sadd.s32 s1, s30  }
0xc2: {  	s0 =	sor.u32 s3, s0;
	s1 =	sshll.u32 s1, $0x11  }
0xc3: {  	s0 =	sor.u32 s1, s0  }
0xc4: {  	s0 =	sadd.s32 $0x8F2B, s0  }
0xc5: {  	[sflag:s0] =	ssyncadd.remote.s32 $0x1  }
0xc6: {  	_ =	sfence.sel $0xFFFF  }
0xc7: {  	[dreg:$0x0] =	wrdreg $0xFFFFFFFF;
	(pc) =	sbr.abs _section_cstart, $3  }
0xc8: {  	[dreg:$0x1] =	wrdreg $0xFFFFFFFF  }
0xc9: {  	_ =	task.clear_ibuf [dreg:s7], $0x2FFFF;
	_ =	strace $0x9FFFFFFF  }
0xca: {  	(tm) =	ssettm $0x7FFFFFFF  }
0xcb: {  	_ =	shalt  }
tec
execute0_lowered:
.L_overlay_start_1:
0x0: {  	(tag) =	ssettag $0x1  }
0x1: {  	s0 =	rddreg [dreg:$0x0]  }
0x2: {  	s1 =	rddreg [dreg:$0x1]  }
0x3: {  	s3 =	srdreg.scid;
	s11 =	stileid.u32  }
0x4: {  	s2 =	rddreg [dreg:$0x2];
	s16 =	simm.s32 $0x50;
	s17 =	simm.s32 $0x4E20  }
0x5: {  	s18 =	simm.s32 $0x5820;
	s20 =	simm.s32 $0x6220;
	s22 =	simm.s32 $0x6C20  }
0x6: {  	s28 =	simm.s32 $0x3;
	s29 =	simm.s32 $0x4;
	s30 =	simm.s32 $0x5  }
0x7: {  	s31 =	simm.s32 $0x6;
	s19 =	simm.s32 $0xA;
	s5 =	sand.u32 $0x1, s3  }
0x8: {  	s4 =	sshll.u32 s11, $0x1;
	s3 =	rddreg [dreg:$0x3];
	s8 =	smul.u32 $0x5000, s11  }
0x9: {  	s26 =	sshll.u32 s11, $0x6;
	s11 =	simm.s32 $0xB;
	s6 =	sor.u32 s5, s4  }
0xa: {  	s4 =	simm.s32 $0x0;
	s9 =	ssub.s32 $0x2, s5;
	s5 =	smul.u32 $0x50000, s5  }
0xb: {  	s13 =	sor.u32 $0x1C0B, s26;
	s26 =	simm.s32 $0x2;
	s6 =	smul.u32 $0x4E2, s6  }
0xc: {  	[smem:$0x7FF] =	sst s4;
	s7 =	sshrl.u32 s8, $0x3;
	s23 =	sshrl.u32 s9, $0x1  }
0xd: {  	s12 =	sadd.s32 s8, s2;
	s15 =	sadd.s32 s8, s3;
	_ =	strace $0x8000004D  }
0xe: {  	s10 =	ssub.s32 s9, s23;
	s5 =	sadd.s32 s8, s5;
	s14 =	sshrl.u32 s12, $0x3  }
0xf: {  	s15 =	sshrl.u32 s15, $0x3;
	s12 =	simm.s32 $0x9;
	s23 =	simm.s32 $0x0  }
0x10: {  	s6 =	sadd.s32 s6, s0;
	s0 =	sadd.s32 s7, s0;
	s25 =	sshrl.u32 s5, $0x3  }
0x11: {  	s10 =	smax.u32 s10, $0x1;
	s24 =	sadd.s32 $0x5C00, s6;
	s6 =	sadd.s32 $0xFA00, s6  }
0x12: {  	s7 =	sadd.s32 $0x19800, s0;
	s8 =	sadd.s32 $0x23800, s0;
	s9 =	sadd.s32 s1, s25  }
0x13: {  	s25 =	simm.s32 $0x1;
	s1 =	simm.s32 $0x7;
	[dreg:$0x5] =	wrdreg s24  }
0x14: {  	s0 =	simm.s32 $0x8;
	[dreg:$0x6] =	wrdreg s6;
	s24 =	simm.s32 $0x7620  }
.LBB2_1:
0x15: {  	s5 =	rddreg [dreg:$0x5]  }
0x16: {  	[tilespmem:s4], [sflag:$0xB] =	stream.linear.gather [hbm4b:s5+s4], $0x2710, $0x38;
	[tilespmem:$0x12020] =	vst v63  }
0x17: {  	_ =	swait.ge [sflag:s11], $0x2710  }
0x18: {  	[sflag:s11] =	ssyncset.done $0x0  }
0x19: {  	s6 =	simm.s32 $0x2710;
	s21 =	rddreg [dreg:$0x6];
	[sflag:s11] =	ssyncadd.s32 $0xFFFFD8F0  }
0x1a: {  	[tilespmem:s6], [sflag:$0xB] =	stream.linear.gather [hbm4b:s21+s4], $0x2710, $0x38;
	[tilespmem:$0x12020] =	vst v63  }
0x1b: {  	_ =	swait.ge [sflag:s11], $0x2710  }
0x1c: {  	[sflag:s11] =	ssyncset.done $0x0  }
0x1d: {  	[sflag:s11] =	ssyncadd.s32 $0xFFFFD8F0  }
0x1e: {  	[spmem:s14], [sflag:s13] =	dma.local [hbm:s7], $0xA00  }
0x1f: {  	_ =	swait.ge [sflag:s11], $0xA00  }
0x20: {  	[sflag:s11] =	ssyncset.done $0x0  }
0x21: {  	[sflag:s11] =	ssyncadd.s32 $0xFFFFF600  }
0x22: {  	[spmem:s15], [sflag:s13] =	dma.local [hbm:s8], $0xA00  }
0x23: {  	_ =	swait.ge [sflag:s11], $0xA00  }
0x24: {  	[sflag:s11] =	ssyncset.done $0x0  }
0x25: {  	[sflag:s11] =	ssyncadd.s32 $0xFFFFF600  }
0x26: {  	[bflag:$0x0] =	sbarrier.arrive $0xFFFF  }
0x27: {  	[tilespmem:s17], [sflag:$0x1] =	stream.indirect.gather [spmem:s2], $0x20, s4, s16, $0xb8;
	[tilespmem:$0x12020] =	vst v63  }
0x28: {  	_ = 	snop  }
0x29: {  	[tilespmem:s18], [sflag:$0x2] =	stream.indirect.gather [spmem:s2], $0x20, s16, s16, $0xb8;
	[tilespmem:$0x12020] =	vst v63  }
0x2a: {  	s6 =	simm.s32 $0xA0  }
0x2b: {  	[tilespmem:s20], [sflag:$0x3] =	stream.indirect.gather [spmem:s2], $0x20, s6, s16, $0xb8;
	[tilespmem:$0x12020] =	vst v63  }
0x2c: {  	s21 =	simm.s32 $0xF0  }
0x2d: {  	[tilespmem:s22], [sflag:$0x4] =	stream.indirect.gather [spmem:s2], $0x20, s21, s16, $0xb8;
	[tilespmem:$0x12020] =	vst v63  }
0x2e: {  	s6 =	simm.s32 $0x140  }
0x2f: {  	[tilespmem:s24], [sflag:$0x5] =	stream.indirect.gather [spmem:s2], $0x20, s6, s16, $0xb8;
	[tilespmem:$0x12020] =	vst v63  }
0x30: {  	_ =	swait.ge [sflag:s25], $0xA00  }
0x31: {  	[sflag:s25] =	ssyncset.done $0x0  }
0x32: {  	s21 =	simm.s32 $0x2710;
	[sflag:s25] =	ssyncadd.s32 $0xFFFFF600  }
0x33: {  	[spmem:s3] =	stream.indirect.scatter.add.f32 [tilespmem:s17], [sflag:$0x6], $0x20, s21, s16, $0xb8;
	[tilespmem:$0x12020] =	vst v63  }
0x34: {  	_ =	swait.ge [sflag:s26], $0xA00  }
0x35: {  	[sflag:s26] =	ssyncset.done $0x0  }
0x36: {  	s6 =	simm.s32 $0x2760;
	[sflag:s26] =	ssyncadd.s32 $0xFFFFF600  }
0x37: {  	[spmem:s3] =	stream.indirect.scatter.add.f32 [tilespmem:s18], [sflag:$0x7], $0x20, s6, s16, $0xb8;
	[tilespmem:$0x12020] =	vst v63  }
0x38: {  	_ =	swait.ge [sflag:s28], $0xA00  }
0x39: {  	[sflag:s28] =	ssyncset.done $0x0  }
0x3a: {  	s21 =	simm.s32 $0x27B0;
	[sflag:s28] =	ssyncadd.s32 $0xFFFFF600  }
0x3b: {  	[spmem:s3] =	stream.indirect.scatter.add.f32 [tilespmem:s20], [sflag:$0x8], $0x20, s21, s16, $0xb8;
	[tilespmem:$0x12020] =	vst v63  }
0x3c: {  	_ =	swait.ge [sflag:s29], $0xA00  }
0x3d: {  	[sflag:s29] =	ssyncset.done $0x0  }
0x3e: {  	s6 =	simm.s32 $0x2800;
	[sflag:s29] =	ssyncadd.s32 $0xFFFFF600  }
0x3f: {  	[spmem:s3] =	stream.indirect.scatter.add.f32 [tilespmem:s22], [sflag:$0x9], $0x20, s6, s16, $0xb8;
	[tilespmem:$0x12020] =	vst v63  }
0x40: {  	_ =	swait.ge [sflag:s30], $0xA00  }
0x41: {  	[sflag:s30] =	ssyncset.done $0x0  }
0x42: {  	s21 =	simm.s32 $0x2850;
	[sflag:s30] =	ssyncadd.s32 $0xFFFFF600  }
0x43: {  	[spmem:s3] =	stream.indirect.scatter.add.f32 [tilespmem:s24], [sflag:$0xA], $0x20, s21, s16, $0xb8;
	[tilespmem:$0x12020] =	vst v63  }
0x44: {  	_ =	swait.ge [sflag:s31], $0xA00  }
0x45: {  	[sflag:s31] =	ssyncset.done $0x0  }
0x46: {  	s6 =	simm.s32 $0x190;
	[sflag:s31] =	ssyncadd.s32 $0xFFFFF600  }
0x47: {  	[tilespmem:s17], [sflag:$0x1] =	stream.indirect.gather [spmem:s2], $0x20, s6, s16, $0xb8;
	[tilespmem:$0x12020] =	vst v63  }
0x48: {  	_ =	swait.ge [sflag:s1], $0xA00  }
0x49: {  	[sflag:s1] =	ssyncset.done $0x0  }
0x4a: {  	s21 =	simm.s32 $0x1E0;
	[sflag:s1] =	ssyncadd.s32 $0xFFFFF600  }
0x4b: {  	[tilespmem:s18], [sflag:$0x2] =	stream.indirect.gather [spmem:s2], $0x20, s21, s16, $0xb8;
	[tilespmem:$0x12020] =	vst v63  }
0x4c: {  	_ =	swait.ge [sflag:s0], $0xA00  }
0x4d: {  	[sflag:s0] =	ssyncset.done $0x0  }
0x4e: {  	s6 =	simm.s32 $0x230;
	[sflag:s0] =	ssyncadd.s32 $0xFFFFF600  }
0x4f: {  	[tilespmem:s20], [sflag:$0x3] =	stream.indirect.gather [spmem:s2], $0x20, s6, s16, $0xb8;
	[tilespmem:$0x12020] =	vst v63  }
0x50: {  	_ =	swait.ge [sflag:s12], $0xA00  }
0x51: {  	[sflag:s12] =	ssyncset.done $0x0  }
0x52: {  	s21 =	simm.s32 $0x280;
	[sflag:s12] =	ssyncadd.s32 $0xFFFFF600  }
0x53: {  	[tilespmem:s22], [sflag:$0x4] =	stream.indirect.gather [spmem:s2], $0x20, s21, s16, $0xb8;
	[tilespmem:$0x12020] =	vst v63  }
0x54: {  	_ =	swait.ge [sflag:s19], $0xA00  }
0x55: {  	[sflag:s19] =	ssyncset.done $0x0  }
0x56: {  	s5 =	simm.s32 $0x2D0;
	s21 =	simm.s32 $0x640;
	[sflag:s19] =	ssyncadd.s32 $0xFFFFF600  }
.LBB2_2:
0x57: {  	[tilespmem:s24], [sflag:$0x5] =	stream.indirect.gather [spmem:s2], $0x20, s5, s16, $0xb8;
	[tilespmem:$0x12020] =	vst v63  }
0x58: {  	s5 =	smov.u32 s21  }
0x59: {  	p0 =	sne.s32 s21, $0x8FC0;
	s21 =	sadd.s32 $0x640, s21;
	_ =	swait.ge [sflag:s25], $0xA00  }
0x5a: {  	s5 =	sshra.s32 s5, $0x2;
	[sflag:s25] =	ssyncset.done $0x0  }
0x5b: {  	s6 =	sadd.s32 $0x2710, s5;
	[sflag:s25] =	ssyncadd.s32 $0xFFFFF600  }
0x5c: {  	[spmem:s3] =	stream.indirect.scatter.add.f32 [tilespmem:s17], [sflag:$0x6], $0x20, s6, s16, $0xb8;
	[tilespmem:$0x12020] =	vst v63  }
0x5d: {  	_ =	swait.ge [sflag:s26], $0xA00  }
0x5e: {  	[sflag:s26] =	ssyncset.done $0x0  }
0x5f: {  	s6 =	sadd.s32 $0x2760, s5;
	[sflag:s26] =	ssyncadd.s32 $0xFFFFF600  }
0x60: {  	[spmem:s3] =	stream.indirect.scatter.add.f32 [tilespmem:s18], [sflag:$0x7], $0x20, s6, s16, $0xb8;
	[tilespmem:$0x12020] =	vst v63  }
0x61: {  	_ =	swait.ge [sflag:s28], $0xA00  }
0x62: {  	[sflag:s28] =	ssyncset.done $0x0  }
0x63: {  	s6 =	sadd.s32 $0x27B0, s5;
	[sflag:s28] =	ssyncadd.s32 $0xFFFFF600  }
0x64: {  	[spmem:s3] =	stream.indirect.scatter.add.f32 [tilespmem:s20], [sflag:$0x8], $0x20, s6, s16, $0xb8;
	[tilespmem:$0x12020] =	vst v63  }
0x65: {  	_ =	swait.ge [sflag:s29], $0xA00  }
0x66: {  	[sflag:s29] =	ssyncset.done $0x0  }
0x67: {  	s6 =	sadd.s32 $0x2800, s5;
	[sflag:s29] =	ssyncadd.s32 $0xFFFFF600  }
0x68: {  	[spmem:s3] =	stream.indirect.scatter.add.f32 [tilespmem:s22], [sflag:$0x9], $0x20, s6, s16, $0xb8;
	[tilespmem:$0x12020] =	vst v63  }
0x69: {  	_ =	swait.ge [sflag:s30], $0xA00  }
0x6a: {  	[sflag:s30] =	ssyncset.done $0x0  }
0x6b: {  	s6 =	sadd.s32 $0x2850, s5;
	[sflag:s30] =	ssyncadd.s32 $0xFFFFF600  }
0x6c: {  	[spmem:s3] =	stream.indirect.scatter.add.f32 [tilespmem:s24], [sflag:$0xA], $0x20, s6, s16, $0xb8;
	[tilespmem:$0x12020] =	vst v63  }
0x6d: {  	_ =	swait.ge [sflag:s31], $0xA00  }
0x6e: {  	[sflag:s31] =	ssyncset.done $0x0  }
0x6f: {  	s6 =	sadd.s32 $0x190, s5;
	[sflag:s31] =	ssyncadd.s32 $0xFFFFF600  }
0x70: {  	[tilespmem:s17], [sflag:$0x1] =	stream.indirect.gather [spmem:s2], $0x20, s6, s16, $0xb8;
	[tilespmem:$0x12020] =	vst v63  }
0x71: {  	_ =	swait.ge [sflag:s1], $0xA00  }
0x72: {  	[sflag:s1] =	ssyncset.done $0x0  }
0x73: {  	s6 =	sadd.s32 $0x1E0, s5;
	[sflag:s1] =	ssyncadd.s32 $0xFFFFF600  }
0x74: {  	[tilespmem:s18], [sflag:$0x2] =	stream.indirect.gather [spmem:s2], $0x20, s6, s16, $0xb8;
	[tilespmem:$0x12020] =	vst v63  }
0x75: {  	_ =	swait.ge [sflag:s0], $0xA00  }
0x76: {  	[sflag:s0] =	ssyncset.done $0x0  }
0x77: {  	s6 =	sadd.s32 $0x230, s5;
	[sflag:s0] =	ssyncadd.s32 $0xFFFFF600  }
0x78: {  	[tilespmem:s20], [sflag:$0x3] =	stream.indirect.gather [spmem:s2], $0x20, s6, s16, $0xb8;
	[tilespmem:$0x12020] =	vst v63  }
0x79: {  	_ =	swait.ge [sflag:s12], $0xA00  }
0x7a: {  	[sflag:s12] =	ssyncset.done $0x0  }
.Ltmp0:
0x7b: {  	s6 =	sadd.s32 $0x280, s5;
	[sflag:s12] =	ssyncadd.s32 $0xFFFFF600;
	(pc) =	sbr.rel @p0 .LBB2_2-.Ltmp0, $4  }
0x7c: {  	[tilespmem:s22], [sflag:$0x4] =	stream.indirect.gather [spmem:s2], $0x20, s6, s16, $0xb8;
	[tilespmem:$0x12020] =	vst v63  }
0x7d: {  	_ =	swait.ge [sflag:s19], $0xA00  }
0x7e: {  	[sflag:s19] =	ssyncset.done $0x0  }
0x7f: {  	s5 =	sadd.s32 $0x2D0, s5;
	[sflag:s19] =	ssyncadd.s32 $0xFFFFF600  }
0x80: {  	[tilespmem:s24], [sflag:$0x5] =	stream.indirect.gather [spmem:s2], $0x20, s5, s16, $0xb8;
	[tilespmem:$0x12020] =	vst v63  }
0x81: {  	_ =	swait.ge [sflag:s25], $0xA00  }
0x82: {  	[sflag:s25] =	ssyncset.done $0x0  }
0x83: {  	s21 =	simm.s32 $0x4C90;
	[sflag:s25] =	ssyncadd.s32 $0xFFFFF600  }
0x84: {  	[spmem:s3] =	stream.indirect.scatter.add.f32 [tilespmem:s17], [sflag:$0x6], $0x20, s21, s16, $0xb8;
	[tilespmem:$0x12020] =	vst v63  }
0x85: {  	_ =	swait.ge [sflag:s26], $0xA00  }
0x86: {  	[sflag:s26] =	ssyncset.done $0x0  }
0x87: {  	s6 =	simm.s32 $0x4CE0;
	[sflag:s26] =	ssyncadd.s32 $0xFFFFF600  }
0x88: {  	[spmem:s3] =	stream.indirect.scatter.add.f32 [tilespmem:s18], [sflag:$0x7], $0x20, s6, s16, $0xb8;
	[tilespmem:$0x12020] =	vst v63  }
0x89: {  	_ =	swait.ge [sflag:s28], $0xA00  }
0x8a: {  	[sflag:s28] =	ssyncset.done $0x0  }
0x8b: {  	s21 =	simm.s32 $0x4D30;
	[sflag:s28] =	ssyncadd.s32 $0xFFFFF600  }
0x8c: {  	[spmem:s3] =	stream.indirect.scatter.add.f32 [tilespmem:s20], [sflag:$0x8], $0x20, s21, s16, $0xb8;
	[tilespmem:$0x12020] =	vst v63  }
0x8d: {  	_ =	swait.ge [sflag:s29], $0xA00  }
0x8e: {  	[sflag:s29] =	ssyncset.done $0x0  }
0x8f: {  	s6 =	simm.s32 $0x4D80;
	[sflag:s29] =	ssyncadd.s32 $0xFFFFF600  }
0x90: {  	[spmem:s3] =	stream.indirect.scatter.add.f32 [tilespmem:s22], [sflag:$0x9], $0x20, s6, s16, $0xb8;
	[tilespmem:$0x12020] =	vst v63  }
0x91: {  	_ =	swait.ge [sflag:s30], $0xA00  }
0x92: {  	[sflag:s30] =	ssyncset.done $0x0  }
0x93: {  	s21 =	simm.s32 $0x4DD0;
	[sflag:s30] =	ssyncadd.s32 $0xFFFFF600  }
0x94: {  	[spmem:s3] =	stream.indirect.scatter.add.f32 [tilespmem:s24], [sflag:$0xA], $0x20, s21, s16, $0xb8;
	[tilespmem:$0x12020] =	vst v63  }
0x95: {  	_ =	swait.ge [sflag:s31], $0xA00  }
0x96: {  	[sflag:s31] =	ssyncset.done $0x0  }
0x97: {  	[sflag:s31] =	ssyncadd.s32 $0xFFFFF600  }
0x98: {  	_ =	swait.ge [sflag:s1], $0xA00  }
0x99: {  	[sflag:s1] =	ssyncset.done $0x0  }
0x9a: {  	[sflag:s1] =	ssyncadd.s32 $0xFFFFF600  }
0x9b: {  	_ =	swait.ge [sflag:s0], $0xA00  }
0x9c: {  	[sflag:s0] =	ssyncset.done $0x0  }
0x9d: {  	[sflag:s0] =	ssyncadd.s32 $0xFFFFF600  }
0x9e: {  	_ =	swait.ge [sflag:s12], $0xA00  }
0x9f: {  	[sflag:s12] =	ssyncset.done $0x0  }
0xa0: {  	[sflag:s12] =	ssyncadd.s32 $0xFFFFF600  }
0xa1: {  	_ =	swait.ge [sflag:s19], $0xA00  }
0xa2: {  	s23 =	sadd.s32 $0x1, s23;
	[sflag:s19] =	ssyncset.done $0x0  }
0xa3: {  	p0 =	sne.s32 s23, s10;
	[sflag:s19] =	ssyncadd.s32 $0xFFFFF600  }
.Ltmp1:
0xa4: {  	[bflag:$0x0] =	sbarrier.arrive $0xFFFF;
	(pc) =	sbr.rel @p0 .LBB2_1-.Ltmp1, $4  }
0xa5: {  	[hbm:s9], [sflag:s13] =	dma.local [spmem:s15], $0xA00  }
0xa6: {  	_ =	swait.ge [sflag:s11], $0xA00  }
0xa7: {  	[sflag:s11] =	ssyncset.done $0x0  }
0xa8: {  	[sflag:s11] =	ssyncadd.s32 $0xFFFFF600  }
0xa9: {  	_ =	sfence.sel $0x180000  }
0xaa: {  	[bflag:$0x0] =	sbarrier.arrive $0xFFFF  }
0xab: {  	_ =	strace $0x9000004D  }
0xac: {  	s0 =	stileid.u32;
	[bflag:$0x2] =	sbarrier.arrive $0xFFFF  }
0xad: {  	p0 =	sne.s32 s0, $0x0;
	s0 =	rddreg [dreg:$0x4]  }
0xae: {  	s0 =	sadd.s32 @!p0 $0x100000, s0  }
0xaf: {  	[sflag:s0] =	ssyncadd.tile.s32 @!p0 $0x1;
	_ =	shalt  }
.Lfunc_end2:
_tile_overlayer_lowered:
.L_overlay_start_2:
0xb0: {  	(tag) =	ssettag $0x2  }
0xb1: {  	s0 =	rddreg [dreg:$0x0];
	s2 =	stileid.u32  }
0xb2: {  	s1 =	rddreg [dreg:$0x1];
	p0 =	sne.s32 s2, $0x0  }
0xb3: {  	s3 =	rddreg [dreg:$0x2];
	[bflag:$0x3] =	sbarrier.arrive $0xFFFF;
	s2 =	simm.s32 @!p0 $0x1C0B  }
0xb4: {  	[timem:s3], [sflag:s2] =	dma.local @!p0 [hbm:s0], s1  }
0xb5: {  	s0 =	simm.s32 @!p0 $0xB  }
0xb6: {  	_ =	swait.ge @!p0 [sflag:s0], s1  }
0xb7: {  	s1 =	ssub.s32 @!p0 $0x0, s1;
	[sflag:s0] =	ssyncset.done @!p0 $0x0  }
0xb8: {  	[sflag:s0] =	ssyncadd.s32 @!p0 s1  }
0xb9: {  	[bflag:$0x3] =	sbarrier.arrive $0xFFFF  }
0xba: {  	_ =	shalt  }

// kernel: kernel.23.cloned.1.call-start
scs
__scs_entry_jumppad:
0x0: {  	(pc) =	sbr.rel $0x88, $3  }
0x1: {  	(tag) =	ssettag $0x0;
	lr =	simm.s32 $0x1  }
0x2: {  	[smem:$0x3F90] =	sst lr;
	_ =	strace $0xD0000000  }
0x3: {  	_ = 	snop  }
0x4: {  	_ = 	snop  }
0x5: {  	_ = 	snop  }
0x6: {  	_ = 	snop  }
0x7: {  	_ = 	snop  }
__scs_overlays_trampoline_lowered:
0x8: {  	[smem:$0x3F9F] =	sst s0  }
0x9: {  	[smem:$0x3FA0] =	sst s1  }
0xa: {  	[smem:$0x3FA1] =	sst s2  }
0xb: {  	[smem:$0x3FA2] =	sst s3  }
0xc: {  	[smem:$0x3FA3] =	sst s4  }
0xd: {  	[smem:$0x3FA4] =	sst s5  }
0xe: {  	[smem:$0x3FA5] =	sst s6  }
0xf: {  	[smem:$0x3FA6] =	sst s7  }
0x10: {  	[smem:$0x3FA7] =	sst s8  }
0x11: {  	[smem:$0x3FA8] =	sst s9;
	s0 =	simm.s32 @!p0 $0x0  }
0x12: {  	s1 =	sld [smem:$0x3F8E];
	s0 =	simm.s32 @p0 $0x1  }
0x13: {  	[smem:$0x3FA9] =	sst s0;
	s0 =	simm.s32 @!p1 $0x0  }
0x14: {  	s2 =	sld [smem:$0x3F8D];
	s0 =	simm.s32 @p1 $0x1  }
0x15: {  	[smem:$0x3FAA] =	sst s0;
	s0 =	simm.s32 @!p2 $0x0  }
0x16: {  	s3 =	sld [smem:$0x3FDB];
	s0 =	simm.s32 @p2 $0x1  }
0x17: {  	s4 =	simm.s32 $0x1BF5;
	[smem:$0x3FAC] =	sst s0  }
0x18: {  	s0 =	sld [smem:$0x3F8F];
	_ =	swait.ge [sflag:s4], $0x0  }
0x19: {  	s7 =	sld [smem:$0x3F90]  }
0x1a: {  	s8 =	sadd.s32 $0xFFFFE003, lr  }
0x1b: {  	s9 =	sadd.s32 $0xFFFFFEF7, lr;
	s5 =	simm.s32 $0xFFFFFFFF;
	p2 =	slt.u32 s8, $0xFFFFF086  }
0x1c: {  	p1 =	slt.u32 s9, $0xF7A;
	s5 =	simm.s32 @!p2 $0x0  }
0x1d: {  	s5 =	simm.s32 @p1 $0x1;
	p0 =	seq.s32 s7, s2  }
0x1e: {  	s7 =	smul.u32 @!p0 $0xF7A, s2;
	p2 =	seq.s32 @!p0 s5, $0x0  }
0x1f: {  	s9 =	smul.u32 $0xF7A, s1;
	s8 =	simm.s32 @!p0 $0x1BF5;
	p2 =	por !p2, p0  }
0x20: {  	[sflag:s8] =	ssyncset.s32 @!p0 $0xFFFFF086;
	s6 =	sadd.s32 @!p0 s3, s7;
	s7 =	simm.s32 @!p0 $0x108  }
0x21: {  	s3 =	sadd.s32 s3, s9;
	s6 =	sadd.s32 @!p0 $0x88, s6;
	s7 =	simm.s32 @p2 $0x1082  }
0x22: {  	[simem:s7], [sflag:s8] =	dma.local @!p0 [hbm:s6], $0xF7A  }
0x23: {  	s9 =	sor.u32 $0xD0000000, s2;
	s6 =	simm.s32 $0x108;
	_ =	swait.ge @!p0 [sflag:s8], $0x0  }
0x24: {  	s3 =	sadd.s32 $0x88, s3;
	s6 =	simm.s32 @!p1 $0x1082;
	[sflag:s4] =	ssyncset.s32 $0xFFFFF086  }
0x25: {  	[simem:s6], [sflag:s4] =	dma.local [hbm:s3], $0xF7A  }
0x26: {  	[smem:$0x3F90] =	sst s1;
	(tag) =	ssettag s2;
	_ =	strace s9  }
0x27: {  	s1 =	sld [smem:$0x3FA0]  }
0x28: {  	s2 =	sld [smem:$0x3FA1]  }
0x29: {  	s4 =	sld [smem:$0x3FA3]  }
0x2a: {  	p0 =	seq.s32 s5, $0x0;
	s5 =	sld [smem:$0x3FA4]  }
0x2b: {  	s6 =	sld [smem:$0x3FA5]  }
0x2c: {  	s7 =	sld [smem:$0x3FA6]  }
0x2d: {  	s3 =	simm.s32 $0x108;
	s8 =	sld [smem:$0x3FA7]  }
0x2e: {  	s3 =	simm.s32 @!p0 $0x1082;
	s9 =	sld [smem:$0x3FA8]  }
0x2f: {  	lr =	sadd.s32 s0, s3;
	s0 =	sld [smem:$0x3F9F]  }
0x30: {  	s3 =	sld [smem:$0x3FA2]  }
0x31: {  	[smem:$0x3FAB] =	sst s10  }
0x32: {  	s10 =	sld [smem:$0x3FA9];
	_ =	sdelay $0x3  }
0x33: {  	p0 =	seq.s32 s10, $0x1;
	s10 =	sld [smem:$0x3FAB];
	_ =	sdelay $0x3  }
0x34: {  	[smem:$0x3FAB] =	sst s10  }
0x35: {  	s10 =	sld [smem:$0x3FAA];
	_ =	sdelay $0x3  }
0x36: {  	p1 =	seq.s32 s10, $0x1;
	s10 =	sld [smem:$0x3FAB];
	_ =	sdelay $0x3  }
0x37: {  	[smem:$0x3FAB] =	sst s10  }
0x38: {  	s10 =	sld [smem:$0x3FAC]  }
0x39: {  	_ = 	snop;
	(pc) =	sbr.ind lr, $3  }
0x3a: {  	_ = 	snop  }
0x3b: {  	_ = 	snop  }
0x3c: {  	p2 =	seq.s32 s10, $0x1;
	s10 =	sld [smem:$0x3FAB]  }
0x3d: {  	_ =	shalt  }
0x3e: {  	_ =	shalt  }
0x3f: {  	_ =	shalt  }
0x40: {  	_ =	shalt  }
0x41: {  	_ =	shalt  }
0x42: {  	_ =	shalt  }
0x43: {  	_ =	shalt  }
0x44: {  	_ =	shalt  }
0x45: {  	_ =	shalt  }
0x46: {  	_ =	shalt  }
0x47: {  	_ =	shalt  }
0x48: {  	_ =	shalt  }
0x49: {  	_ =	shalt  }
0x4a: {  	_ =	shalt  }
0x4b: {  	_ =	shalt  }
0x4c: {  	_ =	shalt  }
0x4d: {  	_ =	shalt  }
0x4e: {  	_ =	shalt  }
0x4f: {  	_ =	shalt  }
0x50: {  	_ =	shalt  }
0x51: {  	_ =	shalt  }
0x52: {  	_ =	shalt  }
0x53: {  	_ =	shalt  }
0x54: {  	_ =	shalt  }
0x55: {  	_ =	shalt  }
0x56: {  	_ =	shalt  }
0x57: {  	_ =	shalt  }
0x58: {  	_ =	shalt  }
0x59: {  	_ =	shalt  }
0x5a: {  	_ =	shalt  }
0x5b: {  	_ =	shalt  }
0x5c: {  	_ =	shalt  }
0x5d: {  	_ =	shalt  }
0x5e: {  	_ =	shalt  }
0x5f: {  	_ =	shalt  }
0x60: {  	_ =	shalt  }
0x61: {  	_ =	shalt  }
0x62: {  	_ =	shalt  }
0x63: {  	_ =	shalt  }
0x64: {  	_ =	shalt  }
0x65: {  	_ =	shalt  }
0x66: {  	_ =	shalt  }
0x67: {  	_ =	shalt  }
0x68: {  	_ =	shalt  }
0x69: {  	_ =	shalt  }
0x6a: {  	_ =	shalt  }
0x6b: {  	_ =	shalt  }
0x6c: {  	_ =	shalt  }
0x6d: {  	_ =	shalt  }
0x6e: {  	_ =	shalt  }
0x6f: {  	_ =	shalt  }
0x70: {  	_ =	shalt  }
0x71: {  	_ =	shalt  }
0x72: {  	_ =	shalt  }
0x73: {  	_ =	shalt  }
0x74: {  	_ =	shalt  }
0x75: {  	_ =	shalt  }
0x76: {  	_ =	shalt  }
0x77: {  	_ =	shalt  }
0x78: {  	_ =	shalt  }
0x79: {  	_ =	shalt  }
0x7a: {  	_ =	shalt  }
0x7b: {  	_ =	shalt  }
0x7c: {  	_ =	shalt  }
0x7d: {  	_ =	shalt  }
0x7e: {  	_ =	shalt  }
0x7f: {  	_ =	shalt  }
0x80: {  	_ =	shalt  }
0x81: {  	_ =	shalt  }
0x82: {  	_ =	shalt  }
0x83: {  	_ =	shalt  }
0x84: {  	_ =	shalt  }
0x85: {  	_ =	shalt  }
0x86: {  	_ =	shalt  }
0x87: {  	_ =	shalt  }
.Lfunc_end0:
.L_simem_size_0:
called_computation.3_lowered:
.L_overlay_start_0:
0x88: {  	s2 =	sld [smem:$0x3FD9]  }
0x89: {  	s3 =	sld [smem:$0x3FFE];
	_ =	sdelay $0x1  }
0x8a: {  	s1 =	srdreg.scid  }
0x8b: {  	s0 =	sand.u32 $0x1, s1  }
0x8c: {  	s14 =	sshll.u32 s0, $0xA;
	s2 =	sadd.s32 s3, s2  }
0x8d: {  	s2 =	sadd.s32 s2, s14  }
0x8e: {  	[smem:$0x3FB7] =	sst s2  }
0x8f: {  	_ = 	snop  }
0x90: {  	s2 =	sld [smem:$0x3FD0];
	_ =	sdelay $0x2  }
0x91: {  	s15 =	simm.s32 $0xA;
	s4 =	simm.s32 $0x10  }
0x92: {  	[smem:s4], [sflag:s15] =	dma.local [hbm:s2], $0x1  }
0x93: {  	_ =	swait.eq [sflag:s15], $0x1  }
0x94: {  	[sflag:s15] =	ssyncset.done $0x0  }
0x95: {  	[sflag:s15] =	ssyncadd.s32 $0xFFFFFFFF  }
0x96: {  	s16 =	sld [smem:$0x11];
	(tm) =	ssettm $0x1  }
0x97: {  	s17 =	sld [smem:$0x3FFB];
	_ =	sdelay $0x3  }
0x98: {  	_ =	strace s17  }
0x99: {  	s3 =	sld [smem:$0x3FFC];
	_ =	sdelay $0x3  }
0x9a: {  	_ =	strace s3  }
0x9b: {  	s3 =	sld [smem:$0x3FFD];
	_ =	sdelay $0x3  }
0x9c: {  	_ =	strace s3  }
0x9d: {  	_ =	strace $0x8FFFFFFF  }
0x9e: {  	s18 =	sld [smem:$0x3FDB];
	_ =	sdelay $0x1  }
0x9f: {  	s19 =	simm.s32 $_scs_section_size  }
0xa0: {  	s5 =	simm.s32 $_size__tile_overlayer_lowered;
	s6 =	simm.s32 $_tile_overlayer_lowered  }
0xa1: {  	s22 =	simm.s32 $0x1BFF;
	s21 =	sshll.u32 s6, $0x1;
	s3 =	sadd.s32 s19, s18  }
0xa2: {  	s7 =	simm.s32 $0x0;
	s20 =	sshll.u32 s5, $0x1;
	s5 =	sadd.s32 s21, s3  }
0xa3: {  	[timem:s7], [sflag:s22] =	dma.local [hbm:s5], s20  }
0xa4: {  	_ =	swait.ge [sflag:s22], s20  }
0xa5: {  	s4 =	ssub.s32 $0x0, s20;
	[sflag:s22] =	ssyncset.done $0x0  }
0xa6: {  	[sflag:s22] =	ssyncadd.s32 s4;
	_ =	sdelay $0x1  }
0xa7: {  	s23 =	simm.s32 $0x1B8B  }
0xa8: {  	_ =	swait.ge [sflag:s23], $0x1  }
0xa9: {  	[sflag:s23] =	ssyncset.done $0x0  }
0xaa: {  	s25 =	simm.s32 $0x1B8E;
	s24 =	sld [smem:$0x3FFE];
	[sflag:s23] =	ssyncadd.s32 $0xFFFFFFFF  }
0xab: {  	s26 =	simm.s32 $execute0_lowered;
	[smem:$0x3FD2] =	sst s25  }
0xac: {  	s5 =	sshll.u32 s26, $0x1;
	_ =	strace $0x8000004F;
	[dreg:$0x1] =	wrdreg $0xFFFFFFFF  }
0xad: {  	s28 =	simm.s32 $_size_execute0_lowered;
	s3 =	sadd.s32 s3, s5;
	[dreg:$0x0] =	wrdreg $0x0  }
0xae: {  	s5 =	sshll.u32 s28, $0x1;
	[dreg:$0x2] =	wrdreg s3  }
0xaf: {  	[dreg:$0x3] =	wrdreg s5  }
0xb0: {  	[dreg:$0x4] =	wrdreg $0xC0  }
0xb1: {  	_ =	task [dreg:s7], $0x5FFFF  }
0xb2: {  	[dreg:$0x1] =	wrdreg $0xFFFFFFFF  }
0xb3: {  	[dreg:$0x0] =	wrdreg $0x60  }
0xb4: {  	[dreg:$0x2] =	wrdreg s24  }
0xb5: {  	[dreg:$0x3] =	wrdreg s16  }
0xb6: {  	[dreg:$0x4] =	wrdreg $0x80200  }
0xb7: {  	[dreg:$0x5] =	wrdreg $0xD0200  }
0xb8: {  	[dreg:$0x6] =	wrdreg $0x9  }
0xb9: {  	_ =	task.clear_ibuf [dreg:s7], $0x7FFFF;
	_ =	strace $0x9000004F  }
0xba: {  	s29 =	simm.s32 $0x9;
	_ =	strace $0x80000051  }
0xbb: {  	_ =	swait.ge [sflag:s29], $0x1  }
0xbc: {  	[sflag:s29] =	ssyncadd.s32 $0xFFFFFFFF  }
0xbd: {  	_ =	strace $0x90000051  }
0xbe: {  	_ =	sfence  }
0xbf: {  	s30 =	sld [smem:$0x0];
	_ =	sdelay $0x2  }
0xc0: {  	s31 =	sshll.u32 s1, $0xD;
	s1 =	sshrl.u32 s1, $0x2  }
0xc1: {  	s3 =	sand.u32 $0x4000, s31;
	s1 =	sadd.s32 s1, s30  }
0xc2: {  	s0 =	sor.u32 s3, s0;
	s1 =	sshll.u32 s1, $0x11  }
0xc3: {  	s0 =	sor.u32 s1, s0  }
0xc4: {  	s0 =	sadd.s32 $0x8F2B, s0  }
0xc5: {  	[sflag:s0] =	ssyncadd.remote.s32 $0x1  }
0xc6: {  	_ =	sfence.sel $0xFFFF  }
0xc7: {  	[dreg:$0x0] =	wrdreg $0xFFFFFFFF;
	(pc) =	sbr.abs _section_cstart, $3  }
0xc8: {  	[dreg:$0x1] =	wrdreg $0xFFFFFFFF  }
0xc9: {  	_ =	task.clear_ibuf [dreg:s7], $0x2FFFF;
	_ =	strace $0x9FFFFFFF  }
0xca: {  	(tm) =	ssettm $0x7FFFFFFF  }
0xcb: {  	_ =	shalt  }
tec
execute0_lowered:
.L_overlay_start_1:
0x0: {  	(tag) =	ssettag $0x1  }
0x1: {  	s0 =	rddreg [dreg:$0x0]  }
0x2: {  	s1 =	rddreg [dreg:$0x1]  }
0x3: {  	s3 =	srdreg.scid;
	s11 =	stileid.u32  }
0x4: {  	s2 =	rddreg [dreg:$0x2];
	s16 =	simm.s32 $0x50;
	s17 =	simm.s32 $0x4E20  }
0x5: {  	s18 =	simm.s32 $0x5820;
	s20 =	simm.s32 $0x6220;
	s22 =	simm.s32 $0x6C20  }
0x6: {  	s28 =	simm.s32 $0x3;
	s29 =	simm.s32 $0x4;
	s30 =	simm.s32 $0x5  }
0x7: {  	s31 =	simm.s32 $0x6;
	s19 =	simm.s32 $0xA;
	s5 =	sand.u32 $0x1, s3  }
0x8: {  	s4 =	sshll.u32 s11, $0x1;
	s3 =	rddreg [dreg:$0x3];
	s8 =	smul.u32 $0x5000, s11  }
0x9: {  	s26 =	sshll.u32 s11, $0x6;
	s11 =	simm.s32 $0xB;
	s6 =	sor.u32 s5, s4  }
0xa: {  	s4 =	simm.s32 $0x0;
	s9 =	ssub.s32 $0x2, s5;
	s5 =	smul.u32 $0x50000, s5  }
0xb: {  	s13 =	sor.u32 $0x1C0B, s26;
	s26 =	simm.s32 $0x2;
	s6 =	smul.u32 $0x4E2, s6  }
0xc: {  	[smem:$0x7FF] =	sst s4;
	s7 =	sshrl.u32 s8, $0x3;
	s23 =	sshrl.u32 s9, $0x1  }
0xd: {  	s12 =	sadd.s32 s8, s2;
	s15 =	sadd.s32 s8, s3;
	_ =	strace $0x80000050  }
0xe: {  	s10 =	ssub.s32 s9, s23;
	s5 =	sadd.s32 s8, s5;
	s14 =	sshrl.u32 s12, $0x3  }
0xf: {  	s15 =	sshrl.u32 s15, $0x3;
	s12 =	simm.s32 $0x9;
	s23 =	simm.s32 $0x0  }
0x10: {  	s6 =	sadd.s32 s6, s0;
	s0 =	sadd.s32 s7, s0;
	s25 =	sshrl.u32 s5, $0x3  }
0x11: {  	s10 =	smax.u32 s10, $0x1;
	s24 =	sadd.s32 $0x5C00, s6;
	s6 =	sadd.s32 $0xFA00, s6  }
0x12: {  	s7 =	sadd.s32 $0x19800, s0;
	s8 =	sadd.s32 $0x23800, s0;
	s9 =	sadd.s32 s1, s25  }
0x13: {  	s25 =	simm.s32 $0x1;
	s1 =	simm.s32 $0x7;
	[dreg:$0x5] =	wrdreg s24  }
0x14: {  	s0 =	simm.s32 $0x8;
	[dreg:$0x6] =	wrdreg s6;
	s24 =	simm.s32 $0x7620  }
.LBB2_1:
0x15: {  	s5 =	rddreg [dreg:$0x5]  }
0x16: {  	[tilespmem:s4], [sflag:$0xB] =	stream.linear.gather [hbm4b:s5+s4], $0x2710, $0x38;
	[tilespmem:$0x12020] =	vst v63  }
0x17: {  	_ =	swait.ge [sflag:s11], $0x2710  }
0x18: {  	[sflag:s11] =	ssyncset.done $0x0  }
0x19: {  	s6 =	simm.s32 $0x2710;
	s21 =	rddreg [dreg:$0x6];
	[sflag:s11] =	ssyncadd.s32 $0xFFFFD8F0  }
0x1a: {  	[tilespmem:s6], [sflag:$0xB] =	stream.linear.gather [hbm4b:s21+s4], $0x2710, $0x38;
	[tilespmem:$0x12020] =	vst v63  }
0x1b: {  	_ =	swait.ge [sflag:s11], $0x2710  }
0x1c: {  	[sflag:s11] =	ssyncset.done $0x0  }
0x1d: {  	[sflag:s11] =	ssyncadd.s32 $0xFFFFD8F0  }
0x1e: {  	[spmem:s14], [sflag:s13] =	dma.local [hbm:s7], $0xA00  }
0x1f: {  	_ =	swait.ge [sflag:s11], $0xA00  }
0x20: {  	[sflag:s11] =	ssyncset.done $0x0  }
0x21: {  	[sflag:s11] =	ssyncadd.s32 $0xFFFFF600  }
0x22: {  	[spmem:s15], [sflag:s13] =	dma.local [hbm:s8], $0xA00  }
0x23: {  	_ =	swait.ge [sflag:s11], $0xA00  }
0x24: {  	[sflag:s11] =	ssyncset.done $0x0  }
0x25: {  	[sflag:s11] =	ssyncadd.s32 $0xFFFFF600  }
0x26: {  	[bflag:$0x0] =	sbarrier.arrive $0xFFFF  }
0x27: {  	[tilespmem:s17], [sflag:$0x1] =	stream.indirect.gather [spmem:s2], $0x20, s4, s16, $0xb8;
	[tilespmem:$0x12020] =	vst v63  }
0x28: {  	_ = 	snop  }
0x29: {  	[tilespmem:s18], [sflag:$0x2] =	stream.indirect.gather [spmem:s2], $0x20, s16, s16, $0xb8;
	[tilespmem:$0x12020] =	vst v63  }
0x2a: {  	s6 =	simm.s32 $0xA0  }
0x2b: {  	[tilespmem:s20], [sflag:$0x3] =	stream.indirect.gather [spmem:s2], $0x20, s6, s16, $0xb8;
	[tilespmem:$0x12020] =	vst v63  }
0x2c: {  	s21 =	simm.s32 $0xF0  }
0x2d: {  	[tilespmem:s22], [sflag:$0x4] =	stream.indirect.gather [spmem:s2], $0x20, s21, s16, $0xb8;
	[tilespmem:$0x12020] =	vst v63  }
0x2e: {  	s6 =	simm.s32 $0x140  }
0x2f: {  	[tilespmem:s24], [sflag:$0x5] =	stream.indirect.gather [spmem:s2], $0x20, s6, s16, $0xb8;
	[tilespmem:$0x12020] =	vst v63  }
0x30: {  	_ =	swait.ge [sflag:s25], $0xA00  }
0x31: {  	[sflag:s25] =	ssyncset.done $0x0  }
0x32: {  	s21 =	simm.s32 $0x2710;
	[sflag:s25] =	ssyncadd.s32 $0xFFFFF600  }
0x33: {  	[spmem:s3] =	stream.indirect.scatter.add.f32 [tilespmem:s17], [sflag:$0x6], $0x20, s21, s16, $0xb8;
	[tilespmem:$0x12020] =	vst v63  }
0x34: {  	_ =	swait.ge [sflag:s26], $0xA00  }
0x35: {  	[sflag:s26] =	ssyncset.done $0x0  }
0x36: {  	s6 =	simm.s32 $0x2760;
	[sflag:s26] =	ssyncadd.s32 $0xFFFFF600  }
0x37: {  	[spmem:s3] =	stream.indirect.scatter.add.f32 [tilespmem:s18], [sflag:$0x7], $0x20, s6, s16, $0xb8;
	[tilespmem:$0x12020] =	vst v63  }
0x38: {  	_ =	swait.ge [sflag:s28], $0xA00  }
0x39: {  	[sflag:s28] =	ssyncset.done $0x0  }
0x3a: {  	s21 =	simm.s32 $0x27B0;
	[sflag:s28] =	ssyncadd.s32 $0xFFFFF600  }
0x3b: {  	[spmem:s3] =	stream.indirect.scatter.add.f32 [tilespmem:s20], [sflag:$0x8], $0x20, s21, s16, $0xb8;
	[tilespmem:$0x12020] =	vst v63  }
0x3c: {  	_ =	swait.ge [sflag:s29], $0xA00  }
0x3d: {  	[sflag:s29] =	ssyncset.done $0x0  }
0x3e: {  	s6 =	simm.s32 $0x2800;
	[sflag:s29] =	ssyncadd.s32 $0xFFFFF600  }
0x3f: {  	[spmem:s3] =	stream.indirect.scatter.add.f32 [tilespmem:s22], [sflag:$0x9], $0x20, s6, s16, $0xb8;
	[tilespmem:$0x12020] =	vst v63  }
0x40: {  	_ =	swait.ge [sflag:s30], $0xA00  }
0x41: {  	[sflag:s30] =	ssyncset.done $0x0  }
0x42: {  	s21 =	simm.s32 $0x2850;
	[sflag:s30] =	ssyncadd.s32 $0xFFFFF600  }
0x43: {  	[spmem:s3] =	stream.indirect.scatter.add.f32 [tilespmem:s24], [sflag:$0xA], $0x20, s21, s16, $0xb8;
	[tilespmem:$0x12020] =	vst v63  }
0x44: {  	_ =	swait.ge [sflag:s31], $0xA00  }
0x45: {  	[sflag:s31] =	ssyncset.done $0x0  }
0x46: {  	s6 =	simm.s32 $0x190;
	[sflag:s31] =	ssyncadd.s32 $0xFFFFF600  }
0x47: {  	[tilespmem:s17], [sflag:$0x1] =	stream.indirect.gather [spmem:s2], $0x20, s6, s16, $0xb8;
	[tilespmem:$0x12020] =	vst v63  }
0x48: {  	_ =	swait.ge [sflag:s1], $0xA00  }
0x49: {  	[sflag:s1] =	ssyncset.done $0x0  }
0x4a: {  	s21 =	simm.s32 $0x1E0;
	[sflag:s1] =	ssyncadd.s32 $0xFFFFF600  }
0x4b: {  	[tilespmem:s18], [sflag:$0x2] =	stream.indirect.gather [spmem:s2], $0x20, s21, s16, $0xb8;
	[tilespmem:$0x12020] =	vst v63  }
0x4c: {  	_ =	swait.ge [sflag:s0], $0xA00  }
0x4d: {  	[sflag:s0] =	ssyncset.done $0x0  }
0x4e: {  	s6 =	simm.s32 $0x230;
	[sflag:s0] =	ssyncadd.s32 $0xFFFFF600  }
0x4f: {  	[tilespmem:s20], [sflag:$0x3] =	stream.indirect.gather [spmem:s2], $0x20, s6, s16, $0xb8;
	[tilespmem:$0x12020] =	vst v63  }
0x50: {  	_ =	swait.ge [sflag:s12], $0xA00  }
0x51: {  	[sflag:s12] =	ssyncset.done $0x0  }
0x52: {  	s21 =	simm.s32 $0x280;
	[sflag:s12] =	ssyncadd.s32 $0xFFFFF600  }
0x53: {  	[tilespmem:s22], [sflag:$0x4] =	stream.indirect.gather [spmem:s2], $0x20, s21, s16, $0xb8;
	[tilespmem:$0x12020] =	vst v63  }
0x54: {  	_ =	swait.ge [sflag:s19], $0xA00  }
0x55: {  	[sflag:s19] =	ssyncset.done $0x0  }
0x56: {  	s5 =	simm.s32 $0x2D0;
	s21 =	simm.s32 $0x640;
	[sflag:s19] =	ssyncadd.s32 $0xFFFFF600  }
.LBB2_2:
0x57: {  	[tilespmem:s24], [sflag:$0x5] =	stream.indirect.gather [spmem:s2], $0x20, s5, s16, $0xb8;
	[tilespmem:$0x12020] =	vst v63  }
0x58: {  	s5 =	smov.u32 s21  }
0x59: {  	p0 =	sne.s32 s21, $0x8FC0;
	s21 =	sadd.s32 $0x640, s21;
	_ =	swait.ge [sflag:s25], $0xA00  }
0x5a: {  	s5 =	sshra.s32 s5, $0x2;
	[sflag:s25] =	ssyncset.done $0x0  }
0x5b: {  	s6 =	sadd.s32 $0x2710, s5;
	[sflag:s25] =	ssyncadd.s32 $0xFFFFF600  }
0x5c: {  	[spmem:s3] =	stream.indirect.scatter.add.f32 [tilespmem:s17], [sflag:$0x6], $0x20, s6, s16, $0xb8;
	[tilespmem:$0x12020] =	vst v63  }
0x5d: {  	_ =	swait.ge [sflag:s26], $0xA00  }
0x5e: {  	[sflag:s26] =	ssyncset.done $0x0  }
0x5f: {  	s6 =	sadd.s32 $0x2760, s5;
	[sflag:s26] =	ssyncadd.s32 $0xFFFFF600  }
0x60: {  	[spmem:s3] =	stream.indirect.scatter.add.f32 [tilespmem:s18], [sflag:$0x7], $0x20, s6, s16, $0xb8;
	[tilespmem:$0x12020] =	vst v63  }
0x61: {  	_ =	swait.ge [sflag:s28], $0xA00  }
0x62: {  	[sflag:s28] =	ssyncset.done $0x0  }
0x63: {  	s6 =	sadd.s32 $0x27B0, s5;
	[sflag:s28] =	ssyncadd.s32 $0xFFFFF600  }
0x64: {  	[spmem:s3] =	stream.indirect.scatter.add.f32 [tilespmem:s20], [sflag:$0x8], $0x20, s6, s16, $0xb8;
	[tilespmem:$0x12020] =	vst v63  }
0x65: {  	_ =	swait.ge [sflag:s29], $0xA00  }
0x66: {  	[sflag:s29] =	ssyncset.done $0x0  }
0x67: {  	s6 =	sadd.s32 $0x2800, s5;
	[sflag:s29] =	ssyncadd.s32 $0xFFFFF600  }
0x68: {  	[spmem:s3] =	stream.indirect.scatter.add.f32 [tilespmem:s22], [sflag:$0x9], $0x20, s6, s16, $0xb8;
	[tilespmem:$0x12020] =	vst v63  }
0x69: {  	_ =	swait.ge [sflag:s30], $0xA00  }
0x6a: {  	[sflag:s30] =	ssyncset.done $0x0  }
0x6b: {  	s6 =	sadd.s32 $0x2850, s5;
	[sflag:s30] =	ssyncadd.s32 $0xFFFFF600  }
0x6c: {  	[spmem:s3] =	stream.indirect.scatter.add.f32 [tilespmem:s24], [sflag:$0xA], $0x20, s6, s16, $0xb8;
	[tilespmem:$0x12020] =	vst v63  }
0x6d: {  	_ =	swait.ge [sflag:s31], $0xA00  }
0x6e: {  	[sflag:s31] =	ssyncset.done $0x0  }
0x6f: {  	s6 =	sadd.s32 $0x190, s5;
	[sflag:s31] =	ssyncadd.s32 $0xFFFFF600  }
0x70: {  	[tilespmem:s17], [sflag:$0x1] =	stream.indirect.gather [spmem:s2], $0x20, s6, s16, $0xb8;
	[tilespmem:$0x12020] =	vst v63  }
0x71: {  	_ =	swait.ge [sflag:s1], $0xA00  }
0x72: {  	[sflag:s1] =	ssyncset.done $0x0  }
0x73: {  	s6 =	sadd.s32 $0x1E0, s5;
	[sflag:s1] =	ssyncadd.s32 $0xFFFFF600  }
0x74: {  	[tilespmem:s18], [sflag:$0x2] =	stream.indirect.gather [spmem:s2], $0x20, s6, s16, $0xb8;
	[tilespmem:$0x12020] =	vst v63  }
0x75: {  	_ =	swait.ge [sflag:s0], $0xA00  }
0x76: {  	[sflag:s0] =	ssyncset.done $0x0  }
0x77: {  	s6 =	sadd.s32 $0x230, s5;
	[sflag:s0] =	ssyncadd.s32 $0xFFFFF600  }
0x78: {  	[tilespmem:s20], [sflag:$0x3] =	stream.indirect.gather [spmem:s2], $0x20, s6, s16, $0xb8;
	[tilespmem:$0x12020] =	vst v63  }
0x79: {  	_ =	swait.ge [sflag:s12], $0xA00  }
0x7a: {  	[sflag:s12] =	ssyncset.done $0x0  }
.Ltmp0:
0x7b: {  	s6 =	sadd.s32 $0x280, s5;
	[sflag:s12] =	ssyncadd.s32 $0xFFFFF600;
	(pc) =	sbr.rel @p0 .LBB2_2-.Ltmp0, $4  }
0x7c: {  	[tilespmem:s22], [sflag:$0x4] =	stream.indirect.gather [spmem:s2], $0x20, s6, s16, $0xb8;
	[tilespmem:$0x12020] =	vst v63  }
0x7d: {  	_ =	swait.ge [sflag:s19], $0xA00  }
0x7e: {  	[sflag:s19] =	ssyncset.done $0x0  }
0x7f: {  	s5 =	sadd.s32 $0x2D0, s5;
	[sflag:s19] =	ssyncadd.s32 $0xFFFFF600  }
0x80: {  	[tilespmem:s24], [sflag:$0x5] =	stream.indirect.gather [spmem:s2], $0x20, s5, s16, $0xb8;
	[tilespmem:$0x12020] =	vst v63  }
0x81: {  	_ =	swait.ge [sflag:s25], $0xA00  }
0x82: {  	[sflag:s25] =	ssyncset.done $0x0  }
0x83: {  	s21 =	simm.s32 $0x4C90;
	[sflag:s25] =	ssyncadd.s32 $0xFFFFF600  }
0x84: {  	[spmem:s3] =	stream.indirect.scatter.add.f32 [tilespmem:s17], [sflag:$0x6], $0x20, s21, s16, $0xb8;
	[tilespmem:$0x12020] =	vst v63  }
0x85: {  	_ =	swait.ge [sflag:s26], $0xA00  }
0x86: {  	[sflag:s26] =	ssyncset.done $0x0  }
0x87: {  	s6 =	simm.s32 $0x4CE0;
	[sflag:s26] =	ssyncadd.s32 $0xFFFFF600  }
0x88: {  	[spmem:s3] =	stream.indirect.scatter.add.f32 [tilespmem:s18], [sflag:$0x7], $0x20, s6, s16, $0xb8;
	[tilespmem:$0x12020] =	vst v63  }
0x89: {  	_ =	swait.ge [sflag:s28], $0xA00  }
0x8a: {  	[sflag:s28] =	ssyncset.done $0x0  }
0x8b: {  	s21 =	simm.s32 $0x4D30;
	[sflag:s28] =	ssyncadd.s32 $0xFFFFF600  }
0x8c: {  	[spmem:s3] =	stream.indirect.scatter.add.f32 [tilespmem:s20], [sflag:$0x8], $0x20, s21, s16, $0xb8;
	[tilespmem:$0x12020] =	vst v63  }
0x8d: {  	_ =	swait.ge [sflag:s29], $0xA00  }
0x8e: {  	[sflag:s29] =	ssyncset.done $0x0  }
0x8f: {  	s6 =	simm.s32 $0x4D80;
	[sflag:s29] =	ssyncadd.s32 $0xFFFFF600  }
0x90: {  	[spmem:s3] =	stream.indirect.scatter.add.f32 [tilespmem:s22], [sflag:$0x9], $0x20, s6, s16, $0xb8;
	[tilespmem:$0x12020] =	vst v63  }
0x91: {  	_ =	swait.ge [sflag:s30], $0xA00  }
0x92: {  	[sflag:s30] =	ssyncset.done $0x0  }
0x93: {  	s21 =	simm.s32 $0x4DD0;
	[sflag:s30] =	ssyncadd.s32 $0xFFFFF600  }
0x94: {  	[spmem:s3] =	stream.indirect.scatter.add.f32 [tilespmem:s24], [sflag:$0xA], $0x20, s21, s16, $0xb8;
	[tilespmem:$0x12020] =	vst v63  }
0x95: {  	_ =	swait.ge [sflag:s31], $0xA00  }
0x96: {  	[sflag:s31] =	ssyncset.done $0x0  }
0x97: {  	[sflag:s31] =	ssyncadd.s32 $0xFFFFF600  }
0x98: {  	_ =	swait.ge [sflag:s1], $0xA00  }
0x99: {  	[sflag:s1] =	ssyncset.done $0x0  }
0x9a: {  	[sflag:s1] =	ssyncadd.s32 $0xFFFFF600  }
0x9b: {  	_ =	swait.ge [sflag:s0], $0xA00  }
0x9c: {  	[sflag:s0] =	ssyncset.done $0x0  }
0x9d: {  	[sflag:s0] =	ssyncadd.s32 $0xFFFFF600  }
0x9e: {  	_ =	swait.ge [sflag:s12], $0xA00  }
0x9f: {  	[sflag:s12] =	ssyncset.done $0x0  }
0xa0: {  	[sflag:s12] =	ssyncadd.s32 $0xFFFFF600  }
0xa1: {  	_ =	swait.ge [sflag:s19], $0xA00  }
0xa2: {  	s23 =	sadd.s32 $0x1, s23;
	[sflag:s19] =	ssyncset.done $0x0  }
0xa3: {  	p0 =	sne.s32 s23, s10;
	[sflag:s19] =	ssyncadd.s32 $0xFFFFF600  }
.Ltmp1:
0xa4: {  	[bflag:$0x0] =	sbarrier.arrive $0xFFFF;
	(pc) =	sbr.rel @p0 .LBB2_1-.Ltmp1, $4  }
0xa5: {  	[hbm:s9], [sflag:s13] =	dma.local [spmem:s15], $0xA00  }
0xa6: {  	_ =	swait.ge [sflag:s11], $0xA00  }
0xa7: {  	[sflag:s11] =	ssyncset.done $0x0  }
0xa8: {  	[sflag:s11] =	ssyncadd.s32 $0xFFFFF600  }
0xa9: {  	_ =	sfence.sel $0x180000  }
0xaa: {  	[bflag:$0x0] =	sbarrier.arrive $0xFFFF  }
0xab: {  	_ =	strace $0x90000050  }
0xac: {  	s0 =	stileid.u32;
	[bflag:$0x2] =	sbarrier.arrive $0xFFFF  }
0xad: {  	p0 =	sne.s32 s0, $0x0;
	s0 =	rddreg [dreg:$0x4]  }
0xae: {  	s0 =	sadd.s32 @!p0 $0x100000, s0  }
0xaf: {  	[sflag:s0] =	ssyncadd.tile.s32 @!p0 $0x1;
	_ =	shalt  }
.Lfunc_end2:
_tile_overlayer_lowered:
.L_overlay_start_2:
0xb0: {  	(tag) =	ssettag $0x2  }
0xb1: {  	s0 =	rddreg [dreg:$0x0];
	s2 =	stileid.u32  }
0xb2: {  	s1 =	rddreg [dreg:$0x1];
	p0 =	sne.s32 s2, $0x0  }
0xb3: {  	s3 =	rddreg [dreg:$0x2];
	[bflag:$0x3] =	sbarrier.arrive $0xFFFF;
	s2 =	simm.s32 @!p0 $0x1C0B  }
0xb4: {  	[timem:s3], [sflag:s2] =	dma.local @!p0 [hbm:s0], s1  }
0xb5: {  	s0 =	simm.s32 @!p0 $0xB  }
0xb6: {  	_ =	swait.ge @!p0 [sflag:s0], s1  }
0xb7: {  	s1 =	ssub.s32 @!p0 $0x0, s1;
	[sflag:s0] =	ssyncset.done @!p0 $0x0  }
0xb8: {  	[sflag:s0] =	ssyncadd.s32 @!p0 s1  }
0xb9: {  	[bflag:$0x3] =	sbarrier.arrive $0xFFFF  }
0xba: {  	_ =	shalt  }

// kernel: kernel.26.cloned.1.call-start
scs
__scs_entry_jumppad:
0x0: {  	(pc) =	sbr.rel $0x88, $3  }
0x1: {  	(tag) =	ssettag $0x0;
	lr =	simm.s32 $0x1  }
0x2: {  	[smem:$0x3F90] =	sst lr;
	_ =	strace $0xD0000000  }
0x3: {  	_ = 	snop  }
0x4: {  	_ = 	snop  }
0x5: {  	_ = 	snop  }
0x6: {  	_ = 	snop  }
0x7: {  	_ = 	snop  }
__scs_overlays_trampoline_lowered:
0x8: {  	[smem:$0x3F9F] =	sst s0  }
0x9: {  	[smem:$0x3FA0] =	sst s1  }
0xa: {  	[smem:$0x3FA1] =	sst s2  }
0xb: {  	[smem:$0x3FA2] =	sst s3  }
0xc: {  	[smem:$0x3FA3] =	sst s4  }
0xd: {  	[smem:$0x3FA4] =	sst s5  }
0xe: {  	[smem:$0x3FA5] =	sst s6  }
0xf: {  	[smem:$0x3FA6] =	sst s7  }
0x10: {  	[smem:$0x3FA7] =	sst s8  }
0x11: {  	[smem:$0x3FA8] =	sst s9;
	s0 =	simm.s32 @!p0 $0x0  }
0x12: {  	s1 =	sld [smem:$0x3F8E];
	s0 =	simm.s32 @p0 $0x1  }
0x13: {  	[smem:$0x3FA9] =	sst s0;
	s0 =	simm.s32 @!p1 $0x0  }
0x14: {  	s2 =	sld [smem:$0x3F8D];
	s0 =	simm.s32 @p1 $0x1  }
0x15: {  	[smem:$0x3FAA] =	sst s0;
	s0 =	simm.s32 @!p2 $0x0  }
0x16: {  	s3 =	sld [smem:$0x3FDB];
	s0 =	simm.s32 @p2 $0x1  }
0x17: {  	s4 =	simm.s32 $0x1BF5;
	[smem:$0x3FAC] =	sst s0  }
0x18: {  	s0 =	sld [smem:$0x3F8F];
	_ =	swait.ge [sflag:s4], $0x0  }
0x19: {  	s7 =	sld [smem:$0x3F90]  }
0x1a: {  	s8 =	sadd.s32 $0xFFFFE003, lr  }
0x1b: {  	s9 =	sadd.s32 $0xFFFFFEF7, lr;
	s5 =	simm.s32 $0xFFFFFFFF;
	p2 =	slt.u32 s8, $0xFFFFF086  }
0x1c: {  	p1 =	slt.u32 s9, $0xF7A;
	s5 =	simm.s32 @!p2 $0x0  }
0x1d: {  	s5 =	simm.s32 @p1 $0x1;
	p0 =	seq.s32 s7, s2  }
0x1e: {  	s7 =	smul.u32 @!p0 $0xF7A, s2;
	p2 =	seq.s32 @!p0 s5, $0x0  }
0x1f: {  	s9 =	smul.u32 $0xF7A, s1;
	s8 =	simm.s32 @!p0 $0x1BF5;
	p2 =	por !p2, p0  }
0x20: {  	[sflag:s8] =	ssyncset.s32 @!p0 $0xFFFFF086;
	s6 =	sadd.s32 @!p0 s3, s7;
	s7 =	simm.s32 @!p0 $0x108  }
0x21: {  	s3 =	sadd.s32 s3, s9;
	s6 =	sadd.s32 @!p0 $0x88, s6;
	s7 =	simm.s32 @p2 $0x1082  }
0x22: {  	[simem:s7], [sflag:s8] =	dma.local @!p0 [hbm:s6], $0xF7A  }
0x23: {  	s9 =	sor.u32 $0xD0000000, s2;
	s6 =	simm.s32 $0x108;
	_ =	swait.ge @!p0 [sflag:s8], $0x0  }
0x24: {  	s3 =	sadd.s32 $0x88, s3;
	s6 =	simm.s32 @!p1 $0x1082;
	[sflag:s4] =	ssyncset.s32 $0xFFFFF086  }
0x25: {  	[simem:s6], [sflag:s4] =	dma.local [hbm:s3], $0xF7A  }
0x26: {  	[smem:$0x3F90] =	sst s1;
	(tag) =	ssettag s2;
	_ =	strace s9  }
0x27: {  	s1 =	sld [smem:$0x3FA0]  }
0x28: {  	s2 =	sld [smem:$0x3FA1]  }
0x29: {  	s4 =	sld [smem:$0x3FA3]  }
0x2a: {  	p0 =	seq.s32 s5, $0x0;
	s5 =	sld [smem:$0x3FA4]  }
0x2b: {  	s6 =	sld [smem:$0x3FA5]  }
0x2c: {  	s7 =	sld [smem:$0x3FA6]  }
0x2d: {  	s3 =	simm.s32 $0x108;
	s8 =	sld [smem:$0x3FA7]  }
0x2e: {  	s3 =	simm.s32 @!p0 $0x1082;
	s9 =	sld [smem:$0x3FA8]  }
0x2f: {  	lr =	sadd.s32 s0, s3;
	s0 =	sld [smem:$0x3F9F]  }
0x30: {  	s3 =	sld [smem:$0x3FA2]  }
0x31: {  	[smem:$0x3FAB] =	sst s10  }
0x32: {  	s10 =	sld [smem:$0x3FA9];
	_ =	sdelay $0x3  }
0x33: {  	p0 =	seq.s32 s10, $0x1;
	s10 =	sld [smem:$0x3FAB];
	_ =	sdelay $0x3  }
0x34: {  	[smem:$0x3FAB] =	sst s10  }
0x35: {  	s10 =	sld [smem:$0x3FAA];
	_ =	sdelay $0x3  }
0x36: {  	p1 =	seq.s32 s10, $0x1;
	s10 =	sld [smem:$0x3FAB];
	_ =	sdelay $0x3  }
0x37: {  	[smem:$0x3FAB] =	sst s10  }
0x38: {  	s10 =	sld [smem:$0x3FAC]  }
0x39: {  	_ = 	snop;
	(pc) =	sbr.ind lr, $3  }
0x3a: {  	_ = 	snop  }
0x3b: {  	_ = 	snop  }
0x3c: {  	p2 =	seq.s32 s10, $0x1;
	s10 =	sld [smem:$0x3FAB]  }
0x3d: {  	_ =	shalt  }
0x3e: {  	_ =	shalt  }
0x3f: {  	_ =	shalt  }
0x40: {  	_ =	shalt  }
0x41: {  	_ =	shalt  }
0x42: {  	_ =	shalt  }
0x43: {  	_ =	shalt  }
0x44: {  	_ =	shalt  }
0x45: {  	_ =	shalt  }
0x46: {  	_ =	shalt  }
0x47: {  	_ =	shalt  }
0x48: {  	_ =	shalt  }
0x49: {  	_ =	shalt  }
0x4a: {  	_ =	shalt  }
0x4b: {  	_ =	shalt  }
0x4c: {  	_ =	shalt  }
0x4d: {  	_ =	shalt  }
0x4e: {  	_ =	shalt  }
0x4f: {  	_ =	shalt  }
0x50: {  	_ =	shalt  }
0x51: {  	_ =	shalt  }
0x52: {  	_ =	shalt  }
0x53: {  	_ =	shalt  }
0x54: {  	_ =	shalt  }
0x55: {  	_ =	shalt  }
0x56: {  	_ =	shalt  }
0x57: {  	_ =	shalt  }
0x58: {  	_ =	shalt  }
0x59: {  	_ =	shalt  }
0x5a: {  	_ =	shalt  }
0x5b: {  	_ =	shalt  }
0x5c: {  	_ =	shalt  }
0x5d: {  	_ =	shalt  }
0x5e: {  	_ =	shalt  }
0x5f: {  	_ =	shalt  }
0x60: {  	_ =	shalt  }
0x61: {  	_ =	shalt  }
0x62: {  	_ =	shalt  }
0x63: {  	_ =	shalt  }
0x64: {  	_ =	shalt  }
0x65: {  	_ =	shalt  }
0x66: {  	_ =	shalt  }
0x67: {  	_ =	shalt  }
0x68: {  	_ =	shalt  }
0x69: {  	_ =	shalt  }
0x6a: {  	_ =	shalt  }
0x6b: {  	_ =	shalt  }
0x6c: {  	_ =	shalt  }
0x6d: {  	_ =	shalt  }
0x6e: {  	_ =	shalt  }
0x6f: {  	_ =	shalt  }
0x70: {  	_ =	shalt  }
0x71: {  	_ =	shalt  }
0x72: {  	_ =	shalt  }
0x73: {  	_ =	shalt  }
0x74: {  	_ =	shalt  }
0x75: {  	_ =	shalt  }
0x76: {  	_ =	shalt  }
0x77: {  	_ =	shalt  }
0x78: {  	_ =	shalt  }
0x79: {  	_ =	shalt  }
0x7a: {  	_ =	shalt  }
0x7b: {  	_ =	shalt  }
0x7c: {  	_ =	shalt  }
0x7d: {  	_ =	shalt  }
0x7e: {  	_ =	shalt  }
0x7f: {  	_ =	shalt  }
0x80: {  	_ =	shalt  }
0x81: {  	_ =	shalt  }
0x82: {  	_ =	shalt  }
0x83: {  	_ =	shalt  }
0x84: {  	_ =	shalt  }
0x85: {  	_ =	shalt  }
0x86: {  	_ =	shalt  }
0x87: {  	_ =	shalt  }
.Lfunc_end0:
.L_simem_size_0:
called_computation.4_lowered:
.L_overlay_start_0:
0x88: {  	s2 =	sld [smem:$0x3FD9]  }
0x89: {  	s3 =	sld [smem:$0x3FFE];
	_ =	sdelay $0x1  }
0x8a: {  	s1 =	srdreg.scid  }
0x8b: {  	s0 =	sand.u32 $0x1, s1  }
0x8c: {  	s14 =	sshll.u32 s0, $0xA;
	s2 =	sadd.s32 s3, s2  }
0x8d: {  	s2 =	sadd.s32 s2, s14  }
0x8e: {  	[smem:$0x3FB7] =	sst s2  }
0x8f: {  	_ = 	snop  }
0x90: {  	s2 =	sld [smem:$0x3FD0];
	_ =	sdelay $0x2  }
0x91: {  	s15 =	simm.s32 $0xA;
	s4 =	simm.s32 $0x10  }
0x92: {  	[smem:s4], [sflag:s15] =	dma.local [hbm:s2], $0x1  }
0x93: {  	_ =	swait.eq [sflag:s15], $0x1  }
0x94: {  	[sflag:s15] =	ssyncset.done $0x0  }
0x95: {  	[sflag:s15] =	ssyncadd.s32 $0xFFFFFFFF  }
0x96: {  	s16 =	sld [smem:$0x11];
	(tm) =	ssettm $0x1  }
0x97: {  	s17 =	sld [smem:$0x3FFB];
	_ =	sdelay $0x3  }
0x98: {  	_ =	strace s17  }
0x99: {  	s3 =	sld [smem:$0x3FFC];
	_ =	sdelay $0x3  }
0x9a: {  	_ =	strace s3  }
0x9b: {  	s3 =	sld [smem:$0x3FFD];
	_ =	sdelay $0x3  }
0x9c: {  	_ =	strace s3  }
0x9d: {  	_ =	strace $0x8FFFFFFF  }
0x9e: {  	s18 =	sld [smem:$0x3FDB];
	_ =	sdelay $0x1  }
0x9f: {  	s19 =	simm.s32 $_scs_section_size  }
0xa0: {  	s5 =	simm.s32 $_size__tile_overlayer_lowered;
	s6 =	simm.s32 $_tile_overlayer_lowered  }
0xa1: {  	s22 =	simm.s32 $0x1BFF;
	s21 =	sshll.u32 s6, $0x1;
	s3 =	sadd.s32 s19, s18  }
0xa2: {  	s7 =	simm.s32 $0x0;
	s20 =	sshll.u32 s5, $0x1;
	s5 =	sadd.s32 s21, s3  }
0xa3: {  	[timem:s7], [sflag:s22] =	dma.local [hbm:s5], s20  }
0xa4: {  	_ =	swait.ge [sflag:s22], s20  }
0xa5: {  	s4 =	ssub.s32 $0x0, s20;
	[sflag:s22] =	ssyncset.done $0x0  }
0xa6: {  	[sflag:s22] =	ssyncadd.s32 s4;
	_ =	sdelay $0x1  }
0xa7: {  	s23 =	simm.s32 $0x1B8B  }
0xa8: {  	_ =	swait.ge [sflag:s23], $0x1  }
0xa9: {  	[sflag:s23] =	ssyncset.done $0x0  }
0xaa: {  	s25 =	simm.s32 $0x1B8E;
	s24 =	sld [smem:$0x3FFE];
	[sflag:s23] =	ssyncadd.s32 $0xFFFFFFFF  }
0xab: {  	s26 =	simm.s32 $execute0_lowered;
	[smem:$0x3FD2] =	sst s25  }
0xac: {  	s5 =	sshll.u32 s26, $0x1;
	_ =	strace $0x80000052;
	[dreg:$0x1] =	wrdreg $0xFFFFFFFF  }
0xad: {  	s28 =	simm.s32 $_size_execute0_lowered;
	s3 =	sadd.s32 s3, s5;
	[dreg:$0x0] =	wrdreg $0x0  }
0xae: {  	s5 =	sshll.u32 s28, $0x1;
	[dreg:$0x2] =	wrdreg s3  }
0xaf: {  	[dreg:$0x3] =	wrdreg s5  }
0xb0: {  	[dreg:$0x4] =	wrdreg $0xC0  }
0xb1: {  	_ =	task [dreg:s7], $0x5FFFF  }
0xb2: {  	[dreg:$0x1] =	wrdreg $0xFFFFFFFF  }
0xb3: {  	[dreg:$0x0] =	wrdreg $0x60  }
0xb4: {  	[dreg:$0x2] =	wrdreg s24  }
0xb5: {  	[dreg:$0x3] =	wrdreg s16  }
0xb6: {  	[dreg:$0x4] =	wrdreg $0x80200  }
0xb7: {  	[dreg:$0x5] =	wrdreg $0xD0200  }
0xb8: {  	[dreg:$0x6] =	wrdreg $0x9  }
0xb9: {  	_ =	task.clear_ibuf [dreg:s7], $0x7FFFF;
	_ =	strace $0x90000052  }
0xba: {  	s29 =	simm.s32 $0x9;
	_ =	strace $0x80000054  }
0xbb: {  	_ =	swait.ge [sflag:s29], $0x1  }
0xbc: {  	[sflag:s29] =	ssyncadd.s32 $0xFFFFFFFF  }
0xbd: {  	_ =	strace $0x90000054  }
0xbe: {  	_ =	sfence  }
0xbf: {  	s30 =	sld [smem:$0x0];
	_ =	sdelay $0x2  }
0xc0: {  	s31 =	sshll.u32 s1, $0xD;
	s1 =	sshrl.u32 s1, $0x2  }
0xc1: {  	s3 =	sand.u32 $0x4000, s31;
	s1 =	sadd.s32 s1, s30  }
0xc2: {  	s0 =	sor.u32 s3, s0;
	s1 =	sshll.u32 s1, $0x11  }
0xc3: {  	s0 =	sor.u32 s1, s0  }
0xc4: {  	s0 =	sadd.s32 $0x8F2B, s0  }
0xc5: {  	[sflag:s0] =	ssyncadd.remote.s32 $0x1  }
0xc6: {  	_ =	sfence.sel $0xFFFF  }
0xc7: {  	[dreg:$0x0] =	wrdreg $0xFFFFFFFF;
	(pc) =	sbr.abs _section_cstart, $3  }
0xc8: {  	[dreg:$0x1] =	wrdreg $0xFFFFFFFF  }
0xc9: {  	_ =	task.clear_ibuf [dreg:s7], $0x2FFFF;
	_ =	strace $0x9FFFFFFF  }
0xca: {  	(tm) =	ssettm $0x7FFFFFFF  }
0xcb: {  	_ =	shalt  }
tec
execute0_lowered:
.L_overlay_start_1:
0x0: {  	(tag) =	ssettag $0x1  }
0x1: {  	s0 =	rddreg [dreg:$0x0]  }
0x2: {  	s1 =	rddreg [dreg:$0x1]  }
0x3: {  	s3 =	srdreg.scid;
	s11 =	stileid.u32  }
0x4: {  	s2 =	rddreg [dreg:$0x2];
	s16 =	simm.s32 $0x50;
	s17 =	simm.s32 $0x4E20  }
0x5: {  	s18 =	simm.s32 $0x5820;
	s20 =	simm.s32 $0x6220;
	s22 =	simm.s32 $0x6C20  }
0x6: {  	s28 =	simm.s32 $0x3;
	s29 =	simm.s32 $0x4;
	s30 =	simm.s32 $0x5  }
0x7: {  	s31 =	simm.s32 $0x6;
	s19 =	simm.s32 $0xA;
	s5 =	sand.u32 $0x1, s3  }
0x8: {  	s4 =	sshll.u32 s11, $0x1;
	s3 =	rddreg [dreg:$0x3];
	s8 =	smul.u32 $0x5000, s11  }
0x9: {  	s26 =	sshll.u32 s11, $0x6;
	s11 =	simm.s32 $0xB;
	s6 =	sor.u32 s5, s4  }
0xa: {  	s4 =	simm.s32 $0x0;
	s9 =	ssub.s32 $0x2, s5;
	s5 =	smul.u32 $0x50000, s5  }
0xb: {  	s13 =	sor.u32 $0x1C0B, s26;
	s26 =	simm.s32 $0x2;
	s6 =	smul.u32 $0x4E2, s6  }
0xc: {  	[smem:$0x7FF] =	sst s4;
	s7 =	sshrl.u32 s8, $0x3;
	s23 =	sshrl.u32 s9, $0x1  }
0xd: {  	s12 =	sadd.s32 s8, s2;
	s15 =	sadd.s32 s8, s3;
	_ =	strace $0x80000053  }
0xe: {  	s10 =	ssub.s32 s9, s23;
	s5 =	sadd.s32 s8, s5;
	s14 =	sshrl.u32 s12, $0x3  }
0xf: {  	s15 =	sshrl.u32 s15, $0x3;
	s12 =	simm.s32 $0x9;
	s23 =	simm.s32 $0x0  }
0x10: {  	s6 =	sadd.s32 s6, s0;
	s0 =	sadd.s32 s7, s0;
	s25 =	sshrl.u32 s5, $0x3  }
0x11: {  	s10 =	smax.u32 s10, $0x1;
	s24 =	sadd.s32 $0x5C00, s6;
	s6 =	sadd.s32 $0xFA00, s6  }
0x12: {  	s7 =	sadd.s32 $0x19800, s0;
	s8 =	sadd.s32 $0x23800, s0;
	s9 =	sadd.s32 s1, s25  }
0x13: {  	s25 =	simm.s32 $0x1;
	s1 =	simm.s32 $0x7;
	[dreg:$0x5] =	wrdreg s24  }
0x14: {  	s0 =	simm.s32 $0x8;
	[dreg:$0x6] =	wrdreg s6;
	s24 =	simm.s32 $0x7620  }
.LBB2_1:
0x15: {  	s5 =	rddreg [dreg:$0x5]  }
0x16: {  	[tilespmem:s4], [sflag:$0xB] =	stream.linear.gather [hbm4b:s5+s4], $0x2710, $0x38;
	[tilespmem:$0x12020] =	vst v63  }
0x17: {  	_ =	swait.ge [sflag:s11], $0x2710  }
0x18: {  	[sflag:s11] =	ssyncset.done $0x0  }
0x19: {  	s6 =	simm.s32 $0x2710;
	s21 =	rddreg [dreg:$0x6];
	[sflag:s11] =	ssyncadd.s32 $0xFFFFD8F0  }
0x1a: {  	[tilespmem:s6], [sflag:$0xB] =	stream.linear.gather [hbm4b:s21+s4], $0x2710, $0x38;
	[tilespmem:$0x12020] =	vst v63  }
0x1b: {  	_ =	swait.ge [sflag:s11], $0x2710  }
0x1c: {  	[sflag:s11] =	ssyncset.done $0x0  }
0x1d: {  	[sflag:s11] =	ssyncadd.s32 $0xFFFFD8F0  }
0x1e: {  	[spmem:s14], [sflag:s13] =	dma.local [hbm:s7], $0xA00  }
0x1f: {  	_ =	swait.ge [sflag:s11], $0xA00  }
0x20: {  	[sflag:s11] =	ssyncset.done $0x0  }
0x21: {  	[sflag:s11] =	ssyncadd.s32 $0xFFFFF600  }
0x22: {  	[spmem:s15], [sflag:s13] =	dma.local [hbm:s8], $0xA00  }
0x23: {  	_ =	swait.ge [sflag:s11], $0xA00  }
0x24: {  	[sflag:s11] =	ssyncset.done $0x0  }
0x25: {  	[sflag:s11] =	ssyncadd.s32 $0xFFFFF600  }
0x26: {  	[bflag:$0x0] =	sbarrier.arrive $0xFFFF  }
0x27: {  	[tilespmem:s17], [sflag:$0x1] =	stream.indirect.gather [spmem:s2], $0x20, s4, s16, $0xb8;
	[tilespmem:$0x12020] =	vst v63  }
0x28: {  	_ = 	snop  }
0x29: {  	[tilespmem:s18], [sflag:$0x2] =	stream.indirect.gather [spmem:s2], $0x20, s16, s16, $0xb8;
	[tilespmem:$0x12020] =	vst v63  }
0x2a: {  	s6 =	simm.s32 $0xA0  }
0x2b: {  	[tilespmem:s20], [sflag:$0x3] =	stream.indirect.gather [spmem:s2], $0x20, s6, s16, $0xb8;
	[tilespmem:$0x12020] =	vst v63  }
0x2c: {  	s21 =	simm.s32 $0xF0  }
0x2d: {  	[tilespmem:s22], [sflag:$0x4] =	stream.indirect.gather [spmem:s2], $0x20, s21, s16, $0xb8;
	[tilespmem:$0x12020] =	vst v63  }
0x2e: {  	s6 =	simm.s32 $0x140  }
0x2f: {  	[tilespmem:s24], [sflag:$0x5] =	stream.indirect.gather [spmem:s2], $0x20, s6, s16, $0xb8;
	[tilespmem:$0x12020] =	vst v63  }
0x30: {  	_ =	swait.ge [sflag:s25], $0xA00  }
0x31: {  	[sflag:s25] =	ssyncset.done $0x0  }
0x32: {  	s21 =	simm.s32 $0x2710;
	[sflag:s25] =	ssyncadd.s32 $0xFFFFF600  }
0x33: {  	[spmem:s3] =	stream.indirect.scatter.add.f32 [tilespmem:s17], [sflag:$0x6], $0x20, s21, s16, $0xb8;
	[tilespmem:$0x12020] =	vst v63  }
0x34: {  	_ =	swait.ge [sflag:s26], $0xA00  }
0x35: {  	[sflag:s26] =	ssyncset.done $0x0  }
0x36: {  	s6 =	simm.s32 $0x2760;
	[sflag:s26] =	ssyncadd.s32 $0xFFFFF600  }
0x37: {  	[spmem:s3] =	stream.indirect.scatter.add.f32 [tilespmem:s18], [sflag:$0x7], $0x20, s6, s16, $0xb8;
	[tilespmem:$0x12020] =	vst v63  }
0x38: {  	_ =	swait.ge [sflag:s28], $0xA00  }
0x39: {  	[sflag:s28] =	ssyncset.done $0x0  }
0x3a: {  	s21 =	simm.s32 $0x27B0;
	[sflag:s28] =	ssyncadd.s32 $0xFFFFF600  }
0x3b: {  	[spmem:s3] =	stream.indirect.scatter.add.f32 [tilespmem:s20], [sflag:$0x8], $0x20, s21, s16, $0xb8;
	[tilespmem:$0x12020] =	vst v63  }
0x3c: {  	_ =	swait.ge [sflag:s29], $0xA00  }
0x3d: {  	[sflag:s29] =	ssyncset.done $0x0  }
0x3e: {  	s6 =	simm.s32 $0x2800;
	[sflag:s29] =	ssyncadd.s32 $0xFFFFF600  }
0x3f: {  	[spmem:s3] =	stream.indirect.scatter.add.f32 [tilespmem:s22], [sflag:$0x9], $0x20, s6, s16, $0xb8;
	[tilespmem:$0x12020] =	vst v63  }
0x40: {  	_ =	swait.ge [sflag:s30], $0xA00  }
0x41: {  	[sflag:s30] =	ssyncset.done $0x0  }
0x42: {  	s21 =	simm.s32 $0x2850;
	[sflag:s30] =	ssyncadd.s32 $0xFFFFF600  }
0x43: {  	[spmem:s3] =	stream.indirect.scatter.add.f32 [tilespmem:s24], [sflag:$0xA], $0x20, s21, s16, $0xb8;
	[tilespmem:$0x12020] =	vst v63  }
0x44: {  	_ =	swait.ge [sflag:s31], $0xA00  }
0x45: {  	[sflag:s31] =	ssyncset.done $0x0  }
0x46: {  	s6 =	simm.s32 $0x190;
	[sflag:s31] =	ssyncadd.s32 $0xFFFFF600  }
0x47: {  	[tilespmem:s17], [sflag:$0x1] =	stream.indirect.gather [spmem:s2], $0x20, s6, s16, $0xb8;
	[tilespmem:$0x12020] =	vst v63  }
0x48: {  	_ =	swait.ge [sflag:s1], $0xA00  }
0x49: {  	[sflag:s1] =	ssyncset.done $0x0  }
0x4a: {  	s21 =	simm.s32 $0x1E0;
	[sflag:s1] =	ssyncadd.s32 $0xFFFFF600  }
0x4b: {  	[tilespmem:s18], [sflag:$0x2] =	stream.indirect.gather [spmem:s2], $0x20, s21, s16, $0xb8;
	[tilespmem:$0x12020] =	vst v63  }
0x4c: {  	_ =	swait.ge [sflag:s0], $0xA00  }
0x4d: {  	[sflag:s0] =	ssyncset.done $0x0  }
0x4e: {  	s6 =	simm.s32 $0x230;
	[sflag:s0] =	ssyncadd.s32 $0xFFFFF600  }
0x4f: {  	[tilespmem:s20], [sflag:$0x3] =	stream.indirect.gather [spmem:s2], $0x20, s6, s16, $0xb8;
	[tilespmem:$0x12020] =	vst v63  }
0x50: {  	_ =	swait.ge [sflag:s12], $0xA00  }
0x51: {  	[sflag:s12] =	ssyncset.done $0x0  }
0x52: {  	s21 =	simm.s32 $0x280;
	[sflag:s12] =	ssyncadd.s32 $0xFFFFF600  }
0x53: {  	[tilespmem:s22], [sflag:$0x4] =	stream.indirect.gather [spmem:s2], $0x20, s21, s16, $0xb8;
	[tilespmem:$0x12020] =	vst v63  }
0x54: {  	_ =	swait.ge [sflag:s19], $0xA00  }
0x55: {  	[sflag:s19] =	ssyncset.done $0x0  }
0x56: {  	s5 =	simm.s32 $0x2D0;
	s21 =	simm.s32 $0x640;
	[sflag:s19] =	ssyncadd.s32 $0xFFFFF600  }
.LBB2_2:
0x57: {  	[tilespmem:s24], [sflag:$0x5] =	stream.indirect.gather [spmem:s2], $0x20, s5, s16, $0xb8;
	[tilespmem:$0x12020] =	vst v63  }
0x58: {  	s5 =	smov.u32 s21  }
0x59: {  	p0 =	sne.s32 s21, $0x8FC0;
	s21 =	sadd.s32 $0x640, s21;
	_ =	swait.ge [sflag:s25], $0xA00  }
0x5a: {  	s5 =	sshra.s32 s5, $0x2;
	[sflag:s25] =	ssyncset.done $0x0  }
0x5b: {  	s6 =	sadd.s32 $0x2710, s5;
	[sflag:s25] =	ssyncadd.s32 $0xFFFFF600  }
0x5c: {  	[spmem:s3] =	stream.indirect.scatter.add.f32 [tilespmem:s17], [sflag:$0x6], $0x20, s6, s16, $0xb8;
	[tilespmem:$0x12020] =	vst v63  }
0x5d: {  	_ =	swait.ge [sflag:s26], $0xA00  }
0x5e: {  	[sflag:s26] =	ssyncset.done $0x0  }
0x5f: {  	s6 =	sadd.s32 $0x2760, s5;
	[sflag:s26] =	ssyncadd.s32 $0xFFFFF600  }
0x60: {  	[spmem:s3] =	stream.indirect.scatter.add.f32 [tilespmem:s18], [sflag:$0x7], $0x20, s6, s16, $0xb8;
	[tilespmem:$0x12020] =	vst v63  }
0x61: {  	_ =	swait.ge [sflag:s28], $0xA00  }
0x62: {  	[sflag:s28] =	ssyncset.done $0x0  }
0x63: {  	s6 =	sadd.s32 $0x27B0, s5;
	[sflag:s28] =	ssyncadd.s32 $0xFFFFF600  }
0x64: {  	[spmem:s3] =	stream.indirect.scatter.add.f32 [tilespmem:s20], [sflag:$0x8], $0x20, s6, s16, $0xb8;
	[tilespmem:$0x12020] =	vst v63  }
0x65: {  	_ =	swait.ge [sflag:s29], $0xA00  }
0x66: {  	[sflag:s29] =	ssyncset.done $0x0  }
0x67: {  	s6 =	sadd.s32 $0x2800, s5;
	[sflag:s29] =	ssyncadd.s32 $0xFFFFF600  }
0x68: {  	[spmem:s3] =	stream.indirect.scatter.add.f32 [tilespmem:s22], [sflag:$0x9], $0x20, s6, s16, $0xb8;
	[tilespmem:$0x12020] =	vst v63  }
0x69: {  	_ =	swait.ge [sflag:s30], $0xA00  }
0x6a: {  	[sflag:s30] =	ssyncset.done $0x0  }
0x6b: {  	s6 =	sadd.s32 $0x2850, s5;
	[sflag:s30] =	ssyncadd.s32 $0xFFFFF600  }
0x6c: {  	[spmem:s3] =	stream.indirect.scatter.add.f32 [tilespmem:s24], [sflag:$0xA], $0x20, s6, s16, $0xb8;
	[tilespmem:$0x12020] =	vst v63  }
0x6d: {  	_ =	swait.ge [sflag:s31], $0xA00  }
0x6e: {  	[sflag:s31] =	ssyncset.done $0x0  }
0x6f: {  	s6 =	sadd.s32 $0x190, s5;
	[sflag:s31] =	ssyncadd.s32 $0xFFFFF600  }
0x70: {  	[tilespmem:s17], [sflag:$0x1] =	stream.indirect.gather [spmem:s2], $0x20, s6, s16, $0xb8;
	[tilespmem:$0x12020] =	vst v63  }
0x71: {  	_ =	swait.ge [sflag:s1], $0xA00  }
0x72: {  	[sflag:s1] =	ssyncset.done $0x0  }
0x73: {  	s6 =	sadd.s32 $0x1E0, s5;
	[sflag:s1] =	ssyncadd.s32 $0xFFFFF600  }
0x74: {  	[tilespmem:s18], [sflag:$0x2] =	stream.indirect.gather [spmem:s2], $0x20, s6, s16, $0xb8;
	[tilespmem:$0x12020] =	vst v63  }
0x75: {  	_ =	swait.ge [sflag:s0], $0xA00  }
0x76: {  	[sflag:s0] =	ssyncset.done $0x0  }
0x77: {  	s6 =	sadd.s32 $0x230, s5;
	[sflag:s0] =	ssyncadd.s32 $0xFFFFF600  }
0x78: {  	[tilespmem:s20], [sflag:$0x3] =	stream.indirect.gather [spmem:s2], $0x20, s6, s16, $0xb8;
	[tilespmem:$0x12020] =	vst v63  }
0x79: {  	_ =	swait.ge [sflag:s12], $0xA00  }
0x7a: {  	[sflag:s12] =	ssyncset.done $0x0  }
.Ltmp0:
0x7b: {  	s6 =	sadd.s32 $0x280, s5;
	[sflag:s12] =	ssyncadd.s32 $0xFFFFF600;
	(pc) =	sbr.rel @p0 .LBB2_2-.Ltmp0, $4  }
0x7c: {  	[tilespmem:s22], [sflag:$0x4] =	stream.indirect.gather [spmem:s2], $0x20, s6, s16, $0xb8;
	[tilespmem:$0x12020] =	vst v63  }
0x7d: {  	_ =	swait.ge [sflag:s19], $0xA00  }
0x7e: {  	[sflag:s19] =	ssyncset.done $0x0  }
0x7f: {  	s5 =	sadd.s32 $0x2D0, s5;
	[sflag:s19] =	ssyncadd.s32 $0xFFFFF600  }
0x80: {  	[tilespmem:s24], [sflag:$0x5] =	stream.indirect.gather [spmem:s2], $0x20, s5, s16, $0xb8;
	[tilespmem:$0x12020] =	vst v63  }
0x81: {  	_ =	swait.ge [sflag:s25], $0xA00  }
0x82: {  	[sflag:s25] =	ssyncset.done $0x0  }
0x83: {  	s21 =	simm.s32 $0x4C90;
	[sflag:s25] =	ssyncadd.s32 $0xFFFFF600  }
0x84: {  	[spmem:s3] =	stream.indirect.scatter.add.f32 [tilespmem:s17], [sflag:$0x6], $0x20, s21, s16, $0xb8;
	[tilespmem:$0x12020] =	vst v63  }
0x85: {  	_ =	swait.ge [sflag:s26], $0xA00  }
0x86: {  	[sflag:s26] =	ssyncset.done $0x0  }
0x87: {  	s6 =	simm.s32 $0x4CE0;
	[sflag:s26] =	ssyncadd.s32 $0xFFFFF600  }
0x88: {  	[spmem:s3] =	stream.indirect.scatter.add.f32 [tilespmem:s18], [sflag:$0x7], $0x20, s6, s16, $0xb8;
	[tilespmem:$0x12020] =	vst v63  }
0x89: {  	_ =	swait.ge [sflag:s28], $0xA00  }
0x8a: {  	[sflag:s28] =	ssyncset.done $0x0  }
0x8b: {  	s21 =	simm.s32 $0x4D30;
	[sflag:s28] =	ssyncadd.s32 $0xFFFFF600  }
0x8c: {  	[spmem:s3] =	stream.indirect.scatter.add.f32 [tilespmem:s20], [sflag:$0x8], $0x20, s21, s16, $0xb8;
	[tilespmem:$0x12020] =	vst v63  }
0x8d: {  	_ =	swait.ge [sflag:s29], $0xA00  }
0x8e: {  	[sflag:s29] =	ssyncset.done $0x0  }
0x8f: {  	s6 =	simm.s32 $0x4D80;
	[sflag:s29] =	ssyncadd.s32 $0xFFFFF600  }
0x90: {  	[spmem:s3] =	stream.indirect.scatter.add.f32 [tilespmem:s22], [sflag:$0x9], $0x20, s6, s16, $0xb8;
	[tilespmem:$0x12020] =	vst v63  }
0x91: {  	_ =	swait.ge [sflag:s30], $0xA00  }
0x92: {  	[sflag:s30] =	ssyncset.done $0x0  }
0x93: {  	s21 =	simm.s32 $0x4DD0;
	[sflag:s30] =	ssyncadd.s32 $0xFFFFF600  }
0x94: {  	[spmem:s3] =	stream.indirect.scatter.add.f32 [tilespmem:s24], [sflag:$0xA], $0x20, s21, s16, $0xb8;
	[tilespmem:$0x12020] =	vst v63  }
0x95: {  	_ =	swait.ge [sflag:s31], $0xA00  }
0x96: {  	[sflag:s31] =	ssyncset.done $0x0  }
0x97: {  	[sflag:s31] =	ssyncadd.s32 $0xFFFFF600  }
0x98: {  	_ =	swait.ge [sflag:s1], $0xA00  }
0x99: {  	[sflag:s1] =	ssyncset.done $0x0  }
0x9a: {  	[sflag:s1] =	ssyncadd.s32 $0xFFFFF600  }
0x9b: {  	_ =	swait.ge [sflag:s0], $0xA00  }
0x9c: {  	[sflag:s0] =	ssyncset.done $0x0  }
0x9d: {  	[sflag:s0] =	ssyncadd.s32 $0xFFFFF600  }
0x9e: {  	_ =	swait.ge [sflag:s12], $0xA00  }
0x9f: {  	[sflag:s12] =	ssyncset.done $0x0  }
0xa0: {  	[sflag:s12] =	ssyncadd.s32 $0xFFFFF600  }
0xa1: {  	_ =	swait.ge [sflag:s19], $0xA00  }
0xa2: {  	s23 =	sadd.s32 $0x1, s23;
	[sflag:s19] =	ssyncset.done $0x0  }
0xa3: {  	p0 =	sne.s32 s23, s10;
	[sflag:s19] =	ssyncadd.s32 $0xFFFFF600  }
.Ltmp1:
0xa4: {  	[bflag:$0x0] =	sbarrier.arrive $0xFFFF;
	(pc) =	sbr.rel @p0 .LBB2_1-.Ltmp1, $4  }
0xa5: {  	[hbm:s9], [sflag:s13] =	dma.local [spmem:s15], $0xA00  }
0xa6: {  	_ =	swait.ge [sflag:s11], $0xA00  }
0xa7: {  	[sflag:s11] =	ssyncset.done $0x0  }
0xa8: {  	[sflag:s11] =	ssyncadd.s32 $0xFFFFF600  }
0xa9: {  	_ =	sfence.sel $0x180000  }
0xaa: {  	[bflag:$0x0] =	sbarrier.arrive $0xFFFF  }
0xab: {  	_ =	strace $0x90000053  }
0xac: {  	s0 =	stileid.u32;
	[bflag:$0x2] =	sbarrier.arrive $0xFFFF  }
0xad: {  	p0 =	sne.s32 s0, $0x0;
	s0 =	rddreg [dreg:$0x4]  }
0xae: {  	s0 =	sadd.s32 @!p0 $0x100000, s0  }
0xaf: {  	[sflag:s0] =	ssyncadd.tile.s32 @!p0 $0x1;
	_ =	shalt  }
.Lfunc_end2:
_tile_overlayer_lowered:
.L_overlay_start_2:
0xb0: {  	(tag) =	ssettag $0x2  }
0xb1: {  	s0 =	rddreg [dreg:$0x0];
	s2 =	stileid.u32  }
0xb2: {  	s1 =	rddreg [dreg:$0x1];
	p0 =	sne.s32 s2, $0x0  }
0xb3: {  	s3 =	rddreg [dreg:$0x2];
	[bflag:$0x3] =	sbarrier.arrive $0xFFFF;
	s2 =	simm.s32 @!p0 $0x1C0B  }
0xb4: {  	[timem:s3], [sflag:s2] =	dma.local @!p0 [hbm:s0], s1  }
0xb5: {  	s0 =	simm.s32 @!p0 $0xB  }
0xb6: {  	_ =	swait.ge @!p0 [sflag:s0], s1  }
0xb7: {  	s1 =	ssub.s32 @!p0 $0x0, s1;
	[sflag:s0] =	ssyncset.done @!p0 $0x0  }
0xb8: {  	[sflag:s0] =	ssyncadd.s32 @!p0 s1  }
0xb9: {  	[bflag:$0x3] =	sbarrier.arrive $0xFFFF  }
0xba: {  	_ =	shalt  }

// kernel: kernel.29.cloned.1.call-start
scs
__scs_entry_jumppad:
0x0: {  	(pc) =	sbr.rel $0x88, $3  }
0x1: {  	(tag) =	ssettag $0x0;
	lr =	simm.s32 $0x1  }
0x2: {  	[smem:$0x3F90] =	sst lr;
	_ =	strace $0xD0000000  }
0x3: {  	_ = 	snop  }
0x4: {  	_ = 	snop  }
0x5: {  	_ = 	snop  }
0x6: {  	_ = 	snop  }
0x7: {  	_ = 	snop  }
__scs_overlays_trampoline_lowered:
0x8: {  	[smem:$0x3F9F] =	sst s0  }
0x9: {  	[smem:$0x3FA0] =	sst s1  }
0xa: {  	[smem:$0x3FA1] =	sst s2  }
0xb: {  	[smem:$0x3FA2] =	sst s3  }
0xc: {  	[smem:$0x3FA3] =	sst s4  }
0xd: {  	[smem:$0x3FA4] =	sst s5  }
0xe: {  	[smem:$0x3FA5] =	sst s6  }
0xf: {  	[smem:$0x3FA6] =	sst s7  }
0x10: {  	[smem:$0x3FA7] =	sst s8  }
0x11: {  	[smem:$0x3FA8] =	sst s9;
	s0 =	simm.s32 @!p0 $0x0  }
0x12: {  	s1 =	sld [smem:$0x3F8E];
	s0 =	simm.s32 @p0 $0x1  }
0x13: {  	[smem:$0x3FA9] =	sst s0;
	s0 =	simm.s32 @!p1 $0x0  }
0x14: {  	s2 =	sld [smem:$0x3F8D];
	s0 =	simm.s32 @p1 $0x1  }
0x15: {  	[smem:$0x3FAA] =	sst s0;
	s0 =	simm.s32 @!p2 $0x0  }
0x16: {  	s3 =	sld [smem:$0x3FDB];
	s0 =	simm.s32 @p2 $0x1  }
0x17: {  	s4 =	simm.s32 $0x1BF5;
	[smem:$0x3FAC] =	sst s0  }
0x18: {  	s0 =	sld [smem:$0x3F8F];
	_ =	swait.ge [sflag:s4], $0x0  }
0x19: {  	s7 =	sld [smem:$0x3F90]  }
0x1a: {  	s8 =	sadd.s32 $0xFFFFE003, lr  }
0x1b: {  	s9 =	sadd.s32 $0xFFFFFEF7, lr;
	s5 =	simm.s32 $0xFFFFFFFF;
	p2 =	slt.u32 s8, $0xFFFFF086  }
0x1c: {  	p1 =	slt.u32 s9, $0xF7A;
	s5 =	simm.s32 @!p2 $0x0  }
0x1d: {  	s5 =	simm.s32 @p1 $0x1;
	p0 =	seq.s32 s7, s2  }
0x1e: {  	s7 =	smul.u32 @!p0 $0xF7A, s2;
	p2 =	seq.s32 @!p0 s5, $0x0  }
0x1f: {  	s9 =	smul.u32 $0xF7A, s1;
	s8 =	simm.s32 @!p0 $0x1BF5;
	p2 =	por !p2, p0  }
0x20: {  	[sflag:s8] =	ssyncset.s32 @!p0 $0xFFFFF086;
	s6 =	sadd.s32 @!p0 s3, s7;
	s7 =	simm.s32 @!p0 $0x108  }
0x21: {  	s3 =	sadd.s32 s3, s9;
	s6 =	sadd.s32 @!p0 $0x88, s6;
	s7 =	simm.s32 @p2 $0x1082  }
0x22: {  	[simem:s7], [sflag:s8] =	dma.local @!p0 [hbm:s6], $0xF7A  }
0x23: {  	s9 =	sor.u32 $0xD0000000, s2;
	s6 =	simm.s32 $0x108;
	_ =	swait.ge @!p0 [sflag:s8], $0x0  }
0x24: {  	s3 =	sadd.s32 $0x88, s3;
	s6 =	simm.s32 @!p1 $0x1082;
	[sflag:s4] =	ssyncset.s32 $0xFFFFF086  }
0x25: {  	[simem:s6], [sflag:s4] =	dma.local [hbm:s3], $0xF7A  }
0x26: {  	[smem:$0x3F90] =	sst s1;
	(tag) =	ssettag s2;
	_ =	strace s9  }
0x27: {  	s1 =	sld [smem:$0x3FA0]  }
0x28: {  	s2 =	sld [smem:$0x3FA1]  }
0x29: {  	s4 =	sld [smem:$0x3FA3]  }
0x2a: {  	p0 =	seq.s32 s5, $0x0;
	s5 =	sld [smem:$0x3FA4]  }
0x2b: {  	s6 =	sld [smem:$0x3FA5]  }
0x2c: {  	s7 =	sld [smem:$0x3FA6]  }
0x2d: {  	s3 =	simm.s32 $0x108;
	s8 =	sld [smem:$0x3FA7]  }
0x2e: {  	s3 =	simm.s32 @!p0 $0x1082;
	s9 =	sld [smem:$0x3FA8]  }
0x2f: {  	lr =	sadd.s32 s0, s3;
	s0 =	sld [smem:$0x3F9F]  }
0x30: {  	s3 =	sld [smem:$0x3FA2]  }
0x31: {  	[smem:$0x3FAB] =	sst s10  }
0x32: {  	s10 =	sld [smem:$0x3FA9];
	_ =	sdelay $0x3  }
0x33: {  	p0 =	seq.s32 s10, $0x1;
	s10 =	sld [smem:$0x3FAB];
	_ =	sdelay $0x3  }
0x34: {  	[smem:$0x3FAB] =	sst s10  }
0x35: {  	s10 =	sld [smem:$0x3FAA];
	_ =	sdelay $0x3  }
0x36: {  	p1 =	seq.s32 s10, $0x1;
	s10 =	sld [smem:$0x3FAB];
	_ =	sdelay $0x3  }
0x37: {  	[smem:$0x3FAB] =	sst s10  }
0x38: {  	s10 =	sld [smem:$0x3FAC]  }
0x39: {  	_ = 	snop;
	(pc) =	sbr.ind lr, $3  }
0x3a: {  	_ = 	snop  }
0x3b: {  	_ = 	snop  }
0x3c: {  	p2 =	seq.s32 s10, $0x1;
	s10 =	sld [smem:$0x3FAB]  }
0x3d: {  	_ =	shalt  }
0x3e: {  	_ =	shalt  }
0x3f: {  	_ =	shalt  }
0x40: {  	_ =	shalt  }
0x41: {  	_ =	shalt  }
0x42: {  	_ =	shalt  }
0x43: {  	_ =	shalt  }
0x44: {  	_ =	shalt  }
0x45: {  	_ =	shalt  }
0x46: {  	_ =	shalt  }
0x47: {  	_ =	shalt  }
0x48: {  	_ =	shalt  }
0x49: {  	_ =	shalt  }
0x4a: {  	_ =	shalt  }
0x4b: {  	_ =	shalt  }
0x4c: {  	_ =	shalt  }
0x4d: {  	_ =	shalt  }
0x4e: {  	_ =	shalt  }
0x4f: {  	_ =	shalt  }
0x50: {  	_ =	shalt  }
0x51: {  	_ =	shalt  }
0x52: {  	_ =	shalt  }
0x53: {  	_ =	shalt  }
0x54: {  	_ =	shalt  }
0x55: {  	_ =	shalt  }
0x56: {  	_ =	shalt  }
0x57: {  	_ =	shalt  }
0x58: {  	_ =	shalt  }
0x59: {  	_ =	shalt  }
0x5a: {  	_ =	shalt  }
0x5b: {  	_ =	shalt  }
0x5c: {  	_ =	shalt  }
0x5d: {  	_ =	shalt  }
0x5e: {  	_ =	shalt  }
0x5f: {  	_ =	shalt  }
0x60: {  	_ =	shalt  }
0x61: {  	_ =	shalt  }
0x62: {  	_ =	shalt  }
0x63: {  	_ =	shalt  }
0x64: {  	_ =	shalt  }
0x65: {  	_ =	shalt  }
0x66: {  	_ =	shalt  }
0x67: {  	_ =	shalt  }
0x68: {  	_ =	shalt  }
0x69: {  	_ =	shalt  }
0x6a: {  	_ =	shalt  }
0x6b: {  	_ =	shalt  }
0x6c: {  	_ =	shalt  }
0x6d: {  	_ =	shalt  }
0x6e: {  	_ =	shalt  }
0x6f: {  	_ =	shalt  }
0x70: {  	_ =	shalt  }
0x71: {  	_ =	shalt  }
0x72: {  	_ =	shalt  }
0x73: {  	_ =	shalt  }
0x74: {  	_ =	shalt  }
0x75: {  	_ =	shalt  }
0x76: {  	_ =	shalt  }
0x77: {  	_ =	shalt  }
0x78: {  	_ =	shalt  }
0x79: {  	_ =	shalt  }
0x7a: {  	_ =	shalt  }
0x7b: {  	_ =	shalt  }
0x7c: {  	_ =	shalt  }
0x7d: {  	_ =	shalt  }
0x7e: {  	_ =	shalt  }
0x7f: {  	_ =	shalt  }
0x80: {  	_ =	shalt  }
0x81: {  	_ =	shalt  }
0x82: {  	_ =	shalt  }
0x83: {  	_ =	shalt  }
0x84: {  	_ =	shalt  }
0x85: {  	_ =	shalt  }
0x86: {  	_ =	shalt  }
0x87: {  	_ =	shalt  }
.Lfunc_end0:
.L_simem_size_0:
called_computation.5_lowered:
.L_overlay_start_0:
0x88: {  	s2 =	sld [smem:$0x3FD9]  }
0x89: {  	s3 =	sld [smem:$0x3FFE];
	_ =	sdelay $0x1  }
0x8a: {  	s1 =	srdreg.scid  }
0x8b: {  	s0 =	sand.u32 $0x1, s1  }
0x8c: {  	s14 =	sshll.u32 s0, $0xA;
	s2 =	sadd.s32 s3, s2  }
0x8d: {  	s2 =	sadd.s32 s2, s14  }
0x8e: {  	[smem:$0x3FB7] =	sst s2  }
0x8f: {  	_ = 	snop  }
0x90: {  	s2 =	sld [smem:$0x3FD0];
	_ =	sdelay $0x2  }
0x91: {  	s15 =	simm.s32 $0xA;
	s4 =	simm.s32 $0x10  }
0x92: {  	[smem:s4], [sflag:s15] =	dma.local [hbm:s2], $0x1  }
0x93: {  	_ =	swait.eq [sflag:s15], $0x1  }
0x94: {  	[sflag:s15] =	ssyncset.done $0x0  }
0x95: {  	[sflag:s15] =	ssyncadd.s32 $0xFFFFFFFF  }
0x96: {  	s16 =	sld [smem:$0x11];
	(tm) =	ssettm $0x1  }
0x97: {  	s17 =	sld [smem:$0x3FFB];
	_ =	sdelay $0x3  }
0x98: {  	_ =	strace s17  }
0x99: {  	s3 =	sld [smem:$0x3FFC];
	_ =	sdelay $0x3  }
0x9a: {  	_ =	strace s3  }
0x9b: {  	s3 =	sld [smem:$0x3FFD];
	_ =	sdelay $0x3  }
0x9c: {  	_ =	strace s3  }
0x9d: {  	_ =	strace $0x8FFFFFFF  }
0x9e: {  	s18 =	sld [smem:$0x3FDB];
	_ =	sdelay $0x1  }
0x9f: {  	s19 =	simm.s32 $_scs_section_size  }
0xa0: {  	s5 =	simm.s32 $_size__tile_overlayer_lowered;
	s6 =	simm.s32 $_tile_overlayer_lowered  }
0xa1: {  	s22 =	simm.s32 $0x1BFF;
	s21 =	sshll.u32 s6, $0x1;
	s3 =	sadd.s32 s19, s18  }
0xa2: {  	s7 =	simm.s32 $0x0;
	s20 =	sshll.u32 s5, $0x1;
	s5 =	sadd.s32 s21, s3  }
0xa3: {  	[timem:s7], [sflag:s22] =	dma.local [hbm:s5], s20  }
0xa4: {  	_ =	swait.ge [sflag:s22], s20  }
0xa5: {  	s4 =	ssub.s32 $0x0, s20;
	[sflag:s22] =	ssyncset.done $0x0  }
0xa6: {  	[sflag:s22] =	ssyncadd.s32 s4;
	_ =	sdelay $0x1  }
0xa7: {  	s23 =	simm.s32 $0x1B8B  }
0xa8: {  	_ =	swait.ge [sflag:s23], $0x1  }
0xa9: {  	[sflag:s23] =	ssyncset.done $0x0  }
0xaa: {  	s25 =	simm.s32 $0x1B8E;
	s24 =	sld [smem:$0x3FFE];
	[sflag:s23] =	ssyncadd.s32 $0xFFFFFFFF  }
0xab: {  	s26 =	simm.s32 $execute0_lowered;
	[smem:$0x3FD2] =	sst s25  }
0xac: {  	s5 =	sshll.u32 s26, $0x1;
	_ =	strace $0x80000055;
	[dreg:$0x1] =	wrdreg $0xFFFFFFFF  }
0xad: {  	s28 =	simm.s32 $_size_execute0_lowered;
	s3 =	sadd.s32 s3, s5;
	[dreg:$0x0] =	wrdreg $0x0  }
0xae: {  	s5 =	sshll.u32 s28, $0x1;
	[dreg:$0x2] =	wrdreg s3  }
0xaf: {  	[dreg:$0x3] =	wrdreg s5  }
0xb0: {  	[dreg:$0x4] =	wrdreg $0xC0  }
0xb1: {  	_ =	task [dreg:s7], $0x5FFFF  }
0xb2: {  	[dreg:$0x1] =	wrdreg $0xFFFFFFFF  }
0xb3: {  	[dreg:$0x0] =	wrdreg $0x60  }
0xb4: {  	[dreg:$0x2] =	wrdreg s24  }
0xb5: {  	[dreg:$0x3] =	wrdreg s16  }
0xb6: {  	[dreg:$0x4] =	wrdreg $0x80200  }
0xb7: {  	[dreg:$0x5] =	wrdreg $0xD0200  }
0xb8: {  	[dreg:$0x6] =	wrdreg $0x9  }
0xb9: {  	_ =	task.clear_ibuf [dreg:s7], $0x7FFFF;
	_ =	strace $0x90000055  }
0xba: {  	s29 =	simm.s32 $0x9;
	_ =	strace $0x80000057  }
0xbb: {  	_ =	swait.ge [sflag:s29], $0x1  }
0xbc: {  	[sflag:s29] =	ssyncadd.s32 $0xFFFFFFFF  }
0xbd: {  	_ =	strace $0x90000057  }
0xbe: {  	_ =	sfence  }
0xbf: {  	s30 =	sld [smem:$0x0];
	_ =	sdelay $0x2  }
0xc0: {  	s31 =	sshll.u32 s1, $0xD;
	s1 =	sshrl.u32 s1, $0x2  }
0xc1: {  	s3 =	sand.u32 $0x4000, s31;
	s1 =	sadd.s32 s1, s30  }
0xc2: {  	s0 =	sor.u32 s3, s0;
	s1 =	sshll.u32 s1, $0x11  }
0xc3: {  	s0 =	sor.u32 s1, s0  }
0xc4: {  	s0 =	sadd.s32 $0x8F2B, s0  }
0xc5: {  	[sflag:s0] =	ssyncadd.remote.s32 $0x1  }
0xc6: {  	_ =	sfence.sel $0xFFFF  }
0xc7: {  	[dreg:$0x0] =	wrdreg $0xFFFFFFFF;
	(pc) =	sbr.abs _section_cstart, $3  }
0xc8: {  	[dreg:$0x1] =	wrdreg $0xFFFFFFFF  }
0xc9: {  	_ =	task.clear_ibuf [dreg:s7], $0x2FFFF;
	_ =	strace $0x9FFFFFFF  }
0xca: {  	(tm) =	ssettm $0x7FFFFFFF  }
0xcb: {  	_ =	shalt  }
tec
execute0_lowered:
.L_overlay_start_1:
0x0: {  	(tag) =	ssettag $0x1  }
0x1: {  	s0 =	rddreg [dreg:$0x0]  }
0x2: {  	s1 =	rddreg [dreg:$0x1]  }
0x3: {  	s3 =	srdreg.scid;
	s11 =	stileid.u32  }
0x4: {  	s2 =	rddreg [dreg:$0x2];
	s16 =	simm.s32 $0x50;
	s17 =	simm.s32 $0x4E20  }
0x5: {  	s18 =	simm.s32 $0x5820;
	s20 =	simm.s32 $0x6220;
	s22 =	simm.s32 $0x6C20  }
0x6: {  	s28 =	simm.s32 $0x3;
	s29 =	simm.s32 $0x4;
	s30 =	simm.s32 $0x5  }
0x7: {  	s31 =	simm.s32 $0x6;
	s19 =	simm.s32 $0xA;
	s5 =	sand.u32 $0x1, s3  }
0x8: {  	s4 =	sshll.u32 s11, $0x1;
	s3 =	rddreg [dreg:$0x3];
	s8 =	smul.u32 $0x5000, s11  }
0x9: {  	s26 =	sshll.u32 s11, $0x6;
	s11 =	simm.s32 $0xB;
	s6 =	sor.u32 s5, s4  }
0xa: {  	s4 =	simm.s32 $0x0;
	s9 =	ssub.s32 $0x2, s5;
	s5 =	smul.u32 $0x50000, s5  }
0xb: {  	s13 =	sor.u32 $0x1C0B, s26;
	s26 =	simm.s32 $0x2;
	s6 =	smul.u32 $0x4E2, s6  }
0xc: {  	[smem:$0x7FF] =	sst s4;
	s7 =	sshrl.u32 s8, $0x3;
	s23 =	sshrl.u32 s9, $0x1  }
0xd: {  	s12 =	sadd.s32 s8, s2;
	s15 =	sadd.s32 s8, s3;
	_ =	strace $0x80000056  }
0xe: {  	s10 =	ssub.s32 s9, s23;
	s5 =	sadd.s32 s8, s5;
	s14 =	sshrl.u32 s12, $0x3  }
0xf: {  	s15 =	sshrl.u32 s15, $0x3;
	s12 =	simm.s32 $0x9;
	s23 =	simm.s32 $0x0  }
0x10: {  	s6 =	sadd.s32 s6, s0;
	s0 =	sadd.s32 s7, s0;
	s25 =	sshrl.u32 s5, $0x3  }
0x11: {  	s10 =	smax.u32 s10, $0x1;
	s24 =	sadd.s32 $0x5C00, s6;
	s6 =	sadd.s32 $0xFA00, s6  }
0x12: {  	s7 =	sadd.s32 $0x19800, s0;
	s8 =	sadd.s32 $0x23800, s0;
	s9 =	sadd.s32 s1, s25  }
0x13: {  	s25 =	simm.s32 $0x1;
	s1 =	simm.s32 $0x7;
	[dreg:$0x5] =	wrdreg s24  }
0x14: {  	s0 =	simm.s32 $0x8;
	[dreg:$0x6] =	wrdreg s6;
	s24 =	simm.s32 $0x7620  }
.LBB2_1:
0x15: {  	s5 =	rddreg [dreg:$0x5]  }
0x16: {  	[tilespmem:s4], [sflag:$0xB] =	stream.linear.gather [hbm4b:s5+s4], $0x2710, $0x38;
	[tilespmem:$0x12020] =	vst v63  }
0x17: {  	_ =	swait.ge [sflag:s11], $0x2710  }
0x18: {  	[sflag:s11] =	ssyncset.done $0x0  }
0x19: {  	s6 =	simm.s32 $0x2710;
	s21 =	rddreg [dreg:$0x6];
	[sflag:s11] =	ssyncadd.s32 $0xFFFFD8F0  }
0x1a: {  	[tilespmem:s6], [sflag:$0xB] =	stream.linear.gather [hbm4b:s21+s4], $0x2710, $0x38;
	[tilespmem:$0x12020] =	vst v63  }
0x1b: {  	_ =	swait.ge [sflag:s11], $0x2710  }
0x1c: {  	[sflag:s11] =	ssyncset.done $0x0  }
0x1d: {  	[sflag:s11] =	ssyncadd.s32 $0xFFFFD8F0  }
0x1e: {  	[spmem:s14], [sflag:s13] =	dma.local [hbm:s7], $0xA00  }
0x1f: {  	_ =	swait.ge [sflag:s11], $0xA00  }
0x20: {  	[sflag:s11] =	ssyncset.done $0x0  }
0x21: {  	[sflag:s11] =	ssyncadd.s32 $0xFFFFF600  }
0x22: {  	[spmem:s15], [sflag:s13] =	dma.local [hbm:s8], $0xA00  }
0x23: {  	_ =	swait.ge [sflag:s11], $0xA00  }
0x24: {  	[sflag:s11] =	ssyncset.done $0x0  }
0x25: {  	[sflag:s11] =	ssyncadd.s32 $0xFFFFF600  }
0x26: {  	[bflag:$0x0] =	sbarrier.arrive $0xFFFF  }
0x27: {  	[tilespmem:s17], [sflag:$0x1] =	stream.indirect.gather [spmem:s2], $0x20, s4, s16, $0xb8;
	[tilespmem:$0x12020] =	vst v63  }
0x28: {  	_ = 	snop  }
0x29: {  	[tilespmem:s18], [sflag:$0x2] =	stream.indirect.gather [spmem:s2], $0x20, s16, s16, $0xb8;
	[tilespmem:$0x12020] =	vst v63  }
0x2a: {  	s6 =	simm.s32 $0xA0  }
0x2b: {  	[tilespmem:s20], [sflag:$0x3] =	stream.indirect.gather [spmem:s2], $0x20, s6, s16, $0xb8;
	[tilespmem:$0x12020] =	vst v63  }
0x2c: {  	s21 =	simm.s32 $0xF0  }
0x2d: {  	[tilespmem:s22], [sflag:$0x4] =	stream.indirect.gather [spmem:s2], $0x20, s21, s16, $0xb8;
	[tilespmem:$0x12020] =	vst v63  }
0x2e: {  	s6 =	simm.s32 $0x140  }
0x2f: {  	[tilespmem:s24], [sflag:$0x5] =	stream.indirect.gather [spmem:s2], $0x20, s6, s16, $0xb8;
	[tilespmem:$0x12020] =	vst v63  }
0x30: {  	_ =	swait.ge [sflag:s25], $0xA00  }
0x31: {  	[sflag:s25] =	ssyncset.done $0x0  }
0x32: {  	s21 =	simm.s32 $0x2710;
	[sflag:s25] =	ssyncadd.s32 $0xFFFFF600  }
0x33: {  	[spmem:s3] =	stream.indirect.scatter.add.f32 [tilespmem:s17], [sflag:$0x6], $0x20, s21, s16, $0xb8;
	[tilespmem:$0x12020] =	vst v63  }
0x34: {  	_ =	swait.ge [sflag:s26], $0xA00  }
0x35: {  	[sflag:s26] =	ssyncset.done $0x0  }
0x36: {  	s6 =	simm.s32 $0x2760;
	[sflag:s26] =	ssyncadd.s32 $0xFFFFF600  }
0x37: {  	[spmem:s3] =	stream.indirect.scatter.add.f32 [tilespmem:s18], [sflag:$0x7], $0x20, s6, s16, $0xb8;
	[tilespmem:$0x12020] =	vst v63  }
0x38: {  	_ =	swait.ge [sflag:s28], $0xA00  }
0x39: {  	[sflag:s28] =	ssyncset.done $0x0  }
0x3a: {  	s21 =	simm.s32 $0x27B0;
	[sflag:s28] =	ssyncadd.s32 $0xFFFFF600  }
0x3b: {  	[spmem:s3] =	stream.indirect.scatter.add.f32 [tilespmem:s20], [sflag:$0x8], $0x20, s21, s16, $0xb8;
	[tilespmem:$0x12020] =	vst v63  }
0x3c: {  	_ =	swait.ge [sflag:s29], $0xA00  }
0x3d: {  	[sflag:s29] =	ssyncset.done $0x0  }
0x3e: {  	s6 =	simm.s32 $0x2800;
	[sflag:s29] =	ssyncadd.s32 $0xFFFFF600  }
0x3f: {  	[spmem:s3] =	stream.indirect.scatter.add.f32 [tilespmem:s22], [sflag:$0x9], $0x20, s6, s16, $0xb8;
	[tilespmem:$0x12020] =	vst v63  }
0x40: {  	_ =	swait.ge [sflag:s30], $0xA00  }
0x41: {  	[sflag:s30] =	ssyncset.done $0x0  }
0x42: {  	s21 =	simm.s32 $0x2850;
	[sflag:s30] =	ssyncadd.s32 $0xFFFFF600  }
0x43: {  	[spmem:s3] =	stream.indirect.scatter.add.f32 [tilespmem:s24], [sflag:$0xA], $0x20, s21, s16, $0xb8;
	[tilespmem:$0x12020] =	vst v63  }
0x44: {  	_ =	swait.ge [sflag:s31], $0xA00  }
0x45: {  	[sflag:s31] =	ssyncset.done $0x0  }
0x46: {  	s6 =	simm.s32 $0x190;
	[sflag:s31] =	ssyncadd.s32 $0xFFFFF600  }
0x47: {  	[tilespmem:s17], [sflag:$0x1] =	stream.indirect.gather [spmem:s2], $0x20, s6, s16, $0xb8;
	[tilespmem:$0x12020] =	vst v63  }
0x48: {  	_ =	swait.ge [sflag:s1], $0xA00  }
0x49: {  	[sflag:s1] =	ssyncset.done $0x0  }
0x4a: {  	s21 =	simm.s32 $0x1E0;
	[sflag:s1] =	ssyncadd.s32 $0xFFFFF600  }
0x4b: {  	[tilespmem:s18], [sflag:$0x2] =	stream.indirect.gather [spmem:s2], $0x20, s21, s16, $0xb8;
	[tilespmem:$0x12020] =	vst v63  }
0x4c: {  	_ =	swait.ge [sflag:s0], $0xA00  }
0x4d: {  	[sflag:s0] =	ssyncset.done $0x0  }
0x4e: {  	s6 =	simm.s32 $0x230;
	[sflag:s0] =	ssyncadd.s32 $0xFFFFF600  }
0x4f: {  	[tilespmem:s20], [sflag:$0x3] =	stream.indirect.gather [spmem:s2], $0x20, s6, s16, $0xb8;
	[tilespmem:$0x12020] =	vst v63  }
0x50: {  	_ =	swait.ge [sflag:s12], $0xA00  }
0x51: {  	[sflag:s12] =	ssyncset.done $0x0  }
0x52: {  	s21 =	simm.s32 $0x280;
	[sflag:s12] =	ssyncadd.s32 $0xFFFFF600  }
0x53: {  	[tilespmem:s22], [sflag:$0x4] =	stream.indirect.gather [spmem:s2], $0x20, s21, s16, $0xb8;
	[tilespmem:$0x12020] =	vst v63  }
0x54: {  	_ =	swait.ge [sflag:s19], $0xA00  }
0x55: {  	[sflag:s19] =	ssyncset.done $0x0  }
0x56: {  	s5 =	simm.s32 $0x2D0;
	s21 =	simm.s32 $0x640;
	[sflag:s19] =	ssyncadd.s32 $0xFFFFF600  }
.LBB2_2:
0x57: {  	[tilespmem:s24], [sflag:$0x5] =	stream.indirect.gather [spmem:s2], $0x20, s5, s16, $0xb8;
	[tilespmem:$0x12020] =	vst v63  }
0x58: {  	s5 =	smov.u32 s21  }
0x59: {  	p0 =	sne.s32 s21, $0x8FC0;
	s21 =	sadd.s32 $0x640, s21;
	_ =	swait.ge [sflag:s25], $0xA00  }
0x5a: {  	s5 =	sshra.s32 s5, $0x2;
	[sflag:s25] =	ssyncset.done $0x0  }
0x5b: {  	s6 =	sadd.s32 $0x2710, s5;
	[sflag:s25] =	ssyncadd.s32 $0xFFFFF600  }
0x5c: {  	[spmem:s3] =	stream.indirect.scatter.add.f32 [tilespmem:s17], [sflag:$0x6], $0x20, s6, s16, $0xb8;
	[tilespmem:$0x12020] =	vst v63  }
0x5d: {  	_ =	swait.ge [sflag:s26], $0xA00  }
0x5e: {  	[sflag:s26] =	ssyncset.done $0x0  }
0x5f: {  	s6 =	sadd.s32 $0x2760, s5;
	[sflag:s26] =	ssyncadd.s32 $0xFFFFF600  }
0x60: {  	[spmem:s3] =	stream.indirect.scatter.add.f32 [tilespmem:s18], [sflag:$0x7], $0x20, s6, s16, $0xb8;
	[tilespmem:$0x12020] =	vst v63  }
0x61: {  	_ =	swait.ge [sflag:s28], $0xA00  }
0x62: {  	[sflag:s28] =	ssyncset.done $0x0  }
0x63: {  	s6 =	sadd.s32 $0x27B0, s5;
	[sflag:s28] =	ssyncadd.s32 $0xFFFFF600  }
0x64: {  	[spmem:s3] =	stream.indirect.scatter.add.f32 [tilespmem:s20], [sflag:$0x8], $0x20, s6, s16, $0xb8;
	[tilespmem:$0x12020] =	vst v63  }
0x65: {  	_ =	swait.ge [sflag:s29], $0xA00  }
0x66: {  	[sflag:s29] =	ssyncset.done $0x0  }
0x67: {  	s6 =	sadd.s32 $0x2800, s5;
	[sflag:s29] =	ssyncadd.s32 $0xFFFFF600  }
0x68: {  	[spmem:s3] =	stream.indirect.scatter.add.f32 [tilespmem:s22], [sflag:$0x9], $0x20, s6, s16, $0xb8;
	[tilespmem:$0x12020] =	vst v63  }
0x69: {  	_ =	swait.ge [sflag:s30], $0xA00  }
0x6a: {  	[sflag:s30] =	ssyncset.done $0x0  }
0x6b: {  	s6 =	sadd.s32 $0x2850, s5;
	[sflag:s30] =	ssyncadd.s32 $0xFFFFF600  }
0x6c: {  	[spmem:s3] =	stream.indirect.scatter.add.f32 [tilespmem:s24], [sflag:$0xA], $0x20, s6, s16, $0xb8;
	[tilespmem:$0x12020] =	vst v63  }
0x6d: {  	_ =	swait.ge [sflag:s31], $0xA00  }
0x6e: {  	[sflag:s31] =	ssyncset.done $0x0  }
0x6f: {  	s6 =	sadd.s32 $0x190, s5;
	[sflag:s31] =	ssyncadd.s32 $0xFFFFF600  }
0x70: {  	[tilespmem:s17], [sflag:$0x1] =	stream.indirect.gather [spmem:s2], $0x20, s6, s16, $0xb8;
	[tilespmem:$0x12020] =	vst v63  }
0x71: {  	_ =	swait.ge [sflag:s1], $0xA00  }
0x72: {  	[sflag:s1] =	ssyncset.done $0x0  }
0x73: {  	s6 =	sadd.s32 $0x1E0, s5;
	[sflag:s1] =	ssyncadd.s32 $0xFFFFF600  }
0x74: {  	[tilespmem:s18], [sflag:$0x2] =	stream.indirect.gather [spmem:s2], $0x20, s6, s16, $0xb8;
	[tilespmem:$0x12020] =	vst v63  }
0x75: {  	_ =	swait.ge [sflag:s0], $0xA00  }
0x76: {  	[sflag:s0] =	ssyncset.done $0x0  }
0x77: {  	s6 =	sadd.s32 $0x230, s5;
	[sflag:s0] =	ssyncadd.s32 $0xFFFFF600  }
0x78: {  	[tilespmem:s20], [sflag:$0x3] =	stream.indirect.gather [spmem:s2], $0x20, s6, s16, $0xb8;
	[tilespmem:$0x12020] =	vst v63  }
0x79: {  	_ =	swait.ge [sflag:s12], $0xA00  }
0x7a: {  	[sflag:s12] =	ssyncset.done $0x0  }
.Ltmp0:
0x7b: {  	s6 =	sadd.s32 $0x280, s5;
	[sflag:s12] =	ssyncadd.s32 $0xFFFFF600;
	(pc) =	sbr.rel @p0 .LBB2_2-.Ltmp0, $4  }
0x7c: {  	[tilespmem:s22], [sflag:$0x4] =	stream.indirect.gather [spmem:s2], $0x20, s6, s16, $0xb8;
	[tilespmem:$0x12020] =	vst v63  }
0x7d: {  	_ =	swait.ge [sflag:s19], $0xA00  }
0x7e: {  	[sflag:s19] =	ssyncset.done $0x0  }
0x7f: {  	s5 =	sadd.s32 $0x2D0, s5;
	[sflag:s19] =	ssyncadd.s32 $0xFFFFF600  }
0x80: {  	[tilespmem:s24], [sflag:$0x5] =	stream.indirect.gather [spmem:s2], $0x20, s5, s16, $0xb8;
	[tilespmem:$0x12020] =	vst v63  }
0x81: {  	_ =	swait.ge [sflag:s25], $0xA00  }
0x82: {  	[sflag:s25] =	ssyncset.done $0x0  }
0x83: {  	s21 =	simm.s32 $0x4C90;
	[sflag:s25] =	ssyncadd.s32 $0xFFFFF600  }
0x84: {  	[spmem:s3] =	stream.indirect.scatter.add.f32 [tilespmem:s17], [sflag:$0x6], $0x20, s21, s16, $0xb8;
	[tilespmem:$0x12020] =	vst v63  }
0x85: {  	_ =	swait.ge [sflag:s26], $0xA00  }
0x86: {  	[sflag:s26] =	ssyncset.done $0x0  }
0x87: {  	s6 =	simm.s32 $0x4CE0;
	[sflag:s26] =	ssyncadd.s32 $0xFFFFF600  }
0x88: {  	[spmem:s3] =	stream.indirect.scatter.add.f32 [tilespmem:s18], [sflag:$0x7], $0x20, s6, s16, $0xb8;
	[tilespmem:$0x12020] =	vst v63  }
0x89: {  	_ =	swait.ge [sflag:s28], $0xA00  }
0x8a: {  	[sflag:s28] =	ssyncset.done $0x0  }
0x8b: {  	s21 =	simm.s32 $0x4D30;
	[sflag:s28] =	ssyncadd.s32 $0xFFFFF600  }
0x8c: {  	[spmem:s3] =	stream.indirect.scatter.add.f32 [tilespmem:s20], [sflag:$0x8], $0x20, s21, s16, $0xb8;
	[tilespmem:$0x12020] =	vst v63  }
0x8d: {  	_ =	swait.ge [sflag:s29], $0xA00  }
0x8e: {  	[sflag:s29] =	ssyncset.done $0x0  }
0x8f: {  	s6 =	simm.s32 $0x4D80;
	[sflag:s29] =	ssyncadd.s32 $0xFFFFF600  }
0x90: {  	[spmem:s3] =	stream.indirect.scatter.add.f32 [tilespmem:s22], [sflag:$0x9], $0x20, s6, s16, $0xb8;
	[tilespmem:$0x12020] =	vst v63  }
0x91: {  	_ =	swait.ge [sflag:s30], $0xA00  }
0x92: {  	[sflag:s30] =	ssyncset.done $0x0  }
0x93: {  	s21 =	simm.s32 $0x4DD0;
	[sflag:s30] =	ssyncadd.s32 $0xFFFFF600  }
0x94: {  	[spmem:s3] =	stream.indirect.scatter.add.f32 [tilespmem:s24], [sflag:$0xA], $0x20, s21, s16, $0xb8;
	[tilespmem:$0x12020] =	vst v63  }
0x95: {  	_ =	swait.ge [sflag:s31], $0xA00  }
0x96: {  	[sflag:s31] =	ssyncset.done $0x0  }
0x97: {  	[sflag:s31] =	ssyncadd.s32 $0xFFFFF600  }
0x98: {  	_ =	swait.ge [sflag:s1], $0xA00  }
0x99: {  	[sflag:s1] =	ssyncset.done $0x0  }
0x9a: {  	[sflag:s1] =	ssyncadd.s32 $0xFFFFF600  }
0x9b: {  	_ =	swait.ge [sflag:s0], $0xA00  }
0x9c: {  	[sflag:s0] =	ssyncset.done $0x0  }
0x9d: {  	[sflag:s0] =	ssyncadd.s32 $0xFFFFF600  }
0x9e: {  	_ =	swait.ge [sflag:s12], $0xA00  }
0x9f: {  	[sflag:s12] =	ssyncset.done $0x0  }
0xa0: {  	[sflag:s12] =	ssyncadd.s32 $0xFFFFF600  }
0xa1: {  	_ =	swait.ge [sflag:s19], $0xA00  }
0xa2: {  	s23 =	sadd.s32 $0x1, s23;
	[sflag:s19] =	ssyncset.done $0x0  }
0xa3: {  	p0 =	sne.s32 s23, s10;
	[sflag:s19] =	ssyncadd.s32 $0xFFFFF600  }
.Ltmp1:
0xa4: {  	[bflag:$0x0] =	sbarrier.arrive $0xFFFF;
	(pc) =	sbr.rel @p0 .LBB2_1-.Ltmp1, $4  }
0xa5: {  	[hbm:s9], [sflag:s13] =	dma.local [spmem:s15], $0xA00  }
0xa6: {  	_ =	swait.ge [sflag:s11], $0xA00  }
0xa7: {  	[sflag:s11] =	ssyncset.done $0x0  }
0xa8: {  	[sflag:s11] =	ssyncadd.s32 $0xFFFFF600  }
0xa9: {  	_ =	sfence.sel $0x180000  }
0xaa: {  	[bflag:$0x0] =	sbarrier.arrive $0xFFFF  }
0xab: {  	_ =	strace $0x90000056  }
0xac: {  	s0 =	stileid.u32;
	[bflag:$0x2] =	sbarrier.arrive $0xFFFF  }
0xad: {  	p0 =	sne.s32 s0, $0x0;
	s0 =	rddreg [dreg:$0x4]  }
0xae: {  	s0 =	sadd.s32 @!p0 $0x100000, s0  }
0xaf: {  	[sflag:s0] =	ssyncadd.tile.s32 @!p0 $0x1;
	_ =	shalt  }
.Lfunc_end2:
_tile_overlayer_lowered:
.L_overlay_start_2:
0xb0: {  	(tag) =	ssettag $0x2  }
0xb1: {  	s0 =	rddreg [dreg:$0x0];
	s2 =	stileid.u32  }
0xb2: {  	s1 =	rddreg [dreg:$0x1];
	p0 =	sne.s32 s2, $0x0  }
0xb3: {  	s3 =	rddreg [dreg:$0x2];
	[bflag:$0x3] =	sbarrier.arrive $0xFFFF;
	s2 =	simm.s32 @!p0 $0x1C0B  }
0xb4: {  	[timem:s3], [sflag:s2] =	dma.local @!p0 [hbm:s0], s1  }
0xb5: {  	s0 =	simm.s32 @!p0 $0xB  }
0xb6: {  	_ =	swait.ge @!p0 [sflag:s0], s1  }
0xb7: {  	s1 =	ssub.s32 @!p0 $0x0, s1;
	[sflag:s0] =	ssyncset.done @!p0 $0x0  }
0xb8: {  	[sflag:s0] =	ssyncadd.s32 @!p0 s1  }
0xb9: {  	[bflag:$0x3] =	sbarrier.arrive $0xFFFF  }
0xba: {  	_ =	shalt  }

</sc_bundles>
